<compile_context>
chip_gen: v7x
topology: tpu7x:2x2x1
jax: 0.10.2.dev20260603
libtpu: 0.0.44.dev20260713+nightly
codegen_flags: <defaults>
</compile_context>

<pallas_src>
import functools

import jax
import jax.numpy as jnp
from jax import lax
from jax.experimental import pallas as pl
from jax.experimental.pallas import tpu as pltpu
from jax.experimental.pallas import tpu_sc as plsc

_HIGH = jax.lax.Precision.DEFAULT

_CHUNK = 128


def _sc_gather_cat(cat, cat_table):
    B = cat.shape[0]
    info = plsc.get_sparse_core_info()
    nc, ns = info.num_cores, info.num_subcores
    nw = nc * ns
    bpw = B // nw
    ec = cat_table.shape[1]
    ct_flat = cat_table.reshape(-1)
    mesh = plsc.VectorSubcoreMesh(core_axis_name="c", subcore_axis_name="s")
    nchunks = bpw // _CHUNK

    @functools.partial(
        pl.kernel,
        mesh=mesh,
        compiler_params=pltpu.CompilerParams(needs_layout_passes=False),
        out_type=jax.ShapeDtypeStruct((B, 128), jnp.float32),
        scratch_types=[
            pltpu.VMEM((bpw,), jnp.int32),
            pltpu.VMEM((ct_flat.shape[0],), jnp.float32),
            pltpu.VMEM((bpw, 128), jnp.float32),
            pltpu.SemaphoreType.DMA,
        ],
    )
    def k(cat_hbm, ct_hbm, c_out, cidx, ctab, csel, sem):
        wid = lax.axis_index("s") * nc + lax.axis_index("c")
        base = wid * bpw
        c1 = pltpu.async_copy(cat_hbm.at[pl.ds(base, bpw)], cidx, sem)
        c2 = pltpu.async_copy(ct_hbm, ctab, sem)
        c1.wait()
        c2.wait()

        kv16 = jax.lax.iota(jnp.int32, 16)
        copies = []
        for n in range(nchunks):
            for j in range(_CHUNK // 16):
                vidx = cidx[pl.ds(n * _CHUNK + j * 16, 16)]
                fidx = jax.lax.shift_left(vidx, 3)
                kvec = kv16 + n * _CHUNK + j * 16
                for col in range(ec):
                    cv = jnp.full((16,), col, jnp.int32)
                    val = plsc.load_gather(ctab, [fidx + cv])
                    plsc.store_scatter(csel, [kvec, cv], val)
            copies.append(pltpu.async_copy(
                csel.at[pl.ds(n * _CHUNK, _CHUNK)],
                c_out.at[pl.ds(base + n * _CHUNK, _CHUNK)], sem))
        for cp in copies:
            cp.wait()

    return k(cat, ct_flat)


_BLK = 2048


def _dot_t(x, w_ref):
    return jax.lax.dot_general(
        x, w_ref[...], (((1,), (1,)), ((), ())), precision=_HIGH)


def _mlp_body(u_ref, i_ref, c_ref, d_ref, dw_ref, db_ref,
              w1_ref, b1_ref,
              g_ref, bb_ref, w2_ref, b2_ref, wo_ref, bo_ref,
              o_ref, h_scr, sum_scr, sq_scr, *, batch, eu, ec):
    p = pl.program_id(0)
    b = pl.program_id(1)

    @pl.when(p == 0)
    def _phase_h():
        dd = jnp.maximum(_dot_t(d_ref[...], dw_ref) + db_ref[...], 0.0)
        cc = c_ref[...][:, :ec]
        vec = jnp.concatenate([u_ref[...], i_ref[...], cc, dd], axis=1)
        h = _dot_t(vec, w1_ref) + b1_ref[...]
        h_scr[pl.ds(b * _BLK, _BLK), :] = h
        sum_scr[pl.ds(b, 1), :] = jnp.sum(h, axis=0, keepdims=True)
        sq_scr[pl.ds(b, 1), :] = jnp.sum(h * h, axis=0, keepdims=True)
        o_ref[...] = jnp.zeros_like(o_ref)

    @pl.when(p == 1)
    def _phase_out():
        mean = jnp.sum(sum_scr[...], axis=0, keepdims=True) / batch
        var = jnp.sum(sq_scr[...], axis=0, keepdims=True) / batch - mean * mean
        h = h_scr[pl.ds(b * _BLK, _BLK), :]
        hn = (h - mean) * jax.lax.rsqrt(var + 1e-5) * g_ref[...] + bb_ref[...]
        x = jnp.maximum(hn, 0.0)
        x = jnp.maximum(_dot_t(x, w2_ref) + b2_ref[...], 0.0)
        o_ref[...] = jnp.dot(x, wo_ref[...], precision=_HIGH) + bo_ref[...]


def _tc_mlp(u, i, c, dense, dense_W, dense_b, fc1_W, fc1_b,
            bn_gamma, bn_beta, fc2_W, fc2_b, out_W, out_b):
    B = u.shape[0]
    eu = u.shape[1]
    ec = 8
    cw = c.shape[1]
    nb = B // _BLK
    hdim = fc1_W.shape[0]

    def rows(bs):
        return pl.BlockSpec((_BLK, bs), lambda p, b: (b * (1 - p), 0))

    def full(shape):
        return pl.BlockSpec(shape, lambda p, b: (0,) * len(shape))

    return pl.pallas_call(
        functools.partial(_mlp_body, batch=float(B), eu=eu, ec=ec),
        grid=(2, nb),
        in_specs=[rows(eu), rows(eu), rows(cw), rows(2),
                  full((8, 2)), full((1, 8)),
                  full((hdim, 2 * eu + ec + 8)), full((1, hdim)),
                  full((1, hdim)), full((1, hdim)),
                  full((32, hdim)), full((1, 32)), full((32, 1)),
                  full((1, 1))],
        out_specs=pl.BlockSpec((_BLK, 1), lambda p, b: (b * p, 0)),
        out_shape=jax.ShapeDtypeStruct((B, 1), jnp.float32),
        scratch_shapes=[pltpu.VMEM((B, hdim), jnp.float32),
                        pltpu.VMEM((nb, hdim), jnp.float32),
                        pltpu.VMEM((nb, hdim), jnp.float32)],
    )(u, i, c, dense, dense_W, dense_b[None, :],
      fc1_W, fc1_b[None, :], bn_gamma[None, :], bn_beta[None, :],
      fc2_W, fc2_b[None, :], out_W.T, out_b[None, :])


def kernel(user, item, cat, dense, user_table, item_table, cat_table,
           dense_W, dense_b, fc1_W, fc1_b, bn_gamma, bn_beta,
           fc2_W, fc2_b, out_W, out_b):
    c = _sc_gather_cat(cat.astype(jnp.int32), cat_table)
    u = jnp.take(user_table, user, axis=0, mode="clip")
    i = jnp.take(item_table, item, axis=0, mode="clip")
    return _tc_mlp(u, i, c, dense, dense_W, dense_b, fc1_W, fc1_b,
                   bn_gamma, bn_beta, fc2_W, fc2_b, out_W, out_b)

# --- scband reference (transcript-rebuilt; emitter-appended) ---
"""Pipeline reference for scband-ncfmodel-10617159156157 (READ-ONLY COPY).

The authoritative reference and input builder live on the scoring server;
editing this copy changes nothing except your own understanding.
"""

import jax, jax.numpy as jnp
import numpy as np

B = 16384
NUM_USERS = 1000000
NUM_ITEMS = 1000000
NUM_CATS = 1000
EMBED = 16


def setup_inputs(seed: int = 0) -> dict:
    key = jax.random.key(seed)
    ks = jax.random.split(key, 18)
    user = jax.random.randint(ks[0], (B,), 0, NUM_USERS)
    item = jax.random.randint(ks[1], (B,), 0, NUM_ITEMS)
    cat = jax.random.randint(ks[2], (B,), 0, NUM_CATS)
    dense = jax.random.normal(ks[3], (B, 2), dtype=jnp.float32)
    user_table = jax.random.normal(ks[4], (NUM_USERS, EMBED), dtype=jnp.float32) * 0.02
    item_table = jax.random.normal(ks[5], (NUM_ITEMS, EMBED), dtype=jnp.float32) * 0.02
    cat_table = jax.random.normal(ks[6], (NUM_CATS, EMBED // 2), dtype=jnp.float32) * 0.02
    dense_W = jax.random.normal(ks[7], (8, 2), dtype=jnp.float32) * 0.1
    dense_b = jnp.zeros((8,), dtype=jnp.float32)
    in_dim = EMBED * 2 + EMBED // 2 + 8  # 48
    fc1_W = jax.random.normal(ks[8], (64, in_dim), dtype=jnp.float32) * 0.1
    fc1_b = jnp.zeros((64,), dtype=jnp.float32)
    bn_gamma = jnp.ones((64,), dtype=jnp.float32)
    bn_beta = jnp.zeros((64,), dtype=jnp.float32)
    fc2_W = jax.random.normal(ks[9], (32, 64), dtype=jnp.float32) * 0.1
    fc2_b = jnp.zeros((32,), dtype=jnp.float32)
    out_W = jax.random.normal(ks[10], (1, 32), dtype=jnp.float32) * 0.1
    out_b = jnp.zeros((1,), dtype=jnp.float32)
    return {
        "user": user, "item": item, "cat": cat, "dense": dense,
        "user_table": user_table, "item_table": item_table, "cat_table": cat_table,
        "dense_W": dense_W, "dense_b": dense_b,
        "fc1_W": fc1_W, "fc1_b": fc1_b,
        "bn_gamma": bn_gamma, "bn_beta": bn_beta,
        "fc2_W": fc2_W, "fc2_b": fc2_b,
        "out_W": out_W, "out_b": out_b,
    }


def reference(user, item, cat, dense, user_table, item_table, cat_table,
              dense_W, dense_b, fc1_W, fc1_b, bn_gamma, bn_beta,
              fc2_W, fc2_b, out_W, out_b):
    u = jnp.take(user_table, user, axis=0)
    i = jnp.take(item_table, item, axis=0)
    c = jnp.take(cat_table, cat, axis=0)
    d = jax.nn.relu(dense @ dense_W.T + dense_b)
    vector = jnp.concatenate([u, i, c, d], axis=-1)
    h = vector @ fc1_W.T + fc1_b
    # BatchNorm1d in training mode: batch statistics (biased variance)
    mean = jnp.mean(h, axis=0)
    var = jnp.var(h, axis=0)
    hn = (h - mean) / jnp.sqrt(var + 1e-5) * bn_gamma + bn_beta
    x = jax.nn.relu(hn)
    x = jax.nn.relu(x @ fc2_W.T + fc2_b)
    pred = x @ out_W.T + out_b
    return pred

if __name__ == "__main__":
    import jax
    _d = setup_inputs()
    print(jax.jit(kernel)(*tuple(_d.values())))

</pallas_src>

<mosaic_0001>
#map = affine_map<(d0, d1) -> (0)>
#map1 = affine_map<(d0, d1) -> (0, 0)>
module attributes {stable_mosaic.version = 14 : i64} {
  func.func @k(%arg0: i32, %arg1: i32, %arg2: memref<16384xi32, #tpu.memory_space<hbm>>, %arg3: memref<8000xf32, #tpu.memory_space<hbm>>, %arg4: memref<16384x128xf32, #tpu.memory_space<hbm>>, %arg5: memref<512xi32, #tpu.memory_space<vmem>>, %arg6: memref<8000xf32, #tpu.memory_space<vmem>>, %arg7: memref<512x128xf32, #tpu.memory_space<vmem>>, %arg8: memref<!tpu.dma_semaphore, #tpu.memory_space<semaphore_mem>>) attributes {dimension_semantics = [#tpu.dimension_semantics<core_parallel>, #tpu.dimension_semantics<subcore_parallel>], iteration_bounds = array<i64: 2, 16>, scalar_prefetch = 0 : i64, scratch_operands = 4 : i64, tpu.core_type = #tpu.core_type<sc_vector_subcore>, window_params = [{transform_indices = #map}, {transform_indices = #map}, {transform_indices = #map1}]} {
    %mul3A = arith.constant 2 : i32
    %mul3A_0 = arith.muli %arg1, %mul3A : i32
    %add3A = arith.addi %mul3A_0, %arg0 : i32
    %mul3A_1 = arith.constant 512 : i32
    %mul3A_2 = arith.muli %add3A, %mul3A_1 : i32
    %dma_start3A = tpu.memref_slice %arg2[%mul3A_2] : memref<16384xi32, #tpu.memory_space<hbm>> -> memref<512xi32, #tpu.memory_space<hbm>>
    %dma_start3A_3 = tpu.memref_slice %arg2[%mul3A_2] : memref<16384xi32, #tpu.memory_space<hbm>> -> memref<512xi32, #tpu.memory_space<hbm>>
    tpu.enqueue_dma source(%dma_start3A_3 : memref<512xi32, #tpu.memory_space<hbm>>) target(%arg5 : memref<512xi32, #tpu.memory_space<vmem>>) target_semaphore(%arg8 : memref<!tpu.dma_semaphore, #tpu.memory_space<semaphore_mem>>)
    tpu.enqueue_dma source(%arg3 : memref<8000xf32, #tpu.memory_space<hbm>>) target(%arg6 : memref<8000xf32, #tpu.memory_space<vmem>>) target_semaphore(%arg8 : memref<!tpu.dma_semaphore, #tpu.memory_space<semaphore_mem>>)
    %dma_wait3A = tpu.memref_slice %arg2[%mul3A_2] : memref<16384xi32, #tpu.memory_space<hbm>> -> memref<512xi32, #tpu.memory_space<hbm>>
    %dma_wait3A_4 = tpu.memref_slice %arg2[%mul3A_2] : memref<16384xi32, #tpu.memory_space<hbm>> -> memref<512xi32, #tpu.memory_space<hbm>>
    tpu.wait_dma2 semaphore(%arg8 : memref<!tpu.dma_semaphore, #tpu.memory_space<semaphore_mem>>) src(%dma_wait3A_4 : memref<512xi32, #tpu.memory_space<hbm>>) dst(%arg5 : memref<512xi32, #tpu.memory_space<vmem>>)
    tpu.wait_dma2 semaphore(%arg8 : memref<!tpu.dma_semaphore, #tpu.memory_space<semaphore_mem>>) src(%arg3 : memref<8000xf32, #tpu.memory_space<hbm>>) dst(%arg6 : memref<8000xf32, #tpu.memory_space<vmem>>)
    %iota3A = tpu.iota {dimensions = array<i32: 0>} : vector<16xi32>
    %get3A = arith.constant 0 : index
    %get3A_5 = tpu.vector_load %arg5[%get3A] {strides = array<i32>} : memref<512xi32, #tpu.memory_space<vmem>>, vector<16xi32>,
    %shift_left3A = arith.constant 3 : i32
    %shift_left3A_6 = vector.broadcast %shift_left3A : i32 to vector<16xi32>
    %shift_left3A_7 = arith.shli %get3A_5, %shift_left3A_6 : vector<16xi32>
    %add3A_8 = arith.constant 0 : i32
    %add3A_9 = vector.broadcast %add3A_8 : i32 to vector<16xi32>
    %add3A_10 = arith.addi %iota3A, %add3A_9 : vector<16xi32>
    %add3A_11 = arith.constant 0 : i32
    %add3A_12 = vector.broadcast %add3A_11 : i32 to vector<16xi32>
    %add3A_13 = arith.addi %add3A_10, %add3A_12 : vector<16xi32>
    %broadcast_in_dim3A = arith.constant 0 : i32
    %broadcast_in_dim3A_14 = vector.broadcast %broadcast_in_dim3A : i32 to vector<16xi32>
    %add3A_15 = arith.addi %shift_left3A_7, %broadcast_in_dim3A_14 : vector<16xi32>
    %gather3A = tpu.vector_load_idx %arg6[%add3A_15] : memref<8000xf32, #tpu.memory_space<vmem>>[vector<16xi32>], vector<16xf32>,
    tpu.vector_store_idx %arg7[%add3A_13, %broadcast_in_dim3A_14], %gather3A : memref<512x128xf32, #tpu.memory_space<vmem>>[vector<16xi32>, vector<16xi32>], vector<16xf32>,
    %broadcast_in_dim3A_16 = arith.constant 1 : i32
    %broadcast_in_dim3A_17 = vector.broadcast %broadcast_in_dim3A_16 : i32 to vector<16xi32>
    %add3A_18 = arith.addi %shift_left3A_7, %broadcast_in_dim3A_17 : vector<16xi32>
    %gather3A_19 = tpu.vector_load_idx %arg6[%add3A_18] : memref<8000xf32, #tpu.memory_space<vmem>>[vector<16xi32>], vector<16xf32>,
    tpu.vector_store_idx %arg7[%add3A_13, %broadcast_in_dim3A_17], %gather3A_19 : memref<512x128xf32, #tpu.memory_space<vmem>>[vector<16xi32>, vector<16xi32>], vector<16xf32>,
    %broadcast_in_dim3A_20 = arith.constant 2 : i32
    %broadcast_in_dim3A_21 = vector.broadcast %broadcast_in_dim3A_20 : i32 to vector<16xi32>
    %add3A_22 = arith.addi %shift_left3A_7, %broadcast_in_dim3A_21 : vector<16xi32>
    %gather3A_23 = tpu.vector_load_idx %arg6[%add3A_22] : memref<8000xf32, #tpu.memory_space<vmem>>[vector<16xi32>], vector<16xf32>,
    tpu.vector_store_idx %arg7[%add3A_13, %broadcast_in_dim3A_21], %gather3A_23 : memref<512x128xf32, #tpu.memory_space<vmem>>[vector<16xi32>, vector<16xi32>], vector<16xf32>,
    %broadcast_in_dim3A_24 = arith.constant 3 : i32
    %broadcast_in_dim3A_25 = vector.broadcast %broadcast_in_dim3A_24 : i32 to vector<16xi32>
    %add3A_26 = arith.addi %shift_left3A_7, %broadcast_in_dim3A_25 : vector<16xi32>
    %gather3A_27 = tpu.vector_load_idx %arg6[%add3A_26] : memref<8000xf32, #tpu.memory_space<vmem>>[vector<16xi32>], vector<16xf32>,
    tpu.vector_store_idx %arg7[%add3A_13, %broadcast_in_dim3A_25], %gather3A_27 : memref<512x128xf32, #tpu.memory_space<vmem>>[vector<16xi32>, vector<16xi32>], vector<16xf32>,
    %broadcast_in_dim3A_28 = arith.constant 4 : i32
    %broadcast_in_dim3A_29 = vector.broadcast %broadcast_in_dim3A_28 : i32 to vector<16xi32>
    %add3A_30 = arith.addi %shift_left3A_7, %broadcast_in_dim3A_29 : vector<16xi32>
    %gather3A_31 = tpu.vector_load_idx %arg6[%add3A_30] : memref<8000xf32, #tpu.memory_space<vmem>>[vector<16xi32>], vector<16xf32>,
    tpu.vector_store_idx %arg7[%add3A_13, %broadcast_in_dim3A_29], %gather3A_31 : memref<512x128xf32, #tpu.memory_space<vmem>>[vector<16xi32>, vector<16xi32>], vector<16xf32>,
    %broadcast_in_dim3A_32 = arith.constant 5 : i32
    %broadcast_in_dim3A_33 = vector.broadcast %broadcast_in_dim3A_32 : i32 to vector<16xi32>
    %add3A_34 = arith.addi %shift_left3A_7, %broadcast_in_dim3A_33 : vector<16xi32>
    %gather3A_35 = tpu.vector_load_idx %arg6[%add3A_34] : memref<8000xf32, #tpu.memory_space<vmem>>[vector<16xi32>], vector<16xf32>,
    tpu.vector_store_idx %arg7[%add3A_13, %broadcast_in_dim3A_33], %gather3A_35 : memref<512x128xf32, #tpu.memory_space<vmem>>[vector<16xi32>, vector<16xi32>], vector<16xf32>,
    %broadcast_in_dim3A_36 = arith.constant 6 : i32
    %broadcast_in_dim3A_37 = vector.broadcast %broadcast_in_dim3A_36 : i32 to vector<16xi32>
    %add3A_38 = arith.addi %shift_left3A_7, %broadcast_in_dim3A_37 : vector<16xi32>
    %gather3A_39 = tpu.vector_load_idx %arg6[%add3A_38] : memref<8000xf32, #tpu.memory_space<vmem>>[vector<16xi32>], vector<16xf32>,
    tpu.vector_store_idx %arg7[%add3A_13, %broadcast_in_dim3A_37], %gather3A_39 : memref<512x128xf32, #tpu.memory_space<vmem>>[vector<16xi32>, vector<16xi32>], vector<16xf32>,
    %broadcast_in_dim3A_40 = arith.constant 7 : i32
    %broadcast_in_dim3A_41 = vector.broadcast %broadcast_in_dim3A_40 : i32 to vector<16xi32>
    %add3A_42 = arith.addi %shift_left3A_7, %broadcast_in_dim3A_41 : vector<16xi32>
    %gather3A_43 = tpu.vector_load_idx %arg6[%add3A_42] : memref<8000xf32, #tpu.memory_space<vmem>>[vector<16xi32>], vector<16xf32>,
    tpu.vector_store_idx %arg7[%add3A_13, %broadcast_in_dim3A_41], %gather3A_43 : memref<512x128xf32, #tpu.memory_space<vmem>>[vector<16xi32>, vector<16xi32>], vector<16xf32>,
    %get3A_44 = arith.constant 16 : index
    %get3A_45 = tpu.vector_load %arg5[%get3A_44] {strides = array<i32>} : memref<512xi32, #tpu.memory_space<vmem>>, vector<16xi32>,
    %shift_left3A_46 = arith.constant 3 : i32
    %shift_left3A_47 = vector.broadcast %shift_left3A_46 : i32 to vector<16xi32>
    %shift_left3A_48 = arith.shli %get3A_45, %shift_left3A_47 : vector<16xi32>
    %add3A_49 = arith.constant 0 : i32
    %add3A_50 = vector.broadcast %add3A_49 : i32 to vector<16xi32>
    %add3A_51 = arith.addi %iota3A, %add3A_50 : vector<16xi32>
    %add3A_52 = arith.constant 16 : i32
    %add3A_53 = vector.broadcast %add3A_52 : i32 to vector<16xi32>
    %add3A_54 = arith.addi %add3A_51, %add3A_53 : vector<16xi32>
    %broadcast_in_dim3A_55 = arith.constant 0 : i32
    %broadcast_in_dim3A_56 = vector.broadcast %broadcast_in_dim3A_55 : i32 to vector<16xi32>
    %add3A_57 = arith.addi %shift_left3A_48, %broadcast_in_dim3A_56 : vector<16xi32>
    %gather3A_58 = tpu.vector_load_idx %arg6[%add3A_57] : memref<8000xf32, #tpu.memory_space<vmem>>[vector<16xi32>], vector<16xf32>,
    tpu.vector_store_idx %arg7[%add3A_54, %broadcast_in_dim3A_56], %gather3A_58 : memref<512x128xf32, #tpu.memory_space<vmem>>[vector<16xi32>, vector<16xi32>], vector<16xf32>,
    %broadcast_in_dim3A_59 = arith.constant 1 : i32
    %broadcast_in_dim3A_60 = vector.broadcast %broadcast_in_dim3A_59 : i32 to vector<16xi32>
    %add3A_61 = arith.addi %shift_left3A_48, %broadcast_in_dim3A_60 : vector<16xi32>
    %gather3A_62 = tpu.vector_load_idx %arg6[%add3A_61] : memref<8000xf32, #tpu.memory_space<vmem>>[vector<16xi32>], vector<16xf32>,
    tpu.vector_store_idx %arg7[%add3A_54, %broadcast_in_dim3A_60], %gather3A_62 : memref<512x128xf32, #tpu.memory_space<vmem>>[vector<16xi32>, vector<16xi32>], vector<16xf32>,
    %broadcast_in_dim3A_63 = arith.constant 2 : i32
    %broadcast_in_dim3A_64 = vector.broadcast %broadcast_in_dim3A_63 : i32 to vector<16xi32>
    %add3A_65 = arith.addi %shift_left3A_48, %broadcast_in_dim3A_64 : vector<16xi32>
    %gather3A_66 = tpu.vector_load_idx %arg6[%add3A_65] : memref<8000xf32, #tpu.memory_space<vmem>>[vector<16xi32>], vector<16xf32>,
    tpu.vector_store_idx %arg7[%add3A_54, %broadcast_in_dim3A_64], %gather3A_66 : memref<512x128xf32, #tpu.memory_space<vmem>>[vector<16xi32>, vector<16xi32>], vector<16xf32>,
    %broadcast_in_dim3A_67 = arith.constant 3 : i32
    %broadcast_in_dim3A_68 = vector.broadcast %broadcast_in_dim3A_67 : i32 to vector<16xi32>
    %add3A_69 = arith.addi %shift_left3A_48, %broadcast_in_dim3A_68 : vector<16xi32>
    %gather3A_70 = tpu.vector_load_idx %arg6[%add3A_69] : memref<8000xf32, #tpu.memory_space<vmem>>[vector<16xi32>], vector<16xf32>,
    tpu.vector_store_idx %arg7[%add3A_54, %broadcast_in_dim3A_68], %gather3A_70 : memref<512x128xf32, #tpu.memory_space<vmem>>[vector<16xi32>, vector<16xi32>], vector<16xf32>,
    %broadcast_in_dim3A_71 = arith.constant 4 : i32
    %broadcast_in_dim3A_72 = vector.broadcast %broadcast_in_dim3A_71 : i32 to vector<16xi32>
    %add3A_73 = arith.addi %shift_left3A_48, %broadcast_in_dim3A_72 : vector<16xi32>
    %gather3A_74 = tpu.vector_load_idx %arg6[%add3A_73] : memref<8000xf32, #tpu.memory_space<vmem>>[vector<16xi32>], vector<16xf32>,
    tpu.vector_store_idx %arg7[%add3A_54, %broadcast_in_dim3A_72], %gather3A_74 : memref<512x128xf32, #tpu.memory_space<vmem>>[vector<16xi32>, vector<16xi32>], vector<16xf32>,
    %broadcast_in_dim3A_75 = arith.constant 5 : i32
    %broadcast_in_dim3A_76 = vector.broadcast %broadcast_in_dim3A_75 : i32 to vector<16xi32>
    %add3A_77 = arith.addi %shift_left3A_48, %broadcast_in_dim3A_76 : vector<16xi32>
    %gather3A_78 = tpu.vector_load_idx %arg6[%add3A_77] : memref<8000xf32, #tpu.memory_space<vmem>>[vector<16xi32>], vector<16xf32>,
    tpu.vector_store_idx %arg7[%add3A_54, %broadcast_in_dim3A_76], %gather3A_78 : memref<512x128xf32, #tpu.memory_space<vmem>>[vector<16xi32>, vector<16xi32>], vector<16xf32>,
    %broadcast_in_dim3A_79 = arith.constant 6 : i32
    %broadcast_in_dim3A_80 = vector.broadcast %broadcast_in_dim3A_79 : i32 to vector<16xi32>
    %add3A_81 = arith.addi %shift_left3A_48, %broadcast_in_dim3A_80 : vector<16xi32>
    %gather3A_82 = tpu.vector_load_idx %arg6[%add3A_81] : memref<8000xf32, #tpu.memory_space<vmem>>[vector<16xi32>], vector<16xf32>,
    tpu.vector_store_idx %arg7[%add3A_54, %broadcast_in_dim3A_80], %gather3A_82 : memref<512x128xf32, #tpu.memory_space<vmem>>[vector<16xi32>, vector<16xi32>], vector<16xf32>,
    %broadcast_in_dim3A_83 = arith.constant 7 : i32
    %broadcast_in_dim3A_84 = vector.broadcast %broadcast_in_dim3A_83 : i32 to vector<16xi32>
    %add3A_85 = arith.addi %shift_left3A_48, %broadcast_in_dim3A_84 : vector<16xi32>
    %gather3A_86 = tpu.vector_load_idx %arg6[%add3A_85] : memref<8000xf32, #tpu.memory_space<vmem>>[vector<16xi32>], vector<16xf32>,
    tpu.vector_store_idx %arg7[%add3A_54, %broadcast_in_dim3A_84], %gather3A_86 : memref<512x128xf32, #tpu.memory_space<vmem>>[vector<16xi32>, vector<16xi32>], vector<16xf32>,
    %get3A_87 = arith.constant 32 : index
    %get3A_88 = tpu.vector_load %arg5[%get3A_87] {strides = array<i32>} : memref<512xi32, #tpu.memory_space<vmem>>, vector<16xi32>,
    %shift_left3A_89 = arith.constant 3 : i32
    %shift_left3A_90 = vector.broadcast %shift_left3A_89 : i32 to vector<16xi32>
    %shift_left3A_91 = arith.shli %get3A_88, %shift_left3A_90 : vector<16xi32>
    %add3A_92 = arith.constant 0 : i32
    %add3A_93 = vector.broadcast %add3A_92 : i32 to vector<16xi32>
    %add3A_94 = arith.addi %iota3A, %add3A_93 : vector<16xi32>
    %add3A_95 = arith.constant 32 : i32
    %add3A_96 = vector.broadcast %add3A_95 : i32 to vector<16xi32>
    %add3A_97 = arith.addi %add3A_94, %add3A_96 : vector<16xi32>
    %broadcast_in_dim3A_98 = arith.constant 0 : i32
    %broadcast_in_dim3A_99 = vector.broadcast %broadcast_in_dim3A_98 : i32 to vector<16xi32>
    %add3A_100 = arith.addi %shift_left3A_91, %broadcast_in_dim3A_99 : vector<16xi32>
    %gather3A_101 = tpu.vector_load_idx %arg6[%add3A_100] : memref<8000xf32, #tpu.memory_space<vmem>>[vector<16xi32>], vector<16xf32>,
    tpu.vector_store_idx %arg7[%add3A_97, %broadcast_in_dim3A_99], %gather3A_101 : memref<512x128xf32, #tpu.memory_space<vmem>>[vector<16xi32>, vector<16xi32>], vector<16xf32>,
    %broadcast_in_dim3A_102 = arith.constant 1 : i32
    %broadcast_in_dim3A_103 = vector.broadcast %broadcast_in_dim3A_102 : i32 to vector<16xi32>
    %add3A_104 = arith.addi %shift_left3A_91, %broadcast_in_dim3A_103 : vector<16xi32>
    %gather3A_105 = tpu.vector_load_idx %arg6[%add3A_104] : memref<8000xf32, #tpu.memory_space<vmem>>[vector<16xi32>], vector<16xf32>,
    tpu.vector_store_idx %arg7[%add3A_97, %broadcast_in_dim3A_103], %gather3A_105 : memref<512x128xf32, #tpu.memory_space<vmem>>[vector<16xi32>, vector<16xi32>], vector<16xf32>,
    %broadcast_in_dim3A_106 = arith.constant 2 : i32
    %broadcast_in_dim3A_107 = vector.broadcast %broadcast_in_dim3A_106 : i32 to vector<16xi32>
    %add3A_108 = arith.addi %shift_left3A_91, %broadcast_in_dim3A_107 : vector<16xi32>
    %gather3A_109 = tpu.vector_load_idx %arg6[%add3A_108] : memref<8000xf32, #tpu.memory_space<vmem>>[vector<16xi32>], vector<16xf32>,
    tpu.vector_store_idx %arg7[%add3A_97, %broadcast_in_dim3A_107], %gather3A_109 : memref<512x128xf32, #tpu.memory_space<vmem>>[vector<16xi32>, vector<16xi32>], vector<16xf32>,
    %broadcast_in_dim3A_110 = arith.constant 3 : i32
    %broadcast_in_dim3A_111 = vector.broadcast %broadcast_in_dim3A_110 : i32 to vector<16xi32>
    %add3A_112 = arith.addi %shift_left3A_91, %broadcast_in_dim3A_111 : vector<16xi32>
    %gather3A_113 = tpu.vector_load_idx %arg6[%add3A_112] : memref<8000xf32, #tpu.memory_space<vmem>>[vector<16xi32>], vector<16xf32>,
    tpu.vector_store_idx %arg7[%add3A_97, %broadcast_in_dim3A_111], %gather3A_113 : memref<512x128xf32, #tpu.memory_space<vmem>>[vector<16xi32>, vector<16xi32>], vector<16xf32>,
    %broadcast_in_dim3A_114 = arith.constant 4 : i32
    %broadcast_in_dim3A_115 = vector.broadcast %broadcast_in_dim3A_114 : i32 to vector<16xi32>
    %add3A_116 = arith.addi %shift_left3A_91, %broadcast_in_dim3A_115 : vector<16xi32>
    %gather3A_117 = tpu.vector_load_idx %arg6[%add3A_116] : memref<8000xf32, #tpu.memory_space<vmem>>[vector<16xi32>], vector<16xf32>,
    tpu.vector_store_idx %arg7[%add3A_97, %broadcast_in_dim3A_115], %gather3A_117 : memref<512x128xf32, #tpu.memory_space<vmem>>[vector<16xi32>, vector<16xi32>], vector<16xf32>,
    %broadcast_in_dim3A_118 = arith.constant 5 : i32
    %broadcast_in_dim3A_119 = vector.broadcast %broadcast_in_dim3A_118 : i32 to vector<16xi32>
    %add3A_120 = arith.addi %shift_left3A_91, %broadcast_in_dim3A_119 : vector<16xi32>
    %gather3A_121 = tpu.vector_load_idx %arg6[%add3A_120] : memref<8000xf32, #tpu.memory_space<vmem>>[vector<16xi32>], vector<16xf32>,
    tpu.vector_store_idx %arg7[%add3A_97, %broadcast_in_dim3A_119], %gather3A_121 : memref<512x128xf32, #tpu.memory_space<vmem>>[vector<16xi32>, vector<16xi32>], vector<16xf32>,
    %broadcast_in_dim3A_122 = arith.constant 6 : i32
    %broadcast_in_dim3A_123 = vector.broadcast %broadcast_in_dim3A_122 : i32 to vector<16xi32>
    %add3A_124 = arith.addi %shift_left3A_91, %broadcast_in_dim3A_123 : vector<16xi32>
    %gather3A_125 = tpu.vector_load_idx %arg6[%add3A_124] : memref<8000xf32, #tpu.memory_space<vmem>>[vector<16xi32>], vector<16xf32>,
    tpu.vector_store_idx %arg7[%add3A_97, %broadcast_in_dim3A_123], %gather3A_125 : memref<512x128xf32, #tpu.memory_space<vmem>>[vector<16xi32>, vector<16xi32>], vector<16xf32>,
    %broadcast_in_dim3A_126 = arith.constant 7 : i32
    %broadcast_in_dim3A_127 = vector.broadcast %broadcast_in_dim3A_126 : i32 to vector<16xi32>
    %add3A_128 = arith.addi %shift_left3A_91, %broadcast_in_dim3A_127 : vector<16xi32>
    %gather3A_129 = tpu.vector_load_idx %arg6[%add3A_128] : memref<8000xf32, #tpu.memory_space<vmem>>[vector<16xi32>], vector<16xf32>,
    tpu.vector_store_idx %arg7[%add3A_97, %broadcast_in_dim3A_127], %gather3A_129 : memref<512x128xf32, #tpu.memory_space<vmem>>[vector<16xi32>, vector<16xi32>], vector<16xf32>,
    %get3A_130 = arith.constant 48 : index
    %get3A_131 = tpu.vector_load %arg5[%get3A_130] {strides = array<i32>} : memref<512xi32, #tpu.memory_space<vmem>>, vector<16xi32>,
    %shift_left3A_132 = arith.constant 3 : i32
    %shift_left3A_133 = vector.broadcast %shift_left3A_132 : i32 to vector<16xi32>
    %shift_left3A_134 = arith.shli %get3A_131, %shift_left3A_133 : vector<16xi32>
    %add3A_135 = arith.constant 0 : i32
    %add3A_136 = vector.broadcast %add3A_135 : i32 to vector<16xi32>
    %add3A_137 = arith.addi %iota3A, %add3A_136 : vector<16xi32>
    %add3A_138 = arith.constant 48 : i32
    %add3A_139 = vector.broadcast %add3A_138 : i32 to vector<16xi32>
    %add3A_140 = arith.addi %add3A_137, %add3A_139 : vector<16xi32>
    %broadcast_in_dim3A_141 = arith.constant 0 : i32
    %broadcast_in_dim3A_142 = vector.broadcast %broadcast_in_dim3A_141 : i32 to vector<16xi32>
    %add3A_143 = arith.addi %shift_left3A_134, %broadcast_in_dim3A_142 : vector<16xi32>
    %gather3A_144 = tpu.vector_load_idx %arg6[%add3A_143] : memref<8000xf32, #tpu.memory_space<vmem>>[vector<16xi32>], vector<16xf32>,
    tpu.vector_store_idx %arg7[%add3A_140, %broadcast_in_dim3A_142], %gather3A_144 : memref<512x128xf32, #tpu.memory_space<vmem>>[vector<16xi32>, vector<16xi32>], vector<16xf32>,
    %broadcast_in_dim3A_145 = arith.constant 1 : i32
    %broadcast_in_dim3A_146 = vector.broadcast %broadcast_in_dim3A_145 : i32 to vector<16xi32>
    %add3A_147 = arith.addi %shift_left3A_134, %broadcast_in_dim3A_146 : vector<16xi32>
    %gather3A_148 = tpu.vector_load_idx %arg6[%add3A_147] : memref<8000xf32, #tpu.memory_space<vmem>>[vector<16xi32>], vector<16xf32>,
    tpu.vector_store_idx %arg7[%add3A_140, %broadcast_in_dim3A_146], %gather3A_148 : memref<512x128xf32, #tpu.memory_space<vmem>>[vector<16xi32>, vector<16xi32>], vector<16xf32>,
    %broadcast_in_dim3A_149 = arith.constant 2 : i32
    %broadcast_in_dim3A_150 = vector.broadcast %broadcast_in_dim3A_149 : i32 to vector<16xi32>
    %add3A_151 = arith.addi %shift_left3A_134, %broadcast_in_dim3A_150 : vector<16xi32>
    %gather3A_152 = tpu.vector_load_idx %arg6[%add3A_151] : memref<8000xf32, #tpu.memory_space<vmem>>[vector<16xi32>], vector<16xf32>,
    tpu.vector_store_idx %arg7[%add3A_140, %broadcast_in_dim3A_150], %gather3A_152 : memref<512x128xf32, #tpu.memory_space<vmem>>[vector<16xi32>, vector<16xi32>], vector<16xf32>,
    %broadcast_in_dim3A_153 = arith.constant 3 : i32
    %broadcast_in_dim3A_154 = vector.broadcast %broadcast_in_dim3A_153 : i32 to vector<16xi32>
    %add3A_155 = arith.addi %shift_left3A_134, %broadcast_in_dim3A_154 : vector<16xi32>
    %gather3A_156 = tpu.vector_load_idx %arg6[%add3A_155] : memref<8000xf32, #tpu.memory_space<vmem>>[vector<16xi32>], vector<16xf32>,
    tpu.vector_store_idx %arg7[%add3A_140, %broadcast_in_dim3A_154], %gather3A_156 : memref<512x128xf32, #tpu.memory_space<vmem>>[vector<16xi32>, vector<16xi32>], vector<16xf32>,
    %broadcast_in_dim3A_157 = arith.constant 4 : i32
    %broadcast_in_dim3A_158 = vector.broadcast %broadcast_in_dim3A_157 : i32 to vector<16xi32>
    %add3A_159 = arith.addi %shift_left3A_134, %broadcast_in_dim3A_158 : vector<16xi32>
    %gather3A_160 = tpu.vector_load_idx %arg6[%add3A_159] : memref<8000xf32, #tpu.memory_space<vmem>>[vector<16xi32>], vector<16xf32>,
    tpu.vector_store_idx %arg7[%add3A_140, %broadcast_in_dim3A_158], %gather3A_160 : memref<512x128xf32, #tpu.memory_space<vmem>>[vector<16xi32>, vector<16xi32>], vector<16xf32>,
    %broadcast_in_dim3A_161 = arith.constant 5 : i32
    %broadcast_in_dim3A_162 = vector.broadcast %broadcast_in_dim3A_161 : i32 to vector<16xi32>
    %add3A_163 = arith.addi %shift_left3A_134, %broadcast_in_dim3A_162 : vector<16xi32>
    %gather3A_164 = tpu.vector_load_idx %arg6[%add3A_163] : memref<8000xf32, #tpu.memory_space<vmem>>[vector<16xi32>], vector<16xf32>,
    tpu.vector_store_idx %arg7[%add3A_140, %broadcast_in_dim3A_162], %gather3A_164 : memref<512x128xf32, #tpu.memory_space<vmem>>[vector<16xi32>, vector<16xi32>], vector<16xf32>,
    %broadcast_in_dim3A_165 = arith.constant 6 : i32
    %broadcast_in_dim3A_166 = vector.broadcast %broadcast_in_dim3A_165 : i32 to vector<16xi32>
    %add3A_167 = arith.addi %shift_left3A_134, %broadcast_in_dim3A_166 : vector<16xi32>
    %gather3A_168 = tpu.vector_load_idx %arg6[%add3A_167] : memref<8000xf32, #tpu.memory_space<vmem>>[vector<16xi32>], vector<16xf32>,
    tpu.vector_store_idx %arg7[%add3A_140, %broadcast_in_dim3A_166], %gather3A_168 : memref<512x128xf32, #tpu.memory_space<vmem>>[vector<16xi32>, vector<16xi32>], vector<16xf32>,
    %broadcast_in_dim3A_169 = arith.constant 7 : i32
    %broadcast_in_dim3A_170 = vector.broadcast %broadcast_in_dim3A_169 : i32 to vector<16xi32>
    %add3A_171 = arith.addi %shift_left3A_134, %broadcast_in_dim3A_170 : vector<16xi32>
    %gather3A_172 = tpu.vector_load_idx %arg6[%add3A_171] : memref<8000xf32, #tpu.memory_space<vmem>>[vector<16xi32>], vector<16xf32>,
    tpu.vector_store_idx %arg7[%add3A_140, %broadcast_in_dim3A_170], %gather3A_172 : memref<512x128xf32, #tpu.memory_space<vmem>>[vector<16xi32>, vector<16xi32>], vector<16xf32>,
    %get3A_173 = arith.constant 64 : index
    %get3A_174 = tpu.vector_load %arg5[%get3A_173] {strides = array<i32>} : memref<512xi32, #tpu.memory_space<vmem>>, vector<16xi32>,
    %shift_left3A_175 = arith.constant 3 : i32
    %shift_left3A_176 = vector.broadcast %shift_left3A_175 : i32 to vector<16xi32>
    %shift_left3A_177 = arith.shli %get3A_174, %shift_left3A_176 : vector<16xi32>
    %add3A_178 = arith.constant 0 : i32
    %add3A_179 = vector.broadcast %add3A_178 : i32 to vector<16xi32>
    %add3A_180 = arith.addi %iota3A, %add3A_179 : vector<16xi32>
    %add3A_181 = arith.constant 64 : i32
    %add3A_182 = vector.broadcast %add3A_181 : i32 to vector<16xi32>
    %add3A_183 = arith.addi %add3A_180, %add3A_182 : vector<16xi32>
    %broadcast_in_dim3A_184 = arith.constant 0 : i32
    %broadcast_in_dim3A_185 = vector.broadcast %broadcast_in_dim3A_184 : i32 to vector<16xi32>
    %add3A_186 = arith.addi %shift_left3A_177, %broadcast_in_dim3A_185 : vector<16xi32>
    %gather3A_187 = tpu.vector_load_idx %arg6[%add3A_186] : memref<8000xf32, #tpu.memory_space<vmem>>[vector<16xi32>], vector<16xf32>,
    tpu.vector_store_idx %arg7[%add3A_183, %broadcast_in_dim3A_185], %gather3A_187 : memref<512x128xf32, #tpu.memory_space<vmem>>[vector<16xi32>, vector<16xi32>], vector<16xf32>,
    %broadcast_in_dim3A_188 = arith.constant 1 : i32
    %broadcast_in_dim3A_189 = vector.broadcast %broadcast_in_dim3A_188 : i32 to vector<16xi32>
    %add3A_190 = arith.addi %shift_left3A_177, %broadcast_in_dim3A_189 : vector<16xi32>
    %gather3A_191 = tpu.vector_load_idx %arg6[%add3A_190] : memref<8000xf32, #tpu.memory_space<vmem>>[vector<16xi32>], vector<16xf32>,
    tpu.vector_store_idx %arg7[%add3A_183, %broadcast_in_dim3A_189], %gather3A_191 : memref<512x128xf32, #tpu.memory_space<vmem>>[vector<16xi32>, vector<16xi32>], vector<16xf32>,
    %broadcast_in_dim3A_192 = arith.constant 2 : i32
    %broadcast_in_dim3A_193 = vector.broadcast %broadcast_in_dim3A_192 : i32 to vector<16xi32>
    %add3A_194 = arith.addi %shift_left3A_177, %broadcast_in_dim3A_193 : vector<16xi32>
    %gather3A_195 = tpu.vector_load_idx %arg6[%add3A_194] : memref<8000xf32, #tpu.memory_space<vmem>>[vector<16xi32>], vector<16xf32>,
    tpu.vector_store_idx %arg7[%add3A_183, %broadcast_in_dim3A_193], %gather3A_195 : memref<512x128xf32, #tpu.memory_space<vmem>>[vector<16xi32>, vector<16xi32>], vector<16xf32>,
    %broadcast_in_dim3A_196 = arith.constant 3 : i32
    %broadcast_in_dim3A_197 = vector.broadcast %broadcast_in_dim3A_196 : i32 to vector<16xi32>
    %add3A_198 = arith.addi %shift_left3A_177, %broadcast_in_dim3A_197 : vector<16xi32>
    %gather3A_199 = tpu.vector_load_idx %arg6[%add3A_198] : memref<8000xf32, #tpu.memory_space<vmem>>[vector<16xi32>], vector<16xf32>,
    tpu.vector_store_idx %arg7[%add3A_183, %broadcast_in_dim3A_197], %gather3A_199 : memref<512x128xf32, #tpu.memory_space<vmem>>[vector<16xi32>, vector<16xi32>], vector<16xf32>,
    %broadcast_in_dim3A_200 = arith.constant 4 : i32
    %broadcast_in_dim3A_201 = vector.broadcast %broadcast_in_dim3A_200 : i32 to vector<16xi32>
    %add3A_202 = arith.addi %shift_left3A_177, %broadcast_in_dim3A_201 : vector<16xi32>
    %gather3A_203 = tpu.vector_load_idx %arg6[%add3A_202] : memref<8000xf32, #tpu.memory_space<vmem>>[vector<16xi32>], vector<16xf32>,
    tpu.vector_store_idx %arg7[%add3A_183, %broadcast_in_dim3A_201], %gather3A_203 : memref<512x128xf32, #tpu.memory_space<vmem>>[vector<16xi32>, vector<16xi32>], vector<16xf32>,
    %broadcast_in_dim3A_204 = arith.constant 5 : i32
    %broadcast_in_dim3A_205 = vector.broadcast %broadcast_in_dim3A_204 : i32 to vector<16xi32>
    %add3A_206 = arith.addi %shift_left3A_177, %broadcast_in_dim3A_205 : vector<16xi32>
    %gather3A_207 = tpu.vector_load_idx %arg6[%add3A_206] : memref<8000xf32, #tpu.memory_space<vmem>>[vector<16xi32>], vector<16xf32>,
    tpu.vector_store_idx %arg7[%add3A_183, %broadcast_in_dim3A_205], %gather3A_207 : memref<512x128xf32, #tpu.memory_space<vmem>>[vector<16xi32>, vector<16xi32>], vector<16xf32>,
    %broadcast_in_dim3A_208 = arith.constant 6 : i32
    %broadcast_in_dim3A_209 = vector.broadcast %broadcast_in_dim3A_208 : i32 to vector<16xi32>
    %add3A_210 = arith.addi %shift_left3A_177, %broadcast_in_dim3A_209 : vector<16xi32>
    %gather3A_211 = tpu.vector_load_idx %arg6[%add3A_210] : memref<8000xf32, #tpu.memory_space<vmem>>[vector<16xi32>], vector<16xf32>,
    tpu.vector_store_idx %arg7[%add3A_183, %broadcast_in_dim3A_209], %gather3A_211 : memref<512x128xf32, #tpu.memory_space<vmem>>[vector<16xi32>, vector<16xi32>], vector<16xf32>,
    %broadcast_in_dim3A_212 = arith.constant 7 : i32
    %broadcast_in_dim3A_213 = vector.broadcast %broadcast_in_dim3A_212 : i32 to vector<16xi32>
    %add3A_214 = arith.addi %shift_left3A_177, %broadcast_in_dim3A_213 : vector<16xi32>
    %gather3A_215 = tpu.vector_load_idx %arg6[%add3A_214] : memref<8000xf32, #tpu.memory_space<vmem>>[vector<16xi32>], vector<16xf32>,
    tpu.vector_store_idx %arg7[%add3A_183, %broadcast_in_dim3A_213], %gather3A_215 : memref<512x128xf32, #tpu.memory_space<vmem>>[vector<16xi32>, vector<16xi32>], vector<16xf32>,
    %get3A_216 = arith.constant 80 : index
    %get3A_217 = tpu.vector_load %arg5[%get3A_216] {strides = array<i32>} : memref<512xi32, #tpu.memory_space<vmem>>, vector<16xi32>,
    %shift_left3A_218 = arith.constant 3 : i32
    %shift_left3A_219 = vector.broadcast %shift_left3A_218 : i32 to vector<16xi32>
    %shift_left3A_220 = arith.shli %get3A_217, %shift_left3A_219 : vector<16xi32>
    %add3A_221 = arith.constant 0 : i32
    %add3A_222 = vector.broadcast %add3A_221 : i32 to vector<16xi32>
    %add3A_223 = arith.addi %iota3A, %add3A_222 : vector<16xi32>
    %add3A_224 = arith.constant 80 : i32
    %add3A_225 = vector.broadcast %add3A_224 : i32 to vector<16xi32>
    %add3A_226 = arith.addi %add3A_223, %add3A_225 : vector<16xi32>
    %broadcast_in_dim3A_227 = arith.constant 0 : i32
    %broadcast_in_dim3A_228 = vector.broadcast %broadcast_in_dim3A_227 : i32 to vector<16xi32>
    %add3A_229 = arith.addi %shift_left3A_220, %broadcast_in_dim3A_228 : vector<16xi32>
    %gather3A_230 = tpu.vector_load_idx %arg6[%add3A_229] : memref<8000xf32, #tpu.memory_space<vmem>>[vector<16xi32>], vector<16xf32>,
    tpu.vector_store_idx %arg7[%add3A_226, %broadcast_in_dim3A_228], %gather3A_230 : memref<512x128xf32, #tpu.memory_space<vmem>>[vector<16xi32>, vector<16xi32>], vector<16xf32>,
    %broadcast_in_dim3A_231 = arith.constant 1 : i32
    %broadcast_in_dim3A_232 = vector.broadcast %broadcast_in_dim3A_231 : i32 to vector<16xi32>
    %add3A_233 = arith.addi %shift_left3A_220, %broadcast_in_dim3A_232 : vector<16xi32>
    %gather3A_234 = tpu.vector_load_idx %arg6[%add3A_233] : memref<8000xf32, #tpu.memory_space<vmem>>[vector<16xi32>], vector<16xf32>,
    tpu.vector_store_idx %arg7[%add3A_226, %broadcast_in_dim3A_232], %gather3A_234 : memref<512x128xf32, #tpu.memory_space<vmem>>[vector<16xi32>, vector<16xi32>], vector<16xf32>,
    %broadcast_in_dim3A_235 = arith.constant 2 : i32
    %broadcast_in_dim3A_236 = vector.broadcast %broadcast_in_dim3A_235 : i32 to vector<16xi32>
    %add3A_237 = arith.addi %shift_left3A_220, %broadcast_in_dim3A_236 : vector<16xi32>
    %gather3A_238 = tpu.vector_load_idx %arg6[%add3A_237] : memref<8000xf32, #tpu.memory_space<vmem>>[vector<16xi32>], vector<16xf32>,
    tpu.vector_store_idx %arg7[%add3A_226, %broadcast_in_dim3A_236], %gather3A_238 : memref<512x128xf32, #tpu.memory_space<vmem>>[vector<16xi32>, vector<16xi32>], vector<16xf32>,
    %broadcast_in_dim3A_239 = arith.constant 3 : i32
    %broadcast_in_dim3A_240 = vector.broadcast %broadcast_in_dim3A_239 : i32 to vector<16xi32>
    %add3A_241 = arith.addi %shift_left3A_220, %broadcast_in_dim3A_240 : vector<16xi32>
    %gather3A_242 = tpu.vector_load_idx %arg6[%add3A_241] : memref<8000xf32, #tpu.memory_space<vmem>>[vector<16xi32>], vector<16xf32>,
    tpu.vector_store_idx %arg7[%add3A_226, %broadcast_in_dim3A_240], %gather3A_242 : memref<512x128xf32, #tpu.memory_space<vmem>>[vector<16xi32>, vector<16xi32>], vector<16xf32>,
    %broadcast_in_dim3A_243 = arith.constant 4 : i32
    %broadcast_in_dim3A_244 = vector.broadcast %broadcast_in_dim3A_243 : i32 to vector<16xi32>
    %add3A_245 = arith.addi %shift_left3A_220, %broadcast_in_dim3A_244 : vector<16xi32>
    %gather3A_246 = tpu.vector_load_idx %arg6[%add3A_245] : memref<8000xf32, #tpu.memory_space<vmem>>[vector<16xi32>], vector<16xf32>,
    tpu.vector_store_idx %arg7[%add3A_226, %broadcast_in_dim3A_244], %gather3A_246 : memref<512x128xf32, #tpu.memory_space<vmem>>[vector<16xi32>, vector<16xi32>], vector<16xf32>,
    %broadcast_in_dim3A_247 = arith.constant 5 : i32
    %broadcast_in_dim3A_248 = vector.broadcast %broadcast_in_dim3A_247 : i32 to vector<16xi32>
    %add3A_249 = arith.addi %shift_left3A_220, %broadcast_in_dim3A_248 : vector<16xi32>
    %gather3A_250 = tpu.vector_load_idx %arg6[%add3A_249] : memref<8000xf32, #tpu.memory_space<vmem>>[vector<16xi32>], vector<16xf32>,
    tpu.vector_store_idx %arg7[%add3A_226, %broadcast_in_dim3A_248], %gather3A_250 : memref<512x128xf32, #tpu.memory_space<vmem>>[vector<16xi32>, vector<16xi32>], vector<16xf32>,
    %broadcast_in_dim3A_251 = arith.constant 6 : i32
    %broadcast_in_dim3A_252 = vector.broadcast %broadcast_in_dim3A_251 : i32 to vector<16xi32>
    %add3A_253 = arith.addi %shift_left3A_220, %broadcast_in_dim3A_252 : vector<16xi32>
    %gather3A_254 = tpu.vector_load_idx %arg6[%add3A_253] : memref<8000xf32, #tpu.memory_space<vmem>>[vector<16xi32>], vector<16xf32>,
    tpu.vector_store_idx %arg7[%add3A_226, %broadcast_in_dim3A_252], %gather3A_254 : memref<512x128xf32, #tpu.memory_space<vmem>>[vector<16xi32>, vector<16xi32>], vector<16xf32>,
    %broadcast_in_dim3A_255 = arith.constant 7 : i32
    %broadcast_in_dim3A_256 = vector.broadcast %broadcast_in_dim3A_255 : i32 to vector<16xi32>
    %add3A_257 = arith.addi %shift_left3A_220, %broadcast_in_dim3A_256 : vector<16xi32>
    %gather3A_258 = tpu.vector_load_idx %arg6[%add3A_257] : memref<8000xf32, #tpu.memory_space<vmem>>[vector<16xi32>], vector<16xf32>,
    tpu.vector_store_idx %arg7[%add3A_226, %broadcast_in_dim3A_256], %gather3A_258 : memref<512x128xf32, #tpu.memory_space<vmem>>[vector<16xi32>, vector<16xi32>], vector<16xf32>,
    %get3A_259 = arith.constant 96 : index
    %get3A_260 = tpu.vector_load %arg5[%get3A_259] {strides = array<i32>} : memref<512xi32, #tpu.memory_space<vmem>>, vector<16xi32>,
    %shift_left3A_261 = arith.constant 3 : i32
    %shift_left3A_262 = vector.broadcast %shift_left3A_261 : i32 to vector<16xi32>
    %shift_left3A_263 = arith.shli %get3A_260, %shift_left3A_262 : vector<16xi32>
    %add3A_264 = arith.constant 0 : i32
    %add3A_265 = vector.broadcast %add3A_264 : i32 to vector<16xi32>
    %add3A_266 = arith.addi %iota3A, %add3A_265 : vector<16xi32>
    %add3A_267 = arith.constant 96 : i32
    %add3A_268 = vector.broadcast %add3A_267 : i32 to vector<16xi32>
    %add3A_269 = arith.addi %add3A_266, %add3A_268 : vector<16xi32>
    %broadcast_in_dim3A_270 = arith.constant 0 : i32
    %broadcast_in_dim3A_271 = vector.broadcast %broadcast_in_dim3A_270 : i32 to vector<16xi32>
    %add3A_272 = arith.addi %shift_left3A_263, %broadcast_in_dim3A_271 : vector<16xi32>
    %gather3A_273 = tpu.vector_load_idx %arg6[%add3A_272] : memref<8000xf32, #tpu.memory_space<vmem>>[vector<16xi32>], vector<16xf32>,
    tpu.vector_store_idx %arg7[%add3A_269, %broadcast_in_dim3A_271], %gather3A_273 : memref<512x128xf32, #tpu.memory_space<vmem>>[vector<16xi32>, vector<16xi32>], vector<16xf32>,
    %broadcast_in_dim3A_274 = arith.constant 1 : i32
    %broadcast_in_dim3A_275 = vector.broadcast %broadcast_in_dim3A_274 : i32 to vector<16xi32>
    %add3A_276 = arith.addi %shift_left3A_263, %broadcast_in_dim3A_275 : vector<16xi32>
    %gather3A_277 = tpu.vector_load_idx %arg6[%add3A_276] : memref<8000xf32, #tpu.memory_space<vmem>>[vector<16xi32>], vector<16xf32>,
    tpu.vector_store_idx %arg7[%add3A_269, %broadcast_in_dim3A_275], %gather3A_277 : memref<512x128xf32, #tpu.memory_space<vmem>>[vector<16xi32>, vector<16xi32>], vector<16xf32>,
    %broadcast_in_dim3A_278 = arith.constant 2 : i32
    %broadcast_in_dim3A_279 = vector.broadcast %broadcast_in_dim3A_278 : i32 to vector<16xi32>
    %add3A_280 = arith.addi %shift_left3A_263, %broadcast_in_dim3A_279 : vector<16xi32>
    %gather3A_281 = tpu.vector_load_idx %arg6[%add3A_280] : memref<8000xf32, #tpu.memory_space<vmem>>[vector<16xi32>], vector<16xf32>,
    tpu.vector_store_idx %arg7[%add3A_269, %broadcast_in_dim3A_279], %gather3A_281 : memref<512x128xf32, #tpu.memory_space<vmem>>[vector<16xi32>, vector<16xi32>], vector<16xf32>,
    %broadcast_in_dim3A_282 = arith.constant 3 : i32
    %broadcast_in_dim3A_283 = vector.broadcast %broadcast_in_dim3A_282 : i32 to vector<16xi32>
    %add3A_284 = arith.addi %shift_left3A_263, %broadcast_in_dim3A_283 : vector<16xi32>
    %gather3A_285 = tpu.vector_load_idx %arg6[%add3A_284] : memref<8000xf32, #tpu.memory_space<vmem>>[vector<16xi32>], vector<16xf32>,
    tpu.vector_store_idx %arg7[%add3A_269, %broadcast_in_dim3A_283], %gather3A_285 : memref<512x128xf32, #tpu.memory_space<vmem>>[vector<16xi32>, vector<16xi32>], vector<16xf32>,
    %broadcast_in_dim3A_286 = arith.constant 4 : i32
    %broadcast_in_dim3A_287 = vector.broadcast %broadcast_in_dim3A_286 : i32 to vector<16xi32>
    %add3A_288 = arith.addi %shift_left3A_263, %broadcast_in_dim3A_287 : vector<16xi32>
    %gather3A_289 = tpu.vector_load_idx %arg6[%add3A_288] : memref<8000xf32, #tpu.memory_space<vmem>>[vector<16xi32>], vector<16xf32>,
    tpu.vector_store_idx %arg7[%add3A_269, %broadcast_in_dim3A_287], %gather3A_289 : memref<512x128xf32, #tpu.memory_space<vmem>>[vector<16xi32>, vector<16xi32>], vector<16xf32>,
    %broadcast_in_dim3A_290 = arith.constant 5 : i32
    %broadcast_in_dim3A_291 = vector.broadcast %broadcast_in_dim3A_290 : i32 to vector<16xi32>
    %add3A_292 = arith.addi %shift_left3A_263, %broadcast_in_dim3A_291 : vector<16xi32>
    %gather3A_293 = tpu.vector_load_idx %arg6[%add3A_292] : memref<8000xf32, #tpu.memory_space<vmem>>[vector<16xi32>], vector<16xf32>,
    tpu.vector_store_idx %arg7[%add3A_269, %broadcast_in_dim3A_291], %gather3A_293 : memref<512x128xf32, #tpu.memory_space<vmem>>[vector<16xi32>, vector<16xi32>], vector<16xf32>,
    %broadcast_in_dim3A_294 = arith.constant 6 : i32
    %broadcast_in_dim3A_295 = vector.broadcast %broadcast_in_dim3A_294 : i32 to vector<16xi32>
    %add3A_296 = arith.addi %shift_left3A_263, %broadcast_in_dim3A_295 : vector<16xi32>
    %gather3A_297 = tpu.vector_load_idx %arg6[%add3A_296] : memref<8000xf32, #tpu.memory_space<vmem>>[vector<16xi32>], vector<16xf32>,
    tpu.vector_store_idx %arg7[%add3A_269, %broadcast_in_dim3A_295], %gather3A_297 : memref<512x128xf32, #tpu.memory_space<vmem>>[vector<16xi32>, vector<16xi32>], vector<16xf32>,
    %broadcast_in_dim3A_298 = arith.constant 7 : i32
    %broadcast_in_dim3A_299 = vector.broadcast %broadcast_in_dim3A_298 : i32 to vector<16xi32>
    %add3A_300 = arith.addi %shift_left3A_263, %broadcast_in_dim3A_299 : vector<16xi32>
    %gather3A_301 = tpu.vector_load_idx %arg6[%add3A_300] : memref<8000xf32, #tpu.memory_space<vmem>>[vector<16xi32>], vector<16xf32>,
    tpu.vector_store_idx %arg7[%add3A_269, %broadcast_in_dim3A_299], %gather3A_301 : memref<512x128xf32, #tpu.memory_space<vmem>>[vector<16xi32>, vector<16xi32>], vector<16xf32>,
    %get3A_302 = arith.constant 112 : index
    %get3A_303 = tpu.vector_load %arg5[%get3A_302] {strides = array<i32>} : memref<512xi32, #tpu.memory_space<vmem>>, vector<16xi32>,
    %shift_left3A_304 = arith.constant 3 : i32
    %shift_left3A_305 = vector.broadcast %shift_left3A_304 : i32 to vector<16xi32>
    %shift_left3A_306 = arith.shli %get3A_303, %shift_left3A_305 : vector<16xi32>
    %add3A_307 = arith.constant 0 : i32
    %add3A_308 = vector.broadcast %add3A_307 : i32 to vector<16xi32>
    %add3A_309 = arith.addi %iota3A, %add3A_308 : vector<16xi32>
    %add3A_310 = arith.constant 112 : i32
    %add3A_311 = vector.broadcast %add3A_310 : i32 to vector<16xi32>
    %add3A_312 = arith.addi %add3A_309, %add3A_311 : vector<16xi32>
    %broadcast_in_dim3A_313 = arith.constant 0 : i32
    %broadcast_in_dim3A_314 = vector.broadcast %broadcast_in_dim3A_313 : i32 to vector<16xi32>
    %add3A_315 = arith.addi %shift_left3A_306, %broadcast_in_dim3A_314 : vector<16xi32>
    %gather3A_316 = tpu.vector_load_idx %arg6[%add3A_315] : memref<8000xf32, #tpu.memory_space<vmem>>[vector<16xi32>], vector<16xf32>,
    tpu.vector_store_idx %arg7[%add3A_312, %broadcast_in_dim3A_314], %gather3A_316 : memref<512x128xf32, #tpu.memory_space<vmem>>[vector<16xi32>, vector<16xi32>], vector<16xf32>,
    %broadcast_in_dim3A_317 = arith.constant 1 : i32
    %broadcast_in_dim3A_318 = vector.broadcast %broadcast_in_dim3A_317 : i32 to vector<16xi32>
    %add3A_319 = arith.addi %shift_left3A_306, %broadcast_in_dim3A_318 : vector<16xi32>
    %gather3A_320 = tpu.vector_load_idx %arg6[%add3A_319] : memref<8000xf32, #tpu.memory_space<vmem>>[vector<16xi32>], vector<16xf32>,
    tpu.vector_store_idx %arg7[%add3A_312, %broadcast_in_dim3A_318], %gather3A_320 : memref<512x128xf32, #tpu.memory_space<vmem>>[vector<16xi32>, vector<16xi32>], vector<16xf32>,
    %broadcast_in_dim3A_321 = arith.constant 2 : i32
    %broadcast_in_dim3A_322 = vector.broadcast %broadcast_in_dim3A_321 : i32 to vector<16xi32>
    %add3A_323 = arith.addi %shift_left3A_306, %broadcast_in_dim3A_322 : vector<16xi32>
    %gather3A_324 = tpu.vector_load_idx %arg6[%add3A_323] : memref<8000xf32, #tpu.memory_space<vmem>>[vector<16xi32>], vector<16xf32>,
    tpu.vector_store_idx %arg7[%add3A_312, %broadcast_in_dim3A_322], %gather3A_324 : memref<512x128xf32, #tpu.memory_space<vmem>>[vector<16xi32>, vector<16xi32>], vector<16xf32>,
    %broadcast_in_dim3A_325 = arith.constant 3 : i32
    %broadcast_in_dim3A_326 = vector.broadcast %broadcast_in_dim3A_325 : i32 to vector<16xi32>
    %add3A_327 = arith.addi %shift_left3A_306, %broadcast_in_dim3A_326 : vector<16xi32>
    %gather3A_328 = tpu.vector_load_idx %arg6[%add3A_327] : memref<8000xf32, #tpu.memory_space<vmem>>[vector<16xi32>], vector<16xf32>,
    tpu.vector_store_idx %arg7[%add3A_312, %broadcast_in_dim3A_326], %gather3A_328 : memref<512x128xf32, #tpu.memory_space<vmem>>[vector<16xi32>, vector<16xi32>], vector<16xf32>,
    %broadcast_in_dim3A_329 = arith.constant 4 : i32
    %broadcast_in_dim3A_330 = vector.broadcast %broadcast_in_dim3A_329 : i32 to vector<16xi32>
    %add3A_331 = arith.addi %shift_left3A_306, %broadcast_in_dim3A_330 : vector<16xi32>
    %gather3A_332 = tpu.vector_load_idx %arg6[%add3A_331] : memref<8000xf32, #tpu.memory_space<vmem>>[vector<16xi32>], vector<16xf32>,
    tpu.vector_store_idx %arg7[%add3A_312, %broadcast_in_dim3A_330], %gather3A_332 : memref<512x128xf32, #tpu.memory_space<vmem>>[vector<16xi32>, vector<16xi32>], vector<16xf32>,
    %broadcast_in_dim3A_333 = arith.constant 5 : i32
    %broadcast_in_dim3A_334 = vector.broadcast %broadcast_in_dim3A_333 : i32 to vector<16xi32>
    %add3A_335 = arith.addi %shift_left3A_306, %broadcast_in_dim3A_334 : vector<16xi32>
    %gather3A_336 = tpu.vector_load_idx %arg6[%add3A_335] : memref<8000xf32, #tpu.memory_space<vmem>>[vector<16xi32>], vector<16xf32>,
    tpu.vector_store_idx %arg7[%add3A_312, %broadcast_in_dim3A_334], %gather3A_336 : memref<512x128xf32, #tpu.memory_space<vmem>>[vector<16xi32>, vector<16xi32>], vector<16xf32>,
    %broadcast_in_dim3A_337 = arith.constant 6 : i32
    %broadcast_in_dim3A_338 = vector.broadcast %broadcast_in_dim3A_337 : i32 to vector<16xi32>
    %add3A_339 = arith.addi %shift_left3A_306, %broadcast_in_dim3A_338 : vector<16xi32>
    %gather3A_340 = tpu.vector_load_idx %arg6[%add3A_339] : memref<8000xf32, #tpu.memory_space<vmem>>[vector<16xi32>], vector<16xf32>,
    tpu.vector_store_idx %arg7[%add3A_312, %broadcast_in_dim3A_338], %gather3A_340 : memref<512x128xf32, #tpu.memory_space<vmem>>[vector<16xi32>, vector<16xi32>], vector<16xf32>,
    %broadcast_in_dim3A_341 = arith.constant 7 : i32
    %broadcast_in_dim3A_342 = vector.broadcast %broadcast_in_dim3A_341 : i32 to vector<16xi32>
    %add3A_343 = arith.addi %shift_left3A_306, %broadcast_in_dim3A_342 : vector<16xi32>
    %gather3A_344 = tpu.vector_load_idx %arg6[%add3A_343] : memref<8000xf32, #tpu.memory_space<vmem>>[vector<16xi32>], vector<16xf32>,
    tpu.vector_store_idx %arg7[%add3A_312, %broadcast_in_dim3A_342], %gather3A_344 : memref<512x128xf32, #tpu.memory_space<vmem>>[vector<16xi32>, vector<16xi32>], vector<16xf32>,
    %add3A_345 = arith.constant 0 : i32
    %add3A_346 = arith.addi %mul3A_2, %add3A_345 : i32
    %dma_start3A_347 = arith.constant 0 : i32
    %dma_start3A_348 = arith.constant 0 : i32
    %dma_start3A_349 = tpu.memref_slice %arg7[%dma_start3A_347, %dma_start3A_348] : memref<512x128xf32, #tpu.memory_space<vmem>> -> memref<128x128xf32, #tpu.memory_space<vmem>>
    %dma_start3A_350 = arith.constant 0 : i32
    %dma_start3A_351 = tpu.memref_slice %arg4[%add3A_346, %dma_start3A_350] : memref<16384x128xf32, #tpu.memory_space<hbm>> -> memref<128x128xf32, #tpu.memory_space<hbm>>
    %dma_start3A_352 = arith.constant 0 : i32
    %dma_start3A_353 = tpu.memref_slice %arg4[%add3A_346, %dma_start3A_352] : memref<16384x128xf32, #tpu.memory_space<hbm>> -> memref<128x128xf32, #tpu.memory_space<hbm>>
    %dma_start3A_354 = arith.constant 0 : i32
    %dma_start3A_355 = arith.constant 0 : i32
    %dma_start3A_356 = tpu.memref_slice %arg7[%dma_start3A_354, %dma_start3A_355] : memref<512x128xf32, #tpu.memory_space<vmem>> -> memref<128x128xf32, #tpu.memory_space<vmem>>
    tpu.enqueue_dma source(%dma_start3A_356 : memref<128x128xf32, #tpu.memory_space<vmem>>) target(%dma_start3A_353 : memref<128x128xf32, #tpu.memory_space<hbm>>) target_semaphore(%arg8 : memref<!tpu.dma_semaphore, #tpu.memory_space<semaphore_mem>>)
    %get3A_357 = arith.constant 128 : index
    %get3A_358 = tpu.vector_load %arg5[%get3A_357] {strides = array<i32>} : memref<512xi32, #tpu.memory_space<vmem>>, vector<16xi32>,
    %shift_left3A_359 = arith.constant 3 : i32
    %shift_left3A_360 = vector.broadcast %shift_left3A_359 : i32 to vector<16xi32>
    %shift_left3A_361 = arith.shli %get3A_358, %shift_left3A_360 : vector<16xi32>
    %add3A_362 = arith.constant 128 : i32
    %add3A_363 = vector.broadcast %add3A_362 : i32 to vector<16xi32>
    %add3A_364 = arith.addi %iota3A, %add3A_363 : vector<16xi32>
    %add3A_365 = arith.constant 0 : i32
    %add3A_366 = vector.broadcast %add3A_365 : i32 to vector<16xi32>
    %add3A_367 = arith.addi %add3A_364, %add3A_366 : vector<16xi32>
    %broadcast_in_dim3A_368 = arith.constant 0 : i32
    %broadcast_in_dim3A_369 = vector.broadcast %broadcast_in_dim3A_368 : i32 to vector<16xi32>
    %add3A_370 = arith.addi %shift_left3A_361, %broadcast_in_dim3A_369 : vector<16xi32>
    %gather3A_371 = tpu.vector_load_idx %arg6[%add3A_370] : memref<8000xf32, #tpu.memory_space<vmem>>[vector<16xi32>], vector<16xf32>,
    tpu.vector_store_idx %arg7[%add3A_367, %broadcast_in_dim3A_369], %gather3A_371 : memref<512x128xf32, #tpu.memory_space<vmem>>[vector<16xi32>, vector<16xi32>], vector<16xf32>,
    %broadcast_in_dim3A_372 = arith.constant 1 : i32
    %broadcast_in_dim3A_373 = vector.broadcast %broadcast_in_dim3A_372 : i32 to vector<16xi32>
    %add3A_374 = arith.addi %shift_left3A_361, %broadcast_in_dim3A_373 : vector<16xi32>
    %gather3A_375 = tpu.vector_load_idx %arg6[%add3A_374] : memref<8000xf32, #tpu.memory_space<vmem>>[vector<16xi32>], vector<16xf32>,
    tpu.vector_store_idx %arg7[%add3A_367, %broadcast_in_dim3A_373], %gather3A_375 : memref<512x128xf32, #tpu.memory_space<vmem>>[vector<16xi32>, vector<16xi32>], vector<16xf32>,
    %broadcast_in_dim3A_376 = arith.constant 2 : i32
    %broadcast_in_dim3A_377 = vector.broadcast %broadcast_in_dim3A_376 : i32 to vector<16xi32>
    %add3A_378 = arith.addi %shift_left3A_361, %broadcast_in_dim3A_377 : vector<16xi32>
    %gather3A_379 = tpu.vector_load_idx %arg6[%add3A_378] : memref<8000xf32, #tpu.memory_space<vmem>>[vector<16xi32>], vector<16xf32>,
    tpu.vector_store_idx %arg7[%add3A_367, %broadcast_in_dim3A_377], %gather3A_379 : memref<512x128xf32, #tpu.memory_space<vmem>>[vector<16xi32>, vector<16xi32>], vector<16xf32>,
    %broadcast_in_dim3A_380 = arith.constant 3 : i32
    %broadcast_in_dim3A_381 = vector.broadcast %broadcast_in_dim3A_380 : i32 to vector<16xi32>
    %add3A_382 = arith.addi %shift_left3A_361, %broadcast_in_dim3A_381 : vector<16xi32>
    %gather3A_383 = tpu.vector_load_idx %arg6[%add3A_382] : memref<8000xf32, #tpu.memory_space<vmem>>[vector<16xi32>], vector<16xf32>,
    tpu.vector_store_idx %arg7[%add3A_367, %broadcast_in_dim3A_381], %gather3A_383 : memref<512x128xf32, #tpu.memory_space<vmem>>[vector<16xi32>, vector<16xi32>], vector<16xf32>,
    %broadcast_in_dim3A_384 = arith.constant 4 : i32
    %broadcast_in_dim3A_385 = vector.broadcast %broadcast_in_dim3A_384 : i32 to vector<16xi32>
    %add3A_386 = arith.addi %shift_left3A_361, %broadcast_in_dim3A_385 : vector<16xi32>
    %gather3A_387 = tpu.vector_load_idx %arg6[%add3A_386] : memref<8000xf32, #tpu.memory_space<vmem>>[vector<16xi32>], vector<16xf32>,
    tpu.vector_store_idx %arg7[%add3A_367, %broadcast_in_dim3A_385], %gather3A_387 : memref<512x128xf32, #tpu.memory_space<vmem>>[vector<16xi32>, vector<16xi32>], vector<16xf32>,
    %broadcast_in_dim3A_388 = arith.constant 5 : i32
    %broadcast_in_dim3A_389 = vector.broadcast %broadcast_in_dim3A_388 : i32 to vector<16xi32>
    %add3A_390 = arith.addi %shift_left3A_361, %broadcast_in_dim3A_389 : vector<16xi32>
    %gather3A_391 = tpu.vector_load_idx %arg6[%add3A_390] : memref<8000xf32, #tpu.memory_space<vmem>>[vector<16xi32>], vector<16xf32>,
    tpu.vector_store_idx %arg7[%add3A_367, %broadcast_in_dim3A_389], %gather3A_391 : memref<512x128xf32, #tpu.memory_space<vmem>>[vector<16xi32>, vector<16xi32>], vector<16xf32>,
    %broadcast_in_dim3A_392 = arith.constant 6 : i32
    %broadcast_in_dim3A_393 = vector.broadcast %broadcast_in_dim3A_392 : i32 to vector<16xi32>
    %add3A_394 = arith.addi %shift_left3A_361, %broadcast_in_dim3A_393 : vector<16xi32>
    %gather3A_395 = tpu.vector_load_idx %arg6[%add3A_394] : memref<8000xf32, #tpu.memory_space<vmem>>[vector<16xi32>], vector<16xf32>,
    tpu.vector_store_idx %arg7[%add3A_367, %broadcast_in_dim3A_393], %gather3A_395 : memref<512x128xf32, #tpu.memory_space<vmem>>[vector<16xi32>, vector<16xi32>], vector<16xf32>,
    %broadcast_in_dim3A_396 = arith.constant 7 : i32
    %broadcast_in_dim3A_397 = vector.broadcast %broadcast_in_dim3A_396 : i32 to vector<16xi32>
    %add3A_398 = arith.addi %shift_left3A_361, %broadcast_in_dim3A_397 : vector<16xi32>
    %gather3A_399 = tpu.vector_load_idx %arg6[%add3A_398] : memref<8000xf32, #tpu.memory_space<vmem>>[vector<16xi32>], vector<16xf32>,
    tpu.vector_store_idx %arg7[%add3A_367, %broadcast_in_dim3A_397], %gather3A_399 : memref<512x128xf32, #tpu.memory_space<vmem>>[vector<16xi32>, vector<16xi32>], vector<16xf32>,
    %get3A_400 = arith.constant 144 : index
    %get3A_401 = tpu.vector_load %arg5[%get3A_400] {strides = array<i32>} : memref<512xi32, #tpu.memory_space<vmem>>, vector<16xi32>,
    %shift_left3A_402 = arith.constant 3 : i32
    %shift_left3A_403 = vector.broadcast %shift_left3A_402 : i32 to vector<16xi32>
    %shift_left3A_404 = arith.shli %get3A_401, %shift_left3A_403 : vector<16xi32>
    %add3A_405 = arith.constant 128 : i32
    %add3A_406 = vector.broadcast %add3A_405 : i32 to vector<16xi32>
    %add3A_407 = arith.addi %iota3A, %add3A_406 : vector<16xi32>
    %add3A_408 = arith.constant 16 : i32
    %add3A_409 = vector.broadcast %add3A_408 : i32 to vector<16xi32>
    %add3A_410 = arith.addi %add3A_407, %add3A_409 : vector<16xi32>
    %broadcast_in_dim3A_411 = arith.constant 0 : i32
    %broadcast_in_dim3A_412 = vector.broadcast %broadcast_in_dim3A_411 : i32 to vector<16xi32>
    %add3A_413 = arith.addi %shift_left3A_404, %broadcast_in_dim3A_412 : vector<16xi32>
    %gather3A_414 = tpu.vector_load_idx %arg6[%add3A_413] : memref<8000xf32, #tpu.memory_space<vmem>>[vector<16xi32>], vector<16xf32>,
    tpu.vector_store_idx %arg7[%add3A_410, %broadcast_in_dim3A_412], %gather3A_414 : memref<512x128xf32, #tpu.memory_space<vmem>>[vector<16xi32>, vector<16xi32>], vector<16xf32>,
    %broadcast_in_dim3A_415 = arith.constant 1 : i32
    %broadcast_in_dim3A_416 = vector.broadcast %broadcast_in_dim3A_415 : i32 to vector<16xi32>
    %add3A_417 = arith.addi %shift_left3A_404, %broadcast_in_dim3A_416 : vector<16xi32>
    %gather3A_418 = tpu.vector_load_idx %arg6[%add3A_417] : memref<8000xf32, #tpu.memory_space<vmem>>[vector<16xi32>], vector<16xf32>,
    tpu.vector_store_idx %arg7[%add3A_410, %broadcast_in_dim3A_416], %gather3A_418 : memref<512x128xf32, #tpu.memory_space<vmem>>[vector<16xi32>, vector<16xi32>], vector<16xf32>,
    %broadcast_in_dim3A_419 = arith.constant 2 : i32
    %broadcast_in_dim3A_420 = vector.broadcast %broadcast_in_dim3A_419 : i32 to vector<16xi32>
    %add3A_421 = arith.addi %shift_left3A_404, %broadcast_in_dim3A_420 : vector<16xi32>
    %gather3A_422 = tpu.vector_load_idx %arg6[%add3A_421] : memref<8000xf32, #tpu.memory_space<vmem>>[vector<16xi32>], vector<16xf32>,
    tpu.vector_store_idx %arg7[%add3A_410, %broadcast_in_dim3A_420], %gather3A_422 : memref<512x128xf32, #tpu.memory_space<vmem>>[vector<16xi32>, vector<16xi32>], vector<16xf32>,
    %broadcast_in_dim3A_423 = arith.constant 3 : i32
    %broadcast_in_dim3A_424 = vector.broadcast %broadcast_in_dim3A_423 : i32 to vector<16xi32>
    %add3A_425 = arith.addi %shift_left3A_404, %broadcast_in_dim3A_424 : vector<16xi32>
    %gather3A_426 = tpu.vector_load_idx %arg6[%add3A_425] : memref<8000xf32, #tpu.memory_space<vmem>>[vector<16xi32>], vector<16xf32>,
    tpu.vector_store_idx %arg7[%add3A_410, %broadcast_in_dim3A_424], %gather3A_426 : memref<512x128xf32, #tpu.memory_space<vmem>>[vector<16xi32>, vector<16xi32>], vector<16xf32>,
    %broadcast_in_dim3A_427 = arith.constant 4 : i32
    %broadcast_in_dim3A_428 = vector.broadcast %broadcast_in_dim3A_427 : i32 to vector<16xi32>
    %add3A_429 = arith.addi %shift_left3A_404, %broadcast_in_dim3A_428 : vector<16xi32>
    %gather3A_430 = tpu.vector_load_idx %arg6[%add3A_429] : memref<8000xf32, #tpu.memory_space<vmem>>[vector<16xi32>], vector<16xf32>,
    tpu.vector_store_idx %arg7[%add3A_410, %broadcast_in_dim3A_428], %gather3A_430 : memref<512x128xf32, #tpu.memory_space<vmem>>[vector<16xi32>, vector<16xi32>], vector<16xf32>,
    %broadcast_in_dim3A_431 = arith.constant 5 : i32
    %broadcast_in_dim3A_432 = vector.broadcast %broadcast_in_dim3A_431 : i32 to vector<16xi32>
    %add3A_433 = arith.addi %shift_left3A_404, %broadcast_in_dim3A_432 : vector<16xi32>
    %gather3A_434 = tpu.vector_load_idx %arg6[%add3A_433] : memref<8000xf32, #tpu.memory_space<vmem>>[vector<16xi32>], vector<16xf32>,
    tpu.vector_store_idx %arg7[%add3A_410, %broadcast_in_dim3A_432], %gather3A_434 : memref<512x128xf32, #tpu.memory_space<vmem>>[vector<16xi32>, vector<16xi32>], vector<16xf32>,
    %broadcast_in_dim3A_435 = arith.constant 6 : i32
    %broadcast_in_dim3A_436 = vector.broadcast %broadcast_in_dim3A_435 : i32 to vector<16xi32>
    %add3A_437 = arith.addi %shift_left3A_404, %broadcast_in_dim3A_436 : vector<16xi32>
    %gather3A_438 = tpu.vector_load_idx %arg6[%add3A_437] : memref<8000xf32, #tpu.memory_space<vmem>>[vector<16xi32>], vector<16xf32>,
    tpu.vector_store_idx %arg7[%add3A_410, %broadcast_in_dim3A_436], %gather3A_438 : memref<512x128xf32, #tpu.memory_space<vmem>>[vector<16xi32>, vector<16xi32>], vector<16xf32>,
    %broadcast_in_dim3A_439 = arith.constant 7 : i32
    %broadcast_in_dim3A_440 = vector.broadcast %broadcast_in_dim3A_439 : i32 to vector<16xi32>
    %add3A_441 = arith.addi %shift_left3A_404, %broadcast_in_dim3A_440 : vector<16xi32>
    %gather3A_442 = tpu.vector_load_idx %arg6[%add3A_441] : memref<8000xf32, #tpu.memory_space<vmem>>[vector<16xi32>], vector<16xf32>,
    tpu.vector_store_idx %arg7[%add3A_410, %broadcast_in_dim3A_440], %gather3A_442 : memref<512x128xf32, #tpu.memory_space<vmem>>[vector<16xi32>, vector<16xi32>], vector<16xf32>,
    %get3A_443 = arith.constant 160 : index
    %get3A_444 = tpu.vector_load %arg5[%get3A_443] {strides = array<i32>} : memref<512xi32, #tpu.memory_space<vmem>>, vector<16xi32>,
    %shift_left3A_445 = arith.constant 3 : i32
    %shift_left3A_446 = vector.broadcast %shift_left3A_445 : i32 to vector<16xi32>
    %shift_left3A_447 = arith.shli %get3A_444, %shift_left3A_446 : vector<16xi32>
    %add3A_448 = arith.constant 128 : i32
    %add3A_449 = vector.broadcast %add3A_448 : i32 to vector<16xi32>
    %add3A_450 = arith.addi %iota3A, %add3A_449 : vector<16xi32>
    %add3A_451 = arith.constant 32 : i32
    %add3A_452 = vector.broadcast %add3A_451 : i32 to vector<16xi32>
    %add3A_453 = arith.addi %add3A_450, %add3A_452 : vector<16xi32>
    %broadcast_in_dim3A_454 = arith.constant 0 : i32
    %broadcast_in_dim3A_455 = vector.broadcast %broadcast_in_dim3A_454 : i32 to vector<16xi32>
    %add3A_456 = arith.addi %shift_left3A_447, %broadcast_in_dim3A_455 : vector<16xi32>
    %gather3A_457 = tpu.vector_load_idx %arg6[%add3A_456] : memref<8000xf32, #tpu.memory_space<vmem>>[vector<16xi32>], vector<16xf32>,
    tpu.vector_store_idx %arg7[%add3A_453, %broadcast_in_dim3A_455], %gather3A_457 : memref<512x128xf32, #tpu.memory_space<vmem>>[vector<16xi32>, vector<16xi32>], vector<16xf32>,
    %broadcast_in_dim3A_458 = arith.constant 1 : i32
    %broadcast_in_dim3A_459 = vector.broadcast %broadcast_in_dim3A_458 : i32 to vector<16xi32>
    %add3A_460 = arith.addi %shift_left3A_447, %broadcast_in_dim3A_459 : vector<16xi32>
    %gather3A_461 = tpu.vector_load_idx %arg6[%add3A_460] : memref<8000xf32, #tpu.memory_space<vmem>>[vector<16xi32>], vector<16xf32>,
    tpu.vector_store_idx %arg7[%add3A_453, %broadcast_in_dim3A_459], %gather3A_461 : memref<512x128xf32, #tpu.memory_space<vmem>>[vector<16xi32>, vector<16xi32>], vector<16xf32>,
    %broadcast_in_dim3A_462 = arith.constant 2 : i32
    %broadcast_in_dim3A_463 = vector.broadcast %broadcast_in_dim3A_462 : i32 to vector<16xi32>
    %add3A_464 = arith.addi %shift_left3A_447, %broadcast_in_dim3A_463 : vector<16xi32>
    %gather3A_465 = tpu.vector_load_idx %arg6[%add3A_464] : memref<8000xf32, #tpu.memory_space<vmem>>[vector<16xi32>], vector<16xf32>,
    tpu.vector_store_idx %arg7[%add3A_453, %broadcast_in_dim3A_463], %gather3A_465 : memref<512x128xf32, #tpu.memory_space<vmem>>[vector<16xi32>, vector<16xi32>], vector<16xf32>,
    %broadcast_in_dim3A_466 = arith.constant 3 : i32
    %broadcast_in_dim3A_467 = vector.broadcast %broadcast_in_dim3A_466 : i32 to vector<16xi32>
    %add3A_468 = arith.addi %shift_left3A_447, %broadcast_in_dim3A_467 : vector<16xi32>
    %gather3A_469 = tpu.vector_load_idx %arg6[%add3A_468] : memref<8000xf32, #tpu.memory_space<vmem>>[vector<16xi32>], vector<16xf32>,
    tpu.vector_store_idx %arg7[%add3A_453, %broadcast_in_dim3A_467], %gather3A_469 : memref<512x128xf32, #tpu.memory_space<vmem>>[vector<16xi32>, vector<16xi32>], vector<16xf32>,
    %broadcast_in_dim3A_470 = arith.constant 4 : i32
    %broadcast_in_dim3A_471 = vector.broadcast %broadcast_in_dim3A_470 : i32 to vector<16xi32>
    %add3A_472 = arith.addi %shift_left3A_447, %broadcast_in_dim3A_471 : vector<16xi32>
    %gather3A_473 = tpu.vector_load_idx %arg6[%add3A_472] : memref<8000xf32, #tpu.memory_space<vmem>>[vector<16xi32>], vector<16xf32>,
    tpu.vector_store_idx %arg7[%add3A_453, %broadcast_in_dim3A_471], %gather3A_473 : memref<512x128xf32, #tpu.memory_space<vmem>>[vector<16xi32>, vector<16xi32>], vector<16xf32>,
    %broadcast_in_dim3A_474 = arith.constant 5 : i32
    %broadcast_in_dim3A_475 = vector.broadcast %broadcast_in_dim3A_474 : i32 to vector<16xi32>
    %add3A_476 = arith.addi %shift_left3A_447, %broadcast_in_dim3A_475 : vector<16xi32>
    %gather3A_477 = tpu.vector_load_idx %arg6[%add3A_476] : memref<8000xf32, #tpu.memory_space<vmem>>[vector<16xi32>], vector<16xf32>,
    tpu.vector_store_idx %arg7[%add3A_453, %broadcast_in_dim3A_475], %gather3A_477 : memref<512x128xf32, #tpu.memory_space<vmem>>[vector<16xi32>, vector<16xi32>], vector<16xf32>,
    %broadcast_in_dim3A_478 = arith.constant 6 : i32
    %broadcast_in_dim3A_479 = vector.broadcast %broadcast_in_dim3A_478 : i32 to vector<16xi32>
    %add3A_480 = arith.addi %shift_left3A_447, %broadcast_in_dim3A_479 : vector<16xi32>
    %gather3A_481 = tpu.vector_load_idx %arg6[%add3A_480] : memref<8000xf32, #tpu.memory_space<vmem>>[vector<16xi32>], vector<16xf32>,
    tpu.vector_store_idx %arg7[%add3A_453, %broadcast_in_dim3A_479], %gather3A_481 : memref<512x128xf32, #tpu.memory_space<vmem>>[vector<16xi32>, vector<16xi32>], vector<16xf32>,
    %broadcast_in_dim3A_482 = arith.constant 7 : i32
    %broadcast_in_dim3A_483 = vector.broadcast %broadcast_in_dim3A_482 : i32 to vector<16xi32>
    %add3A_484 = arith.addi %shift_left3A_447, %broadcast_in_dim3A_483 : vector<16xi32>
    %gather3A_485 = tpu.vector_load_idx %arg6[%add3A_484] : memref<8000xf32, #tpu.memory_space<vmem>>[vector<16xi32>], vector<16xf32>,
    tpu.vector_store_idx %arg7[%add3A_453, %broadcast_in_dim3A_483], %gather3A_485 : memref<512x128xf32, #tpu.memory_space<vmem>>[vector<16xi32>, vector<16xi32>], vector<16xf32>,
    %get3A_486 = arith.constant 176 : index
    %get3A_487 = tpu.vector_load %arg5[%get3A_486] {strides = array<i32>} : memref<512xi32, #tpu.memory_space<vmem>>, vector<16xi32>,
    %shift_left3A_488 = arith.constant 3 : i32
    %shift_left3A_489 = vector.broadcast %shift_left3A_488 : i32 to vector<16xi32>
    %shift_left3A_490 = arith.shli %get3A_487, %shift_left3A_489 : vector<16xi32>
    %add3A_491 = arith.constant 128 : i32
    %add3A_492 = vector.broadcast %add3A_491 : i32 to vector<16xi32>
    %add3A_493 = arith.addi %iota3A, %add3A_492 : vector<16xi32>
    %add3A_494 = arith.constant 48 : i32
    %add3A_495 = vector.broadcast %add3A_494 : i32 to vector<16xi32>
    %add3A_496 = arith.addi %add3A_493, %add3A_495 : vector<16xi32>
    %broadcast_in_dim3A_497 = arith.constant 0 : i32
    %broadcast_in_dim3A_498 = vector.broadcast %broadcast_in_dim3A_497 : i32 to vector<16xi32>
    %add3A_499 = arith.addi %shift_left3A_490, %broadcast_in_dim3A_498 : vector<16xi32>
    %gather3A_500 = tpu.vector_load_idx %arg6[%add3A_499] : memref<8000xf32, #tpu.memory_space<vmem>>[vector<16xi32>], vector<16xf32>,
    tpu.vector_store_idx %arg7[%add3A_496, %broadcast_in_dim3A_498], %gather3A_500 : memref<512x128xf32, #tpu.memory_space<vmem>>[vector<16xi32>, vector<16xi32>], vector<16xf32>,
    %broadcast_in_dim3A_501 = arith.constant 1 : i32
    %broadcast_in_dim3A_502 = vector.broadcast %broadcast_in_dim3A_501 : i32 to vector<16xi32>
    %add3A_503 = arith.addi %shift_left3A_490, %broadcast_in_dim3A_502 : vector<16xi32>
    %gather3A_504 = tpu.vector_load_idx %arg6[%add3A_503] : memref<8000xf32, #tpu.memory_space<vmem>>[vector<16xi32>], vector<16xf32>,
    tpu.vector_store_idx %arg7[%add3A_496, %broadcast_in_dim3A_502], %gather3A_504 : memref<512x128xf32, #tpu.memory_space<vmem>>[vector<16xi32>, vector<16xi32>], vector<16xf32>,
    %broadcast_in_dim3A_505 = arith.constant 2 : i32
    %broadcast_in_dim3A_506 = vector.broadcast %broadcast_in_dim3A_505 : i32 to vector<16xi32>
    %add3A_507 = arith.addi %shift_left3A_490, %broadcast_in_dim3A_506 : vector<16xi32>
    %gather3A_508 = tpu.vector_load_idx %arg6[%add3A_507] : memref<8000xf32, #tpu.memory_space<vmem>>[vector<16xi32>], vector<16xf32>,
    tpu.vector_store_idx %arg7[%add3A_496, %broadcast_in_dim3A_506], %gather3A_508 : memref<512x128xf32, #tpu.memory_space<vmem>>[vector<16xi32>, vector<16xi32>], vector<16xf32>,
    %broadcast_in_dim3A_509 = arith.constant 3 : i32
    %broadcast_in_dim3A_510 = vector.broadcast %broadcast_in_dim3A_509 : i32 to vector<16xi32>
    %add3A_511 = arith.addi %shift_left3A_490, %broadcast_in_dim3A_510 : vector<16xi32>
    %gather3A_512 = tpu.vector_load_idx %arg6[%add3A_511] : memref<8000xf32, #tpu.memory_space<vmem>>[vector<16xi32>], vector<16xf32>,
    tpu.vector_store_idx %arg7[%add3A_496, %broadcast_in_dim3A_510], %gather3A_512 : memref<512x128xf32, #tpu.memory_space<vmem>>[vector<16xi32>, vector<16xi32>], vector<16xf32>,
    %broadcast_in_dim3A_513 = arith.constant 4 : i32
    %broadcast_in_dim3A_514 = vector.broadcast %broadcast_in_dim3A_513 : i32 to vector<16xi32>
    %add3A_515 = arith.addi %shift_left3A_490, %broadcast_in_dim3A_514 : vector<16xi32>
    %gather3A_516 = tpu.vector_load_idx %arg6[%add3A_515] : memref<8000xf32, #tpu.memory_space<vmem>>[vector<16xi32>], vector<16xf32>,
    tpu.vector_store_idx %arg7[%add3A_496, %broadcast_in_dim3A_514], %gather3A_516 : memref<512x128xf32, #tpu.memory_space<vmem>>[vector<16xi32>, vector<16xi32>], vector<16xf32>,
    %broadcast_in_dim3A_517 = arith.constant 5 : i32
    %broadcast_in_dim3A_518 = vector.broadcast %broadcast_in_dim3A_517 : i32 to vector<16xi32>
    %add3A_519 = arith.addi %shift_left3A_490, %broadcast_in_dim3A_518 : vector<16xi32>
    %gather3A_520 = tpu.vector_load_idx %arg6[%add3A_519] : memref<8000xf32, #tpu.memory_space<vmem>>[vector<16xi32>], vector<16xf32>,
    tpu.vector_store_idx %arg7[%add3A_496, %broadcast_in_dim3A_518], %gather3A_520 : memref<512x128xf32, #tpu.memory_space<vmem>>[vector<16xi32>, vector<16xi32>], vector<16xf32>,
    %broadcast_in_dim3A_521 = arith.constant 6 : i32
    %broadcast_in_dim3A_522 = vector.broadcast %broadcast_in_dim3A_521 : i32 to vector<16xi32>
    %add3A_523 = arith.addi %shift_left3A_490, %broadcast_in_dim3A_522 : vector<16xi32>
    %gather3A_524 = tpu.vector_load_idx %arg6[%add3A_523] : memref<8000xf32, #tpu.memory_space<vmem>>[vector<16xi32>], vector<16xf32>,
    tpu.vector_store_idx %arg7[%add3A_496, %broadcast_in_dim3A_522], %gather3A_524 : memref<512x128xf32, #tpu.memory_space<vmem>>[vector<16xi32>, vector<16xi32>], vector<16xf32>,
    %broadcast_in_dim3A_525 = arith.constant 7 : i32
    %broadcast_in_dim3A_526 = vector.broadcast %broadcast_in_dim3A_525 : i32 to vector<16xi32>
    %add3A_527 = arith.addi %shift_left3A_490, %broadcast_in_dim3A_526 : vector<16xi32>
    %gather3A_528 = tpu.vector_load_idx %arg6[%add3A_527] : memref<8000xf32, #tpu.memory_space<vmem>>[vector<16xi32>], vector<16xf32>,
    tpu.vector_store_idx %arg7[%add3A_496, %broadcast_in_dim3A_526], %gather3A_528 : memref<512x128xf32, #tpu.memory_space<vmem>>[vector<16xi32>, vector<16xi32>], vector<16xf32>,
    %get3A_529 = arith.constant 192 : index
    %get3A_530 = tpu.vector_load %arg5[%get3A_529] {strides = array<i32>} : memref<512xi32, #tpu.memory_space<vmem>>, vector<16xi32>,
    %shift_left3A_531 = arith.constant 3 : i32
    %shift_left3A_532 = vector.broadcast %shift_left3A_531 : i32 to vector<16xi32>
    %shift_left3A_533 = arith.shli %get3A_530, %shift_left3A_532 : vector<16xi32>
    %add3A_534 = arith.constant 128 : i32
    %add3A_535 = vector.broadcast %add3A_534 : i32 to vector<16xi32>
    %add3A_536 = arith.addi %iota3A, %add3A_535 : vector<16xi32>
    %add3A_537 = arith.constant 64 : i32
    %add3A_538 = vector.broadcast %add3A_537 : i32 to vector<16xi32>
    %add3A_539 = arith.addi %add3A_536, %add3A_538 : vector<16xi32>
    %broadcast_in_dim3A_540 = arith.constant 0 : i32
    %broadcast_in_dim3A_541 = vector.broadcast %broadcast_in_dim3A_540 : i32 to vector<16xi32>
    %add3A_542 = arith.addi %shift_left3A_533, %broadcast_in_dim3A_541 : vector<16xi32>
    %gather3A_543 = tpu.vector_load_idx %arg6[%add3A_542] : memref<8000xf32, #tpu.memory_space<vmem>>[vector<16xi32>], vector<16xf32>,
    tpu.vector_store_idx %arg7[%add3A_539, %broadcast_in_dim3A_541], %gather3A_543 : memref<512x128xf32, #tpu.memory_space<vmem>>[vector<16xi32>, vector<16xi32>], vector<16xf32>,
    %broadcast_in_dim3A_544 = arith.constant 1 : i32
    %broadcast_in_dim3A_545 = vector.broadcast %broadcast_in_dim3A_544 : i32 to vector<16xi32>
    %add3A_546 = arith.addi %shift_left3A_533, %broadcast_in_dim3A_545 : vector<16xi32>
    %gather3A_547 = tpu.vector_load_idx %arg6[%add3A_546] : memref<8000xf32, #tpu.memory_space<vmem>>[vector<16xi32>], vector<16xf32>,
    tpu.vector_store_idx %arg7[%add3A_539, %broadcast_in_dim3A_545], %gather3A_547 : memref<512x128xf32, #tpu.memory_space<vmem>>[vector<16xi32>, vector<16xi32>], vector<16xf32>,
    %broadcast_in_dim3A_548 = arith.constant 2 : i32
    %broadcast_in_dim3A_549 = vector.broadcast %broadcast_in_dim3A_548 : i32 to vector<16xi32>
    %add3A_550 = arith.addi %shift_left3A_533, %broadcast_in_dim3A_549 : vector<16xi32>
    %gather3A_551 = tpu.vector_load_idx %arg6[%add3A_550] : memref<8000xf32, #tpu.memory_space<vmem>>[vector<16xi32>], vector<16xf32>,
    tpu.vector_store_idx %arg7[%add3A_539, %broadcast_in_dim3A_549], %gather3A_551 : memref<512x128xf32, #tpu.memory_space<vmem>>[vector<16xi32>, vector<16xi32>], vector<16xf32>,
    %broadcast_in_dim3A_552 = arith.constant 3 : i32
    %broadcast_in_dim3A_553 = vector.broadcast %broadcast_in_dim3A_552 : i32 to vector<16xi32>
    %add3A_554 = arith.addi %shift_left3A_533, %broadcast_in_dim3A_553 : vector<16xi32>
    %gather3A_555 = tpu.vector_load_idx %arg6[%add3A_554] : memref<8000xf32, #tpu.memory_space<vmem>>[vector<16xi32>], vector<16xf32>,
    tpu.vector_store_idx %arg7[%add3A_539, %broadcast_in_dim3A_553], %gather3A_555 : memref<512x128xf32, #tpu.memory_space<vmem>>[vector<16xi32>, vector<16xi32>], vector<16xf32>,
    %broadcast_in_dim3A_556 = arith.constant 4 : i32
    %broadcast_in_dim3A_557 = vector.broadcast %broadcast_in_dim3A_556 : i32 to vector<16xi32>
    %add3A_558 = arith.addi %shift_left3A_533, %broadcast_in_dim3A_557 : vector<16xi32>
    %gather3A_559 = tpu.vector_load_idx %arg6[%add3A_558] : memref<8000xf32, #tpu.memory_space<vmem>>[vector<16xi32>], vector<16xf32>,
    tpu.vector_store_idx %arg7[%add3A_539, %broadcast_in_dim3A_557], %gather3A_559 : memref<512x128xf32, #tpu.memory_space<vmem>>[vector<16xi32>, vector<16xi32>], vector<16xf32>,
    %broadcast_in_dim3A_560 = arith.constant 5 : i32
    %broadcast_in_dim3A_561 = vector.broadcast %broadcast_in_dim3A_560 : i32 to vector<16xi32>
    %add3A_562 = arith.addi %shift_left3A_533, %broadcast_in_dim3A_561 : vector<16xi32>
    %gather3A_563 = tpu.vector_load_idx %arg6[%add3A_562] : memref<8000xf32, #tpu.memory_space<vmem>>[vector<16xi32>], vector<16xf32>,
    tpu.vector_store_idx %arg7[%add3A_539, %broadcast_in_dim3A_561], %gather3A_563 : memref<512x128xf32, #tpu.memory_space<vmem>>[vector<16xi32>, vector<16xi32>], vector<16xf32>,
    %broadcast_in_dim3A_564 = arith.constant 6 : i32
    %broadcast_in_dim3A_565 = vector.broadcast %broadcast_in_dim3A_564 : i32 to vector<16xi32>
    %add3A_566 = arith.addi %shift_left3A_533, %broadcast_in_dim3A_565 : vector<16xi32>
    %gather3A_567 = tpu.vector_load_idx %arg6[%add3A_566] : memref<8000xf32, #tpu.memory_space<vmem>>[vector<16xi32>], vector<16xf32>,
    tpu.vector_store_idx %arg7[%add3A_539, %broadcast_in_dim3A_565], %gather3A_567 : memref<512x128xf32, #tpu.memory_space<vmem>>[vector<16xi32>, vector<16xi32>], vector<16xf32>,
    %broadcast_in_dim3A_568 = arith.constant 7 : i32
    %broadcast_in_dim3A_569 = vector.broadcast %broadcast_in_dim3A_568 : i32 to vector<16xi32>
    %add3A_570 = arith.addi %shift_left3A_533, %broadcast_in_dim3A_569 : vector<16xi32>
    %gather3A_571 = tpu.vector_load_idx %arg6[%add3A_570] : memref<8000xf32, #tpu.memory_space<vmem>>[vector<16xi32>], vector<16xf32>,
    tpu.vector_store_idx %arg7[%add3A_539, %broadcast_in_dim3A_569], %gather3A_571 : memref<512x128xf32, #tpu.memory_space<vmem>>[vector<16xi32>, vector<16xi32>], vector<16xf32>,
    %get3A_572 = arith.constant 208 : index
    %get3A_573 = tpu.vector_load %arg5[%get3A_572] {strides = array<i32>} : memref<512xi32, #tpu.memory_space<vmem>>, vector<16xi32>,
    %shift_left3A_574 = arith.constant 3 : i32
    %shift_left3A_575 = vector.broadcast %shift_left3A_574 : i32 to vector<16xi32>
    %shift_left3A_576 = arith.shli %get3A_573, %shift_left3A_575 : vector<16xi32>
    %add3A_577 = arith.constant 128 : i32
    %add3A_578 = vector.broadcast %add3A_577 : i32 to vector<16xi32>
    %add3A_579 = arith.addi %iota3A, %add3A_578 : vector<16xi32>
    %add3A_580 = arith.constant 80 : i32
    %add3A_581 = vector.broadcast %add3A_580 : i32 to vector<16xi32>
    %add3A_582 = arith.addi %add3A_579, %add3A_581 : vector<16xi32>
    %broadcast_in_dim3A_583 = arith.constant 0 : i32
    %broadcast_in_dim3A_584 = vector.broadcast %broadcast_in_dim3A_583 : i32 to vector<16xi32>
    %add3A_585 = arith.addi %shift_left3A_576, %broadcast_in_dim3A_584 : vector<16xi32>
    %gather3A_586 = tpu.vector_load_idx %arg6[%add3A_585] : memref<8000xf32, #tpu.memory_space<vmem>>[vector<16xi32>], vector<16xf32>,
    tpu.vector_store_idx %arg7[%add3A_582, %broadcast_in_dim3A_584], %gather3A_586 : memref<512x128xf32, #tpu.memory_space<vmem>>[vector<16xi32>, vector<16xi32>], vector<16xf32>,
    %broadcast_in_dim3A_587 = arith.constant 1 : i32
    %broadcast_in_dim3A_588 = vector.broadcast %broadcast_in_dim3A_587 : i32 to vector<16xi32>
    %add3A_589 = arith.addi %shift_left3A_576, %broadcast_in_dim3A_588 : vector<16xi32>
    %gather3A_590 = tpu.vector_load_idx %arg6[%add3A_589] : memref<8000xf32, #tpu.memory_space<vmem>>[vector<16xi32>], vector<16xf32>,
    tpu.vector_store_idx %arg7[%add3A_582, %broadcast_in_dim3A_588], %gather3A_590 : memref<512x128xf32, #tpu.memory_space<vmem>>[vector<16xi32>, vector<16xi32>], vector<16xf32>,
    %broadcast_in_dim3A_591 = arith.constant 2 : i32
    %broadcast_in_dim3A_592 = vector.broadcast %broadcast_in_dim3A_591 : i32 to vector<16xi32>
    %add3A_593 = arith.addi %shift_left3A_576, %broadcast_in_dim3A_592 : vector<16xi32>
    %gather3A_594 = tpu.vector_load_idx %arg6[%add3A_593] : memref<8000xf32, #tpu.memory_space<vmem>>[vector<16xi32>], vector<16xf32>,
    tpu.vector_store_idx %arg7[%add3A_582, %broadcast_in_dim3A_592], %gather3A_594 : memref<512x128xf32, #tpu.memory_space<vmem>>[vector<16xi32>, vector<16xi32>], vector<16xf32>,
    %broadcast_in_dim3A_595 = arith.constant 3 : i32
    %broadcast_in_dim3A_596 = vector.broadcast %broadcast_in_dim3A_595 : i32 to vector<16xi32>
    %add3A_597 = arith.addi %shift_left3A_576, %broadcast_in_dim3A_596 : vector<16xi32>
    %gather3A_598 = tpu.vector_load_idx %arg6[%add3A_597] : memref<8000xf32, #tpu.memory_space<vmem>>[vector<16xi32>], vector<16xf32>,
    tpu.vector_store_idx %arg7[%add3A_582, %broadcast_in_dim3A_596], %gather3A_598 : memref<512x128xf32, #tpu.memory_space<vmem>>[vector<16xi32>, vector<16xi32>], vector<16xf32>,
    %broadcast_in_dim3A_599 = arith.constant 4 : i32
    %broadcast_in_dim3A_600 = vector.broadcast %broadcast_in_dim3A_599 : i32 to vector<16xi32>
    %add3A_601 = arith.addi %shift_left3A_576, %broadcast_in_dim3A_600 : vector<16xi32>
    %gather3A_602 = tpu.vector_load_idx %arg6[%add3A_601] : memref<8000xf32, #tpu.memory_space<vmem>>[vector<16xi32>], vector<16xf32>,
    tpu.vector_store_idx %arg7[%add3A_582, %broadcast_in_dim3A_600], %gather3A_602 : memref<512x128xf32, #tpu.memory_space<vmem>>[vector<16xi32>, vector<16xi32>], vector<16xf32>,
    %broadcast_in_dim3A_603 = arith.constant 5 : i32
    %broadcast_in_dim3A_604 = vector.broadcast %broadcast_in_dim3A_603 : i32 to vector<16xi32>
    %add3A_605 = arith.addi %shift_left3A_576, %broadcast_in_dim3A_604 : vector<16xi32>
    %gather3A_606 = tpu.vector_load_idx %arg6[%add3A_605] : memref<8000xf32, #tpu.memory_space<vmem>>[vector<16xi32>], vector<16xf32>,
    tpu.vector_store_idx %arg7[%add3A_582, %broadcast_in_dim3A_604], %gather3A_606 : memref<512x128xf32, #tpu.memory_space<vmem>>[vector<16xi32>, vector<16xi32>], vector<16xf32>,
    %broadcast_in_dim3A_607 = arith.constant 6 : i32
    %broadcast_in_dim3A_608 = vector.broadcast %broadcast_in_dim3A_607 : i32 to vector<16xi32>
    %add3A_609 = arith.addi %shift_left3A_576, %broadcast_in_dim3A_608 : vector<16xi32>
    %gather3A_610 = tpu.vector_load_idx %arg6[%add3A_609] : memref<8000xf32, #tpu.memory_space<vmem>>[vector<16xi32>], vector<16xf32>,
    tpu.vector_store_idx %arg7[%add3A_582, %broadcast_in_dim3A_608], %gather3A_610 : memref<512x128xf32, #tpu.memory_space<vmem>>[vector<16xi32>, vector<16xi32>], vector<16xf32>,
    %broadcast_in_dim3A_611 = arith.constant 7 : i32
    %broadcast_in_dim3A_612 = vector.broadcast %broadcast_in_dim3A_611 : i32 to vector<16xi32>
    %add3A_613 = arith.addi %shift_left3A_576, %broadcast_in_dim3A_612 : vector<16xi32>
    %gather3A_614 = tpu.vector_load_idx %arg6[%add3A_613] : memref<8000xf32, #tpu.memory_space<vmem>>[vector<16xi32>], vector<16xf32>,
    tpu.vector_store_idx %arg7[%add3A_582, %broadcast_in_dim3A_612], %gather3A_614 : memref<512x128xf32, #tpu.memory_space<vmem>>[vector<16xi32>, vector<16xi32>], vector<16xf32>,
    %get3A_615 = arith.constant 224 : index
    %get3A_616 = tpu.vector_load %arg5[%get3A_615] {strides = array<i32>} : memref<512xi32, #tpu.memory_space<vmem>>, vector<16xi32>,
    %shift_left3A_617 = arith.constant 3 : i32
    %shift_left3A_618 = vector.broadcast %shift_left3A_617 : i32 to vector<16xi32>
    %shift_left3A_619 = arith.shli %get3A_616, %shift_left3A_618 : vector<16xi32>
    %add3A_620 = arith.constant 128 : i32
    %add3A_621 = vector.broadcast %add3A_620 : i32 to vector<16xi32>
    %add3A_622 = arith.addi %iota3A, %add3A_621 : vector<16xi32>
    %add3A_623 = arith.constant 96 : i32
    %add3A_624 = vector.broadcast %add3A_623 : i32 to vector<16xi32>
    %add3A_625 = arith.addi %add3A_622, %add3A_624 : vector<16xi32>
    %broadcast_in_dim3A_626 = arith.constant 0 : i32
    %broadcast_in_dim3A_627 = vector.broadcast %broadcast_in_dim3A_626 : i32 to vector<16xi32>
    %add3A_628 = arith.addi %shift_left3A_619, %broadcast_in_dim3A_627 : vector<16xi32>
    %gather3A_629 = tpu.vector_load_idx %arg6[%add3A_628] : memref<8000xf32, #tpu.memory_space<vmem>>[vector<16xi32>], vector<16xf32>,
    tpu.vector_store_idx %arg7[%add3A_625, %broadcast_in_dim3A_627], %gather3A_629 : memref<512x128xf32, #tpu.memory_space<vmem>>[vector<16xi32>, vector<16xi32>], vector<16xf32>,
    %broadcast_in_dim3A_630 = arith.constant 1 : i32
    %broadcast_in_dim3A_631 = vector.broadcast %broadcast_in_dim3A_630 : i32 to vector<16xi32>
    %add3A_632 = arith.addi %shift_left3A_619, %broadcast_in_dim3A_631 : vector<16xi32>
    %gather3A_633 = tpu.vector_load_idx %arg6[%add3A_632] : memref<8000xf32, #tpu.memory_space<vmem>>[vector<16xi32>], vector<16xf32>,
    tpu.vector_store_idx %arg7[%add3A_625, %broadcast_in_dim3A_631], %gather3A_633 : memref<512x128xf32, #tpu.memory_space<vmem>>[vector<16xi32>, vector<16xi32>], vector<16xf32>,
    %broadcast_in_dim3A_634 = arith.constant 2 : i32
    %broadcast_in_dim3A_635 = vector.broadcast %broadcast_in_dim3A_634 : i32 to vector<16xi32>
    %add3A_636 = arith.addi %shift_left3A_619, %broadcast_in_dim3A_635 : vector<16xi32>
    %gather3A_637 = tpu.vector_load_idx %arg6[%add3A_636] : memref<8000xf32, #tpu.memory_space<vmem>>[vector<16xi32>], vector<16xf32>,
    tpu.vector_store_idx %arg7[%add3A_625, %broadcast_in_dim3A_635], %gather3A_637 : memref<512x128xf32, #tpu.memory_space<vmem>>[vector<16xi32>, vector<16xi32>], vector<16xf32>,
    %broadcast_in_dim3A_638 = arith.constant 3 : i32
    %broadcast_in_dim3A_639 = vector.broadcast %broadcast_in_dim3A_638 : i32 to vector<16xi32>
    %add3A_640 = arith.addi %shift_left3A_619, %broadcast_in_dim3A_639 : vector<16xi32>
    %gather3A_641 = tpu.vector_load_idx %arg6[%add3A_640] : memref<8000xf32, #tpu.memory_space<vmem>>[vector<16xi32>], vector<16xf32>,
    tpu.vector_store_idx %arg7[%add3A_625, %broadcast_in_dim3A_639], %gather3A_641 : memref<512x128xf32, #tpu.memory_space<vmem>>[vector<16xi32>, vector<16xi32>], vector<16xf32>,
    %broadcast_in_dim3A_642 = arith.constant 4 : i32
    %broadcast_in_dim3A_643 = vector.broadcast %broadcast_in_dim3A_642 : i32 to vector<16xi32>
    %add3A_644 = arith.addi %shift_left3A_619, %broadcast_in_dim3A_643 : vector<16xi32>
    %gather3A_645 = tpu.vector_load_idx %arg6[%add3A_644] : memref<8000xf32, #tpu.memory_space<vmem>>[vector<16xi32>], vector<16xf32>,
    tpu.vector_store_idx %arg7[%add3A_625, %broadcast_in_dim3A_643], %gather3A_645 : memref<512x128xf32, #tpu.memory_space<vmem>>[vector<16xi32>, vector<16xi32>], vector<16xf32>,
    %broadcast_in_dim3A_646 = arith.constant 5 : i32
    %broadcast_in_dim3A_647 = vector.broadcast %broadcast_in_dim3A_646 : i32 to vector<16xi32>
    %add3A_648 = arith.addi %shift_left3A_619, %broadcast_in_dim3A_647 : vector<16xi32>
    %gather3A_649 = tpu.vector_load_idx %arg6[%add3A_648] : memref<8000xf32, #tpu.memory_space<vmem>>[vector<16xi32>], vector<16xf32>,
    tpu.vector_store_idx %arg7[%add3A_625, %broadcast_in_dim3A_647], %gather3A_649 : memref<512x128xf32, #tpu.memory_space<vmem>>[vector<16xi32>, vector<16xi32>], vector<16xf32>,
    %broadcast_in_dim3A_650 = arith.constant 6 : i32
    %broadcast_in_dim3A_651 = vector.broadcast %broadcast_in_dim3A_650 : i32 to vector<16xi32>
    %add3A_652 = arith.addi %shift_left3A_619, %broadcast_in_dim3A_651 : vector<16xi32>
    %gather3A_653 = tpu.vector_load_idx %arg6[%add3A_652] : memref<8000xf32, #tpu.memory_space<vmem>>[vector<16xi32>], vector<16xf32>,
    tpu.vector_store_idx %arg7[%add3A_625, %broadcast_in_dim3A_651], %gather3A_653 : memref<512x128xf32, #tpu.memory_space<vmem>>[vector<16xi32>, vector<16xi32>], vector<16xf32>,
    %broadcast_in_dim3A_654 = arith.constant 7 : i32
    %broadcast_in_dim3A_655 = vector.broadcast %broadcast_in_dim3A_654 : i32 to vector<16xi32>
    %add3A_656 = arith.addi %shift_left3A_619, %broadcast_in_dim3A_655 : vector<16xi32>
    %gather3A_657 = tpu.vector_load_idx %arg6[%add3A_656] : memref<8000xf32, #tpu.memory_space<vmem>>[vector<16xi32>], vector<16xf32>,
    tpu.vector_store_idx %arg7[%add3A_625, %broadcast_in_dim3A_655], %gather3A_657 : memref<512x128xf32, #tpu.memory_space<vmem>>[vector<16xi32>, vector<16xi32>], vector<16xf32>,
    %get3A_658 = arith.constant 240 : index
    %get3A_659 = tpu.vector_load %arg5[%get3A_658] {strides = array<i32>} : memref<512xi32, #tpu.memory_space<vmem>>, vector<16xi32>,
    %shift_left3A_660 = arith.constant 3 : i32
    %shift_left3A_661 = vector.broadcast %shift_left3A_660 : i32 to vector<16xi32>
    %shift_left3A_662 = arith.shli %get3A_659, %shift_left3A_661 : vector<16xi32>
    %add3A_663 = arith.constant 128 : i32
    %add3A_664 = vector.broadcast %add3A_663 : i32 to vector<16xi32>
    %add3A_665 = arith.addi %iota3A, %add3A_664 : vector<16xi32>
    %add3A_666 = arith.constant 112 : i32
    %add3A_667 = vector.broadcast %add3A_666 : i32 to vector<16xi32>
    %add3A_668 = arith.addi %add3A_665, %add3A_667 : vector<16xi32>
    %broadcast_in_dim3A_669 = arith.constant 0 : i32
    %broadcast_in_dim3A_670 = vector.broadcast %broadcast_in_dim3A_669 : i32 to vector<16xi32>
    %add3A_671 = arith.addi %shift_left3A_662, %broadcast_in_dim3A_670 : vector<16xi32>
    %gather3A_672 = tpu.vector_load_idx %arg6[%add3A_671] : memref<8000xf32, #tpu.memory_space<vmem>>[vector<16xi32>], vector<16xf32>,
    tpu.vector_store_idx %arg7[%add3A_668, %broadcast_in_dim3A_670], %gather3A_672 : memref<512x128xf32, #tpu.memory_space<vmem>>[vector<16xi32>, vector<16xi32>], vector<16xf32>,
    %broadcast_in_dim3A_673 = arith.constant 1 : i32
    %broadcast_in_dim3A_674 = vector.broadcast %broadcast_in_dim3A_673 : i32 to vector<16xi32>
    %add3A_675 = arith.addi %shift_left3A_662, %broadcast_in_dim3A_674 : vector<16xi32>
    %gather3A_676 = tpu.vector_load_idx %arg6[%add3A_675] : memref<8000xf32, #tpu.memory_space<vmem>>[vector<16xi32>], vector<16xf32>,
    tpu.vector_store_idx %arg7[%add3A_668, %broadcast_in_dim3A_674], %gather3A_676 : memref<512x128xf32, #tpu.memory_space<vmem>>[vector<16xi32>, vector<16xi32>], vector<16xf32>,
    %broadcast_in_dim3A_677 = arith.constant 2 : i32
    %broadcast_in_dim3A_678 = vector.broadcast %broadcast_in_dim3A_677 : i32 to vector<16xi32>
    %add3A_679 = arith.addi %shift_left3A_662, %broadcast_in_dim3A_678 : vector<16xi32>
    %gather3A_680 = tpu.vector_load_idx %arg6[%add3A_679] : memref<8000xf32, #tpu.memory_space<vmem>>[vector<16xi32>], vector<16xf32>,
    tpu.vector_store_idx %arg7[%add3A_668, %broadcast_in_dim3A_678], %gather3A_680 : memref<512x128xf32, #tpu.memory_space<vmem>>[vector<16xi32>, vector<16xi32>], vector<16xf32>,
    %broadcast_in_dim3A_681 = arith.constant 3 : i32
    %broadcast_in_dim3A_682 = vector.broadcast %broadcast_in_dim3A_681 : i32 to vector<16xi32>
    %add3A_683 = arith.addi %shift_left3A_662, %broadcast_in_dim3A_682 : vector<16xi32>
    %gather3A_684 = tpu.vector_load_idx %arg6[%add3A_683] : memref<8000xf32, #tpu.memory_space<vmem>>[vector<16xi32>], vector<16xf32>,
    tpu.vector_store_idx %arg7[%add3A_668, %broadcast_in_dim3A_682], %gather3A_684 : memref<512x128xf32, #tpu.memory_space<vmem>>[vector<16xi32>, vector<16xi32>], vector<16xf32>,
    %broadcast_in_dim3A_685 = arith.constant 4 : i32
    %broadcast_in_dim3A_686 = vector.broadcast %broadcast_in_dim3A_685 : i32 to vector<16xi32>
    %add3A_687 = arith.addi %shift_left3A_662, %broadcast_in_dim3A_686 : vector<16xi32>
    %gather3A_688 = tpu.vector_load_idx %arg6[%add3A_687] : memref<8000xf32, #tpu.memory_space<vmem>>[vector<16xi32>], vector<16xf32>,
    tpu.vector_store_idx %arg7[%add3A_668, %broadcast_in_dim3A_686], %gather3A_688 : memref<512x128xf32, #tpu.memory_space<vmem>>[vector<16xi32>, vector<16xi32>], vector<16xf32>,
    %broadcast_in_dim3A_689 = arith.constant 5 : i32
    %broadcast_in_dim3A_690 = vector.broadcast %broadcast_in_dim3A_689 : i32 to vector<16xi32>
    %add3A_691 = arith.addi %shift_left3A_662, %broadcast_in_dim3A_690 : vector<16xi32>
    %gather3A_692 = tpu.vector_load_idx %arg6[%add3A_691] : memref<8000xf32, #tpu.memory_space<vmem>>[vector<16xi32>], vector<16xf32>,
    tpu.vector_store_idx %arg7[%add3A_668, %broadcast_in_dim3A_690], %gather3A_692 : memref<512x128xf32, #tpu.memory_space<vmem>>[vector<16xi32>, vector<16xi32>], vector<16xf32>,
    %broadcast_in_dim3A_693 = arith.constant 6 : i32
    %broadcast_in_dim3A_694 = vector.broadcast %broadcast_in_dim3A_693 : i32 to vector<16xi32>
    %add3A_695 = arith.addi %shift_left3A_662, %broadcast_in_dim3A_694 : vector<16xi32>
    %gather3A_696 = tpu.vector_load_idx %arg6[%add3A_695] : memref<8000xf32, #tpu.memory_space<vmem>>[vector<16xi32>], vector<16xf32>,
    tpu.vector_store_idx %arg7[%add3A_668, %broadcast_in_dim3A_694], %gather3A_696 : memref<512x128xf32, #tpu.memory_space<vmem>>[vector<16xi32>, vector<16xi32>], vector<16xf32>,
    %broadcast_in_dim3A_697 = arith.constant 7 : i32
    %broadcast_in_dim3A_698 = vector.broadcast %broadcast_in_dim3A_697 : i32 to vector<16xi32>
    %add3A_699 = arith.addi %shift_left3A_662, %broadcast_in_dim3A_698 : vector<16xi32>
    %gather3A_700 = tpu.vector_load_idx %arg6[%add3A_699] : memref<8000xf32, #tpu.memory_space<vmem>>[vector<16xi32>], vector<16xf32>,
    tpu.vector_store_idx %arg7[%add3A_668, %broadcast_in_dim3A_698], %gather3A_700 : memref<512x128xf32, #tpu.memory_space<vmem>>[vector<16xi32>, vector<16xi32>], vector<16xf32>,
    %add3A_701 = arith.constant 128 : i32
    %add3A_702 = arith.addi %mul3A_2, %add3A_701 : i32
    %dma_start3A_703 = arith.constant 128 : i32
    %dma_start3A_704 = arith.constant 0 : i32
    %dma_start3A_705 = tpu.memref_slice %arg7[%dma_start3A_703, %dma_start3A_704] : memref<512x128xf32, #tpu.memory_space<vmem>> -> memref<128x128xf32, #tpu.memory_space<vmem>>
    %dma_start3A_706 = arith.constant 0 : i32
    %dma_start3A_707 = tpu.memref_slice %arg4[%add3A_702, %dma_start3A_706] : memref<16384x128xf32, #tpu.memory_space<hbm>> -> memref<128x128xf32, #tpu.memory_space<hbm>>
    %dma_start3A_708 = arith.constant 0 : i32
    %dma_start3A_709 = tpu.memref_slice %arg4[%add3A_702, %dma_start3A_708] : memref<16384x128xf32, #tpu.memory_space<hbm>> -> memref<128x128xf32, #tpu.memory_space<hbm>>
    %dma_start3A_710 = arith.constant 128 : i32
    %dma_start3A_711 = arith.constant 0 : i32
    %dma_start3A_712 = tpu.memref_slice %arg7[%dma_start3A_710, %dma_start3A_711] : memref<512x128xf32, #tpu.memory_space<vmem>> -> memref<128x128xf32, #tpu.memory_space<vmem>>
    tpu.enqueue_dma source(%dma_start3A_712 : memref<128x128xf32, #tpu.memory_space<vmem>>) target(%dma_start3A_709 : memref<128x128xf32, #tpu.memory_space<hbm>>) target_semaphore(%arg8 : memref<!tpu.dma_semaphore, #tpu.memory_space<semaphore_mem>>)
    %get3A_713 = arith.constant 256 : index
    %get3A_714 = tpu.vector_load %arg5[%get3A_713] {strides = array<i32>} : memref<512xi32, #tpu.memory_space<vmem>>, vector<16xi32>,
    %shift_left3A_715 = arith.constant 3 : i32
    %shift_left3A_716 = vector.broadcast %shift_left3A_715 : i32 to vector<16xi32>
    %shift_left3A_717 = arith.shli %get3A_714, %shift_left3A_716 : vector<16xi32>
    %add3A_718 = arith.constant 256 : i32
    %add3A_719 = vector.broadcast %add3A_718 : i32 to vector<16xi32>
    %add3A_720 = arith.addi %iota3A, %add3A_719 : vector<16xi32>
    %add3A_721 = arith.constant 0 : i32
    %add3A_722 = vector.broadcast %add3A_721 : i32 to vector<16xi32>
    %add3A_723 = arith.addi %add3A_720, %add3A_722 : vector<16xi32>
    %broadcast_in_dim3A_724 = arith.constant 0 : i32
    %broadcast_in_dim3A_725 = vector.broadcast %broadcast_in_dim3A_724 : i32 to vector<16xi32>
    %add3A_726 = arith.addi %shift_left3A_717, %broadcast_in_dim3A_725 : vector<16xi32>
    %gather3A_727 = tpu.vector_load_idx %arg6[%add3A_726] : memref<8000xf32, #tpu.memory_space<vmem>>[vector<16xi32>], vector<16xf32>,
    tpu.vector_store_idx %arg7[%add3A_723, %broadcast_in_dim3A_725], %gather3A_727 : memref<512x128xf32, #tpu.memory_space<vmem>>[vector<16xi32>, vector<16xi32>], vector<16xf32>,
    %broadcast_in_dim3A_728 = arith.constant 1 : i32
    %broadcast_in_dim3A_729 = vector.broadcast %broadcast_in_dim3A_728 : i32 to vector<16xi32>
    %add3A_730 = arith.addi %shift_left3A_717, %broadcast_in_dim3A_729 : vector<16xi32>
    %gather3A_731 = tpu.vector_load_idx %arg6[%add3A_730] : memref<8000xf32, #tpu.memory_space<vmem>>[vector<16xi32>], vector<16xf32>,
    tpu.vector_store_idx %arg7[%add3A_723, %broadcast_in_dim3A_729], %gather3A_731 : memref<512x128xf32, #tpu.memory_space<vmem>>[vector<16xi32>, vector<16xi32>], vector<16xf32>,
    %broadcast_in_dim3A_732 = arith.constant 2 : i32
    %broadcast_in_dim3A_733 = vector.broadcast %broadcast_in_dim3A_732 : i32 to vector<16xi32>
    %add3A_734 = arith.addi %shift_left3A_717, %broadcast_in_dim3A_733 : vector<16xi32>
    %gather3A_735 = tpu.vector_load_idx %arg6[%add3A_734] : memref<8000xf32, #tpu.memory_space<vmem>>[vector<16xi32>], vector<16xf32>,
    tpu.vector_store_idx %arg7[%add3A_723, %broadcast_in_dim3A_733], %gather3A_735 : memref<512x128xf32, #tpu.memory_space<vmem>>[vector<16xi32>, vector<16xi32>], vector<16xf32>,
    %broadcast_in_dim3A_736 = arith.constant 3 : i32
    %broadcast_in_dim3A_737 = vector.broadcast %broadcast_in_dim3A_736 : i32 to vector<16xi32>
    %add3A_738 = arith.addi %shift_left3A_717, %broadcast_in_dim3A_737 : vector<16xi32>
    %gather3A_739 = tpu.vector_load_idx %arg6[%add3A_738] : memref<8000xf32, #tpu.memory_space<vmem>>[vector<16xi32>], vector<16xf32>,
    tpu.vector_store_idx %arg7[%add3A_723, %broadcast_in_dim3A_737], %gather3A_739 : memref<512x128xf32, #tpu.memory_space<vmem>>[vector<16xi32>, vector<16xi32>], vector<16xf32>,
    %broadcast_in_dim3A_740 = arith.constant 4 : i32
    %broadcast_in_dim3A_741 = vector.broadcast %broadcast_in_dim3A_740 : i32 to vector<16xi32>
    %add3A_742 = arith.addi %shift_left3A_717, %broadcast_in_dim3A_741 : vector<16xi32>
    %gather3A_743 = tpu.vector_load_idx %arg6[%add3A_742] : memref<8000xf32, #tpu.memory_space<vmem>>[vector<16xi32>], vector<16xf32>,
    tpu.vector_store_idx %arg7[%add3A_723, %broadcast_in_dim3A_741], %gather3A_743 : memref<512x128xf32, #tpu.memory_space<vmem>>[vector<16xi32>, vector<16xi32>], vector<16xf32>,
    %broadcast_in_dim3A_744 = arith.constant 5 : i32
    %broadcast_in_dim3A_745 = vector.broadcast %broadcast_in_dim3A_744 : i32 to vector<16xi32>
    %add3A_746 = arith.addi %shift_left3A_717, %broadcast_in_dim3A_745 : vector<16xi32>
    %gather3A_747 = tpu.vector_load_idx %arg6[%add3A_746] : memref<8000xf32, #tpu.memory_space<vmem>>[vector<16xi32>], vector<16xf32>,
    tpu.vector_store_idx %arg7[%add3A_723, %broadcast_in_dim3A_745], %gather3A_747 : memref<512x128xf32, #tpu.memory_space<vmem>>[vector<16xi32>, vector<16xi32>], vector<16xf32>,
    %broadcast_in_dim3A_748 = arith.constant 6 : i32
    %broadcast_in_dim3A_749 = vector.broadcast %broadcast_in_dim3A_748 : i32 to vector<16xi32>
    %add3A_750 = arith.addi %shift_left3A_717, %broadcast_in_dim3A_749 : vector<16xi32>
    %gather3A_751 = tpu.vector_load_idx %arg6[%add3A_750] : memref<8000xf32, #tpu.memory_space<vmem>>[vector<16xi32>], vector<16xf32>,
    tpu.vector_store_idx %arg7[%add3A_723, %broadcast_in_dim3A_749], %gather3A_751 : memref<512x128xf32, #tpu.memory_space<vmem>>[vector<16xi32>, vector<16xi32>], vector<16xf32>,
    %broadcast_in_dim3A_752 = arith.constant 7 : i32
    %broadcast_in_dim3A_753 = vector.broadcast %broadcast_in_dim3A_752 : i32 to vector<16xi32>
    %add3A_754 = arith.addi %shift_left3A_717, %broadcast_in_dim3A_753 : vector<16xi32>
    %gather3A_755 = tpu.vector_load_idx %arg6[%add3A_754] : memref<8000xf32, #tpu.memory_space<vmem>>[vector<16xi32>], vector<16xf32>,
    tpu.vector_store_idx %arg7[%add3A_723, %broadcast_in_dim3A_753], %gather3A_755 : memref<512x128xf32, #tpu.memory_space<vmem>>[vector<16xi32>, vector<16xi32>], vector<16xf32>,
    %get3A_756 = arith.constant 272 : index
    %get3A_757 = tpu.vector_load %arg5[%get3A_756] {strides = array<i32>} : memref<512xi32, #tpu.memory_space<vmem>>, vector<16xi32>,
    %shift_left3A_758 = arith.constant 3 : i32
    %shift_left3A_759 = vector.broadcast %shift_left3A_758 : i32 to vector<16xi32>
    %shift_left3A_760 = arith.shli %get3A_757, %shift_left3A_759 : vector<16xi32>
    %add3A_761 = arith.constant 256 : i32
    %add3A_762 = vector.broadcast %add3A_761 : i32 to vector<16xi32>
    %add3A_763 = arith.addi %iota3A, %add3A_762 : vector<16xi32>
    %add3A_764 = arith.constant 16 : i32
    %add3A_765 = vector.broadcast %add3A_764 : i32 to vector<16xi32>
    %add3A_766 = arith.addi %add3A_763, %add3A_765 : vector<16xi32>
    %broadcast_in_dim3A_767 = arith.constant 0 : i32
    %broadcast_in_dim3A_768 = vector.broadcast %broadcast_in_dim3A_767 : i32 to vector<16xi32>
    %add3A_769 = arith.addi %shift_left3A_760, %broadcast_in_dim3A_768 : vector<16xi32>
    %gather3A_770 = tpu.vector_load_idx %arg6[%add3A_769] : memref<8000xf32, #tpu.memory_space<vmem>>[vector<16xi32>], vector<16xf32>,
    tpu.vector_store_idx %arg7[%add3A_766, %broadcast_in_dim3A_768], %gather3A_770 : memref<512x128xf32, #tpu.memory_space<vmem>>[vector<16xi32>, vector<16xi32>], vector<16xf32>,
    %broadcast_in_dim3A_771 = arith.constant 1 : i32
    %broadcast_in_dim3A_772 = vector.broadcast %broadcast_in_dim3A_771 : i32 to vector<16xi32>
    %add3A_773 = arith.addi %shift_left3A_760, %broadcast_in_dim3A_772 : vector<16xi32>
    %gather3A_774 = tpu.vector_load_idx %arg6[%add3A_773] : memref<8000xf32, #tpu.memory_space<vmem>>[vector<16xi32>], vector<16xf32>,
    tpu.vector_store_idx %arg7[%add3A_766, %broadcast_in_dim3A_772], %gather3A_774 : memref<512x128xf32, #tpu.memory_space<vmem>>[vector<16xi32>, vector<16xi32>], vector<16xf32>,
    %broadcast_in_dim3A_775 = arith.constant 2 : i32
    %broadcast_in_dim3A_776 = vector.broadcast %broadcast_in_dim3A_775 : i32 to vector<16xi32>
    %add3A_777 = arith.addi %shift_left3A_760, %broadcast_in_dim3A_776 : vector<16xi32>
    %gather3A_778 = tpu.vector_load_idx %arg6[%add3A_777] : memref<8000xf32, #tpu.memory_space<vmem>>[vector<16xi32>], vector<16xf32>,
    tpu.vector_store_idx %arg7[%add3A_766, %broadcast_in_dim3A_776], %gather3A_778 : memref<512x128xf32, #tpu.memory_space<vmem>>[vector<16xi32>, vector<16xi32>], vector<16xf32>,
    %broadcast_in_dim3A_779 = arith.constant 3 : i32
    %broadcast_in_dim3A_780 = vector.broadcast %broadcast_in_dim3A_779 : i32 to vector<16xi32>
    %add3A_781 = arith.addi %shift_left3A_760, %broadcast_in_dim3A_780 : vector<16xi32>
    %gather3A_782 = tpu.vector_load_idx %arg6[%add3A_781] : memref<8000xf32, #tpu.memory_space<vmem>>[vector<16xi32>], vector<16xf32>,
    tpu.vector_store_idx %arg7[%add3A_766, %broadcast_in_dim3A_780], %gather3A_782 : memref<512x128xf32, #tpu.memory_space<vmem>>[vector<16xi32>, vector<16xi32>], vector<16xf32>,
    %broadcast_in_dim3A_783 = arith.constant 4 : i32
    %broadcast_in_dim3A_784 = vector.broadcast %broadcast_in_dim3A_783 : i32 to vector<16xi32>
    %add3A_785 = arith.addi %shift_left3A_760, %broadcast_in_dim3A_784 : vector<16xi32>
    %gather3A_786 = tpu.vector_load_idx %arg6[%add3A_785] : memref<8000xf32, #tpu.memory_space<vmem>>[vector<16xi32>], vector<16xf32>,
    tpu.vector_store_idx %arg7[%add3A_766, %broadcast_in_dim3A_784], %gather3A_786 : memref<512x128xf32, #tpu.memory_space<vmem>>[vector<16xi32>, vector<16xi32>], vector<16xf32>,
    %broadcast_in_dim3A_787 = arith.constant 5 : i32
    %broadcast_in_dim3A_788 = vector.broadcast %broadcast_in_dim3A_787 : i32 to vector<16xi32>
    %add3A_789 = arith.addi %shift_left3A_760, %broadcast_in_dim3A_788 : vector<16xi32>
    %gather3A_790 = tpu.vector_load_idx %arg6[%add3A_789] : memref<8000xf32, #tpu.memory_space<vmem>>[vector<16xi32>], vector<16xf32>,
    tpu.vector_store_idx %arg7[%add3A_766, %broadcast_in_dim3A_788], %gather3A_790 : memref<512x128xf32, #tpu.memory_space<vmem>>[vector<16xi32>, vector<16xi32>], vector<16xf32>,
    %broadcast_in_dim3A_791 = arith.constant 6 : i32
    %broadcast_in_dim3A_792 = vector.broadcast %broadcast_in_dim3A_791 : i32 to vector<16xi32>
    %add3A_793 = arith.addi %shift_left3A_760, %broadcast_in_dim3A_792 : vector<16xi32>
    %gather3A_794 = tpu.vector_load_idx %arg6[%add3A_793] : memref<8000xf32, #tpu.memory_space<vmem>>[vector<16xi32>], vector<16xf32>,
    tpu.vector_store_idx %arg7[%add3A_766, %broadcast_in_dim3A_792], %gather3A_794 : memref<512x128xf32, #tpu.memory_space<vmem>>[vector<16xi32>, vector<16xi32>], vector<16xf32>,
    %broadcast_in_dim3A_795 = arith.constant 7 : i32
    %broadcast_in_dim3A_796 = vector.broadcast %broadcast_in_dim3A_795 : i32 to vector<16xi32>
    %add3A_797 = arith.addi %shift_left3A_760, %broadcast_in_dim3A_796 : vector<16xi32>
    %gather3A_798 = tpu.vector_load_idx %arg6[%add3A_797] : memref<8000xf32, #tpu.memory_space<vmem>>[vector<16xi32>], vector<16xf32>,
    tpu.vector_store_idx %arg7[%add3A_766, %broadcast_in_dim3A_796], %gather3A_798 : memref<512x128xf32, #tpu.memory_space<vmem>>[vector<16xi32>, vector<16xi32>], vector<16xf32>,
    %get3A_799 = arith.constant 288 : index
    %get3A_800 = tpu.vector_load %arg5[%get3A_799] {strides = array<i32>} : memref<512xi32, #tpu.memory_space<vmem>>, vector<16xi32>,
    %shift_left3A_801 = arith.constant 3 : i32
    %shift_left3A_802 = vector.broadcast %shift_left3A_801 : i32 to vector<16xi32>
    %shift_left3A_803 = arith.shli %get3A_800, %shift_left3A_802 : vector<16xi32>
    %add3A_804 = arith.constant 256 : i32
    %add3A_805 = vector.broadcast %add3A_804 : i32 to vector<16xi32>
    %add3A_806 = arith.addi %iota3A, %add3A_805 : vector<16xi32>
    %add3A_807 = arith.constant 32 : i32
    %add3A_808 = vector.broadcast %add3A_807 : i32 to vector<16xi32>
    %add3A_809 = arith.addi %add3A_806, %add3A_808 : vector<16xi32>
    %broadcast_in_dim3A_810 = arith.constant 0 : i32
    %broadcast_in_dim3A_811 = vector.broadcast %broadcast_in_dim3A_810 : i32 to vector<16xi32>
    %add3A_812 = arith.addi %shift_left3A_803, %broadcast_in_dim3A_811 : vector<16xi32>
    %gather3A_813 = tpu.vector_load_idx %arg6[%add3A_812] : memref<8000xf32, #tpu.memory_space<vmem>>[vector<16xi32>], vector<16xf32>,
    tpu.vector_store_idx %arg7[%add3A_809, %broadcast_in_dim3A_811], %gather3A_813 : memref<512x128xf32, #tpu.memory_space<vmem>>[vector<16xi32>, vector<16xi32>], vector<16xf32>,
    %broadcast_in_dim3A_814 = arith.constant 1 : i32
    %broadcast_in_dim3A_815 = vector.broadcast %broadcast_in_dim3A_814 : i32 to vector<16xi32>
    %add3A_816 = arith.addi %shift_left3A_803, %broadcast_in_dim3A_815 : vector<16xi32>
    %gather3A_817 = tpu.vector_load_idx %arg6[%add3A_816] : memref<8000xf32, #tpu.memory_space<vmem>>[vector<16xi32>], vector<16xf32>,
    tpu.vector_store_idx %arg7[%add3A_809, %broadcast_in_dim3A_815], %gather3A_817 : memref<512x128xf32, #tpu.memory_space<vmem>>[vector<16xi32>, vector<16xi32>], vector<16xf32>,
    %broadcast_in_dim3A_818 = arith.constant 2 : i32
    %broadcast_in_dim3A_819 = vector.broadcast %broadcast_in_dim3A_818 : i32 to vector<16xi32>
    %add3A_820 = arith.addi %shift_left3A_803, %broadcast_in_dim3A_819 : vector<16xi32>
    %gather3A_821 = tpu.vector_load_idx %arg6[%add3A_820] : memref<8000xf32, #tpu.memory_space<vmem>>[vector<16xi32>], vector<16xf32>,
    tpu.vector_store_idx %arg7[%add3A_809, %broadcast_in_dim3A_819], %gather3A_821 : memref<512x128xf32, #tpu.memory_space<vmem>>[vector<16xi32>, vector<16xi32>], vector<16xf32>,
    %broadcast_in_dim3A_822 = arith.constant 3 : i32
    %broadcast_in_dim3A_823 = vector.broadcast %broadcast_in_dim3A_822 : i32 to vector<16xi32>
    %add3A_824 = arith.addi %shift_left3A_803, %broadcast_in_dim3A_823 : vector<16xi32>
    %gather3A_825 = tpu.vector_load_idx %arg6[%add3A_824] : memref<8000xf32, #tpu.memory_space<vmem>>[vector<16xi32>], vector<16xf32>,
    tpu.vector_store_idx %arg7[%add3A_809, %broadcast_in_dim3A_823], %gather3A_825 : memref<512x128xf32, #tpu.memory_space<vmem>>[vector<16xi32>, vector<16xi32>], vector<16xf32>,
    %broadcast_in_dim3A_826 = arith.constant 4 : i32
    %broadcast_in_dim3A_827 = vector.broadcast %broadcast_in_dim3A_826 : i32 to vector<16xi32>
    %add3A_828 = arith.addi %shift_left3A_803, %broadcast_in_dim3A_827 : vector<16xi32>
    %gather3A_829 = tpu.vector_load_idx %arg6[%add3A_828] : memref<8000xf32, #tpu.memory_space<vmem>>[vector<16xi32>], vector<16xf32>,
    tpu.vector_store_idx %arg7[%add3A_809, %broadcast_in_dim3A_827], %gather3A_829 : memref<512x128xf32, #tpu.memory_space<vmem>>[vector<16xi32>, vector<16xi32>], vector<16xf32>,
    %broadcast_in_dim3A_830 = arith.constant 5 : i32
    %broadcast_in_dim3A_831 = vector.broadcast %broadcast_in_dim3A_830 : i32 to vector<16xi32>
    %add3A_832 = arith.addi %shift_left3A_803, %broadcast_in_dim3A_831 : vector<16xi32>
    %gather3A_833 = tpu.vector_load_idx %arg6[%add3A_832] : memref<8000xf32, #tpu.memory_space<vmem>>[vector<16xi32>], vector<16xf32>,
    tpu.vector_store_idx %arg7[%add3A_809, %broadcast_in_dim3A_831], %gather3A_833 : memref<512x128xf32, #tpu.memory_space<vmem>>[vector<16xi32>, vector<16xi32>], vector<16xf32>,
    %broadcast_in_dim3A_834 = arith.constant 6 : i32
    %broadcast_in_dim3A_835 = vector.broadcast %broadcast_in_dim3A_834 : i32 to vector<16xi32>
    %add3A_836 = arith.addi %shift_left3A_803, %broadcast_in_dim3A_835 : vector<16xi32>
    %gather3A_837 = tpu.vector_load_idx %arg6[%add3A_836] : memref<8000xf32, #tpu.memory_space<vmem>>[vector<16xi32>], vector<16xf32>,
    tpu.vector_store_idx %arg7[%add3A_809, %broadcast_in_dim3A_835], %gather3A_837 : memref<512x128xf32, #tpu.memory_space<vmem>>[vector<16xi32>, vector<16xi32>], vector<16xf32>,
    %broadcast_in_dim3A_838 = arith.constant 7 : i32
    %broadcast_in_dim3A_839 = vector.broadcast %broadcast_in_dim3A_838 : i32 to vector<16xi32>
    %add3A_840 = arith.addi %shift_left3A_803, %broadcast_in_dim3A_839 : vector<16xi32>
    %gather3A_841 = tpu.vector_load_idx %arg6[%add3A_840] : memref<8000xf32, #tpu.memory_space<vmem>>[vector<16xi32>], vector<16xf32>,
    tpu.vector_store_idx %arg7[%add3A_809, %broadcast_in_dim3A_839], %gather3A_841 : memref<512x128xf32, #tpu.memory_space<vmem>>[vector<16xi32>, vector<16xi32>], vector<16xf32>,
    %get3A_842 = arith.constant 304 : index
    %get3A_843 = tpu.vector_load %arg5[%get3A_842] {strides = array<i32>} : memref<512xi32, #tpu.memory_space<vmem>>, vector<16xi32>,
    %shift_left3A_844 = arith.constant 3 : i32
    %shift_left3A_845 = vector.broadcast %shift_left3A_844 : i32 to vector<16xi32>
    %shift_left3A_846 = arith.shli %get3A_843, %shift_left3A_845 : vector<16xi32>
    %add3A_847 = arith.constant 256 : i32
    %add3A_848 = vector.broadcast %add3A_847 : i32 to vector<16xi32>
    %add3A_849 = arith.addi %iota3A, %add3A_848 : vector<16xi32>
    %add3A_850 = arith.constant 48 : i32
    %add3A_851 = vector.broadcast %add3A_850 : i32 to vector<16xi32>
    %add3A_852 = arith.addi %add3A_849, %add3A_851 : vector<16xi32>
    %broadcast_in_dim3A_853 = arith.constant 0 : i32
    %broadcast_in_dim3A_854 = vector.broadcast %broadcast_in_dim3A_853 : i32 to vector<16xi32>
    %add3A_855 = arith.addi %shift_left3A_846, %broadcast_in_dim3A_854 : vector<16xi32>
    %gather3A_856 = tpu.vector_load_idx %arg6[%add3A_855] : memref<8000xf32, #tpu.memory_space<vmem>>[vector<16xi32>], vector<16xf32>,
    tpu.vector_store_idx %arg7[%add3A_852, %broadcast_in_dim3A_854], %gather3A_856 : memref<512x128xf32, #tpu.memory_space<vmem>>[vector<16xi32>, vector<16xi32>], vector<16xf32>,
    %broadcast_in_dim3A_857 = arith.constant 1 : i32
    %broadcast_in_dim3A_858 = vector.broadcast %broadcast_in_dim3A_857 : i32 to vector<16xi32>
    %add3A_859 = arith.addi %shift_left3A_846, %broadcast_in_dim3A_858 : vector<16xi32>
    %gather3A_860 = tpu.vector_load_idx %arg6[%add3A_859] : memref<8000xf32, #tpu.memory_space<vmem>>[vector<16xi32>], vector<16xf32>,
    tpu.vector_store_idx %arg7[%add3A_852, %broadcast_in_dim3A_858], %gather3A_860 : memref<512x128xf32, #tpu.memory_space<vmem>>[vector<16xi32>, vector<16xi32>], vector<16xf32>,
    %broadcast_in_dim3A_861 = arith.constant 2 : i32
    %broadcast_in_dim3A_862 = vector.broadcast %broadcast_in_dim3A_861 : i32 to vector<16xi32>
    %add3A_863 = arith.addi %shift_left3A_846, %broadcast_in_dim3A_862 : vector<16xi32>
    %gather3A_864 = tpu.vector_load_idx %arg6[%add3A_863] : memref<8000xf32, #tpu.memory_space<vmem>>[vector<16xi32>], vector<16xf32>,
    tpu.vector_store_idx %arg7[%add3A_852, %broadcast_in_dim3A_862], %gather3A_864 : memref<512x128xf32, #tpu.memory_space<vmem>>[vector<16xi32>, vector<16xi32>], vector<16xf32>,
    %broadcast_in_dim3A_865 = arith.constant 3 : i32
    %broadcast_in_dim3A_866 = vector.broadcast %broadcast_in_dim3A_865 : i32 to vector<16xi32>
    %add3A_867 = arith.addi %shift_left3A_846, %broadcast_in_dim3A_866 : vector<16xi32>
    %gather3A_868 = tpu.vector_load_idx %arg6[%add3A_867] : memref<8000xf32, #tpu.memory_space<vmem>>[vector<16xi32>], vector<16xf32>,
    tpu.vector_store_idx %arg7[%add3A_852, %broadcast_in_dim3A_866], %gather3A_868 : memref<512x128xf32, #tpu.memory_space<vmem>>[vector<16xi32>, vector<16xi32>], vector<16xf32>,
    %broadcast_in_dim3A_869 = arith.constant 4 : i32
    %broadcast_in_dim3A_870 = vector.broadcast %broadcast_in_dim3A_869 : i32 to vector<16xi32>
    %add3A_871 = arith.addi %shift_left3A_846, %broadcast_in_dim3A_870 : vector<16xi32>
    %gather3A_872 = tpu.vector_load_idx %arg6[%add3A_871] : memref<8000xf32, #tpu.memory_space<vmem>>[vector<16xi32>], vector<16xf32>,
    tpu.vector_store_idx %arg7[%add3A_852, %broadcast_in_dim3A_870], %gather3A_872 : memref<512x128xf32, #tpu.memory_space<vmem>>[vector<16xi32>, vector<16xi32>], vector<16xf32>,
    %broadcast_in_dim3A_873 = arith.constant 5 : i32
    %broadcast_in_dim3A_874 = vector.broadcast %broadcast_in_dim3A_873 : i32 to vector<16xi32>
    %add3A_875 = arith.addi %shift_left3A_846, %broadcast_in_dim3A_874 : vector<16xi32>
    %gather3A_876 = tpu.vector_load_idx %arg6[%add3A_875] : memref<8000xf32, #tpu.memory_space<vmem>>[vector<16xi32>], vector<16xf32>,
    tpu.vector_store_idx %arg7[%add3A_852, %broadcast_in_dim3A_874], %gather3A_876 : memref<512x128xf32, #tpu.memory_space<vmem>>[vector<16xi32>, vector<16xi32>], vector<16xf32>,
    %broadcast_in_dim3A_877 = arith.constant 6 : i32
    %broadcast_in_dim3A_878 = vector.broadcast %broadcast_in_dim3A_877 : i32 to vector<16xi32>
    %add3A_879 = arith.addi %shift_left3A_846, %broadcast_in_dim3A_878 : vector<16xi32>
    %gather3A_880 = tpu.vector_load_idx %arg6[%add3A_879] : memref<8000xf32, #tpu.memory_space<vmem>>[vector<16xi32>], vector<16xf32>,
    tpu.vector_store_idx %arg7[%add3A_852, %broadcast_in_dim3A_878], %gather3A_880 : memref<512x128xf32, #tpu.memory_space<vmem>>[vector<16xi32>, vector<16xi32>], vector<16xf32>,
    %broadcast_in_dim3A_881 = arith.constant 7 : i32
    %broadcast_in_dim3A_882 = vector.broadcast %broadcast_in_dim3A_881 : i32 to vector<16xi32>
    %add3A_883 = arith.addi %shift_left3A_846, %broadcast_in_dim3A_882 : vector<16xi32>
    %gather3A_884 = tpu.vector_load_idx %arg6[%add3A_883] : memref<8000xf32, #tpu.memory_space<vmem>>[vector<16xi32>], vector<16xf32>,
    tpu.vector_store_idx %arg7[%add3A_852, %broadcast_in_dim3A_882], %gather3A_884 : memref<512x128xf32, #tpu.memory_space<vmem>>[vector<16xi32>, vector<16xi32>], vector<16xf32>,
    %get3A_885 = arith.constant 320 : index
    %get3A_886 = tpu.vector_load %arg5[%get3A_885] {strides = array<i32>} : memref<512xi32, #tpu.memory_space<vmem>>, vector<16xi32>,
    %shift_left3A_887 = arith.constant 3 : i32
    %shift_left3A_888 = vector.broadcast %shift_left3A_887 : i32 to vector<16xi32>
    %shift_left3A_889 = arith.shli %get3A_886, %shift_left3A_888 : vector<16xi32>
    %add3A_890 = arith.constant 256 : i32
    %add3A_891 = vector.broadcast %add3A_890 : i32 to vector<16xi32>
    %add3A_892 = arith.addi %iota3A, %add3A_891 : vector<16xi32>
    %add3A_893 = arith.constant 64 : i32
    %add3A_894 = vector.broadcast %add3A_893 : i32 to vector<16xi32>
    %add3A_895 = arith.addi %add3A_892, %add3A_894 : vector<16xi32>
    %broadcast_in_dim3A_896 = arith.constant 0 : i32
    %broadcast_in_dim3A_897 = vector.broadcast %broadcast_in_dim3A_896 : i32 to vector<16xi32>
    %add3A_898 = arith.addi %shift_left3A_889, %broadcast_in_dim3A_897 : vector<16xi32>
    %gather3A_899 = tpu.vector_load_idx %arg6[%add3A_898] : memref<8000xf32, #tpu.memory_space<vmem>>[vector<16xi32>], vector<16xf32>,
    tpu.vector_store_idx %arg7[%add3A_895, %broadcast_in_dim3A_897], %gather3A_899 : memref<512x128xf32, #tpu.memory_space<vmem>>[vector<16xi32>, vector<16xi32>], vector<16xf32>,
    %broadcast_in_dim3A_900 = arith.constant 1 : i32
    %broadcast_in_dim3A_901 = vector.broadcast %broadcast_in_dim3A_900 : i32 to vector<16xi32>
    %add3A_902 = arith.addi %shift_left3A_889, %broadcast_in_dim3A_901 : vector<16xi32>
    %gather3A_903 = tpu.vector_load_idx %arg6[%add3A_902] : memref<8000xf32, #tpu.memory_space<vmem>>[vector<16xi32>], vector<16xf32>,
    tpu.vector_store_idx %arg7[%add3A_895, %broadcast_in_dim3A_901], %gather3A_903 : memref<512x128xf32, #tpu.memory_space<vmem>>[vector<16xi32>, vector<16xi32>], vector<16xf32>,
    %broadcast_in_dim3A_904 = arith.constant 2 : i32
    %broadcast_in_dim3A_905 = vector.broadcast %broadcast_in_dim3A_904 : i32 to vector<16xi32>
    %add3A_906 = arith.addi %shift_left3A_889, %broadcast_in_dim3A_905 : vector<16xi32>
    %gather3A_907 = tpu.vector_load_idx %arg6[%add3A_906] : memref<8000xf32, #tpu.memory_space<vmem>>[vector<16xi32>], vector<16xf32>,
    tpu.vector_store_idx %arg7[%add3A_895, %broadcast_in_dim3A_905], %gather3A_907 : memref<512x128xf32, #tpu.memory_space<vmem>>[vector<16xi32>, vector<16xi32>], vector<16xf32>,
    %broadcast_in_dim3A_908 = arith.constant 3 : i32
    %broadcast_in_dim3A_909 = vector.broadcast %broadcast_in_dim3A_908 : i32 to vector<16xi32>
    %add3A_910 = arith.addi %shift_left3A_889, %broadcast_in_dim3A_909 : vector<16xi32>
    %gather3A_911 = tpu.vector_load_idx %arg6[%add3A_910] : memref<8000xf32, #tpu.memory_space<vmem>>[vector<16xi32>], vector<16xf32>,
    tpu.vector_store_idx %arg7[%add3A_895, %broadcast_in_dim3A_909], %gather3A_911 : memref<512x128xf32, #tpu.memory_space<vmem>>[vector<16xi32>, vector<16xi32>], vector<16xf32>,
    %broadcast_in_dim3A_912 = arith.constant 4 : i32
    %broadcast_in_dim3A_913 = vector.broadcast %broadcast_in_dim3A_912 : i32 to vector<16xi32>
    %add3A_914 = arith.addi %shift_left3A_889, %broadcast_in_dim3A_913 : vector<16xi32>
    %gather3A_915 = tpu.vector_load_idx %arg6[%add3A_914] : memref<8000xf32, #tpu.memory_space<vmem>>[vector<16xi32>], vector<16xf32>,
    tpu.vector_store_idx %arg7[%add3A_895, %broadcast_in_dim3A_913], %gather3A_915 : memref<512x128xf32, #tpu.memory_space<vmem>>[vector<16xi32>, vector<16xi32>], vector<16xf32>,
    %broadcast_in_dim3A_916 = arith.constant 5 : i32
    %broadcast_in_dim3A_917 = vector.broadcast %broadcast_in_dim3A_916 : i32 to vector<16xi32>
    %add3A_918 = arith.addi %shift_left3A_889, %broadcast_in_dim3A_917 : vector<16xi32>
    %gather3A_919 = tpu.vector_load_idx %arg6[%add3A_918] : memref<8000xf32, #tpu.memory_space<vmem>>[vector<16xi32>], vector<16xf32>,
    tpu.vector_store_idx %arg7[%add3A_895, %broadcast_in_dim3A_917], %gather3A_919 : memref<512x128xf32, #tpu.memory_space<vmem>>[vector<16xi32>, vector<16xi32>], vector<16xf32>,
    %broadcast_in_dim3A_920 = arith.constant 6 : i32
    %broadcast_in_dim3A_921 = vector.broadcast %broadcast_in_dim3A_920 : i32 to vector<16xi32>
    %add3A_922 = arith.addi %shift_left3A_889, %broadcast_in_dim3A_921 : vector<16xi32>
    %gather3A_923 = tpu.vector_load_idx %arg6[%add3A_922] : memref<8000xf32, #tpu.memory_space<vmem>>[vector<16xi32>], vector<16xf32>,
    tpu.vector_store_idx %arg7[%add3A_895, %broadcast_in_dim3A_921], %gather3A_923 : memref<512x128xf32, #tpu.memory_space<vmem>>[vector<16xi32>, vector<16xi32>], vector<16xf32>,
    %broadcast_in_dim3A_924 = arith.constant 7 : i32
    %broadcast_in_dim3A_925 = vector.broadcast %broadcast_in_dim3A_924 : i32 to vector<16xi32>
    %add3A_926 = arith.addi %shift_left3A_889, %broadcast_in_dim3A_925 : vector<16xi32>
    %gather3A_927 = tpu.vector_load_idx %arg6[%add3A_926] : memref<8000xf32, #tpu.memory_space<vmem>>[vector<16xi32>], vector<16xf32>,
    tpu.vector_store_idx %arg7[%add3A_895, %broadcast_in_dim3A_925], %gather3A_927 : memref<512x128xf32, #tpu.memory_space<vmem>>[vector<16xi32>, vector<16xi32>], vector<16xf32>,
    %get3A_928 = arith.constant 336 : index
    %get3A_929 = tpu.vector_load %arg5[%get3A_928] {strides = array<i32>} : memref<512xi32, #tpu.memory_space<vmem>>, vector<16xi32>,
    %shift_left3A_930 = arith.constant 3 : i32
    %shift_left3A_931 = vector.broadcast %shift_left3A_930 : i32 to vector<16xi32>
    %shift_left3A_932 = arith.shli %get3A_929, %shift_left3A_931 : vector<16xi32>
    %add3A_933 = arith.constant 256 : i32
    %add3A_934 = vector.broadcast %add3A_933 : i32 to vector<16xi32>
    %add3A_935 = arith.addi %iota3A, %add3A_934 : vector<16xi32>
    %add3A_936 = arith.constant 80 : i32
    %add3A_937 = vector.broadcast %add3A_936 : i32 to vector<16xi32>
    %add3A_938 = arith.addi %add3A_935, %add3A_937 : vector<16xi32>
    %broadcast_in_dim3A_939 = arith.constant 0 : i32
    %broadcast_in_dim3A_940 = vector.broadcast %broadcast_in_dim3A_939 : i32 to vector<16xi32>
    %add3A_941 = arith.addi %shift_left3A_932, %broadcast_in_dim3A_940 : vector<16xi32>
    %gather3A_942 = tpu.vector_load_idx %arg6[%add3A_941] : memref<8000xf32, #tpu.memory_space<vmem>>[vector<16xi32>], vector<16xf32>,
    tpu.vector_store_idx %arg7[%add3A_938, %broadcast_in_dim3A_940], %gather3A_942 : memref<512x128xf32, #tpu.memory_space<vmem>>[vector<16xi32>, vector<16xi32>], vector<16xf32>,
    %broadcast_in_dim3A_943 = arith.constant 1 : i32
    %broadcast_in_dim3A_944 = vector.broadcast %broadcast_in_dim3A_943 : i32 to vector<16xi32>
    %add3A_945 = arith.addi %shift_left3A_932, %broadcast_in_dim3A_944 : vector<16xi32>
    %gather3A_946 = tpu.vector_load_idx %arg6[%add3A_945] : memref<8000xf32, #tpu.memory_space<vmem>>[vector<16xi32>], vector<16xf32>,
    tpu.vector_store_idx %arg7[%add3A_938, %broadcast_in_dim3A_944], %gather3A_946 : memref<512x128xf32, #tpu.memory_space<vmem>>[vector<16xi32>, vector<16xi32>], vector<16xf32>,
    %broadcast_in_dim3A_947 = arith.constant 2 : i32
    %broadcast_in_dim3A_948 = vector.broadcast %broadcast_in_dim3A_947 : i32 to vector<16xi32>
    %add3A_949 = arith.addi %shift_left3A_932, %broadcast_in_dim3A_948 : vector<16xi32>
    %gather3A_950 = tpu.vector_load_idx %arg6[%add3A_949] : memref<8000xf32, #tpu.memory_space<vmem>>[vector<16xi32>], vector<16xf32>,
    tpu.vector_store_idx %arg7[%add3A_938, %broadcast_in_dim3A_948], %gather3A_950 : memref<512x128xf32, #tpu.memory_space<vmem>>[vector<16xi32>, vector<16xi32>], vector<16xf32>,
    %broadcast_in_dim3A_951 = arith.constant 3 : i32
    %broadcast_in_dim3A_952 = vector.broadcast %broadcast_in_dim3A_951 : i32 to vector<16xi32>
    %add3A_953 = arith.addi %shift_left3A_932, %broadcast_in_dim3A_952 : vector<16xi32>
    %gather3A_954 = tpu.vector_load_idx %arg6[%add3A_953] : memref<8000xf32, #tpu.memory_space<vmem>>[vector<16xi32>], vector<16xf32>,
    tpu.vector_store_idx %arg7[%add3A_938, %broadcast_in_dim3A_952], %gather3A_954 : memref<512x128xf32, #tpu.memory_space<vmem>>[vector<16xi32>, vector<16xi32>], vector<16xf32>,
    %broadcast_in_dim3A_955 = arith.constant 4 : i32
    %broadcast_in_dim3A_956 = vector.broadcast %broadcast_in_dim3A_955 : i32 to vector<16xi32>
    %add3A_957 = arith.addi %shift_left3A_932, %broadcast_in_dim3A_956 : vector<16xi32>
    %gather3A_958 = tpu.vector_load_idx %arg6[%add3A_957] : memref<8000xf32, #tpu.memory_space<vmem>>[vector<16xi32>], vector<16xf32>,
    tpu.vector_store_idx %arg7[%add3A_938, %broadcast_in_dim3A_956], %gather3A_958 : memref<512x128xf32, #tpu.memory_space<vmem>>[vector<16xi32>, vector<16xi32>], vector<16xf32>,
    %broadcast_in_dim3A_959 = arith.constant 5 : i32
    %broadcast_in_dim3A_960 = vector.broadcast %broadcast_in_dim3A_959 : i32 to vector<16xi32>
    %add3A_961 = arith.addi %shift_left3A_932, %broadcast_in_dim3A_960 : vector<16xi32>
    %gather3A_962 = tpu.vector_load_idx %arg6[%add3A_961] : memref<8000xf32, #tpu.memory_space<vmem>>[vector<16xi32>], vector<16xf32>,
    tpu.vector_store_idx %arg7[%add3A_938, %broadcast_in_dim3A_960], %gather3A_962 : memref<512x128xf32, #tpu.memory_space<vmem>>[vector<16xi32>, vector<16xi32>], vector<16xf32>,
    %broadcast_in_dim3A_963 = arith.constant 6 : i32
    %broadcast_in_dim3A_964 = vector.broadcast %broadcast_in_dim3A_963 : i32 to vector<16xi32>
    %add3A_965 = arith.addi %shift_left3A_932, %broadcast_in_dim3A_964 : vector<16xi32>
    %gather3A_966 = tpu.vector_load_idx %arg6[%add3A_965] : memref<8000xf32, #tpu.memory_space<vmem>>[vector<16xi32>], vector<16xf32>,
    tpu.vector_store_idx %arg7[%add3A_938, %broadcast_in_dim3A_964], %gather3A_966 : memref<512x128xf32, #tpu.memory_space<vmem>>[vector<16xi32>, vector<16xi32>], vector<16xf32>,
    %broadcast_in_dim3A_967 = arith.constant 7 : i32
    %broadcast_in_dim3A_968 = vector.broadcast %broadcast_in_dim3A_967 : i32 to vector<16xi32>
    %add3A_969 = arith.addi %shift_left3A_932, %broadcast_in_dim3A_968 : vector<16xi32>
    %gather3A_970 = tpu.vector_load_idx %arg6[%add3A_969] : memref<8000xf32, #tpu.memory_space<vmem>>[vector<16xi32>], vector<16xf32>,
    tpu.vector_store_idx %arg7[%add3A_938, %broadcast_in_dim3A_968], %gather3A_970 : memref<512x128xf32, #tpu.memory_space<vmem>>[vector<16xi32>, vector<16xi32>], vector<16xf32>,
    %get3A_971 = arith.constant 352 : index
    %get3A_972 = tpu.vector_load %arg5[%get3A_971] {strides = array<i32>} : memref<512xi32, #tpu.memory_space<vmem>>, vector<16xi32>,
    %shift_left3A_973 = arith.constant 3 : i32
    %shift_left3A_974 = vector.broadcast %shift_left3A_973 : i32 to vector<16xi32>
    %shift_left3A_975 = arith.shli %get3A_972, %shift_left3A_974 : vector<16xi32>
    %add3A_976 = arith.constant 256 : i32
    %add3A_977 = vector.broadcast %add3A_976 : i32 to vector<16xi32>
    %add3A_978 = arith.addi %iota3A, %add3A_977 : vector<16xi32>
    %add3A_979 = arith.constant 96 : i32
    %add3A_980 = vector.broadcast %add3A_979 : i32 to vector<16xi32>
    %add3A_981 = arith.addi %add3A_978, %add3A_980 : vector<16xi32>
    %broadcast_in_dim3A_982 = arith.constant 0 : i32
    %broadcast_in_dim3A_983 = vector.broadcast %broadcast_in_dim3A_982 : i32 to vector<16xi32>
    %add3A_984 = arith.addi %shift_left3A_975, %broadcast_in_dim3A_983 : vector<16xi32>
    %gather3A_985 = tpu.vector_load_idx %arg6[%add3A_984] : memref<8000xf32, #tpu.memory_space<vmem>>[vector<16xi32>], vector<16xf32>,
    tpu.vector_store_idx %arg7[%add3A_981, %broadcast_in_dim3A_983], %gather3A_985 : memref<512x128xf32, #tpu.memory_space<vmem>>[vector<16xi32>, vector<16xi32>], vector<16xf32>,
    %broadcast_in_dim3A_986 = arith.constant 1 : i32
    %broadcast_in_dim3A_987 = vector.broadcast %broadcast_in_dim3A_986 : i32 to vector<16xi32>
    %add3A_988 = arith.addi %shift_left3A_975, %broadcast_in_dim3A_987 : vector<16xi32>
    %gather3A_989 = tpu.vector_load_idx %arg6[%add3A_988] : memref<8000xf32, #tpu.memory_space<vmem>>[vector<16xi32>], vector<16xf32>,
    tpu.vector_store_idx %arg7[%add3A_981, %broadcast_in_dim3A_987], %gather3A_989 : memref<512x128xf32, #tpu.memory_space<vmem>>[vector<16xi32>, vector<16xi32>], vector<16xf32>,
    %broadcast_in_dim3A_990 = arith.constant 2 : i32
    %broadcast_in_dim3A_991 = vector.broadcast %broadcast_in_dim3A_990 : i32 to vector<16xi32>
    %add3A_992 = arith.addi %shift_left3A_975, %broadcast_in_dim3A_991 : vector<16xi32>
    %gather3A_993 = tpu.vector_load_idx %arg6[%add3A_992] : memref<8000xf32, #tpu.memory_space<vmem>>[vector<16xi32>], vector<16xf32>,
    tpu.vector_store_idx %arg7[%add3A_981, %broadcast_in_dim3A_991], %gather3A_993 : memref<512x128xf32, #tpu.memory_space<vmem>>[vector<16xi32>, vector<16xi32>], vector<16xf32>,
    %broadcast_in_dim3A_994 = arith.constant 3 : i32
    %broadcast_in_dim3A_995 = vector.broadcast %broadcast_in_dim3A_994 : i32 to vector<16xi32>
    %add3A_996 = arith.addi %shift_left3A_975, %broadcast_in_dim3A_995 : vector<16xi32>
    %gather3A_997 = tpu.vector_load_idx %arg6[%add3A_996] : memref<8000xf32, #tpu.memory_space<vmem>>[vector<16xi32>], vector<16xf32>,
    tpu.vector_store_idx %arg7[%add3A_981, %broadcast_in_dim3A_995], %gather3A_997 : memref<512x128xf32, #tpu.memory_space<vmem>>[vector<16xi32>, vector<16xi32>], vector<16xf32>,
    %broadcast_in_dim3A_998 = arith.constant 4 : i32
    %broadcast_in_dim3A_999 = vector.broadcast %broadcast_in_dim3A_998 : i32 to vector<16xi32>
    %add3A_1000 = arith.addi %shift_left3A_975, %broadcast_in_dim3A_999 : vector<16xi32>
    %gather3A_1001 = tpu.vector_load_idx %arg6[%add3A_1000] : memref<8000xf32, #tpu.memory_space<vmem>>[vector<16xi32>], vector<16xf32>,
    tpu.vector_store_idx %arg7[%add3A_981, %broadcast_in_dim3A_999], %gather3A_1001 : memref<512x128xf32, #tpu.memory_space<vmem>>[vector<16xi32>, vector<16xi32>], vector<16xf32>,
    %broadcast_in_dim3A_1002 = arith.constant 5 : i32
    %broadcast_in_dim3A_1003 = vector.broadcast %broadcast_in_dim3A_1002 : i32 to vector<16xi32>
    %add3A_1004 = arith.addi %shift_left3A_975, %broadcast_in_dim3A_1003 : vector<16xi32>
    %gather3A_1005 = tpu.vector_load_idx %arg6[%add3A_1004] : memref<8000xf32, #tpu.memory_space<vmem>>[vector<16xi32>], vector<16xf32>,
    tpu.vector_store_idx %arg7[%add3A_981, %broadcast_in_dim3A_1003], %gather3A_1005 : memref<512x128xf32, #tpu.memory_space<vmem>>[vector<16xi32>, vector<16xi32>], vector<16xf32>,
    %broadcast_in_dim3A_1006 = arith.constant 6 : i32
    %broadcast_in_dim3A_1007 = vector.broadcast %broadcast_in_dim3A_1006 : i32 to vector<16xi32>
    %add3A_1008 = arith.addi %shift_left3A_975, %broadcast_in_dim3A_1007 : vector<16xi32>
    %gather3A_1009 = tpu.vector_load_idx %arg6[%add3A_1008] : memref<8000xf32, #tpu.memory_space<vmem>>[vector<16xi32>], vector<16xf32>,
    tpu.vector_store_idx %arg7[%add3A_981, %broadcast_in_dim3A_1007], %gather3A_1009 : memref<512x128xf32, #tpu.memory_space<vmem>>[vector<16xi32>, vector<16xi32>], vector<16xf32>,
    %broadcast_in_dim3A_1010 = arith.constant 7 : i32
    %broadcast_in_dim3A_1011 = vector.broadcast %broadcast_in_dim3A_1010 : i32 to vector<16xi32>
    %add3A_1012 = arith.addi %shift_left3A_975, %broadcast_in_dim3A_1011 : vector<16xi32>
    %gather3A_1013 = tpu.vector_load_idx %arg6[%add3A_1012] : memref<8000xf32, #tpu.memory_space<vmem>>[vector<16xi32>], vector<16xf32>,
    tpu.vector_store_idx %arg7[%add3A_981, %broadcast_in_dim3A_1011], %gather3A_1013 : memref<512x128xf32, #tpu.memory_space<vmem>>[vector<16xi32>, vector<16xi32>], vector<16xf32>,
    %get3A_1014 = arith.constant 368 : index
    %get3A_1015 = tpu.vector_load %arg5[%get3A_1014] {strides = array<i32>} : memref<512xi32, #tpu.memory_space<vmem>>, vector<16xi32>,
    %shift_left3A_1016 = arith.constant 3 : i32
    %shift_left3A_1017 = vector.broadcast %shift_left3A_1016 : i32 to vector<16xi32>
    %shift_left3A_1018 = arith.shli %get3A_1015, %shift_left3A_1017 : vector<16xi32>
    %add3A_1019 = arith.constant 256 : i32
    %add3A_1020 = vector.broadcast %add3A_1019 : i32 to vector<16xi32>
    %add3A_1021 = arith.addi %iota3A, %add3A_1020 : vector<16xi32>
    %add3A_1022 = arith.constant 112 : i32
    %add3A_1023 = vector.broadcast %add3A_1022 : i32 to vector<16xi32>
    %add3A_1024 = arith.addi %add3A_1021, %add3A_1023 : vector<16xi32>
    %broadcast_in_dim3A_1025 = arith.constant 0 : i32
    %broadcast_in_dim3A_1026 = vector.broadcast %broadcast_in_dim3A_1025 : i32 to vector<16xi32>
    %add3A_1027 = arith.addi %shift_left3A_1018, %broadcast_in_dim3A_1026 : vector<16xi32>
    %gather3A_1028 = tpu.vector_load_idx %arg6[%add3A_1027] : memref<8000xf32, #tpu.memory_space<vmem>>[vector<16xi32>], vector<16xf32>,
    tpu.vector_store_idx %arg7[%add3A_1024, %broadcast_in_dim3A_1026], %gather3A_1028 : memref<512x128xf32, #tpu.memory_space<vmem>>[vector<16xi32>, vector<16xi32>], vector<16xf32>,
    %broadcast_in_dim3A_1029 = arith.constant 1 : i32
    %broadcast_in_dim3A_1030 = vector.broadcast %broadcast_in_dim3A_1029 : i32 to vector<16xi32>
    %add3A_1031 = arith.addi %shift_left3A_1018, %broadcast_in_dim3A_1030 : vector<16xi32>
    %gather3A_1032 = tpu.vector_load_idx %arg6[%add3A_1031] : memref<8000xf32, #tpu.memory_space<vmem>>[vector<16xi32>], vector<16xf32>,
    tpu.vector_store_idx %arg7[%add3A_1024, %broadcast_in_dim3A_1030], %gather3A_1032 : memref<512x128xf32, #tpu.memory_space<vmem>>[vector<16xi32>, vector<16xi32>], vector<16xf32>,
    %broadcast_in_dim3A_1033 = arith.constant 2 : i32
    %broadcast_in_dim3A_1034 = vector.broadcast %broadcast_in_dim3A_1033 : i32 to vector<16xi32>
    %add3A_1035 = arith.addi %shift_left3A_1018, %broadcast_in_dim3A_1034 : vector<16xi32>
    %gather3A_1036 = tpu.vector_load_idx %arg6[%add3A_1035] : memref<8000xf32, #tpu.memory_space<vmem>>[vector<16xi32>], vector<16xf32>,
    tpu.vector_store_idx %arg7[%add3A_1024, %broadcast_in_dim3A_1034], %gather3A_1036 : memref<512x128xf32, #tpu.memory_space<vmem>>[vector<16xi32>, vector<16xi32>], vector<16xf32>,
    %broadcast_in_dim3A_1037 = arith.constant 3 : i32
    %broadcast_in_dim3A_1038 = vector.broadcast %broadcast_in_dim3A_1037 : i32 to vector<16xi32>
    %add3A_1039 = arith.addi %shift_left3A_1018, %broadcast_in_dim3A_1038 : vector<16xi32>
    %gather3A_1040 = tpu.vector_load_idx %arg6[%add3A_1039] : memref<8000xf32, #tpu.memory_space<vmem>>[vector<16xi32>], vector<16xf32>,
    tpu.vector_store_idx %arg7[%add3A_1024, %broadcast_in_dim3A_1038], %gather3A_1040 : memref<512x128xf32, #tpu.memory_space<vmem>>[vector<16xi32>, vector<16xi32>], vector<16xf32>,
    %broadcast_in_dim3A_1041 = arith.constant 4 : i32
    %broadcast_in_dim3A_1042 = vector.broadcast %broadcast_in_dim3A_1041 : i32 to vector<16xi32>
    %add3A_1043 = arith.addi %shift_left3A_1018, %broadcast_in_dim3A_1042 : vector<16xi32>
    %gather3A_1044 = tpu.vector_load_idx %arg6[%add3A_1043] : memref<8000xf32, #tpu.memory_space<vmem>>[vector<16xi32>], vector<16xf32>,
    tpu.vector_store_idx %arg7[%add3A_1024, %broadcast_in_dim3A_1042], %gather3A_1044 : memref<512x128xf32, #tpu.memory_space<vmem>>[vector<16xi32>, vector<16xi32>], vector<16xf32>,
    %broadcast_in_dim3A_1045 = arith.constant 5 : i32
    %broadcast_in_dim3A_1046 = vector.broadcast %broadcast_in_dim3A_1045 : i32 to vector<16xi32>
    %add3A_1047 = arith.addi %shift_left3A_1018, %broadcast_in_dim3A_1046 : vector<16xi32>
    %gather3A_1048 = tpu.vector_load_idx %arg6[%add3A_1047] : memref<8000xf32, #tpu.memory_space<vmem>>[vector<16xi32>], vector<16xf32>,
    tpu.vector_store_idx %arg7[%add3A_1024, %broadcast_in_dim3A_1046], %gather3A_1048 : memref<512x128xf32, #tpu.memory_space<vmem>>[vector<16xi32>, vector<16xi32>], vector<16xf32>,
    %broadcast_in_dim3A_1049 = arith.constant 6 : i32
    %broadcast_in_dim3A_1050 = vector.broadcast %broadcast_in_dim3A_1049 : i32 to vector<16xi32>
    %add3A_1051 = arith.addi %shift_left3A_1018, %broadcast_in_dim3A_1050 : vector<16xi32>
    %gather3A_1052 = tpu.vector_load_idx %arg6[%add3A_1051] : memref<8000xf32, #tpu.memory_space<vmem>>[vector<16xi32>], vector<16xf32>,
    tpu.vector_store_idx %arg7[%add3A_1024, %broadcast_in_dim3A_1050], %gather3A_1052 : memref<512x128xf32, #tpu.memory_space<vmem>>[vector<16xi32>, vector<16xi32>], vector<16xf32>,
    %broadcast_in_dim3A_1053 = arith.constant 7 : i32
    %broadcast_in_dim3A_1054 = vector.broadcast %broadcast_in_dim3A_1053 : i32 to vector<16xi32>
    %add3A_1055 = arith.addi %shift_left3A_1018, %broadcast_in_dim3A_1054 : vector<16xi32>
    %gather3A_1056 = tpu.vector_load_idx %arg6[%add3A_1055] : memref<8000xf32, #tpu.memory_space<vmem>>[vector<16xi32>], vector<16xf32>,
    tpu.vector_store_idx %arg7[%add3A_1024, %broadcast_in_dim3A_1054], %gather3A_1056 : memref<512x128xf32, #tpu.memory_space<vmem>>[vector<16xi32>, vector<16xi32>], vector<16xf32>,
    %add3A_1057 = arith.constant 256 : i32
    %add3A_1058 = arith.addi %mul3A_2, %add3A_1057 : i32
    %dma_start3A_1059 = arith.constant 256 : i32
    %dma_start3A_1060 = arith.constant 0 : i32
    %dma_start3A_1061 = tpu.memref_slice %arg7[%dma_start3A_1059, %dma_start3A_1060] : memref<512x128xf32, #tpu.memory_space<vmem>> -> memref<128x128xf32, #tpu.memory_space<vmem>>
    %dma_start3A_1062 = arith.constant 0 : i32
    %dma_start3A_1063 = tpu.memref_slice %arg4[%add3A_1058, %dma_start3A_1062] : memref<16384x128xf32, #tpu.memory_space<hbm>> -> memref<128x128xf32, #tpu.memory_space<hbm>>
    %dma_start3A_1064 = arith.constant 0 : i32
    %dma_start3A_1065 = tpu.memref_slice %arg4[%add3A_1058, %dma_start3A_1064] : memref<16384x128xf32, #tpu.memory_space<hbm>> -> memref<128x128xf32, #tpu.memory_space<hbm>>
    %dma_start3A_1066 = arith.constant 256 : i32
    %dma_start3A_1067 = arith.constant 0 : i32
    %dma_start3A_1068 = tpu.memref_slice %arg7[%dma_start3A_1066, %dma_start3A_1067] : memref<512x128xf32, #tpu.memory_space<vmem>> -> memref<128x128xf32, #tpu.memory_space<vmem>>
    tpu.enqueue_dma source(%dma_start3A_1068 : memref<128x128xf32, #tpu.memory_space<vmem>>) target(%dma_start3A_1065 : memref<128x128xf32, #tpu.memory_space<hbm>>) target_semaphore(%arg8 : memref<!tpu.dma_semaphore, #tpu.memory_space<semaphore_mem>>)
    %get3A_1069 = arith.constant 384 : index
    %get3A_1070 = tpu.vector_load %arg5[%get3A_1069] {strides = array<i32>} : memref<512xi32, #tpu.memory_space<vmem>>, vector<16xi32>,
    %shift_left3A_1071 = arith.constant 3 : i32
    %shift_left3A_1072 = vector.broadcast %shift_left3A_1071 : i32 to vector<16xi32>
    %shift_left3A_1073 = arith.shli %get3A_1070, %shift_left3A_1072 : vector<16xi32>
    %add3A_1074 = arith.constant 384 : i32
    %add3A_1075 = vector.broadcast %add3A_1074 : i32 to vector<16xi32>
    %add3A_1076 = arith.addi %iota3A, %add3A_1075 : vector<16xi32>
    %add3A_1077 = arith.constant 0 : i32
    %add3A_1078 = vector.broadcast %add3A_1077 : i32 to vector<16xi32>
    %add3A_1079 = arith.addi %add3A_1076, %add3A_1078 : vector<16xi32>
    %broadcast_in_dim3A_1080 = arith.constant 0 : i32
    %broadcast_in_dim3A_1081 = vector.broadcast %broadcast_in_dim3A_1080 : i32 to vector<16xi32>
    %add3A_1082 = arith.addi %shift_left3A_1073, %broadcast_in_dim3A_1081 : vector<16xi32>
    %gather3A_1083 = tpu.vector_load_idx %arg6[%add3A_1082] : memref<8000xf32, #tpu.memory_space<vmem>>[vector<16xi32>], vector<16xf32>,
    tpu.vector_store_idx %arg7[%add3A_1079, %broadcast_in_dim3A_1081], %gather3A_1083 : memref<512x128xf32, #tpu.memory_space<vmem>>[vector<16xi32>, vector<16xi32>], vector<16xf32>,
    %broadcast_in_dim3A_1084 = arith.constant 1 : i32
    %broadcast_in_dim3A_1085 = vector.broadcast %broadcast_in_dim3A_1084 : i32 to vector<16xi32>
    %add3A_1086 = arith.addi %shift_left3A_1073, %broadcast_in_dim3A_1085 : vector<16xi32>
    %gather3A_1087 = tpu.vector_load_idx %arg6[%add3A_1086] : memref<8000xf32, #tpu.memory_space<vmem>>[vector<16xi32>], vector<16xf32>,
    tpu.vector_store_idx %arg7[%add3A_1079, %broadcast_in_dim3A_1085], %gather3A_1087 : memref<512x128xf32, #tpu.memory_space<vmem>>[vector<16xi32>, vector<16xi32>], vector<16xf32>,
    %broadcast_in_dim3A_1088 = arith.constant 2 : i32
    %broadcast_in_dim3A_1089 = vector.broadcast %broadcast_in_dim3A_1088 : i32 to vector<16xi32>
    %add3A_1090 = arith.addi %shift_left3A_1073, %broadcast_in_dim3A_1089 : vector<16xi32>
    %gather3A_1091 = tpu.vector_load_idx %arg6[%add3A_1090] : memref<8000xf32, #tpu.memory_space<vmem>>[vector<16xi32>], vector<16xf32>,
    tpu.vector_store_idx %arg7[%add3A_1079, %broadcast_in_dim3A_1089], %gather3A_1091 : memref<512x128xf32, #tpu.memory_space<vmem>>[vector<16xi32>, vector<16xi32>], vector<16xf32>,
    %broadcast_in_dim3A_1092 = arith.constant 3 : i32
    %broadcast_in_dim3A_1093 = vector.broadcast %broadcast_in_dim3A_1092 : i32 to vector<16xi32>
    %add3A_1094 = arith.addi %shift_left3A_1073, %broadcast_in_dim3A_1093 : vector<16xi32>
    %gather3A_1095 = tpu.vector_load_idx %arg6[%add3A_1094] : memref<8000xf32, #tpu.memory_space<vmem>>[vector<16xi32>], vector<16xf32>,
    tpu.vector_store_idx %arg7[%add3A_1079, %broadcast_in_dim3A_1093], %gather3A_1095 : memref<512x128xf32, #tpu.memory_space<vmem>>[vector<16xi32>, vector<16xi32>], vector<16xf32>,
    %broadcast_in_dim3A_1096 = arith.constant 4 : i32
    %broadcast_in_dim3A_1097 = vector.broadcast %broadcast_in_dim3A_1096 : i32 to vector<16xi32>
    %add3A_1098 = arith.addi %shift_left3A_1073, %broadcast_in_dim3A_1097 : vector<16xi32>
    %gather3A_1099 = tpu.vector_load_idx %arg6[%add3A_1098] : memref<8000xf32, #tpu.memory_space<vmem>>[vector<16xi32>], vector<16xf32>,
    tpu.vector_store_idx %arg7[%add3A_1079, %broadcast_in_dim3A_1097], %gather3A_1099 : memref<512x128xf32, #tpu.memory_space<vmem>>[vector<16xi32>, vector<16xi32>], vector<16xf32>,
    %broadcast_in_dim3A_1100 = arith.constant 5 : i32
    %broadcast_in_dim3A_1101 = vector.broadcast %broadcast_in_dim3A_1100 : i32 to vector<16xi32>
    %add3A_1102 = arith.addi %shift_left3A_1073, %broadcast_in_dim3A_1101 : vector<16xi32>
    %gather3A_1103 = tpu.vector_load_idx %arg6[%add3A_1102] : memref<8000xf32, #tpu.memory_space<vmem>>[vector<16xi32>], vector<16xf32>,
    tpu.vector_store_idx %arg7[%add3A_1079, %broadcast_in_dim3A_1101], %gather3A_1103 : memref<512x128xf32, #tpu.memory_space<vmem>>[vector<16xi32>, vector<16xi32>], vector<16xf32>,
    %broadcast_in_dim3A_1104 = arith.constant 6 : i32
    %broadcast_in_dim3A_1105 = vector.broadcast %broadcast_in_dim3A_1104 : i32 to vector<16xi32>
    %add3A_1106 = arith.addi %shift_left3A_1073, %broadcast_in_dim3A_1105 : vector<16xi32>
    %gather3A_1107 = tpu.vector_load_idx %arg6[%add3A_1106] : memref<8000xf32, #tpu.memory_space<vmem>>[vector<16xi32>], vector<16xf32>,
    tpu.vector_store_idx %arg7[%add3A_1079, %broadcast_in_dim3A_1105], %gather3A_1107 : memref<512x128xf32, #tpu.memory_space<vmem>>[vector<16xi32>, vector<16xi32>], vector<16xf32>,
    %broadcast_in_dim3A_1108 = arith.constant 7 : i32
    %broadcast_in_dim3A_1109 = vector.broadcast %broadcast_in_dim3A_1108 : i32 to vector<16xi32>
    %add3A_1110 = arith.addi %shift_left3A_1073, %broadcast_in_dim3A_1109 : vector<16xi32>
    %gather3A_1111 = tpu.vector_load_idx %arg6[%add3A_1110] : memref<8000xf32, #tpu.memory_space<vmem>>[vector<16xi32>], vector<16xf32>,
    tpu.vector_store_idx %arg7[%add3A_1079, %broadcast_in_dim3A_1109], %gather3A_1111 : memref<512x128xf32, #tpu.memory_space<vmem>>[vector<16xi32>, vector<16xi32>], vector<16xf32>,
    %get3A_1112 = arith.constant 400 : index
    %get3A_1113 = tpu.vector_load %arg5[%get3A_1112] {strides = array<i32>} : memref<512xi32, #tpu.memory_space<vmem>>, vector<16xi32>,
    %shift_left3A_1114 = arith.constant 3 : i32
    %shift_left3A_1115 = vector.broadcast %shift_left3A_1114 : i32 to vector<16xi32>
    %shift_left3A_1116 = arith.shli %get3A_1113, %shift_left3A_1115 : vector<16xi32>
    %add3A_1117 = arith.constant 384 : i32
    %add3A_1118 = vector.broadcast %add3A_1117 : i32 to vector<16xi32>
    %add3A_1119 = arith.addi %iota3A, %add3A_1118 : vector<16xi32>
    %add3A_1120 = arith.constant 16 : i32
    %add3A_1121 = vector.broadcast %add3A_1120 : i32 to vector<16xi32>
    %add3A_1122 = arith.addi %add3A_1119, %add3A_1121 : vector<16xi32>
    %broadcast_in_dim3A_1123 = arith.constant 0 : i32
    %broadcast_in_dim3A_1124 = vector.broadcast %broadcast_in_dim3A_1123 : i32 to vector<16xi32>
    %add3A_1125 = arith.addi %shift_left3A_1116, %broadcast_in_dim3A_1124 : vector<16xi32>
    %gather3A_1126 = tpu.vector_load_idx %arg6[%add3A_1125] : memref<8000xf32, #tpu.memory_space<vmem>>[vector<16xi32>], vector<16xf32>,
    tpu.vector_store_idx %arg7[%add3A_1122, %broadcast_in_dim3A_1124], %gather3A_1126 : memref<512x128xf32, #tpu.memory_space<vmem>>[vector<16xi32>, vector<16xi32>], vector<16xf32>,
    %broadcast_in_dim3A_1127 = arith.constant 1 : i32
    %broadcast_in_dim3A_1128 = vector.broadcast %broadcast_in_dim3A_1127 : i32 to vector<16xi32>
    %add3A_1129 = arith.addi %shift_left3A_1116, %broadcast_in_dim3A_1128 : vector<16xi32>
    %gather3A_1130 = tpu.vector_load_idx %arg6[%add3A_1129] : memref<8000xf32, #tpu.memory_space<vmem>>[vector<16xi32>], vector<16xf32>,
    tpu.vector_store_idx %arg7[%add3A_1122, %broadcast_in_dim3A_1128], %gather3A_1130 : memref<512x128xf32, #tpu.memory_space<vmem>>[vector<16xi32>, vector<16xi32>], vector<16xf32>,
    %broadcast_in_dim3A_1131 = arith.constant 2 : i32
    %broadcast_in_dim3A_1132 = vector.broadcast %broadcast_in_dim3A_1131 : i32 to vector<16xi32>
    %add3A_1133 = arith.addi %shift_left3A_1116, %broadcast_in_dim3A_1132 : vector<16xi32>
    %gather3A_1134 = tpu.vector_load_idx %arg6[%add3A_1133] : memref<8000xf32, #tpu.memory_space<vmem>>[vector<16xi32>], vector<16xf32>,
    tpu.vector_store_idx %arg7[%add3A_1122, %broadcast_in_dim3A_1132], %gather3A_1134 : memref<512x128xf32, #tpu.memory_space<vmem>>[vector<16xi32>, vector<16xi32>], vector<16xf32>,
    %broadcast_in_dim3A_1135 = arith.constant 3 : i32
    %broadcast_in_dim3A_1136 = vector.broadcast %broadcast_in_dim3A_1135 : i32 to vector<16xi32>
    %add3A_1137 = arith.addi %shift_left3A_1116, %broadcast_in_dim3A_1136 : vector<16xi32>
    %gather3A_1138 = tpu.vector_load_idx %arg6[%add3A_1137] : memref<8000xf32, #tpu.memory_space<vmem>>[vector<16xi32>], vector<16xf32>,
    tpu.vector_store_idx %arg7[%add3A_1122, %broadcast_in_dim3A_1136], %gather3A_1138 : memref<512x128xf32, #tpu.memory_space<vmem>>[vector<16xi32>, vector<16xi32>], vector<16xf32>,
    %broadcast_in_dim3A_1139 = arith.constant 4 : i32
    %broadcast_in_dim3A_1140 = vector.broadcast %broadcast_in_dim3A_1139 : i32 to vector<16xi32>
    %add3A_1141 = arith.addi %shift_left3A_1116, %broadcast_in_dim3A_1140 : vector<16xi32>
    %gather3A_1142 = tpu.vector_load_idx %arg6[%add3A_1141] : memref<8000xf32, #tpu.memory_space<vmem>>[vector<16xi32>], vector<16xf32>,
    tpu.vector_store_idx %arg7[%add3A_1122, %broadcast_in_dim3A_1140], %gather3A_1142 : memref<512x128xf32, #tpu.memory_space<vmem>>[vector<16xi32>, vector<16xi32>], vector<16xf32>,
    %broadcast_in_dim3A_1143 = arith.constant 5 : i32
    %broadcast_in_dim3A_1144 = vector.broadcast %broadcast_in_dim3A_1143 : i32 to vector<16xi32>
    %add3A_1145 = arith.addi %shift_left3A_1116, %broadcast_in_dim3A_1144 : vector<16xi32>
    %gather3A_1146 = tpu.vector_load_idx %arg6[%add3A_1145] : memref<8000xf32, #tpu.memory_space<vmem>>[vector<16xi32>], vector<16xf32>,
    tpu.vector_store_idx %arg7[%add3A_1122, %broadcast_in_dim3A_1144], %gather3A_1146 : memref<512x128xf32, #tpu.memory_space<vmem>>[vector<16xi32>, vector<16xi32>], vector<16xf32>,
    %broadcast_in_dim3A_1147 = arith.constant 6 : i32
    %broadcast_in_dim3A_1148 = vector.broadcast %broadcast_in_dim3A_1147 : i32 to vector<16xi32>
    %add3A_1149 = arith.addi %shift_left3A_1116, %broadcast_in_dim3A_1148 : vector<16xi32>
    %gather3A_1150 = tpu.vector_load_idx %arg6[%add3A_1149] : memref<8000xf32, #tpu.memory_space<vmem>>[vector<16xi32>], vector<16xf32>,
    tpu.vector_store_idx %arg7[%add3A_1122, %broadcast_in_dim3A_1148], %gather3A_1150 : memref<512x128xf32, #tpu.memory_space<vmem>>[vector<16xi32>, vector<16xi32>], vector<16xf32>,
    %broadcast_in_dim3A_1151 = arith.constant 7 : i32
    %broadcast_in_dim3A_1152 = vector.broadcast %broadcast_in_dim3A_1151 : i32 to vector<16xi32>
    %add3A_1153 = arith.addi %shift_left3A_1116, %broadcast_in_dim3A_1152 : vector<16xi32>
    %gather3A_1154 = tpu.vector_load_idx %arg6[%add3A_1153] : memref<8000xf32, #tpu.memory_space<vmem>>[vector<16xi32>], vector<16xf32>,
    tpu.vector_store_idx %arg7[%add3A_1122, %broadcast_in_dim3A_1152], %gather3A_1154 : memref<512x128xf32, #tpu.memory_space<vmem>>[vector<16xi32>, vector<16xi32>], vector<16xf32>,
    %get3A_1155 = arith.constant 416 : index
    %get3A_1156 = tpu.vector_load %arg5[%get3A_1155] {strides = array<i32>} : memref<512xi32, #tpu.memory_space<vmem>>, vector<16xi32>,
    %shift_left3A_1157 = arith.constant 3 : i32
    %shift_left3A_1158 = vector.broadcast %shift_left3A_1157 : i32 to vector<16xi32>
    %shift_left3A_1159 = arith.shli %get3A_1156, %shift_left3A_1158 : vector<16xi32>
    %add3A_1160 = arith.constant 384 : i32
    %add3A_1161 = vector.broadcast %add3A_1160 : i32 to vector<16xi32>
    %add3A_1162 = arith.addi %iota3A, %add3A_1161 : vector<16xi32>
    %add3A_1163 = arith.constant 32 : i32
    %add3A_1164 = vector.broadcast %add3A_1163 : i32 to vector<16xi32>
    %add3A_1165 = arith.addi %add3A_1162, %add3A_1164 : vector<16xi32>
    %broadcast_in_dim3A_1166 = arith.constant 0 : i32
    %broadcast_in_dim3A_1167 = vector.broadcast %broadcast_in_dim3A_1166 : i32 to vector<16xi32>
    %add3A_1168 = arith.addi %shift_left3A_1159, %broadcast_in_dim3A_1167 : vector<16xi32>
    %gather3A_1169 = tpu.vector_load_idx %arg6[%add3A_1168] : memref<8000xf32, #tpu.memory_space<vmem>>[vector<16xi32>], vector<16xf32>,
    tpu.vector_store_idx %arg7[%add3A_1165, %broadcast_in_dim3A_1167], %gather3A_1169 : memref<512x128xf32, #tpu.memory_space<vmem>>[vector<16xi32>, vector<16xi32>], vector<16xf32>,
    %broadcast_in_dim3A_1170 = arith.constant 1 : i32
    %broadcast_in_dim3A_1171 = vector.broadcast %broadcast_in_dim3A_1170 : i32 to vector<16xi32>
    %add3A_1172 = arith.addi %shift_left3A_1159, %broadcast_in_dim3A_1171 : vector<16xi32>
    %gather3A_1173 = tpu.vector_load_idx %arg6[%add3A_1172] : memref<8000xf32, #tpu.memory_space<vmem>>[vector<16xi32>], vector<16xf32>,
    tpu.vector_store_idx %arg7[%add3A_1165, %broadcast_in_dim3A_1171], %gather3A_1173 : memref<512x128xf32, #tpu.memory_space<vmem>>[vector<16xi32>, vector<16xi32>], vector<16xf32>,
    %broadcast_in_dim3A_1174 = arith.constant 2 : i32
    %broadcast_in_dim3A_1175 = vector.broadcast %broadcast_in_dim3A_1174 : i32 to vector<16xi32>
    %add3A_1176 = arith.addi %shift_left3A_1159, %broadcast_in_dim3A_1175 : vector<16xi32>
    %gather3A_1177 = tpu.vector_load_idx %arg6[%add3A_1176] : memref<8000xf32, #tpu.memory_space<vmem>>[vector<16xi32>], vector<16xf32>,
    tpu.vector_store_idx %arg7[%add3A_1165, %broadcast_in_dim3A_1175], %gather3A_1177 : memref<512x128xf32, #tpu.memory_space<vmem>>[vector<16xi32>, vector<16xi32>], vector<16xf32>,
    %broadcast_in_dim3A_1178 = arith.constant 3 : i32
    %broadcast_in_dim3A_1179 = vector.broadcast %broadcast_in_dim3A_1178 : i32 to vector<16xi32>
    %add3A_1180 = arith.addi %shift_left3A_1159, %broadcast_in_dim3A_1179 : vector<16xi32>
    %gather3A_1181 = tpu.vector_load_idx %arg6[%add3A_1180] : memref<8000xf32, #tpu.memory_space<vmem>>[vector<16xi32>], vector<16xf32>,
    tpu.vector_store_idx %arg7[%add3A_1165, %broadcast_in_dim3A_1179], %gather3A_1181 : memref<512x128xf32, #tpu.memory_space<vmem>>[vector<16xi32>, vector<16xi32>], vector<16xf32>,
    %broadcast_in_dim3A_1182 = arith.constant 4 : i32
    %broadcast_in_dim3A_1183 = vector.broadcast %broadcast_in_dim3A_1182 : i32 to vector<16xi32>
    %add3A_1184 = arith.addi %shift_left3A_1159, %broadcast_in_dim3A_1183 : vector<16xi32>
    %gather3A_1185 = tpu.vector_load_idx %arg6[%add3A_1184] : memref<8000xf32, #tpu.memory_space<vmem>>[vector<16xi32>], vector<16xf32>,
    tpu.vector_store_idx %arg7[%add3A_1165, %broadcast_in_dim3A_1183], %gather3A_1185 : memref<512x128xf32, #tpu.memory_space<vmem>>[vector<16xi32>, vector<16xi32>], vector<16xf32>,
    %broadcast_in_dim3A_1186 = arith.constant 5 : i32
    %broadcast_in_dim3A_1187 = vector.broadcast %broadcast_in_dim3A_1186 : i32 to vector<16xi32>
    %add3A_1188 = arith.addi %shift_left3A_1159, %broadcast_in_dim3A_1187 : vector<16xi32>
    %gather3A_1189 = tpu.vector_load_idx %arg6[%add3A_1188] : memref<8000xf32, #tpu.memory_space<vmem>>[vector<16xi32>], vector<16xf32>,
    tpu.vector_store_idx %arg7[%add3A_1165, %broadcast_in_dim3A_1187], %gather3A_1189 : memref<512x128xf32, #tpu.memory_space<vmem>>[vector<16xi32>, vector<16xi32>], vector<16xf32>,
    %broadcast_in_dim3A_1190 = arith.constant 6 : i32
    %broadcast_in_dim3A_1191 = vector.broadcast %broadcast_in_dim3A_1190 : i32 to vector<16xi32>
    %add3A_1192 = arith.addi %shift_left3A_1159, %broadcast_in_dim3A_1191 : vector<16xi32>
    %gather3A_1193 = tpu.vector_load_idx %arg6[%add3A_1192] : memref<8000xf32, #tpu.memory_space<vmem>>[vector<16xi32>], vector<16xf32>,
    tpu.vector_store_idx %arg7[%add3A_1165, %broadcast_in_dim3A_1191], %gather3A_1193 : memref<512x128xf32, #tpu.memory_space<vmem>>[vector<16xi32>, vector<16xi32>], vector<16xf32>,
    %broadcast_in_dim3A_1194 = arith.constant 7 : i32
    %broadcast_in_dim3A_1195 = vector.broadcast %broadcast_in_dim3A_1194 : i32 to vector<16xi32>
    %add3A_1196 = arith.addi %shift_left3A_1159, %broadcast_in_dim3A_1195 : vector<16xi32>
    %gather3A_1197 = tpu.vector_load_idx %arg6[%add3A_1196] : memref<8000xf32, #tpu.memory_space<vmem>>[vector<16xi32>], vector<16xf32>,
    tpu.vector_store_idx %arg7[%add3A_1165, %broadcast_in_dim3A_1195], %gather3A_1197 : memref<512x128xf32, #tpu.memory_space<vmem>>[vector<16xi32>, vector<16xi32>], vector<16xf32>,
    %get3A_1198 = arith.constant 432 : index
    %get3A_1199 = tpu.vector_load %arg5[%get3A_1198] {strides = array<i32>} : memref<512xi32, #tpu.memory_space<vmem>>, vector<16xi32>,
    %shift_left3A_1200 = arith.constant 3 : i32
    %shift_left3A_1201 = vector.broadcast %shift_left3A_1200 : i32 to vector<16xi32>
    %shift_left3A_1202 = arith.shli %get3A_1199, %shift_left3A_1201 : vector<16xi32>
    %add3A_1203 = arith.constant 384 : i32
    %add3A_1204 = vector.broadcast %add3A_1203 : i32 to vector<16xi32>
    %add3A_1205 = arith.addi %iota3A, %add3A_1204 : vector<16xi32>
    %add3A_1206 = arith.constant 48 : i32
    %add3A_1207 = vector.broadcast %add3A_1206 : i32 to vector<16xi32>
    %add3A_1208 = arith.addi %add3A_1205, %add3A_1207 : vector<16xi32>
    %broadcast_in_dim3A_1209 = arith.constant 0 : i32
    %broadcast_in_dim3A_1210 = vector.broadcast %broadcast_in_dim3A_1209 : i32 to vector<16xi32>
    %add3A_1211 = arith.addi %shift_left3A_1202, %broadcast_in_dim3A_1210 : vector<16xi32>
    %gather3A_1212 = tpu.vector_load_idx %arg6[%add3A_1211] : memref<8000xf32, #tpu.memory_space<vmem>>[vector<16xi32>], vector<16xf32>,
    tpu.vector_store_idx %arg7[%add3A_1208, %broadcast_in_dim3A_1210], %gather3A_1212 : memref<512x128xf32, #tpu.memory_space<vmem>>[vector<16xi32>, vector<16xi32>], vector<16xf32>,
    %broadcast_in_dim3A_1213 = arith.constant 1 : i32
    %broadcast_in_dim3A_1214 = vector.broadcast %broadcast_in_dim3A_1213 : i32 to vector<16xi32>
    %add3A_1215 = arith.addi %shift_left3A_1202, %broadcast_in_dim3A_1214 : vector<16xi32>
    %gather3A_1216 = tpu.vector_load_idx %arg6[%add3A_1215] : memref<8000xf32, #tpu.memory_space<vmem>>[vector<16xi32>], vector<16xf32>,
    tpu.vector_store_idx %arg7[%add3A_1208, %broadcast_in_dim3A_1214], %gather3A_1216 : memref<512x128xf32, #tpu.memory_space<vmem>>[vector<16xi32>, vector<16xi32>], vector<16xf32>,
    %broadcast_in_dim3A_1217 = arith.constant 2 : i32
    %broadcast_in_dim3A_1218 = vector.broadcast %broadcast_in_dim3A_1217 : i32 to vector<16xi32>
    %add3A_1219 = arith.addi %shift_left3A_1202, %broadcast_in_dim3A_1218 : vector<16xi32>
    %gather3A_1220 = tpu.vector_load_idx %arg6[%add3A_1219] : memref<8000xf32, #tpu.memory_space<vmem>>[vector<16xi32>], vector<16xf32>,
    tpu.vector_store_idx %arg7[%add3A_1208, %broadcast_in_dim3A_1218], %gather3A_1220 : memref<512x128xf32, #tpu.memory_space<vmem>>[vector<16xi32>, vector<16xi32>], vector<16xf32>,
    %broadcast_in_dim3A_1221 = arith.constant 3 : i32
    %broadcast_in_dim3A_1222 = vector.broadcast %broadcast_in_dim3A_1221 : i32 to vector<16xi32>
    %add3A_1223 = arith.addi %shift_left3A_1202, %broadcast_in_dim3A_1222 : vector<16xi32>
    %gather3A_1224 = tpu.vector_load_idx %arg6[%add3A_1223] : memref<8000xf32, #tpu.memory_space<vmem>>[vector<16xi32>], vector<16xf32>,
    tpu.vector_store_idx %arg7[%add3A_1208, %broadcast_in_dim3A_1222], %gather3A_1224 : memref<512x128xf32, #tpu.memory_space<vmem>>[vector<16xi32>, vector<16xi32>], vector<16xf32>,
    %broadcast_in_dim3A_1225 = arith.constant 4 : i32
    %broadcast_in_dim3A_1226 = vector.broadcast %broadcast_in_dim3A_1225 : i32 to vector<16xi32>
    %add3A_1227 = arith.addi %shift_left3A_1202, %broadcast_in_dim3A_1226 : vector<16xi32>
    %gather3A_1228 = tpu.vector_load_idx %arg6[%add3A_1227] : memref<8000xf32, #tpu.memory_space<vmem>>[vector<16xi32>], vector<16xf32>,
    tpu.vector_store_idx %arg7[%add3A_1208, %broadcast_in_dim3A_1226], %gather3A_1228 : memref<512x128xf32, #tpu.memory_space<vmem>>[vector<16xi32>, vector<16xi32>], vector<16xf32>,
    %broadcast_in_dim3A_1229 = arith.constant 5 : i32
    %broadcast_in_dim3A_1230 = vector.broadcast %broadcast_in_dim3A_1229 : i32 to vector<16xi32>
    %add3A_1231 = arith.addi %shift_left3A_1202, %broadcast_in_dim3A_1230 : vector<16xi32>
    %gather3A_1232 = tpu.vector_load_idx %arg6[%add3A_1231] : memref<8000xf32, #tpu.memory_space<vmem>>[vector<16xi32>], vector<16xf32>,
    tpu.vector_store_idx %arg7[%add3A_1208, %broadcast_in_dim3A_1230], %gather3A_1232 : memref<512x128xf32, #tpu.memory_space<vmem>>[vector<16xi32>, vector<16xi32>], vector<16xf32>,
    %broadcast_in_dim3A_1233 = arith.constant 6 : i32
    %broadcast_in_dim3A_1234 = vector.broadcast %broadcast_in_dim3A_1233 : i32 to vector<16xi32>
    %add3A_1235 = arith.addi %shift_left3A_1202, %broadcast_in_dim3A_1234 : vector<16xi32>
    %gather3A_1236 = tpu.vector_load_idx %arg6[%add3A_1235] : memref<8000xf32, #tpu.memory_space<vmem>>[vector<16xi32>], vector<16xf32>,
    tpu.vector_store_idx %arg7[%add3A_1208, %broadcast_in_dim3A_1234], %gather3A_1236 : memref<512x128xf32, #tpu.memory_space<vmem>>[vector<16xi32>, vector<16xi32>], vector<16xf32>,
    %broadcast_in_dim3A_1237 = arith.constant 7 : i32
    %broadcast_in_dim3A_1238 = vector.broadcast %broadcast_in_dim3A_1237 : i32 to vector<16xi32>
    %add3A_1239 = arith.addi %shift_left3A_1202, %broadcast_in_dim3A_1238 : vector<16xi32>
    %gather3A_1240 = tpu.vector_load_idx %arg6[%add3A_1239] : memref<8000xf32, #tpu.memory_space<vmem>>[vector<16xi32>], vector<16xf32>,
    tpu.vector_store_idx %arg7[%add3A_1208, %broadcast_in_dim3A_1238], %gather3A_1240 : memref<512x128xf32, #tpu.memory_space<vmem>>[vector<16xi32>, vector<16xi32>], vector<16xf32>,
    %get3A_1241 = arith.constant 448 : index
    %get3A_1242 = tpu.vector_load %arg5[%get3A_1241] {strides = array<i32>} : memref<512xi32, #tpu.memory_space<vmem>>, vector<16xi32>,
    %shift_left3A_1243 = arith.constant 3 : i32
    %shift_left3A_1244 = vector.broadcast %shift_left3A_1243 : i32 to vector<16xi32>
    %shift_left3A_1245 = arith.shli %get3A_1242, %shift_left3A_1244 : vector<16xi32>
    %add3A_1246 = arith.constant 384 : i32
    %add3A_1247 = vector.broadcast %add3A_1246 : i32 to vector<16xi32>
    %add3A_1248 = arith.addi %iota3A, %add3A_1247 : vector<16xi32>
    %add3A_1249 = arith.constant 64 : i32
    %add3A_1250 = vector.broadcast %add3A_1249 : i32 to vector<16xi32>
    %add3A_1251 = arith.addi %add3A_1248, %add3A_1250 : vector<16xi32>
    %broadcast_in_dim3A_1252 = arith.constant 0 : i32
    %broadcast_in_dim3A_1253 = vector.broadcast %broadcast_in_dim3A_1252 : i32 to vector<16xi32>
    %add3A_1254 = arith.addi %shift_left3A_1245, %broadcast_in_dim3A_1253 : vector<16xi32>
    %gather3A_1255 = tpu.vector_load_idx %arg6[%add3A_1254] : memref<8000xf32, #tpu.memory_space<vmem>>[vector<16xi32>], vector<16xf32>,
    tpu.vector_store_idx %arg7[%add3A_1251, %broadcast_in_dim3A_1253], %gather3A_1255 : memref<512x128xf32, #tpu.memory_space<vmem>>[vector<16xi32>, vector<16xi32>], vector<16xf32>,
    %broadcast_in_dim3A_1256 = arith.constant 1 : i32
    %broadcast_in_dim3A_1257 = vector.broadcast %broadcast_in_dim3A_1256 : i32 to vector<16xi32>
    %add3A_1258 = arith.addi %shift_left3A_1245, %broadcast_in_dim3A_1257 : vector<16xi32>
    %gather3A_1259 = tpu.vector_load_idx %arg6[%add3A_1258] : memref<8000xf32, #tpu.memory_space<vmem>>[vector<16xi32>], vector<16xf32>,
    tpu.vector_store_idx %arg7[%add3A_1251, %broadcast_in_dim3A_1257], %gather3A_1259 : memref<512x128xf32, #tpu.memory_space<vmem>>[vector<16xi32>, vector<16xi32>], vector<16xf32>,
    %broadcast_in_dim3A_1260 = arith.constant 2 : i32
    %broadcast_in_dim3A_1261 = vector.broadcast %broadcast_in_dim3A_1260 : i32 to vector<16xi32>
    %add3A_1262 = arith.addi %shift_left3A_1245, %broadcast_in_dim3A_1261 : vector<16xi32>
    %gather3A_1263 = tpu.vector_load_idx %arg6[%add3A_1262] : memref<8000xf32, #tpu.memory_space<vmem>>[vector<16xi32>], vector<16xf32>,
    tpu.vector_store_idx %arg7[%add3A_1251, %broadcast_in_dim3A_1261], %gather3A_1263 : memref<512x128xf32, #tpu.memory_space<vmem>>[vector<16xi32>, vector<16xi32>], vector<16xf32>,
    %broadcast_in_dim3A_1264 = arith.constant 3 : i32
    %broadcast_in_dim3A_1265 = vector.broadcast %broadcast_in_dim3A_1264 : i32 to vector<16xi32>
    %add3A_1266 = arith.addi %shift_left3A_1245, %broadcast_in_dim3A_1265 : vector<16xi32>
    %gather3A_1267 = tpu.vector_load_idx %arg6[%add3A_1266] : memref<8000xf32, #tpu.memory_space<vmem>>[vector<16xi32>], vector<16xf32>,
    tpu.vector_store_idx %arg7[%add3A_1251, %broadcast_in_dim3A_1265], %gather3A_1267 : memref<512x128xf32, #tpu.memory_space<vmem>>[vector<16xi32>, vector<16xi32>], vector<16xf32>,
    %broadcast_in_dim3A_1268 = arith.constant 4 : i32
    %broadcast_in_dim3A_1269 = vector.broadcast %broadcast_in_dim3A_1268 : i32 to vector<16xi32>
    %add3A_1270 = arith.addi %shift_left3A_1245, %broadcast_in_dim3A_1269 : vector<16xi32>
    %gather3A_1271 = tpu.vector_load_idx %arg6[%add3A_1270] : memref<8000xf32, #tpu.memory_space<vmem>>[vector<16xi32>], vector<16xf32>,
    tpu.vector_store_idx %arg7[%add3A_1251, %broadcast_in_dim3A_1269], %gather3A_1271 : memref<512x128xf32, #tpu.memory_space<vmem>>[vector<16xi32>, vector<16xi32>], vector<16xf32>,
    %broadcast_in_dim3A_1272 = arith.constant 5 : i32
    %broadcast_in_dim3A_1273 = vector.broadcast %broadcast_in_dim3A_1272 : i32 to vector<16xi32>
    %add3A_1274 = arith.addi %shift_left3A_1245, %broadcast_in_dim3A_1273 : vector<16xi32>
    %gather3A_1275 = tpu.vector_load_idx %arg6[%add3A_1274] : memref<8000xf32, #tpu.memory_space<vmem>>[vector<16xi32>], vector<16xf32>,
    tpu.vector_store_idx %arg7[%add3A_1251, %broadcast_in_dim3A_1273], %gather3A_1275 : memref<512x128xf32, #tpu.memory_space<vmem>>[vector<16xi32>, vector<16xi32>], vector<16xf32>,
    %broadcast_in_dim3A_1276 = arith.constant 6 : i32
    %broadcast_in_dim3A_1277 = vector.broadcast %broadcast_in_dim3A_1276 : i32 to vector<16xi32>
    %add3A_1278 = arith.addi %shift_left3A_1245, %broadcast_in_dim3A_1277 : vector<16xi32>
    %gather3A_1279 = tpu.vector_load_idx %arg6[%add3A_1278] : memref<8000xf32, #tpu.memory_space<vmem>>[vector<16xi32>], vector<16xf32>,
    tpu.vector_store_idx %arg7[%add3A_1251, %broadcast_in_dim3A_1277], %gather3A_1279 : memref<512x128xf32, #tpu.memory_space<vmem>>[vector<16xi32>, vector<16xi32>], vector<16xf32>,
    %broadcast_in_dim3A_1280 = arith.constant 7 : i32
    %broadcast_in_dim3A_1281 = vector.broadcast %broadcast_in_dim3A_1280 : i32 to vector<16xi32>
    %add3A_1282 = arith.addi %shift_left3A_1245, %broadcast_in_dim3A_1281 : vector<16xi32>
    %gather3A_1283 = tpu.vector_load_idx %arg6[%add3A_1282] : memref<8000xf32, #tpu.memory_space<vmem>>[vector<16xi32>], vector<16xf32>,
    tpu.vector_store_idx %arg7[%add3A_1251, %broadcast_in_dim3A_1281], %gather3A_1283 : memref<512x128xf32, #tpu.memory_space<vmem>>[vector<16xi32>, vector<16xi32>], vector<16xf32>,
    %get3A_1284 = arith.constant 464 : index
    %get3A_1285 = tpu.vector_load %arg5[%get3A_1284] {strides = array<i32>} : memref<512xi32, #tpu.memory_space<vmem>>, vector<16xi32>,
    %shift_left3A_1286 = arith.constant 3 : i32
    %shift_left3A_1287 = vector.broadcast %shift_left3A_1286 : i32 to vector<16xi32>
    %shift_left3A_1288 = arith.shli %get3A_1285, %shift_left3A_1287 : vector<16xi32>
    %add3A_1289 = arith.constant 384 : i32
    %add3A_1290 = vector.broadcast %add3A_1289 : i32 to vector<16xi32>
    %add3A_1291 = arith.addi %iota3A, %add3A_1290 : vector<16xi32>
    %add3A_1292 = arith.constant 80 : i32
    %add3A_1293 = vector.broadcast %add3A_1292 : i32 to vector<16xi32>
    %add3A_1294 = arith.addi %add3A_1291, %add3A_1293 : vector<16xi32>
    %broadcast_in_dim3A_1295 = arith.constant 0 : i32
    %broadcast_in_dim3A_1296 = vector.broadcast %broadcast_in_dim3A_1295 : i32 to vector<16xi32>
    %add3A_1297 = arith.addi %shift_left3A_1288, %broadcast_in_dim3A_1296 : vector<16xi32>
    %gather3A_1298 = tpu.vector_load_idx %arg6[%add3A_1297] : memref<8000xf32, #tpu.memory_space<vmem>>[vector<16xi32>], vector<16xf32>,
    tpu.vector_store_idx %arg7[%add3A_1294, %broadcast_in_dim3A_1296], %gather3A_1298 : memref<512x128xf32, #tpu.memory_space<vmem>>[vector<16xi32>, vector<16xi32>], vector<16xf32>,
    %broadcast_in_dim3A_1299 = arith.constant 1 : i32
    %broadcast_in_dim3A_1300 = vector.broadcast %broadcast_in_dim3A_1299 : i32 to vector<16xi32>
    %add3A_1301 = arith.addi %shift_left3A_1288, %broadcast_in_dim3A_1300 : vector<16xi32>
    %gather3A_1302 = tpu.vector_load_idx %arg6[%add3A_1301] : memref<8000xf32, #tpu.memory_space<vmem>>[vector<16xi32>], vector<16xf32>,
    tpu.vector_store_idx %arg7[%add3A_1294, %broadcast_in_dim3A_1300], %gather3A_1302 : memref<512x128xf32, #tpu.memory_space<vmem>>[vector<16xi32>, vector<16xi32>], vector<16xf32>,
    %broadcast_in_dim3A_1303 = arith.constant 2 : i32
    %broadcast_in_dim3A_1304 = vector.broadcast %broadcast_in_dim3A_1303 : i32 to vector<16xi32>
    %add3A_1305 = arith.addi %shift_left3A_1288, %broadcast_in_dim3A_1304 : vector<16xi32>
    %gather3A_1306 = tpu.vector_load_idx %arg6[%add3A_1305] : memref<8000xf32, #tpu.memory_space<vmem>>[vector<16xi32>], vector<16xf32>,
    tpu.vector_store_idx %arg7[%add3A_1294, %broadcast_in_dim3A_1304], %gather3A_1306 : memref<512x128xf32, #tpu.memory_space<vmem>>[vector<16xi32>, vector<16xi32>], vector<16xf32>,
    %broadcast_in_dim3A_1307 = arith.constant 3 : i32
    %broadcast_in_dim3A_1308 = vector.broadcast %broadcast_in_dim3A_1307 : i32 to vector<16xi32>
    %add3A_1309 = arith.addi %shift_left3A_1288, %broadcast_in_dim3A_1308 : vector<16xi32>
    %gather3A_1310 = tpu.vector_load_idx %arg6[%add3A_1309] : memref<8000xf32, #tpu.memory_space<vmem>>[vector<16xi32>], vector<16xf32>,
    tpu.vector_store_idx %arg7[%add3A_1294, %broadcast_in_dim3A_1308], %gather3A_1310 : memref<512x128xf32, #tpu.memory_space<vmem>>[vector<16xi32>, vector<16xi32>], vector<16xf32>,
    %broadcast_in_dim3A_1311 = arith.constant 4 : i32
    %broadcast_in_dim3A_1312 = vector.broadcast %broadcast_in_dim3A_1311 : i32 to vector<16xi32>
    %add3A_1313 = arith.addi %shift_left3A_1288, %broadcast_in_dim3A_1312 : vector<16xi32>
    %gather3A_1314 = tpu.vector_load_idx %arg6[%add3A_1313] : memref<8000xf32, #tpu.memory_space<vmem>>[vector<16xi32>], vector<16xf32>,
    tpu.vector_store_idx %arg7[%add3A_1294, %broadcast_in_dim3A_1312], %gather3A_1314 : memref<512x128xf32, #tpu.memory_space<vmem>>[vector<16xi32>, vector<16xi32>], vector<16xf32>,
    %broadcast_in_dim3A_1315 = arith.constant 5 : i32
    %broadcast_in_dim3A_1316 = vector.broadcast %broadcast_in_dim3A_1315 : i32 to vector<16xi32>
    %add3A_1317 = arith.addi %shift_left3A_1288, %broadcast_in_dim3A_1316 : vector<16xi32>
    %gather3A_1318 = tpu.vector_load_idx %arg6[%add3A_1317] : memref<8000xf32, #tpu.memory_space<vmem>>[vector<16xi32>], vector<16xf32>,
    tpu.vector_store_idx %arg7[%add3A_1294, %broadcast_in_dim3A_1316], %gather3A_1318 : memref<512x128xf32, #tpu.memory_space<vmem>>[vector<16xi32>, vector<16xi32>], vector<16xf32>,
    %broadcast_in_dim3A_1319 = arith.constant 6 : i32
    %broadcast_in_dim3A_1320 = vector.broadcast %broadcast_in_dim3A_1319 : i32 to vector<16xi32>
    %add3A_1321 = arith.addi %shift_left3A_1288, %broadcast_in_dim3A_1320 : vector<16xi32>
    %gather3A_1322 = tpu.vector_load_idx %arg6[%add3A_1321] : memref<8000xf32, #tpu.memory_space<vmem>>[vector<16xi32>], vector<16xf32>,
    tpu.vector_store_idx %arg7[%add3A_1294, %broadcast_in_dim3A_1320], %gather3A_1322 : memref<512x128xf32, #tpu.memory_space<vmem>>[vector<16xi32>, vector<16xi32>], vector<16xf32>,
    %broadcast_in_dim3A_1323 = arith.constant 7 : i32
    %broadcast_in_dim3A_1324 = vector.broadcast %broadcast_in_dim3A_1323 : i32 to vector<16xi32>
    %add3A_1325 = arith.addi %shift_left3A_1288, %broadcast_in_dim3A_1324 : vector<16xi32>
    %gather3A_1326 = tpu.vector_load_idx %arg6[%add3A_1325] : memref<8000xf32, #tpu.memory_space<vmem>>[vector<16xi32>], vector<16xf32>,
    tpu.vector_store_idx %arg7[%add3A_1294, %broadcast_in_dim3A_1324], %gather3A_1326 : memref<512x128xf32, #tpu.memory_space<vmem>>[vector<16xi32>, vector<16xi32>], vector<16xf32>,
    %get3A_1327 = arith.constant 480 : index
    %get3A_1328 = tpu.vector_load %arg5[%get3A_1327] {strides = array<i32>} : memref<512xi32, #tpu.memory_space<vmem>>, vector<16xi32>,
    %shift_left3A_1329 = arith.constant 3 : i32
    %shift_left3A_1330 = vector.broadcast %shift_left3A_1329 : i32 to vector<16xi32>
    %shift_left3A_1331 = arith.shli %get3A_1328, %shift_left3A_1330 : vector<16xi32>
    %add3A_1332 = arith.constant 384 : i32
    %add3A_1333 = vector.broadcast %add3A_1332 : i32 to vector<16xi32>
    %add3A_1334 = arith.addi %iota3A, %add3A_1333 : vector<16xi32>
    %add3A_1335 = arith.constant 96 : i32
    %add3A_1336 = vector.broadcast %add3A_1335 : i32 to vector<16xi32>
    %add3A_1337 = arith.addi %add3A_1334, %add3A_1336 : vector<16xi32>
    %broadcast_in_dim3A_1338 = arith.constant 0 : i32
    %broadcast_in_dim3A_1339 = vector.broadcast %broadcast_in_dim3A_1338 : i32 to vector<16xi32>
    %add3A_1340 = arith.addi %shift_left3A_1331, %broadcast_in_dim3A_1339 : vector<16xi32>
    %gather3A_1341 = tpu.vector_load_idx %arg6[%add3A_1340] : memref<8000xf32, #tpu.memory_space<vmem>>[vector<16xi32>], vector<16xf32>,
    tpu.vector_store_idx %arg7[%add3A_1337, %broadcast_in_dim3A_1339], %gather3A_1341 : memref<512x128xf32, #tpu.memory_space<vmem>>[vector<16xi32>, vector<16xi32>], vector<16xf32>,
    %broadcast_in_dim3A_1342 = arith.constant 1 : i32
    %broadcast_in_dim3A_1343 = vector.broadcast %broadcast_in_dim3A_1342 : i32 to vector<16xi32>
    %add3A_1344 = arith.addi %shift_left3A_1331, %broadcast_in_dim3A_1343 : vector<16xi32>
    %gather3A_1345 = tpu.vector_load_idx %arg6[%add3A_1344] : memref<8000xf32, #tpu.memory_space<vmem>>[vector<16xi32>], vector<16xf32>,
    tpu.vector_store_idx %arg7[%add3A_1337, %broadcast_in_dim3A_1343], %gather3A_1345 : memref<512x128xf32, #tpu.memory_space<vmem>>[vector<16xi32>, vector<16xi32>], vector<16xf32>,
    %broadcast_in_dim3A_1346 = arith.constant 2 : i32
    %broadcast_in_dim3A_1347 = vector.broadcast %broadcast_in_dim3A_1346 : i32 to vector<16xi32>
    %add3A_1348 = arith.addi %shift_left3A_1331, %broadcast_in_dim3A_1347 : vector<16xi32>
    %gather3A_1349 = tpu.vector_load_idx %arg6[%add3A_1348] : memref<8000xf32, #tpu.memory_space<vmem>>[vector<16xi32>], vector<16xf32>,
    tpu.vector_store_idx %arg7[%add3A_1337, %broadcast_in_dim3A_1347], %gather3A_1349 : memref<512x128xf32, #tpu.memory_space<vmem>>[vector<16xi32>, vector<16xi32>], vector<16xf32>,
    %broadcast_in_dim3A_1350 = arith.constant 3 : i32
    %broadcast_in_dim3A_1351 = vector.broadcast %broadcast_in_dim3A_1350 : i32 to vector<16xi32>
    %add3A_1352 = arith.addi %shift_left3A_1331, %broadcast_in_dim3A_1351 : vector<16xi32>
    %gather3A_1353 = tpu.vector_load_idx %arg6[%add3A_1352] : memref<8000xf32, #tpu.memory_space<vmem>>[vector<16xi32>], vector<16xf32>,
    tpu.vector_store_idx %arg7[%add3A_1337, %broadcast_in_dim3A_1351], %gather3A_1353 : memref<512x128xf32, #tpu.memory_space<vmem>>[vector<16xi32>, vector<16xi32>], vector<16xf32>,
    %broadcast_in_dim3A_1354 = arith.constant 4 : i32
    %broadcast_in_dim3A_1355 = vector.broadcast %broadcast_in_dim3A_1354 : i32 to vector<16xi32>
    %add3A_1356 = arith.addi %shift_left3A_1331, %broadcast_in_dim3A_1355 : vector<16xi32>
    %gather3A_1357 = tpu.vector_load_idx %arg6[%add3A_1356] : memref<8000xf32, #tpu.memory_space<vmem>>[vector<16xi32>], vector<16xf32>,
    tpu.vector_store_idx %arg7[%add3A_1337, %broadcast_in_dim3A_1355], %gather3A_1357 : memref<512x128xf32, #tpu.memory_space<vmem>>[vector<16xi32>, vector<16xi32>], vector<16xf32>,
    %broadcast_in_dim3A_1358 = arith.constant 5 : i32
    %broadcast_in_dim3A_1359 = vector.broadcast %broadcast_in_dim3A_1358 : i32 to vector<16xi32>
    %add3A_1360 = arith.addi %shift_left3A_1331, %broadcast_in_dim3A_1359 : vector<16xi32>
    %gather3A_1361 = tpu.vector_load_idx %arg6[%add3A_1360] : memref<8000xf32, #tpu.memory_space<vmem>>[vector<16xi32>], vector<16xf32>,
    tpu.vector_store_idx %arg7[%add3A_1337, %broadcast_in_dim3A_1359], %gather3A_1361 : memref<512x128xf32, #tpu.memory_space<vmem>>[vector<16xi32>, vector<16xi32>], vector<16xf32>,
    %broadcast_in_dim3A_1362 = arith.constant 6 : i32
    %broadcast_in_dim3A_1363 = vector.broadcast %broadcast_in_dim3A_1362 : i32 to vector<16xi32>
    %add3A_1364 = arith.addi %shift_left3A_1331, %broadcast_in_dim3A_1363 : vector<16xi32>
    %gather3A_1365 = tpu.vector_load_idx %arg6[%add3A_1364] : memref<8000xf32, #tpu.memory_space<vmem>>[vector<16xi32>], vector<16xf32>,
    tpu.vector_store_idx %arg7[%add3A_1337, %broadcast_in_dim3A_1363], %gather3A_1365 : memref<512x128xf32, #tpu.memory_space<vmem>>[vector<16xi32>, vector<16xi32>], vector<16xf32>,
    %broadcast_in_dim3A_1366 = arith.constant 7 : i32
    %broadcast_in_dim3A_1367 = vector.broadcast %broadcast_in_dim3A_1366 : i32 to vector<16xi32>
    %add3A_1368 = arith.addi %shift_left3A_1331, %broadcast_in_dim3A_1367 : vector<16xi32>
    %gather3A_1369 = tpu.vector_load_idx %arg6[%add3A_1368] : memref<8000xf32, #tpu.memory_space<vmem>>[vector<16xi32>], vector<16xf32>,
    tpu.vector_store_idx %arg7[%add3A_1337, %broadcast_in_dim3A_1367], %gather3A_1369 : memref<512x128xf32, #tpu.memory_space<vmem>>[vector<16xi32>, vector<16xi32>], vector<16xf32>,
    %get3A_1370 = arith.constant 496 : index
    %get3A_1371 = tpu.vector_load %arg5[%get3A_1370] {strides = array<i32>} : memref<512xi32, #tpu.memory_space<vmem>>, vector<16xi32>,
    %shift_left3A_1372 = arith.constant 3 : i32
    %shift_left3A_1373 = vector.broadcast %shift_left3A_1372 : i32 to vector<16xi32>
    %shift_left3A_1374 = arith.shli %get3A_1371, %shift_left3A_1373 : vector<16xi32>
    %add3A_1375 = arith.constant 384 : i32
    %add3A_1376 = vector.broadcast %add3A_1375 : i32 to vector<16xi32>
    %add3A_1377 = arith.addi %iota3A, %add3A_1376 : vector<16xi32>
    %add3A_1378 = arith.constant 112 : i32
    %add3A_1379 = vector.broadcast %add3A_1378 : i32 to vector<16xi32>
    %add3A_1380 = arith.addi %add3A_1377, %add3A_1379 : vector<16xi32>
    %broadcast_in_dim3A_1381 = arith.constant 0 : i32
    %broadcast_in_dim3A_1382 = vector.broadcast %broadcast_in_dim3A_1381 : i32 to vector<16xi32>
    %add3A_1383 = arith.addi %shift_left3A_1374, %broadcast_in_dim3A_1382 : vector<16xi32>
    %gather3A_1384 = tpu.vector_load_idx %arg6[%add3A_1383] : memref<8000xf32, #tpu.memory_space<vmem>>[vector<16xi32>], vector<16xf32>,
    tpu.vector_store_idx %arg7[%add3A_1380, %broadcast_in_dim3A_1382], %gather3A_1384 : memref<512x128xf32, #tpu.memory_space<vmem>>[vector<16xi32>, vector<16xi32>], vector<16xf32>,
    %broadcast_in_dim3A_1385 = arith.constant 1 : i32
    %broadcast_in_dim3A_1386 = vector.broadcast %broadcast_in_dim3A_1385 : i32 to vector<16xi32>
    %add3A_1387 = arith.addi %shift_left3A_1374, %broadcast_in_dim3A_1386 : vector<16xi32>
    %gather3A_1388 = tpu.vector_load_idx %arg6[%add3A_1387] : memref<8000xf32, #tpu.memory_space<vmem>>[vector<16xi32>], vector<16xf32>,
    tpu.vector_store_idx %arg7[%add3A_1380, %broadcast_in_dim3A_1386], %gather3A_1388 : memref<512x128xf32, #tpu.memory_space<vmem>>[vector<16xi32>, vector<16xi32>], vector<16xf32>,
    %broadcast_in_dim3A_1389 = arith.constant 2 : i32
    %broadcast_in_dim3A_1390 = vector.broadcast %broadcast_in_dim3A_1389 : i32 to vector<16xi32>
    %add3A_1391 = arith.addi %shift_left3A_1374, %broadcast_in_dim3A_1390 : vector<16xi32>
    %gather3A_1392 = tpu.vector_load_idx %arg6[%add3A_1391] : memref<8000xf32, #tpu.memory_space<vmem>>[vector<16xi32>], vector<16xf32>,
    tpu.vector_store_idx %arg7[%add3A_1380, %broadcast_in_dim3A_1390], %gather3A_1392 : memref<512x128xf32, #tpu.memory_space<vmem>>[vector<16xi32>, vector<16xi32>], vector<16xf32>,
    %broadcast_in_dim3A_1393 = arith.constant 3 : i32
    %broadcast_in_dim3A_1394 = vector.broadcast %broadcast_in_dim3A_1393 : i32 to vector<16xi32>
    %add3A_1395 = arith.addi %shift_left3A_1374, %broadcast_in_dim3A_1394 : vector<16xi32>
    %gather3A_1396 = tpu.vector_load_idx %arg6[%add3A_1395] : memref<8000xf32, #tpu.memory_space<vmem>>[vector<16xi32>], vector<16xf32>,
    tpu.vector_store_idx %arg7[%add3A_1380, %broadcast_in_dim3A_1394], %gather3A_1396 : memref<512x128xf32, #tpu.memory_space<vmem>>[vector<16xi32>, vector<16xi32>], vector<16xf32>,
    %broadcast_in_dim3A_1397 = arith.constant 4 : i32
    %broadcast_in_dim3A_1398 = vector.broadcast %broadcast_in_dim3A_1397 : i32 to vector<16xi32>
    %add3A_1399 = arith.addi %shift_left3A_1374, %broadcast_in_dim3A_1398 : vector<16xi32>
    %gather3A_1400 = tpu.vector_load_idx %arg6[%add3A_1399] : memref<8000xf32, #tpu.memory_space<vmem>>[vector<16xi32>], vector<16xf32>,
    tpu.vector_store_idx %arg7[%add3A_1380, %broadcast_in_dim3A_1398], %gather3A_1400 : memref<512x128xf32, #tpu.memory_space<vmem>>[vector<16xi32>, vector<16xi32>], vector<16xf32>,
    %broadcast_in_dim3A_1401 = arith.constant 5 : i32
    %broadcast_in_dim3A_1402 = vector.broadcast %broadcast_in_dim3A_1401 : i32 to vector<16xi32>
    %add3A_1403 = arith.addi %shift_left3A_1374, %broadcast_in_dim3A_1402 : vector<16xi32>
    %gather3A_1404 = tpu.vector_load_idx %arg6[%add3A_1403] : memref<8000xf32, #tpu.memory_space<vmem>>[vector<16xi32>], vector<16xf32>,
    tpu.vector_store_idx %arg7[%add3A_1380, %broadcast_in_dim3A_1402], %gather3A_1404 : memref<512x128xf32, #tpu.memory_space<vmem>>[vector<16xi32>, vector<16xi32>], vector<16xf32>,
    %broadcast_in_dim3A_1405 = arith.constant 6 : i32
    %broadcast_in_dim3A_1406 = vector.broadcast %broadcast_in_dim3A_1405 : i32 to vector<16xi32>
    %add3A_1407 = arith.addi %shift_left3A_1374, %broadcast_in_dim3A_1406 : vector<16xi32>
    %gather3A_1408 = tpu.vector_load_idx %arg6[%add3A_1407] : memref<8000xf32, #tpu.memory_space<vmem>>[vector<16xi32>], vector<16xf32>,
    tpu.vector_store_idx %arg7[%add3A_1380, %broadcast_in_dim3A_1406], %gather3A_1408 : memref<512x128xf32, #tpu.memory_space<vmem>>[vector<16xi32>, vector<16xi32>], vector<16xf32>,
    %broadcast_in_dim3A_1409 = arith.constant 7 : i32
    %broadcast_in_dim3A_1410 = vector.broadcast %broadcast_in_dim3A_1409 : i32 to vector<16xi32>
    %add3A_1411 = arith.addi %shift_left3A_1374, %broadcast_in_dim3A_1410 : vector<16xi32>
    %gather3A_1412 = tpu.vector_load_idx %arg6[%add3A_1411] : memref<8000xf32, #tpu.memory_space<vmem>>[vector<16xi32>], vector<16xf32>,
    tpu.vector_store_idx %arg7[%add3A_1380, %broadcast_in_dim3A_1410], %gather3A_1412 : memref<512x128xf32, #tpu.memory_space<vmem>>[vector<16xi32>, vector<16xi32>], vector<16xf32>,
    %add3A_1413 = arith.constant 384 : i32
    %add3A_1414 = arith.addi %mul3A_2, %add3A_1413 : i32
    %dma_start3A_1415 = arith.constant 384 : i32
    %dma_start3A_1416 = arith.constant 0 : i32
    %dma_start3A_1417 = tpu.memref_slice %arg7[%dma_start3A_1415, %dma_start3A_1416] : memref<512x128xf32, #tpu.memory_space<vmem>> -> memref<128x128xf32, #tpu.memory_space<vmem>>
    %dma_start3A_1418 = arith.constant 0 : i32
    %dma_start3A_1419 = tpu.memref_slice %arg4[%add3A_1414, %dma_start3A_1418] : memref<16384x128xf32, #tpu.memory_space<hbm>> -> memref<128x128xf32, #tpu.memory_space<hbm>>
    %dma_start3A_1420 = arith.constant 0 : i32
    %dma_start3A_1421 = tpu.memref_slice %arg4[%add3A_1414, %dma_start3A_1420] : memref<16384x128xf32, #tpu.memory_space<hbm>> -> memref<128x128xf32, #tpu.memory_space<hbm>>
    %dma_start3A_1422 = arith.constant 384 : i32
    %dma_start3A_1423 = arith.constant 0 : i32
    %dma_start3A_1424 = tpu.memref_slice %arg7[%dma_start3A_1422, %dma_start3A_1423] : memref<512x128xf32, #tpu.memory_space<vmem>> -> memref<128x128xf32, #tpu.memory_space<vmem>>
    tpu.enqueue_dma source(%dma_start3A_1424 : memref<128x128xf32, #tpu.memory_space<vmem>>) target(%dma_start3A_1421 : memref<128x128xf32, #tpu.memory_space<hbm>>) target_semaphore(%arg8 : memref<!tpu.dma_semaphore, #tpu.memory_space<semaphore_mem>>)
    %dma_wait3A_1425 = arith.constant 0 : i32
    %dma_wait3A_1426 = arith.constant 0 : i32
    %dma_wait3A_1427 = tpu.memref_slice %arg7[%dma_wait3A_1425, %dma_wait3A_1426] : memref<512x128xf32, #tpu.memory_space<vmem>> -> memref<128x128xf32, #tpu.memory_space<vmem>>
    %dma_wait3A_1428 = arith.constant 0 : i32
    %dma_wait3A_1429 = tpu.memref_slice %arg4[%add3A_346, %dma_wait3A_1428] : memref<16384x128xf32, #tpu.memory_space<hbm>> -> memref<128x128xf32, #tpu.memory_space<hbm>>
    %dma_wait3A_1430 = arith.constant 0 : i32
    %dma_wait3A_1431 = tpu.memref_slice %arg4[%add3A_346, %dma_wait3A_1430] : memref<16384x128xf32, #tpu.memory_space<hbm>> -> memref<128x128xf32, #tpu.memory_space<hbm>>
    %dma_wait3A_1432 = arith.constant 0 : i32
    %dma_wait3A_1433 = arith.constant 0 : i32
    %dma_wait3A_1434 = tpu.memref_slice %arg7[%dma_wait3A_1432, %dma_wait3A_1433] : memref<512x128xf32, #tpu.memory_space<vmem>> -> memref<128x128xf32, #tpu.memory_space<vmem>>
    tpu.wait_dma2 semaphore(%arg8 : memref<!tpu.dma_semaphore, #tpu.memory_space<semaphore_mem>>) src(%dma_wait3A_1434 : memref<128x128xf32, #tpu.memory_space<vmem>>) dst(%dma_wait3A_1431 : memref<128x128xf32, #tpu.memory_space<hbm>>)
    %dma_wait3A_1435 = arith.constant 128 : i32
    %dma_wait3A_1436 = arith.constant 0 : i32
    %dma_wait3A_1437 = tpu.memref_slice %arg7[%dma_wait3A_1435, %dma_wait3A_1436] : memref<512x128xf32, #tpu.memory_space<vmem>> -> memref<128x128xf32, #tpu.memory_space<vmem>>
    %dma_wait3A_1438 = arith.constant 0 : i32
    %dma_wait3A_1439 = tpu.memref_slice %arg4[%add3A_702, %dma_wait3A_1438] : memref<16384x128xf32, #tpu.memory_space<hbm>> -> memref<128x128xf32, #tpu.memory_space<hbm>>
    %dma_wait3A_1440 = arith.constant 0 : i32
    %dma_wait3A_1441 = tpu.memref_slice %arg4[%add3A_702, %dma_wait3A_1440] : memref<16384x128xf32, #tpu.memory_space<hbm>> -> memref<128x128xf32, #tpu.memory_space<hbm>>
    %dma_wait3A_1442 = arith.constant 128 : i32
    %dma_wait3A_1443 = arith.constant 0 : i32
    %dma_wait3A_1444 = tpu.memref_slice %arg7[%dma_wait3A_1442, %dma_wait3A_1443] : memref<512x128xf32, #tpu.memory_space<vmem>> -> memref<128x128xf32, #tpu.memory_space<vmem>>
    tpu.wait_dma2 semaphore(%arg8 : memref<!tpu.dma_semaphore, #tpu.memory_space<semaphore_mem>>) src(%dma_wait3A_1444 : memref<128x128xf32, #tpu.memory_space<vmem>>) dst(%dma_wait3A_1441 : memref<128x128xf32, #tpu.memory_space<hbm>>)
    %dma_wait3A_1445 = arith.constant 256 : i32
    %dma_wait3A_1446 = arith.constant 0 : i32
    %dma_wait3A_1447 = tpu.memref_slice %arg7[%dma_wait3A_1445, %dma_wait3A_1446] : memref<512x128xf32, #tpu.memory_space<vmem>> -> memref<128x128xf32, #tpu.memory_space<vmem>>
    %dma_wait3A_1448 = arith.constant 0 : i32
    %dma_wait3A_1449 = tpu.memref_slice %arg4[%add3A_1058, %dma_wait3A_1448] : memref<16384x128xf32, #tpu.memory_space<hbm>> -> memref<128x128xf32, #tpu.memory_space<hbm>>
    %dma_wait3A_1450 = arith.constant 0 : i32
    %dma_wait3A_1451 = tpu.memref_slice %arg4[%add3A_1058, %dma_wait3A_1450] : memref<16384x128xf32, #tpu.memory_space<hbm>> -> memref<128x128xf32, #tpu.memory_space<hbm>>
    %dma_wait3A_1452 = arith.constant 256 : i32
    %dma_wait3A_1453 = arith.constant 0 : i32
    %dma_wait3A_1454 = tpu.memref_slice %arg7[%dma_wait3A_1452, %dma_wait3A_1453] : memref<512x128xf32, #tpu.memory_space<vmem>> -> memref<128x128xf32, #tpu.memory_space<vmem>>
    tpu.wait_dma2 semaphore(%arg8 : memref<!tpu.dma_semaphore, #tpu.memory_space<semaphore_mem>>) src(%dma_wait3A_1454 : memref<128x128xf32, #tpu.memory_space<vmem>>) dst(%dma_wait3A_1451 : memref<128x128xf32, #tpu.memory_space<hbm>>)
    %dma_wait3A_1455 = arith.constant 384 : i32
    %dma_wait3A_1456 = arith.constant 0 : i32
    %dma_wait3A_1457 = tpu.memref_slice %arg7[%dma_wait3A_1455, %dma_wait3A_1456] : memref<512x128xf32, #tpu.memory_space<vmem>> -> memref<128x128xf32, #tpu.memory_space<vmem>>
    %dma_wait3A_1458 = arith.constant 0 : i32
    %dma_wait3A_1459 = tpu.memref_slice %arg4[%add3A_1414, %dma_wait3A_1458] : memref<16384x128xf32, #tpu.memory_space<hbm>> -> memref<128x128xf32, #tpu.memory_space<hbm>>
    %dma_wait3A_1460 = arith.constant 0 : i32
    %dma_wait3A_1461 = tpu.memref_slice %arg4[%add3A_1414, %dma_wait3A_1460] : memref<16384x128xf32, #tpu.memory_space<hbm>> -> memref<128x128xf32, #tpu.memory_space<hbm>>
    %dma_wait3A_1462 = arith.constant 384 : i32
    %dma_wait3A_1463 = arith.constant 0 : i32
    %dma_wait3A_1464 = tpu.memref_slice %arg7[%dma_wait3A_1462, %dma_wait3A_1463] : memref<512x128xf32, #tpu.memory_space<vmem>> -> memref<128x128xf32, #tpu.memory_space<vmem>>
    tpu.wait_dma2 semaphore(%arg8 : memref<!tpu.dma_semaphore, #tpu.memory_space<semaphore_mem>>) src(%dma_wait3A_1464 : memref<128x128xf32, #tpu.memory_space<vmem>>) dst(%dma_wait3A_1461 : memref<128x128xf32, #tpu.memory_space<hbm>>)
    return
  }
}

module attributes {stable_mosaic.version = 14 : i64} {
  func.func @_mlp_body(%arg0: i32, %arg1: i32, %arg2: memref<2048x16xf32, #tpu.memory_space<vmem>>, %arg3: memref<2048x16xf32, #tpu.memory_space<vmem>>, %arg4: memref<2048x128xf32, #tpu.memory_space<vmem>>, %arg5: memref<2048x2xf32, #tpu.memory_space<vmem>>, %arg6: memref<8x2xf32, #tpu.memory_space<vmem>>, %arg7: memref<1x8xf32, #tpu.memory_space<vmem>>, %arg8: memref<64x48xf32, #tpu.memory_space<vmem>>, %arg9: memref<1x64xf32, #tpu.memory_space<vmem>>, %arg10: memref<1x64xf32, #tpu.memory_space<vmem>>, %arg11: memref<1x64xf32, #tpu.memory_space<vmem>>, %arg12: memref<32x64xf32, #tpu.memory_space<vmem>>, %arg13: memref<1x32xf32, #tpu.memory_space<vmem>>, %arg14: memref<32x1xf32, #tpu.memory_space<vmem>>, %arg15: memref<1x1xf32, #tpu.memory_space<vmem>>, %arg16: memref<2048x1xf32, #tpu.memory_space<vmem>>, %arg17: memref<16384x64xf32, #tpu.memory_space<vmem>>, %arg18: memref<8x64xf32, #tpu.memory_space<vmem>>, %arg19: memref<8x64xf32, #tpu.memory_space<vmem>>) attributes {dimension_semantics = [#tpu.dimension_semantics<arbitrary>, #tpu.dimension_semantics<arbitrary>], iteration_bounds = array<i64: 2, 8>, scalar_prefetch = 0 : i64, scratch_operands = 3 : i64, tpu.core_type = #tpu.core_type<tc>, window_params = [{transform_indices = @transform_0, window_bounds = array<i64: 2048, 16>}, {transform_indices = @transform_1, window_bounds = array<i64: 2048, 16>}, {transform_indices = @transform_2, window_bounds = array<i64: 2048, 128>}, {transform_indices = @transform_3, window_bounds = array<i64: 2048, 2>}, {pipeline_mode = #tpu.pipeline_mode<synchronous>, transform_indices = @transform_4, window_bounds = array<i64: 8, 2>}, {pipeline_mode = #tpu.pipeline_mode<synchronous>, transform_indices = @transform_5, window_bounds = array<i64: 1, 8>}, {pipeline_mode = #tpu.pipeline_mode<synchronous>, transform_indices = @transform_6, window_bounds = array<i64: 64, 48>}, {pipeline_mode = #tpu.pipeline_mode<synchronous>, transform_indices = @transform_7, window_bounds = array<i64: 1, 64>}, {pipeline_mode = #tpu.pipeline_mode<synchronous>, transform_indices = @transform_8, window_bounds = array<i64: 1, 64>}, {pipeline_mode = #tpu.pipeline_mode<synchronous>, transform_indices = @transform_9, window_bounds = array<i64: 1, 64>}, {pipeline_mode = #tpu.pipeline_mode<synchronous>, transform_indices = @transform_10, window_bounds = array<i64: 32, 64>}, {pipeline_mode = #tpu.pipeline_mode<synchronous>, transform_indices = @transform_11, window_bounds = array<i64: 1, 32>}, {pipeline_mode = #tpu.pipeline_mode<synchronous>, transform_indices = @transform_12, window_bounds = array<i64: 32, 1>}, {pipeline_mode = #tpu.pipeline_mode<synchronous>, transform_indices = @transform_13, window_bounds = array<i64: 1, 1>}, {transform_indices = @transform_14, window_bounds = array<i64: 2048, 1>}]} {
    %eq3A = arith.constant 0 : i32
    %eq3A_0 = arith.cmpi eq, %arg0, %eq3A : i32
    %convert_element_type3A = arith.extui %eq3A_0 : i1 to i32
    %cond3A = arith.constant 0 : i32
    %cond3A_1 = arith.cmpi ne, %convert_element_type3A, %cond3A : i32
    scf.if %cond3A_1 {
      %get3A = arith.constant 0 : index
      %get3A_7 = arith.constant 0 : index
      %get3A_8 = vector.load %arg5[%get3A, %get3A_7] : memref<2048x2xf32, #tpu.memory_space<vmem>>, vector<2048x2xf32>
      %get3A_9 = arith.constant 0 : index
      %get3A_10 = arith.constant 0 : index
      %get3A_11 = vector.load %arg6[%get3A_9, %get3A_10] : memref<8x2xf32, #tpu.memory_space<vmem>>, vector<8x2xf32>
      %dot_general3A = arith.constant dense<0.000000e+00> : vector<2048x8xf32>
      %dot_general3A_12 = tpu.matmul %get3A_8, %get3A_11, %dot_general3A {dimension_numbers = #tpu.dot_dimension_numbers<[1], [1], [0], [0], [0, 0, 1, 0], [], []>, transpose_lhs_hint = false} : vector<2048x2xf32>, vector<8x2xf32>, vector<2048x8xf32> -> vector<2048x8xf32>
      %get3A_13 = arith.constant 0 : index
      %get3A_14 = arith.constant 0 : index
      %get3A_15 = vector.load %arg7[%get3A_13, %get3A_14] : memref<1x8xf32, #tpu.memory_space<vmem>>, vector<1x8xf32>
      %add3A = vector.broadcast %get3A_15 : vector<1x8xf32> to vector<2048x8xf32>
      %add3A_16 = arith.addf %dot_general3A_12, %add3A : vector<2048x8xf32>
      %max3A = arith.constant 0.000000e+00 : f32
      %max3A_17 = vector.broadcast %max3A : f32 to vector<2048x8xf32>
      %max3A_18 = arith.maximumf %add3A_16, %max3A_17 : vector<2048x8xf32>
      %get3A_19 = arith.constant 0 : index
      %get3A_20 = arith.constant 0 : index
      %get3A_21 = vector.load %arg4[%get3A_19, %get3A_20] : memref<2048x128xf32, #tpu.memory_space<vmem>>, vector<2048x128xf32>
      %slice3A = vector.extract_strided_slice %get3A_21 {offsets = [0, 0], sizes = [2048, 8], strides = [1, 1]} : vector<2048x128xf32> to vector<2048x8xf32>
      %get3A_22 = arith.constant 0 : index
      %get3A_23 = arith.constant 0 : index
      %get3A_24 = vector.load %arg2[%get3A_22, %get3A_23] : memref<2048x16xf32, #tpu.memory_space<vmem>>, vector<2048x16xf32>
      %get3A_25 = arith.constant 0 : index
      %get3A_26 = arith.constant 0 : index
      %get3A_27 = vector.load %arg3[%get3A_25, %get3A_26] : memref<2048x16xf32, #tpu.memory_space<vmem>>, vector<2048x16xf32>
      %concatenate3A = tpu.concatenate %get3A_24, %get3A_27, %slice3A, %max3A_18 in 1 : vector<2048x16xf32>, vector<2048x16xf32>, vector<2048x8xf32>, vector<2048x8xf32> -> vector<2048x48xf32>
      %get3A_28 = arith.constant 0 : index
      %get3A_29 = arith.constant 0 : index
      %get3A_30 = vector.load %arg8[%get3A_28, %get3A_29] : memref<64x48xf32, #tpu.memory_space<vmem>>, vector<64x48xf32>
      %dot_general3A_31 = arith.constant dense<0.000000e+00> : vector<2048x64xf32>
      %dot_general3A_32 = tpu.matmul %concatenate3A, %get3A_30, %dot_general3A_31 {dimension_numbers = #tpu.dot_dimension_numbers<[1], [1], [0], [0], [0, 0, 1, 0], [], []>, transpose_lhs_hint = false} : vector<2048x48xf32>, vector<64x48xf32>, vector<2048x64xf32> -> vector<2048x64xf32>
      %get3A_33 = arith.constant 0 : index
      %get3A_34 = arith.constant 0 : index
      %get3A_35 = vector.load %arg9[%get3A_33, %get3A_34] : memref<1x64xf32, #tpu.memory_space<vmem>>, vector<1x64xf32>
      %add3A_36 = vector.broadcast %get3A_35 : vector<1x64xf32> to vector<2048x64xf32>
      %add3A_37 = arith.addf %dot_general3A_32, %add3A_36 : vector<2048x64xf32>
      %mul3A = arith.constant 2048 : i32
      %mul3A_38 = arith.muli %arg1, %mul3A : i32
      %swap3A = arith.index_cast %mul3A_38 : i32 to index
      %swap3A_39 = arith.constant 0 : index
      %swap3A_40 = vector.load %arg17[%swap3A, %swap3A_39] : memref<16384x64xf32, #tpu.memory_space<vmem>>, vector<2048x64xf32>
      tpu.vector_store %arg17[%swap3A, %swap3A_39], %add3A_37 {strides = array<i32>} : memref<16384x64xf32, #tpu.memory_space<vmem>>, vector<2048x64xf32>,
      %reduce_sum3A = arith.constant dense<0.000000e+00> : vector<64xf32>
      %reduce_sum3A_41 = vector.multi_reduction <add>, %add3A_37, %reduce_sum3A [0] : vector<2048x64xf32> to vector<64xf32>
      %broadcast_in_dim3A = vector.shape_cast %reduce_sum3A_41 : vector<64xf32> to vector<1x64xf32>
      %swap3A_42 = arith.index_cast %arg1 : i32 to index
      %swap3A_43 = arith.constant 0 : index
      %swap3A_44 = vector.load %arg18[%swap3A_42, %swap3A_43] : memref<8x64xf32, #tpu.memory_space<vmem>>, vector<1x64xf32>
      tpu.vector_store %arg18[%swap3A_42, %swap3A_43], %broadcast_in_dim3A {strides = array<i32>} : memref<8x64xf32, #tpu.memory_space<vmem>>, vector<1x64xf32>,
      %mul3A_45 = arith.mulf %add3A_37, %add3A_37 : vector<2048x64xf32>
      %reduce_sum3A_46 = arith.constant dense<0.000000e+00> : vector<64xf32>
      %reduce_sum3A_47 = vector.multi_reduction <add>, %mul3A_45, %reduce_sum3A_46 [0] : vector<2048x64xf32> to vector<64xf32>
      %broadcast_in_dim3A_48 = vector.shape_cast %reduce_sum3A_47 : vector<64xf32> to vector<1x64xf32>
      %swap3A_49 = arith.index_cast %arg1 : i32 to index
      %swap3A_50 = arith.constant 0 : index
      %swap3A_51 = vector.load %arg19[%swap3A_49, %swap3A_50] : memref<8x64xf32, #tpu.memory_space<vmem>>, vector<1x64xf32>
      tpu.vector_store %arg19[%swap3A_49, %swap3A_50], %broadcast_in_dim3A_48 {strides = array<i32>} : memref<8x64xf32, #tpu.memory_space<vmem>>, vector<1x64xf32>,
      %broadcast_in_dim3A_52 = arith.constant 0.000000e+00 : f32
      %broadcast_in_dim3A_53 = vector.broadcast %broadcast_in_dim3A_52 : f32 to vector<2048x1xf32>
      %swap3A_54 = arith.constant 0 : index
      %swap3A_55 = arith.constant 0 : index
      %swap3A_56 = vector.load %arg16[%swap3A_54, %swap3A_55] : memref<2048x1xf32, #tpu.memory_space<vmem>>, vector<2048x1xf32>
      tpu.vector_store %arg16[%swap3A_54, %swap3A_55], %broadcast_in_dim3A_53 {strides = array<i32>} : memref<2048x1xf32, #tpu.memory_space<vmem>>, vector<2048x1xf32>,
    } else {
    }
    %eq3A_2 = arith.constant 1 : i32
    %eq3A_3 = arith.cmpi eq, %arg0, %eq3A_2 : i32
    %convert_element_type3A_4 = arith.extui %eq3A_3 : i1 to i32
    %cond3A_5 = arith.constant 0 : i32
    %cond3A_6 = arith.cmpi ne, %convert_element_type3A_4, %cond3A_5 : i32
    scf.if %cond3A_6 {
      %get3A = arith.constant 0 : index
      %get3A_7 = arith.constant 0 : index
      %get3A_8 = vector.load %arg18[%get3A, %get3A_7] : memref<8x64xf32, #tpu.memory_space<vmem>>, vector<8x64xf32>
      %reduce_sum3A = arith.constant dense<0.000000e+00> : vector<64xf32>
      %reduce_sum3A_9 = vector.multi_reduction <add>, %get3A_8, %reduce_sum3A [0] : vector<8x64xf32> to vector<64xf32>
      %broadcast_in_dim3A = vector.shape_cast %reduce_sum3A_9 : vector<64xf32> to vector<1x64xf32>
      %div3A = arith.constant 1.638400e+04 : f32
      %div3A_10 = vector.broadcast %div3A : f32 to vector<1x64xf32>
      %div3A_11 = arith.divf %broadcast_in_dim3A, %div3A_10 : vector<1x64xf32>
      %get3A_12 = arith.constant 0 : index
      %get3A_13 = arith.constant 0 : index
      %get3A_14 = vector.load %arg19[%get3A_12, %get3A_13] : memref<8x64xf32, #tpu.memory_space<vmem>>, vector<8x64xf32>
      %reduce_sum3A_15 = arith.constant dense<0.000000e+00> : vector<64xf32>
      %reduce_sum3A_16 = vector.multi_reduction <add>, %get3A_14, %reduce_sum3A_15 [0] : vector<8x64xf32> to vector<64xf32>
      %broadcast_in_dim3A_17 = vector.shape_cast %reduce_sum3A_16 : vector<64xf32> to vector<1x64xf32>
      %div3A_18 = arith.constant 1.638400e+04 : f32
      %div3A_19 = vector.broadcast %div3A_18 : f32 to vector<1x64xf32>
      %div3A_20 = arith.divf %broadcast_in_dim3A_17, %div3A_19 : vector<1x64xf32>
      %mul3A = arith.mulf %div3A_11, %div3A_11 : vector<1x64xf32>
      %sub3A = arith.subf %div3A_20, %mul3A : vector<1x64xf32>
      %mul3A_21 = arith.constant 2048 : i32
      %mul3A_22 = arith.muli %arg1, %mul3A_21 : i32
      %get3A_23 = arith.index_cast %mul3A_22 : i32 to index
      %get3A_24 = arith.constant 0 : index
      %get3A_25 = vector.load %arg17[%get3A_23, %get3A_24] : memref<16384x64xf32, #tpu.memory_space<vmem>>, vector<2048x64xf32>
      %sub3A_26 = vector.broadcast %div3A_11 : vector<1x64xf32> to vector<2048x64xf32>
      %sub3A_27 = arith.subf %get3A_25, %sub3A_26 : vector<2048x64xf32>
      %add3A = arith.constant 9.99999974E-6 : f32
      %add3A_28 = vector.broadcast %add3A : f32 to vector<1x64xf32>
      %add3A_29 = arith.addf %sub3A, %add3A_28 : vector<1x64xf32>
      %rsqrt3A = math.rsqrt %add3A_29 : vector<1x64xf32>
      %mul3A_30 = vector.broadcast %rsqrt3A : vector<1x64xf32> to vector<2048x64xf32>
      %mul3A_31 = arith.mulf %sub3A_27, %mul3A_30 : vector<2048x64xf32>
      %get3A_32 = arith.constant 0 : index
      %get3A_33 = arith.constant 0 : index
      %get3A_34 = vector.load %arg10[%get3A_32, %get3A_33] : memref<1x64xf32, #tpu.memory_space<vmem>>, vector<1x64xf32>
      %mul3A_35 = vector.broadcast %get3A_34 : vector<1x64xf32> to vector<2048x64xf32>
      %mul3A_36 = arith.mulf %mul3A_31, %mul3A_35 : vector<2048x64xf32>
      %get3A_37 = arith.constant 0 : index
      %get3A_38 = arith.constant 0 : index
      %get3A_39 = vector.load %arg11[%get3A_37, %get3A_38] : memref<1x64xf32, #tpu.memory_space<vmem>>, vector<1x64xf32>
      %add3A_40 = vector.broadcast %get3A_39 : vector<1x64xf32> to vector<2048x64xf32>
      %add3A_41 = arith.addf %mul3A_36, %add3A_40 : vector<2048x64xf32>
      %max3A = arith.constant 0.000000e+00 : f32
      %max3A_42 = vector.broadcast %max3A : f32 to vector<2048x64xf32>
      %max3A_43 = arith.maximumf %add3A_41, %max3A_42 : vector<2048x64xf32>
      %get3A_44 = arith.constant 0 : index
      %get3A_45 = arith.constant 0 : index
      %get3A_46 = vector.load %arg12[%get3A_44, %get3A_45] : memref<32x64xf32, #tpu.memory_space<vmem>>, vector<32x64xf32>
      %dot_general3A = arith.constant dense<0.000000e+00> : vector<2048x32xf32>
      %dot_general3A_47 = tpu.matmul %max3A_43, %get3A_46, %dot_general3A {dimension_numbers = #tpu.dot_dimension_numbers<[1], [1], [0], [0], [0, 0, 1, 0], [], []>, transpose_lhs_hint = false} : vector<2048x64xf32>, vector<32x64xf32>, vector<2048x32xf32> -> vector<2048x32xf32>
      %get3A_48 = arith.constant 0 : index
      %get3A_49 = arith.constant 0 : index
      %get3A_50 = vector.load %arg13[%get3A_48, %get3A_49] : memref<1x32xf32, #tpu.memory_space<vmem>>, vector<1x32xf32>
      %add3A_51 = vector.broadcast %get3A_50 : vector<1x32xf32> to vector<2048x32xf32>
      %add3A_52 = arith.addf %dot_general3A_47, %add3A_51 : vector<2048x32xf32>
      %max3A_53 = arith.constant 0.000000e+00 : f32
      %max3A_54 = vector.broadcast %max3A_53 : f32 to vector<2048x32xf32>
      %max3A_55 = arith.maximumf %add3A_52, %max3A_54 : vector<2048x32xf32>
      %get3A_56 = arith.constant 0 : index
      %get3A_57 = arith.constant 0 : index
      %get3A_58 = vector.load %arg14[%get3A_56, %get3A_57] : memref<32x1xf32, #tpu.memory_space<vmem>>, vector<32x1xf32>
      %dot_general3A_59 = arith.constant dense<0.000000e+00> : vector<2048x1xf32>
      %dot_general3A_60 = tpu.matmul %max3A_55, %get3A_58, %dot_general3A_59 {dimension_numbers = #tpu.dot_dimension_numbers<[1], [0], [0], [1], [0, 0, 1, 1], [], []>, transpose_lhs_hint = false} : vector<2048x32xf32>, vector<32x1xf32>, vector<2048x1xf32> -> vector<2048x1xf32>
      %get3A_61 = arith.constant 0 : index
      %get3A_62 = arith.constant 0 : index
      %get3A_63 = vector.load %arg15[%get3A_61, %get3A_62] : memref<1x1xf32, #tpu.memory_space<vmem>>, vector<1x1xf32>
      %add3A_64 = vector.broadcast %get3A_63 : vector<1x1xf32> to vector<2048x1xf32>
      %add3A_65 = arith.addf %dot_general3A_60, %add3A_64 : vector<2048x1xf32>
      %swap3A = arith.constant 0 : index
      %swap3A_66 = arith.constant 0 : index
      %swap3A_67 = vector.load %arg16[%swap3A, %swap3A_66] : memref<2048x1xf32, #tpu.memory_space<vmem>>, vector<2048x1xf32>
      tpu.vector_store %arg16[%swap3A, %swap3A_66], %add3A_65 {strides = array<i32>} : memref<2048x1xf32, #tpu.memory_space<vmem>>, vector<2048x1xf32>,
    } else {
    }
    return
  }
  func.func @transform_0(%arg0: i32, %arg1: i32) -> (i32, i32) {
    %sub3A = arith.constant 1 : i32
    %sub3A_0 = arith.subi %sub3A, %arg0 : i32
    %mul3A = arith.muli %arg1, %sub3A_0 : i32
    %c0_i32 = arith.constant 0 : i32
    %c0_i32_1 = arith.constant 0 : i32
    return %mul3A, %c0_i32 : i32, i32
  }
  func.func @transform_1(%arg0: i32, %arg1: i32) -> (i32, i32) {
    %sub3A = arith.constant 1 : i32
    %sub3A_0 = arith.subi %sub3A, %arg0 : i32
    %mul3A = arith.muli %arg1, %sub3A_0 : i32
    %c0_i32 = arith.constant 0 : i32
    %c0_i32_1 = arith.constant 0 : i32
    return %mul3A, %c0_i32 : i32, i32
  }
  func.func @transform_2(%arg0: i32, %arg1: i32) -> (i32, i32) {
    %sub3A = arith.constant 1 : i32
    %sub3A_0 = arith.subi %sub3A, %arg0 : i32
    %mul3A = arith.muli %arg1, %sub3A_0 : i32
    %c0_i32 = arith.constant 0 : i32
    %c0_i32_1 = arith.constant 0 : i32
    return %mul3A, %c0_i32 : i32, i32
  }
  func.func @transform_3(%arg0: i32, %arg1: i32) -> (i32, i32) {
    %sub3A = arith.constant 1 : i32
    %sub3A_0 = arith.subi %sub3A, %arg0 : i32
    %mul3A = arith.muli %arg1, %sub3A_0 : i32
    %c0_i32 = arith.constant 0 : i32
    %c0_i32_1 = arith.constant 0 : i32
    return %mul3A, %c0_i32 : i32, i32
  }
  func.func @transform_4(%arg0: i32, %arg1: i32) -> (i32, i32) {
    %c0_i32 = arith.constant 0 : i32
    %c0_i32_0 = arith.constant 0 : i32
    %c0_i32_1 = arith.constant 0 : i32
    return %c0_i32, %c0_i32_0 : i32, i32
  }
  func.func @transform_5(%arg0: i32, %arg1: i32) -> (i32, i32) {
    %c0_i32 = arith.constant 0 : i32
    %c0_i32_0 = arith.constant 0 : i32
    %c0_i32_1 = arith.constant 0 : i32
    return %c0_i32, %c0_i32_0 : i32, i32
  }
  func.func @transform_6(%arg0: i32, %arg1: i32) -> (i32, i32) {
    %c0_i32 = arith.constant 0 : i32
    %c0_i32_0 = arith.constant 0 : i32
    %c0_i32_1 = arith.constant 0 : i32
    return %c0_i32, %c0_i32_0 : i32, i32
  }
  func.func @transform_7(%arg0: i32, %arg1: i32) -> (i32, i32) {
    %c0_i32 = arith.constant 0 : i32
    %c0_i32_0 = arith.constant 0 : i32
    %c0_i32_1 = arith.constant 0 : i32
    return %c0_i32, %c0_i32_0 : i32, i32
  }
  func.func @transform_8(%arg0: i32, %arg1: i32) -> (i32, i32) {
    %c0_i32 = arith.constant 0 : i32
    %c0_i32_0 = arith.constant 0 : i32
    %c0_i32_1 = arith.constant 0 : i32
    return %c0_i32, %c0_i32_0 : i32, i32
  }
  func.func @transform_9(%arg0: i32, %arg1: i32) -> (i32, i32) {
    %c0_i32 = arith.constant 0 : i32
    %c0_i32_0 = arith.constant 0 : i32
    %c0_i32_1 = arith.constant 0 : i32
    return %c0_i32, %c0_i32_0 : i32, i32
  }
  func.func @transform_10(%arg0: i32, %arg1: i32) -> (i32, i32) {
    %c0_i32 = arith.constant 0 : i32
    %c0_i32_0 = arith.constant 0 : i32
    %c0_i32_1 = arith.constant 0 : i32
    return %c0_i32, %c0_i32_0 : i32, i32
  }
  func.func @transform_11(%arg0: i32, %arg1: i32) -> (i32, i32) {
    %c0_i32 = arith.constant 0 : i32
    %c0_i32_0 = arith.constant 0 : i32
    %c0_i32_1 = arith.constant 0 : i32
    return %c0_i32, %c0_i32_0 : i32, i32
  }
  func.func @transform_12(%arg0: i32, %arg1: i32) -> (i32, i32) {
    %c0_i32 = arith.constant 0 : i32
    %c0_i32_0 = arith.constant 0 : i32
    %c0_i32_1 = arith.constant 0 : i32
    return %c0_i32, %c0_i32_0 : i32, i32
  }
  func.func @transform_13(%arg0: i32, %arg1: i32) -> (i32, i32) {
    %c0_i32 = arith.constant 0 : i32
    %c0_i32_0 = arith.constant 0 : i32
    %c0_i32_1 = arith.constant 0 : i32
    return %c0_i32, %c0_i32_0 : i32, i32
  }
  func.func @transform_14(%arg0: i32, %arg1: i32) -> (i32, i32) {
    %mul3A = arith.muli %arg1, %arg0 : i32
    %c0_i32 = arith.constant 0 : i32
    %c0_i32_0 = arith.constant 0 : i32
    return %mul3A, %c0_i32 : i32, i32
  }
}

</mosaic_0001>

<sc_bundles>
// kernel: gather_offload_async_start.1
scs
__scs_entry_jumppad:
0x0: {  	(pc) =	sbr.rel $0x88, $3  }
0x1: {  	(tag) =	ssettag $0x0;
	lr =	simm.s32 $0x1  }
0x2: {  	[smem:$0x3F90] =	sst lr;
	_ =	strace $0xD0000000  }
0x3: {  	_ = 	snop  }
0x4: {  	_ = 	snop  }
0x5: {  	_ = 	snop  }
0x6: {  	_ = 	snop  }
0x7: {  	_ = 	snop  }
__scs_overlays_trampoline_lowered:
0x8: {  	[smem:$0x3F9F] =	sst s0  }
0x9: {  	[smem:$0x3FA0] =	sst s1  }
0xa: {  	[smem:$0x3FA1] =	sst s2  }
0xb: {  	[smem:$0x3FA2] =	sst s3  }
0xc: {  	[smem:$0x3FA3] =	sst s4  }
0xd: {  	[smem:$0x3FA4] =	sst s5  }
0xe: {  	[smem:$0x3FA5] =	sst s6  }
0xf: {  	[smem:$0x3FA6] =	sst s7  }
0x10: {  	[smem:$0x3FA7] =	sst s8  }
0x11: {  	[smem:$0x3FA8] =	sst s9;
	s0 =	simm.s32 @!p0 $0x0  }
0x12: {  	s1 =	sld [smem:$0x3F8E];
	s0 =	simm.s32 @p0 $0x1  }
0x13: {  	[smem:$0x3FA9] =	sst s0;
	s0 =	simm.s32 @!p1 $0x0  }
0x14: {  	s2 =	sld [smem:$0x3F8D];
	s0 =	simm.s32 @p1 $0x1  }
0x15: {  	[smem:$0x3FAA] =	sst s0;
	s0 =	simm.s32 @!p2 $0x0  }
0x16: {  	s3 =	sld [smem:$0x3FDB];
	s0 =	simm.s32 @p2 $0x1  }
0x17: {  	s4 =	simm.s32 $0x1BF5;
	[smem:$0x3FAC] =	sst s0  }
0x18: {  	s0 =	sld [smem:$0x3F8F];
	_ =	swait.ge [sflag:s4], $0x0  }
0x19: {  	s7 =	sld [smem:$0x3F90]  }
0x1a: {  	s8 =	sadd.s32 $0xFFFFE003, lr  }
0x1b: {  	s9 =	sadd.s32 $0xFFFFFEF7, lr;
	s5 =	simm.s32 $0xFFFFFFFF;
	p2 =	slt.u32 s8, $0xFFFFF086  }
0x1c: {  	p1 =	slt.u32 s9, $0xF7A;
	s5 =	simm.s32 @!p2 $0x0  }
0x1d: {  	s5 =	simm.s32 @p1 $0x1;
	p0 =	seq.s32 s7, s2  }
0x1e: {  	s7 =	smul.u32 @!p0 $0xF7A, s2;
	p2 =	seq.s32 @!p0 s5, $0x0  }
0x1f: {  	s9 =	smul.u32 $0xF7A, s1;
	s8 =	simm.s32 @!p0 $0x1BF5;
	p2 =	por !p2, p0  }
0x20: {  	[sflag:s8] =	ssyncset.s32 @!p0 $0xFFFFF086;
	s6 =	sadd.s32 @!p0 s3, s7;
	s7 =	simm.s32 @!p0 $0x108  }
0x21: {  	s3 =	sadd.s32 s3, s9;
	s6 =	sadd.s32 @!p0 $0x88, s6;
	s7 =	simm.s32 @p2 $0x1082  }
0x22: {  	[simem:s7], [sflag:s8] =	dma.local @!p0 [hbm:s6], $0xF7A  }
0x23: {  	s9 =	sor.u32 $0xD0000000, s2;
	s6 =	simm.s32 $0x108;
	_ =	swait.ge @!p0 [sflag:s8], $0x0  }
0x24: {  	s3 =	sadd.s32 $0x88, s3;
	s6 =	simm.s32 @!p1 $0x1082;
	[sflag:s4] =	ssyncset.s32 $0xFFFFF086  }
0x25: {  	[simem:s6], [sflag:s4] =	dma.local [hbm:s3], $0xF7A  }
0x26: {  	[smem:$0x3F90] =	sst s1;
	(tag) =	ssettag s2;
	_ =	strace s9  }
0x27: {  	s1 =	sld [smem:$0x3FA0]  }
0x28: {  	s2 =	sld [smem:$0x3FA1]  }
0x29: {  	s4 =	sld [smem:$0x3FA3]  }
0x2a: {  	p0 =	seq.s32 s5, $0x0;
	s5 =	sld [smem:$0x3FA4]  }
0x2b: {  	s6 =	sld [smem:$0x3FA5]  }
0x2c: {  	s7 =	sld [smem:$0x3FA6]  }
0x2d: {  	s3 =	simm.s32 $0x108;
	s8 =	sld [smem:$0x3FA7]  }
0x2e: {  	s3 =	simm.s32 @!p0 $0x1082;
	s9 =	sld [smem:$0x3FA8]  }
0x2f: {  	lr =	sadd.s32 s0, s3;
	s0 =	sld [smem:$0x3F9F]  }
0x30: {  	s3 =	sld [smem:$0x3FA2]  }
0x31: {  	[smem:$0x3FAB] =	sst s10  }
0x32: {  	s10 =	sld [smem:$0x3FA9];
	_ =	sdelay $0x3  }
0x33: {  	p0 =	seq.s32 s10, $0x1;
	s10 =	sld [smem:$0x3FAB];
	_ =	sdelay $0x3  }
0x34: {  	[smem:$0x3FAB] =	sst s10  }
0x35: {  	s10 =	sld [smem:$0x3FAA];
	_ =	sdelay $0x3  }
0x36: {  	p1 =	seq.s32 s10, $0x1;
	s10 =	sld [smem:$0x3FAB];
	_ =	sdelay $0x3  }
0x37: {  	[smem:$0x3FAB] =	sst s10  }
0x38: {  	s10 =	sld [smem:$0x3FAC]  }
0x39: {  	_ = 	snop;
	(pc) =	sbr.ind lr, $3  }
0x3a: {  	_ = 	snop  }
0x3b: {  	_ = 	snop  }
0x3c: {  	p2 =	seq.s32 s10, $0x1;
	s10 =	sld [smem:$0x3FAB]  }
0x3d: {  	_ =	shalt  }
0x3e: {  	_ =	shalt  }
0x3f: {  	_ =	shalt  }
0x40: {  	_ =	shalt  }
0x41: {  	_ =	shalt  }
0x42: {  	_ =	shalt  }
0x43: {  	_ =	shalt  }
0x44: {  	_ =	shalt  }
0x45: {  	_ =	shalt  }
0x46: {  	_ =	shalt  }
0x47: {  	_ =	shalt  }
0x48: {  	_ =	shalt  }
0x49: {  	_ =	shalt  }
0x4a: {  	_ =	shalt  }
0x4b: {  	_ =	shalt  }
0x4c: {  	_ =	shalt  }
0x4d: {  	_ =	shalt  }
0x4e: {  	_ =	shalt  }
0x4f: {  	_ =	shalt  }
0x50: {  	_ =	shalt  }
0x51: {  	_ =	shalt  }
0x52: {  	_ =	shalt  }
0x53: {  	_ =	shalt  }
0x54: {  	_ =	shalt  }
0x55: {  	_ =	shalt  }
0x56: {  	_ =	shalt  }
0x57: {  	_ =	shalt  }
0x58: {  	_ =	shalt  }
0x59: {  	_ =	shalt  }
0x5a: {  	_ =	shalt  }
0x5b: {  	_ =	shalt  }
0x5c: {  	_ =	shalt  }
0x5d: {  	_ =	shalt  }
0x5e: {  	_ =	shalt  }
0x5f: {  	_ =	shalt  }
0x60: {  	_ =	shalt  }
0x61: {  	_ =	shalt  }
0x62: {  	_ =	shalt  }
0x63: {  	_ =	shalt  }
0x64: {  	_ =	shalt  }
0x65: {  	_ =	shalt  }
0x66: {  	_ =	shalt  }
0x67: {  	_ =	shalt  }
0x68: {  	_ =	shalt  }
0x69: {  	_ =	shalt  }
0x6a: {  	_ =	shalt  }
0x6b: {  	_ =	shalt  }
0x6c: {  	_ =	shalt  }
0x6d: {  	_ =	shalt  }
0x6e: {  	_ =	shalt  }
0x6f: {  	_ =	shalt  }
0x70: {  	_ =	shalt  }
0x71: {  	_ =	shalt  }
0x72: {  	_ =	shalt  }
0x73: {  	_ =	shalt  }
0x74: {  	_ =	shalt  }
0x75: {  	_ =	shalt  }
0x76: {  	_ =	shalt  }
0x77: {  	_ =	shalt  }
0x78: {  	_ =	shalt  }
0x79: {  	_ =	shalt  }
0x7a: {  	_ =	shalt  }
0x7b: {  	_ =	shalt  }
0x7c: {  	_ =	shalt  }
0x7d: {  	_ =	shalt  }
0x7e: {  	_ =	shalt  }
0x7f: {  	_ =	shalt  }
0x80: {  	_ =	shalt  }
0x81: {  	_ =	shalt  }
0x82: {  	_ =	shalt  }
0x83: {  	_ =	shalt  }
0x84: {  	_ =	shalt  }
0x85: {  	_ =	shalt  }
0x86: {  	_ =	shalt  }
0x87: {  	_ =	shalt  }
.Lfunc_end0:
.L_simem_size_0:
called_computation.1_lowered:
.L_overlay_start_0:
0x88: {  	s2 =	sld [smem:$0x3FD9]  }
0x89: {  	s3 =	sld [smem:$0x3FFE];
	_ =	sdelay $0x1  }
0x8a: {  	s1 =	srdreg.scid  }
0x8b: {  	s0 =	sand.u32 $0x1, s1  }
0x8c: {  	s17 =	sshll.u32 s0, $0xA;
	s2 =	sadd.s32 s3, s2  }
0x8d: {  	s2 =	sadd.s32 s2, s17  }
0x8e: {  	[smem:$0x3FB7] =	sst s2  }
0x8f: {  	_ = 	snop  }
0x90: {  	s18 =	sld [smem:$0x3FC4];
	(tm) =	ssettm $0x1  }
0x91: {  	s19 =	sld [smem:$0x3FFB];
	_ =	sdelay $0x3  }
0x92: {  	_ =	strace s19  }
0x93: {  	s2 =	sld [smem:$0x3FFC];
	_ =	sdelay $0x3  }
0x94: {  	_ =	strace s2  }
0x95: {  	s2 =	sld [smem:$0x3FFD];
	_ =	sdelay $0x3  }
0x96: {  	_ =	strace s2  }
0x97: {  	_ =	strace $0x8FFFFFFF  }
0x98: {  	s20 =	sld [smem:$0x3FDB];
	_ =	sdelay $0x1  }
0x99: {  	s4 =	simm.s32 $_scs_section_size  }
0x9a: {  	s5 =	simm.s32 $_size__tile_overlayer_lowered;
	s6 =	simm.s32 $_tile_overlayer_lowered  }
0x9b: {  	s7 =	simm.s32 $0x1BFF;
	s21 =	sshll.u32 s6, $0x1;
	s4 =	sadd.s32 s4, s20  }
0x9c: {  	s22 =	simm.s32 $0x0;
	s5 =	sshll.u32 s5, $0x1;
	s6 =	sadd.s32 s21, s4  }
0x9d: {  	[timem:s22], [sflag:s7] =	dma.local [hbm:s6], s5  }
0x9e: {  	_ =	swait.ge [sflag:s7], s5  }
0x9f: {  	s5 =	ssub.s32 $0x0, s5;
	[sflag:s7] =	ssyncset.done $0x0  }
0xa0: {  	[sflag:s7] =	ssyncadd.s32 s5;
	_ =	sdelay $0x1  }
0xa1: {  	s23 =	simm.s32 $0x1B8B  }
0xa2: {  	_ =	swait.ge [sflag:s23], $0x1  }
0xa3: {  	[sflag:s23] =	ssyncset.done $0x0  }
0xa4: {  	[sflag:s23] =	ssyncadd.s32 $0xFFFFFFFF  }
0xa5: {  	s5 =	sld [smem:$0x0]  }
0xa6: {  	s6 =	sand.u32 $0xFFFFFFFE, s1  }
0xa7: {  	p0 =	sne.s32 s1, s6  }
0xa8: {  	s6 =	sshll.u32 @p0 s6, $0xE  }
0xa9: {  	s6 =	sadd.s32 @p0 $0x11B8D, s6;
	s7 =	sshll.u32 @p0 s5, $0x11  }
0xaa: {  	s6 =	sor.u32 @p0 s7, s6  }
0xab: {  	[sflag:s6] =	ssyncadd.remote.s32 @p0 $0x1;
	_ =	sdelay $0x1  }
0xac: {  	s6 =	simm.s32 @p0 $0x1B8D  }
0xad: {  	_ =	swait.eq @p0 [sflag:s6], $0x1  }
0xae: {  	[sflag:s6] =	ssyncadd.s32 @p0 $0xFFFFFFFF  }
0xaf: {  	s7 =	sshll.u32 @!p0 s1, $0xE  }
0xb0: {  	s7 =	sor.u32 @!p0 $0x4000, s7;
	s6 =	simm.s32 @!p0 $0x1B8D  }
0xb1: {  	s5 =	sshll.u32 @!p0 s5, $0x11;
	s7 =	sadd.s32 @!p0 $0x11B8D, s7;
	_ =	swait.eq @!p0 [sflag:s6], $0x1  }
0xb2: {  	s5 =	sor.u32 @!p0 s5, s7;
	[sflag:s6] =	ssyncadd.s32 @!p0 $0xFFFFFFFF  }
0xb3: {  	s25 =	simm.s32 $0x1B8E;
	s24 =	sld [smem:$0x3FFE];
	[sflag:s5] =	ssyncadd.remote.s32 @!p0 $0x1  }
0xb4: {  	s26 =	simm.s32 $execute0_lowered;
	[smem:$0x3FD2] =	sst s25  }
0xb5: {  	s6 =	sshll.u32 s26, $0x1;
	_ =	strace $0x80000049;
	[dreg:$0x1] =	wrdreg $0xFFFFFFFF  }
0xb6: {  	s28 =	simm.s32 $_size_execute0_lowered;
	s4 =	sadd.s32 s4, s6;
	[dreg:$0x0] =	wrdreg $0x0  }
0xb7: {  	s6 =	sshll.u32 s28, $0x1;
	[dreg:$0x2] =	wrdreg s4  }
0xb8: {  	[dreg:$0x3] =	wrdreg s6  }
0xb9: {  	[dreg:$0x4] =	wrdreg $0xC0  }
0xba: {  	_ =	task [dreg:s22], $0x5FFFF  }
0xbb: {  	[dreg:$0x1] =	wrdreg $0xFFFFFFFF  }
0xbc: {  	[dreg:$0x0] =	wrdreg $0x60  }
0xbd: {  	[dreg:$0x2] =	wrdreg s18  }
0xbe: {  	[dreg:$0x3] =	wrdreg s24  }
0xbf: {  	[dreg:$0x4] =	wrdreg $0xA  }
0xc0: {  	_ =	task.clear_ibuf [dreg:s22], $0x5FFFF;
	_ =	strace $0x90000049  }
0xc1: {  	s29 =	simm.s32 $0xA;
	_ =	strace $0x8000004B  }
0xc2: {  	_ =	swait.ge [sflag:s29], $0x1  }
0xc3: {  	[sflag:s29] =	ssyncadd.s32 $0xFFFFFFFF  }
0xc4: {  	_ =	strace $0x9000004B  }
0xc5: {  	_ =	sfence  }
0xc6: {  	s30 =	sld [smem:$0x0];
	_ =	sdelay $0x2  }
0xc7: {  	s31 =	sshll.u32 s1, $0xD;
	s1 =	sshrl.u32 s1, $0x2  }
0xc8: {  	s4 =	sand.u32 $0x4000, s31;
	s1 =	sadd.s32 s1, s30  }
0xc9: {  	s0 =	sor.u32 s4, s0;
	s1 =	sshll.u32 s1, $0x11  }
0xca: {  	s0 =	sor.u32 s1, s0  }
0xcb: {  	s0 =	sadd.s32 $0x8F2B, s0  }
0xcc: {  	[sflag:s0] =	ssyncadd.remote.s32 $0x1  }
0xcd: {  	_ =	sfence.sel $0xFFFF  }
0xce: {  	[dreg:$0x0] =	wrdreg $0xFFFFFFFF;
	(pc) =	sbr.abs _section_cstart, $3  }
0xcf: {  	[dreg:$0x1] =	wrdreg $0xFFFFFFFF  }
0xd0: {  	_ =	task.clear_ibuf [dreg:s22], $0x2FFFF;
	_ =	strace $0x9FFFFFFF  }
0xd1: {  	(tm) =	ssettm $0x7FFFFFFF  }
tec
execute0_lowered:
.L_overlay_start_1:
0x0: {  	(tag) =	ssettag $0x1  }
0x1: {  	s1 =	srdreg.scid;
	s2 =	rddreg [dreg:$0x0]  }
0x2: {  	s0 =	stileid.u32;
	s9 =	rddreg [dreg:$0x1]  }
0x3: {  	s5 =	simm.s32 $0x1;
	s6 =	simm.s32 $0x2;
	s1 =	sshll.u32 s1, $0x9  }
0x4: {  	s11 =	simm.s32 $0x3;
	s3 =	sshll.u32 s0, $0xA;
	s1 =	sand.u32 $0x200, s1  }
0x5: {  	s13 =	simm.s32 $0x0;
	s12 =	simm.s32 $0x0;
	s3 =	sor.u32 s3, s1  }
0x6: {  	s1 =	rddreg [dreg:$0x2];
	_ =	strace $0x8000004A;
	s4 =	sshrl.u32 s3, $0x3  }
0x7: {  	s7 =	ssub.s32 $0x4000, s3;
	[sflag:s5] =	ssyncpa.u1 $0x0;
	s8 =	sadd.s32 s4, s9  }
.Ltmp0:
0x8: {  	s4 =	sadd.s32 $0xAC00, s9;
	s10 =	sand.u32 $0x3E00, s7;
	(pc) =	sbr.rel .LBB2_1-.Ltmp0, $4  }
0x9: {  	[sflag:s6] =	ssyncpa.u1 $0x0;
	p0 =	sne.s32 s10, $0x0;
	s10 =	simm.s32 $0x1  }
0xa: {  	s7 =	sshrl.u32 s7, $0xE;
	s9 =	sadd.s32 $0xEC00, s9;
	s10 =	simm.s32 @!p0 $0x0  }
0xb: {  	[sflag:s11] =	ssyncpa.u1 $0x0;
	s8 =	sadd.s32 $0xA400, s8;
	s7 =	sadd.s32 s10, s7  }
0xc: {  	vm0 =	vmmov $0xffff;
	s11 =	simm.s32 $0x0;
	p0 =	por $0x0, $0x0;
	s10 =	sadd.s32 $0x1, s7  }
.LBB2_4:
0xd: {  	_ =	sdelay $0x3  }
0xe: {  	[tilespmem:s19], [sflag:$0x1] =	stream.indirect_vreg.gather [hbm4b:s2+s11], $0x1, v0, vm0, $0x4038;
	[tilespmem:$0x4400] =	vst v63  }
0xf: {  	s16 =	sshll.u32 s13, $0x3  }
0x10: {  	s30 =	sand.u32 $0x78, s13;
	s16 =	sand.u32 $0x7FFFFC00, s16  }
0x11: {  	_ =	swait.ge [sflag:s5], $0x2000;
	s13 =	sor.u32 s30, s16  }
0x12: {  	[sflag:s5] =	ssyncset.done $0x0;
	s13 =	sshrl.u32 s13, $0x3  }
0x13: {  	[sflag:s5] =	ssyncadd.s32 $0xFFFFE000;
	s31 =	sadd.s32 s4, s13  }
0x14: {  	[hbm:s31] =	stream.linear.scatter [tilespmem:s15], [sflag:$0x3], $0x1000, $0x38;
	[tilespmem:$0x4400] =	vst v63  }
0x15: {  	s14 =	sadd.s32 $0x1400, s14;
	s13 =	sadd.s32 s13, s9  }
0x16: {  	[hbm:s13] =	stream.linear.scatter [tilespmem:s14], [sflag:$0x3], $0x1000, $0x38;
	[tilespmem:$0x4400] =	vst v63  }
.LBB2_5:
0x17: {  	p2 =	sne.s32 s12, s10  }
.Ltmp1:
0x18: {  	p1 =	slt.u32 s12, $0x2;
	(pc) =	sbr.rel @!p2 .LBB2_6-.Ltmp1, $4  }
0x19: {  	s13 =	simm.s32 @!p1 $0x3  }
0x1a: {  	_ =	swait.ge @!p1 [sflag:s13], $0x2000  }
0x1b: {  	s14 =	sadd.s32 $0x1, s12;
	p0 =	por !p0, !p0;
	[sflag:s13] =	ssyncset.done @!p1 $0x0  }
0x1c: {  	s12 =	smov.u32 s14;
	[sflag:s13] =	ssyncadd.s32 @!p1 $0xFFFFE000;
	s13 =	smov.u32 s3  }
.LBB2_1:
0x1d: {  	p1 =	sge.u32 s12, s7  }
0x1e: {  	s14 =	sxor.u32 @!p1 $0xFFFFFFFF, s12  }
0x1f: {  	s14 =	sshll.u32 @!p1 s14, $0x9  }
0x20: {  	s31 =	sadd.s32 $0xFFFFFFFF, s12;
	s15 =	simm.s32 @!p1 $0x0;
	s14 =	sand.u32 @!p1 $0x200, s14  }
0x21: {  	[tilespmem:s14], [sflag:$0x2] =	stream.linear.gather @!p1 [hbm4b:s8+s15], $0x200, $0x38;
	[tilespmem:$0x4400] =	vst v63  }
0x22: {  	p1 =	sge.u32 s31, s7  }
.Ltmp2:
0x23: {  	_ = 	snop;
	(pc) =	sbr.rel @p1 .LBB2_5-.Ltmp2, $1  }
0x24: {  	_ =	sdelay $0x3  }
0x25: {  	s14 =	simm.s32 $0x1;
	_ =	swait.ge [sflag:s6], $0x200  }
0x26: {  	s14 =	simm.s32 @!p0 $0x0;
	[sflag:s6] =	ssyncset.done $0x0  }
0x27: {  	s17 =	sshll.u32 s14, $0x9;
	[sflag:s6] =	ssyncadd.s32 $0xFFFFFE00  }
0x28: {  	v0 =	vld.msk [tilespmem:s17+$0x0 ss:$0x1], $0xffff;
	_ =	sdelay $0x4  }
0x29: {  	vm1 =	vgt.s32 v0, $0x0  }
0x2a: {  	v0 =	vnsel vm1, $0x0, v0  }
0x2b: {  	v0 =	vmin.u32 v0, $0xF423F  }
0x2c: {  	v1 =	vshll.u32 v0, $0x3  }
0x2d: {  	v0 =	vand.u32 $0x7F, v0;
	v1 =	vand.u32 $0x7FFC00, v1  }
0x2e: {  	s30 =	sshll.u32 s12, $0xD;
	v0 =	vor.u32 v0, v1  }
0x2f: {  	s16 =	simm.s32 $0x0;
	s14 =	sand.u32 $0x2000, s30  }
0x30: {  	s18 =	sand.u32 $0xC00, s16;
	s15 =	sor.u32 $0x400, s14  }
0x31: {  	s19 =	sand.u32 $0x70, s16;
	(ifvalue) =	ssetifvalue $0x7FFFFFFF;
	s18 =	sadd.s32 s18, s15;
	v1 =	vor.u32 $0x80, v0  }
0x32: {  	(ifvalue) =	ssetifvalue $0x7FFFFFFF;
	s18 =	sadd.s32 s19, s18  }
0x33: {  	[tilespmem:s18], [sflag:$0x1] =	stream.indirect_vreg.gather [hbm4b:s2+s11], $0x1, v0, vm0, $0x4038;
	[tilespmem:$0x4400] =	vst v63  }
0x34: {  	v2 =	vor.u32 $0x100, v0;
	(ifvalue) =	ssetifvalue $0x7FFFFFFF  }
0x35: {  	s19 =	sadd.s32 $0x80, s18;
	(ifvalue) =	ssetifvalue $0x7FFFFFFF  }
0x36: {  	[tilespmem:s19], [sflag:$0x1] =	stream.indirect_vreg.gather [hbm4b:s2+s11], $0x1, v1, vm0, $0x4038;
	[tilespmem:$0x4400] =	vst v63  }
0x37: {  	v1 =	vor.u32 $0x180, v0;
	(ifvalue) =	ssetifvalue $0x7FFFFFFF  }
0x38: {  	s31 =	sadd.s32 $0x100, s18;
	(ifvalue) =	ssetifvalue $0x7FFFFFFF  }
0x39: {  	[tilespmem:s31], [sflag:$0x1] =	stream.indirect_vreg.gather [hbm4b:s2+s11], $0x1, v2, vm0, $0x4038;
	[tilespmem:$0x4400] =	vst v63  }
0x3a: {  	v2 =	vor.u32 $0x200, v0;
	(ifvalue) =	ssetifvalue $0x7FFFFFFF  }
0x3b: {  	s20 =	sadd.s32 $0x180, s18;
	(ifvalue) =	ssetifvalue $0x7FFFFFFF  }
0x3c: {  	[tilespmem:s20], [sflag:$0x1] =	stream.indirect_vreg.gather [hbm4b:s2+s11], $0x1, v1, vm0, $0x4038;
	[tilespmem:$0x4400] =	vst v63  }
0x3d: {  	(ifvalue) =	ssetifvalue $0x7FFFFFFF;
	v1 =	vor.u32 $0x280, v0  }
0x3e: {  	s21 =	sadd.s32 $0x200, s18;
	(ifvalue) =	ssetifvalue $0x7FFFFFFF  }
0x3f: {  	[tilespmem:s21], [sflag:$0x1] =	stream.indirect_vreg.gather [hbm4b:s2+s11], $0x1, v2, vm0, $0x4038;
	[tilespmem:$0x4400] =	vst v63  }
0x40: {  	(ifvalue) =	ssetifvalue $0x7FFFFFFF;
	v2 =	vor.u32 $0x300, v0  }
0x41: {  	s22 =	sadd.s32 $0x280, s18;
	(ifvalue) =	ssetifvalue $0x7FFFFFFF  }
0x42: {  	[tilespmem:s22], [sflag:$0x1] =	stream.indirect_vreg.gather [hbm4b:s2+s11], $0x1, v1, vm0, $0x4038;
	[tilespmem:$0x4400] =	vst v63  }
0x43: {  	(ifvalue) =	ssetifvalue $0x7FFFFFFF;
	v1 =	vor.u32 $0x380, v0  }
0x44: {  	s16 =	sor.u32 s16, s16;
	s23 =	sadd.s32 $0x300, s18;
	(ifvalue) =	ssetifvalue $0x7FFFFFFF  }
0x45: {  	[tilespmem:s23], [sflag:$0x1] =	stream.indirect_vreg.gather [hbm4b:s2+s11], $0x1, v2, vm0, $0x4038;
	[tilespmem:$0x4400] =	vst v63  }
0x46: {  	s16 =	sor.u32 $0x380, s16;
	(ifvalue) =	ssetifvalue $0x7FFFFFFF;
	v2 =	vadd.s32 $0x7A1400, v0  }
0x47: {  	s16 =	sadd.s32 s16, s15;
	(ifvalue) =	ssetifvalue $0x7FFFFFFF  }
0x48: {  	[tilespmem:s16], [sflag:$0x1] =	stream.indirect_vreg.gather [hbm4b:s2+s11], $0x1, v1, vm0, $0x4038;
	[tilespmem:$0x4400] =	vst v63  }
0x49: {  	(ifvalue) =	ssetifvalue $0x7FFFFFFF;
	v1 =	vadd.s32 $0x7A1480, v0  }
0x4a: {  	s24 =	sadd.s32 $0x1000, s18;
	(ifvalue) =	ssetifvalue $0x7FFFFFFF  }
0x4b: {  	[tilespmem:s24], [sflag:$0x1] =	stream.indirect_vreg.gather [hbm4b:s2+s11], $0x1, v2, vm0, $0x4038;
	[tilespmem:$0x4400] =	vst v63  }
0x4c: {  	(ifvalue) =	ssetifvalue $0x7FFFFFFF;
	v2 =	vadd.s32 $0x7A1500, v0  }
0x4d: {  	s25 =	sadd.s32 $0x1080, s18;
	(ifvalue) =	ssetifvalue $0x7FFFFFFF  }
0x4e: {  	[tilespmem:s25], [sflag:$0x1] =	stream.indirect_vreg.gather [hbm4b:s2+s11], $0x1, v1, vm0, $0x4038;
	[tilespmem:$0x4400] =	vst v63  }
0x4f: {  	(ifvalue) =	ssetifvalue $0x7FFFFFFF;
	v1 =	vadd.s32 $0x7A1580, v0  }
0x50: {  	s26 =	sadd.s32 $0x1100, s18;
	(ifvalue) =	ssetifvalue $0x7FFFFFFF  }
0x51: {  	[tilespmem:s26], [sflag:$0x1] =	stream.indirect_vreg.gather [hbm4b:s2+s11], $0x1, v2, vm0, $0x4038;
	[tilespmem:$0x4400] =	vst v63  }
0x52: {  	(ifvalue) =	ssetifvalue $0x7FFFFFFF;
	v2 =	vadd.s32 $0x7A1600, v0  }
0x53: {  	s28 =	sadd.s32 $0x1180, s18;
	(ifvalue) =	ssetifvalue $0x7FFFFFFF  }
0x54: {  	[tilespmem:s28], [sflag:$0x1] =	stream.indirect_vreg.gather [hbm4b:s2+s11], $0x1, v1, vm0, $0x4038;
	[tilespmem:$0x4400] =	vst v63  }
0x55: {  	(ifvalue) =	ssetifvalue $0x7FFFFFFF;
	v1 =	vadd.s32 $0x7A1680, v0  }
0x56: {  	s29 =	sadd.s32 $0x1200, s18;
	(ifvalue) =	ssetifvalue $0x7FFFFFFF  }
0x57: {  	[tilespmem:s29], [sflag:$0x1] =	stream.indirect_vreg.gather [hbm4b:s2+s11], $0x1, v2, vm0, $0x4038;
	[tilespmem:$0x4400] =	vst v63  }
0x58: {  	(ifvalue) =	ssetifvalue $0x7FFFFFFF;
	v2 =	vadd.s32 $0x7A1700, v0  }
0x59: {  	s30 =	sadd.s32 $0x1280, s18;
	(ifvalue) =	ssetifvalue $0x7FFFFFFF  }
0x5a: {  	[tilespmem:s30], [sflag:$0x1] =	stream.indirect_vreg.gather [hbm4b:s2+s11], $0x1, v1, vm0, $0x4038;
	[tilespmem:$0x4400] =	vst v63  }
0x5b: {  	v0 =	vadd.s32 $0x7A1780, v0;
	(ifvalue) =	ssetifvalue $0x7FFFFFFF  }
0x5c: {  	s31 =	sadd.s32 $0x1300, s18;
	(ifvalue) =	ssetifvalue $0x7FFFFFFF  }
0x5d: {  	[tilespmem:s31], [sflag:$0x1] =	stream.indirect_vreg.gather [hbm4b:s2+s11], $0x1, v2, vm0, $0x4038;
	[tilespmem:$0x4400] =	vst v63  }
0x5e: {  	s17 =	sadd.s32 $0x10, s17;
	s19 =	sadd.s32 $0x1380, s18;
	(ifvalue) =	ssetifvalue $0x7FFFFFFF  }
0x5f: {  	s18 =	simm.s32 $0x80;
	s16 =	simm.s32 $0x10;
	(ifvalue) =	ssetifvalue $0x7FFFFFFF  }
.LBB2_3:
0x60: {  	[tilespmem:s19], [sflag:$0x1] =	stream.indirect_vreg.gather [hbm4b:s2+s11], $0x1, v0, vm0, $0x4038;
	[tilespmem:$0x4400] =	vst v63  }
0x61: {  	p1 =	sne.s32 s16, $0x1F0;
	s20 =	smov.u32 s16;
	s16 =	sadd.s32 $0x10, s16;
	v0 =	vld.msk [tilespmem:s17+$0x0 ss:$0x1], $0xffff  }
0x62: {  	(ifvalue) =	ssetifvalue $0x7FFFFFFF;
	_ =	sdelay $0x4  }
0x63: {  	vm1 =	vgt.s32 v0, $0x0  }
0x64: {  	v0 =	vnsel vm1, $0x0, v0  }
0x65: {  	v0 =	vmin.u32 v0, $0xF423F  }
0x66: {  	v1 =	vshll.u32 v0, $0x3  }
0x67: {  	v0 =	vand.u32 $0x7F, v0;
	v1 =	vand.u32 $0x7FFC00, v1  }
0x68: {  	v0 =	vor.u32 v0, v1;
	_ =	sdelay $0x1  }
0x69: {  	s19 =	sand.u32 $0xC00, s18  }
0x6a: {  	s21 =	sand.u32 $0x70, s20;
	s19 =	sadd.s32 s19, s15;
	v1 =	vor.u32 $0x80, v0  }
0x6b: {  	s19 =	sadd.s32 s21, s19;
	(ifvalue) =	ssetifvalue $0x7FFFFFFF  }
0x6c: {  	[tilespmem:s19], [sflag:$0x1] =	stream.indirect_vreg.gather [hbm4b:s2+s11], $0x1, v0, vm0, $0x4038;
	[tilespmem:$0x4400] =	vst v63  }
0x6d: {  	v2 =	vor.u32 $0x100, v0;
	(ifvalue) =	ssetifvalue $0x7FFFFFFF  }
0x6e: {  	s21 =	sadd.s32 $0x80, s19;
	(ifvalue) =	ssetifvalue $0x7FFFFFFF  }
0x6f: {  	[tilespmem:s21], [sflag:$0x1] =	stream.indirect_vreg.gather [hbm4b:s2+s11], $0x1, v1, vm0, $0x4038;
	[tilespmem:$0x4400] =	vst v63  }
0x70: {  	v1 =	vor.u32 $0x180, v0;
	(ifvalue) =	ssetifvalue $0x7FFFFFFF  }
0x71: {  	s21 =	sadd.s32 $0x100, s19;
	(ifvalue) =	ssetifvalue $0x7FFFFFFF  }
0x72: {  	[tilespmem:s21], [sflag:$0x1] =	stream.indirect_vreg.gather [hbm4b:s2+s11], $0x1, v2, vm0, $0x4038;
	[tilespmem:$0x4400] =	vst v63  }
0x73: {  	v2 =	vor.u32 $0x200, v0;
	(ifvalue) =	ssetifvalue $0x7FFFFFFF  }
0x74: {  	s21 =	sadd.s32 $0x180, s19;
	(ifvalue) =	ssetifvalue $0x7FFFFFFF  }
0x75: {  	[tilespmem:s21], [sflag:$0x1] =	stream.indirect_vreg.gather [hbm4b:s2+s11], $0x1, v1, vm0, $0x4038;
	[tilespmem:$0x4400] =	vst v63  }
0x76: {  	v1 =	vor.u32 $0x280, v0;
	(ifvalue) =	ssetifvalue $0x7FFFFFFF  }
0x77: {  	s21 =	sadd.s32 $0x200, s19;
	(ifvalue) =	ssetifvalue $0x7FFFFFFF  }
0x78: {  	[tilespmem:s21], [sflag:$0x1] =	stream.indirect_vreg.gather [hbm4b:s2+s11], $0x1, v2, vm0, $0x4038;
	[tilespmem:$0x4400] =	vst v63  }
0x79: {  	v2 =	vor.u32 $0x300, v0;
	(ifvalue) =	ssetifvalue $0x7FFFFFFF  }
0x7a: {  	s21 =	sadd.s32 $0x280, s19;
	(ifvalue) =	ssetifvalue $0x7FFFFFFF  }
0x7b: {  	[tilespmem:s21], [sflag:$0x1] =	stream.indirect_vreg.gather [hbm4b:s2+s11], $0x1, v1, vm0, $0x4038;
	[tilespmem:$0x4400] =	vst v63  }
0x7c: {  	v1 =	vor.u32 $0x380, v0;
	(ifvalue) =	ssetifvalue $0x7FFFFFFF  }
0x7d: {  	s20 =	sor.u32 s18, s20;
	s21 =	sadd.s32 $0x300, s19;
	(ifvalue) =	ssetifvalue $0x7FFFFFFF  }
0x7e: {  	[tilespmem:s21], [sflag:$0x1] =	stream.indirect_vreg.gather [hbm4b:s2+s11], $0x1, v2, vm0, $0x4038;
	[tilespmem:$0x4400] =	vst v63  }
0x7f: {  	s20 =	sor.u32 $0x380, s20;
	v2 =	vadd.s32 $0x7A1400, v0;
	(ifvalue) =	ssetifvalue $0x7FFFFFFF  }
0x80: {  	s20 =	sadd.s32 s20, s15;
	(ifvalue) =	ssetifvalue $0x7FFFFFFF  }
0x81: {  	[tilespmem:s20], [sflag:$0x1] =	stream.indirect_vreg.gather [hbm4b:s2+s11], $0x1, v1, vm0, $0x4038;
	[tilespmem:$0x4400] =	vst v63  }
0x82: {  	v1 =	vadd.s32 $0x7A1480, v0;
	(ifvalue) =	ssetifvalue $0x7FFFFFFF  }
0x83: {  	s20 =	sadd.s32 $0x1000, s19;
	(ifvalue) =	ssetifvalue $0x7FFFFFFF  }
0x84: {  	[tilespmem:s20], [sflag:$0x1] =	stream.indirect_vreg.gather [hbm4b:s2+s11], $0x1, v2, vm0, $0x4038;
	[tilespmem:$0x4400] =	vst v63  }
0x85: {  	v2 =	vadd.s32 $0x7A1500, v0;
	(ifvalue) =	ssetifvalue $0x7FFFFFFF  }
0x86: {  	s20 =	sadd.s32 $0x1080, s19;
	(ifvalue) =	ssetifvalue $0x7FFFFFFF  }
0x87: {  	[tilespmem:s20], [sflag:$0x1] =	stream.indirect_vreg.gather [hbm4b:s2+s11], $0x1, v1, vm0, $0x4038;
	[tilespmem:$0x4400] =	vst v63  }
0x88: {  	v1 =	vadd.s32 $0x7A1580, v0;
	(ifvalue) =	ssetifvalue $0x7FFFFFFF  }
0x89: {  	s20 =	sadd.s32 $0x1100, s19;
	(ifvalue) =	ssetifvalue $0x7FFFFFFF  }
0x8a: {  	[tilespmem:s20], [sflag:$0x1] =	stream.indirect_vreg.gather [hbm4b:s2+s11], $0x1, v2, vm0, $0x4038;
	[tilespmem:$0x4400] =	vst v63  }
0x8b: {  	v2 =	vadd.s32 $0x7A1600, v0;
	(ifvalue) =	ssetifvalue $0x7FFFFFFF  }
0x8c: {  	s20 =	sadd.s32 $0x1180, s19;
	(ifvalue) =	ssetifvalue $0x7FFFFFFF  }
0x8d: {  	[tilespmem:s20], [sflag:$0x1] =	stream.indirect_vreg.gather [hbm4b:s2+s11], $0x1, v1, vm0, $0x4038;
	[tilespmem:$0x4400] =	vst v63  }
0x8e: {  	v1 =	vadd.s32 $0x7A1680, v0;
	(ifvalue) =	ssetifvalue $0x7FFFFFFF  }
0x8f: {  	s20 =	sadd.s32 $0x1200, s19;
	(ifvalue) =	ssetifvalue $0x7FFFFFFF  }
0x90: {  	[tilespmem:s20], [sflag:$0x1] =	stream.indirect_vreg.gather [hbm4b:s2+s11], $0x1, v2, vm0, $0x4038;
	[tilespmem:$0x4400] =	vst v63  }
0x91: {  	v2 =	vadd.s32 $0x7A1700, v0;
	(ifvalue) =	ssetifvalue $0x7FFFFFFF  }
0x92: {  	s20 =	sadd.s32 $0x1280, s19;
	(ifvalue) =	ssetifvalue $0x7FFFFFFF  }
0x93: {  	[tilespmem:s20], [sflag:$0x1] =	stream.indirect_vreg.gather [hbm4b:s2+s11], $0x1, v1, vm0, $0x4038;
	[tilespmem:$0x4400] =	vst v63  }
.Ltmp3:
0x94: {  	v0 =	vadd.s32 $0x7A1780, v0;
	(ifvalue) =	ssetifvalue $0x7FFFFFFF;
	(pc) =	sbr.rel @p1 .LBB2_3-.Ltmp3, $4  }
0x95: {  	s20 =	sadd.s32 $0x1300, s19;
	(ifvalue) =	ssetifvalue $0x7FFFFFFF  }
0x96: {  	[tilespmem:s20], [sflag:$0x1] =	stream.indirect_vreg.gather [hbm4b:s2+s11], $0x1, v2, vm0, $0x4038;
	[tilespmem:$0x4400] =	vst v63  }
0x97: {  	s17 =	sadd.s32 $0x10, s17;
	(ifvalue) =	ssetifvalue $0x7FFFFFFF  }
0x98: {  	s18 =	sadd.s32 $0x80, s18;
	s19 =	sadd.s32 $0x1380, s19;
	(ifvalue) =	ssetifvalue $0x7FFFFFFF  }
.Ltmp4:
0x99: {  	_ = 	snop;
	(pc) =	sbr.rel .LBB2_4-.Ltmp4, $1  }
0x9a: {  	_ =	sdelay $0x3  }
.LBB2_6:
0x9b: {  	_ =	sfence.sel $0x180000  }
0x9c: {  	s2 =	simm.s32 $0x2;
	[bflag:$0x0] =	sbarrier.arrive $0xFFFF  }
0x9d: {  	s30 =	simm.s32 $0x3;
	[sflag:s2] =	ssyncpa.u1 $0x1  }
0x9e: {  	s31 =	simm.s32 $0x1;
	[sflag:s30] =	ssyncpa.u1 $0x1  }
0x9f: {  	[sflag:s31] =	ssyncpa.u1 $0x1  }
0xa0: {  	p0 =	sne.s32 s0, $0x0;
	_ =	strace $0x9000004A  }
0xa1: {  	s0 =	sadd.s32 @!p0 $0x100000, s1;
	[bflag:$0x2] =	sbarrier.arrive $0xFFFF  }
0xa2: {  	[sflag:s0] =	ssyncadd.tile.s32 @!p0 $0x1;
	_ =	shalt  }
.Lfunc_end2:
_tile_overlayer_lowered:
.L_overlay_start_2:
0xa3: {  	(tag) =	ssettag $0x2  }
0xa4: {  	s0 =	rddreg [dreg:$0x0];
	s2 =	stileid.u32  }
0xa5: {  	s1 =	rddreg [dreg:$0x1];
	p0 =	sne.s32 s2, $0x0  }
0xa6: {  	s3 =	rddreg [dreg:$0x2];
	[bflag:$0x3] =	sbarrier.arrive $0xFFFF;
	s2 =	simm.s32 @!p0 $0x1C01  }
0xa7: {  	[timem:s3], [sflag:s2] =	dma.local @!p0 [hbm:s0], s1  }
0xa8: {  	s0 =	simm.s32 @!p0 $0x1  }
0xa9: {  	_ =	swait.ge @!p0 [sflag:s0], s1  }
0xaa: {  	s1 =	ssub.s32 @!p0 $0x0, s1;
	[sflag:s0] =	ssyncset.done @!p0 $0x0  }
0xab: {  	[sflag:s0] =	ssyncadd.s32 @!p0 s1  }
0xac: {  	[bflag:$0x3] =	sbarrier.arrive $0xFFFF  }
0xad: {  	_ =	shalt  }

// kernel: gather_offload_async_start
scs
__scs_entry_jumppad:
0x0: {  	(pc) =	sbr.rel $0x88, $3  }
0x1: {  	(tag) =	ssettag $0x0;
	lr =	simm.s32 $0x1  }
0x2: {  	[smem:$0x3F90] =	sst lr;
	_ =	strace $0xD0000000  }
0x3: {  	_ = 	snop  }
0x4: {  	_ = 	snop  }
0x5: {  	_ = 	snop  }
0x6: {  	_ = 	snop  }
0x7: {  	_ = 	snop  }
__scs_overlays_trampoline_lowered:
0x8: {  	[smem:$0x3F9F] =	sst s0  }
0x9: {  	[smem:$0x3FA0] =	sst s1  }
0xa: {  	[smem:$0x3FA1] =	sst s2  }
0xb: {  	[smem:$0x3FA2] =	sst s3  }
0xc: {  	[smem:$0x3FA3] =	sst s4  }
0xd: {  	[smem:$0x3FA4] =	sst s5  }
0xe: {  	[smem:$0x3FA5] =	sst s6  }
0xf: {  	[smem:$0x3FA6] =	sst s7  }
0x10: {  	[smem:$0x3FA7] =	sst s8  }
0x11: {  	[smem:$0x3FA8] =	sst s9;
	s0 =	simm.s32 @!p0 $0x0  }
0x12: {  	s1 =	sld [smem:$0x3F8E];
	s0 =	simm.s32 @p0 $0x1  }
0x13: {  	[smem:$0x3FA9] =	sst s0;
	s0 =	simm.s32 @!p1 $0x0  }
0x14: {  	s2 =	sld [smem:$0x3F8D];
	s0 =	simm.s32 @p1 $0x1  }
0x15: {  	[smem:$0x3FAA] =	sst s0;
	s0 =	simm.s32 @!p2 $0x0  }
0x16: {  	s3 =	sld [smem:$0x3FDB];
	s0 =	simm.s32 @p2 $0x1  }
0x17: {  	s4 =	simm.s32 $0x1BF5;
	[smem:$0x3FAC] =	sst s0  }
0x18: {  	s0 =	sld [smem:$0x3F8F];
	_ =	swait.ge [sflag:s4], $0x0  }
0x19: {  	s7 =	sld [smem:$0x3F90]  }
0x1a: {  	s8 =	sadd.s32 $0xFFFFE003, lr  }
0x1b: {  	s9 =	sadd.s32 $0xFFFFFEF7, lr;
	s5 =	simm.s32 $0xFFFFFFFF;
	p2 =	slt.u32 s8, $0xFFFFF086  }
0x1c: {  	p1 =	slt.u32 s9, $0xF7A;
	s5 =	simm.s32 @!p2 $0x0  }
0x1d: {  	s5 =	simm.s32 @p1 $0x1;
	p0 =	seq.s32 s7, s2  }
0x1e: {  	s7 =	smul.u32 @!p0 $0xF7A, s2;
	p2 =	seq.s32 @!p0 s5, $0x0  }
0x1f: {  	s9 =	smul.u32 $0xF7A, s1;
	s8 =	simm.s32 @!p0 $0x1BF5;
	p2 =	por !p2, p0  }
0x20: {  	[sflag:s8] =	ssyncset.s32 @!p0 $0xFFFFF086;
	s6 =	sadd.s32 @!p0 s3, s7;
	s7 =	simm.s32 @!p0 $0x108  }
0x21: {  	s3 =	sadd.s32 s3, s9;
	s6 =	sadd.s32 @!p0 $0x88, s6;
	s7 =	simm.s32 @p2 $0x1082  }
0x22: {  	[simem:s7], [sflag:s8] =	dma.local @!p0 [hbm:s6], $0xF7A  }
0x23: {  	s9 =	sor.u32 $0xD0000000, s2;
	s6 =	simm.s32 $0x108;
	_ =	swait.ge @!p0 [sflag:s8], $0x0  }
0x24: {  	s3 =	sadd.s32 $0x88, s3;
	s6 =	simm.s32 @!p1 $0x1082;
	[sflag:s4] =	ssyncset.s32 $0xFFFFF086  }
0x25: {  	[simem:s6], [sflag:s4] =	dma.local [hbm:s3], $0xF7A  }
0x26: {  	[smem:$0x3F90] =	sst s1;
	(tag) =	ssettag s2;
	_ =	strace s9  }
0x27: {  	s1 =	sld [smem:$0x3FA0]  }
0x28: {  	s2 =	sld [smem:$0x3FA1]  }
0x29: {  	s4 =	sld [smem:$0x3FA3]  }
0x2a: {  	p0 =	seq.s32 s5, $0x0;
	s5 =	sld [smem:$0x3FA4]  }
0x2b: {  	s6 =	sld [smem:$0x3FA5]  }
0x2c: {  	s7 =	sld [smem:$0x3FA6]  }
0x2d: {  	s3 =	simm.s32 $0x108;
	s8 =	sld [smem:$0x3FA7]  }
0x2e: {  	s3 =	simm.s32 @!p0 $0x1082;
	s9 =	sld [smem:$0x3FA8]  }
0x2f: {  	lr =	sadd.s32 s0, s3;
	s0 =	sld [smem:$0x3F9F]  }
0x30: {  	s3 =	sld [smem:$0x3FA2]  }
0x31: {  	[smem:$0x3FAB] =	sst s10  }
0x32: {  	s10 =	sld [smem:$0x3FA9];
	_ =	sdelay $0x3  }
0x33: {  	p0 =	seq.s32 s10, $0x1;
	s10 =	sld [smem:$0x3FAB];
	_ =	sdelay $0x3  }
0x34: {  	[smem:$0x3FAB] =	sst s10  }
0x35: {  	s10 =	sld [smem:$0x3FAA];
	_ =	sdelay $0x3  }
0x36: {  	p1 =	seq.s32 s10, $0x1;
	s10 =	sld [smem:$0x3FAB];
	_ =	sdelay $0x3  }
0x37: {  	[smem:$0x3FAB] =	sst s10  }
0x38: {  	s10 =	sld [smem:$0x3FAC]  }
0x39: {  	_ = 	snop;
	(pc) =	sbr.ind lr, $3  }
0x3a: {  	_ = 	snop  }
0x3b: {  	_ = 	snop  }
0x3c: {  	p2 =	seq.s32 s10, $0x1;
	s10 =	sld [smem:$0x3FAB]  }
0x3d: {  	_ =	shalt  }
0x3e: {  	_ =	shalt  }
0x3f: {  	_ =	shalt  }
0x40: {  	_ =	shalt  }
0x41: {  	_ =	shalt  }
0x42: {  	_ =	shalt  }
0x43: {  	_ =	shalt  }
0x44: {  	_ =	shalt  }
0x45: {  	_ =	shalt  }
0x46: {  	_ =	shalt  }
0x47: {  	_ =	shalt  }
0x48: {  	_ =	shalt  }
0x49: {  	_ =	shalt  }
0x4a: {  	_ =	shalt  }
0x4b: {  	_ =	shalt  }
0x4c: {  	_ =	shalt  }
0x4d: {  	_ =	shalt  }
0x4e: {  	_ =	shalt  }
0x4f: {  	_ =	shalt  }
0x50: {  	_ =	shalt  }
0x51: {  	_ =	shalt  }
0x52: {  	_ =	shalt  }
0x53: {  	_ =	shalt  }
0x54: {  	_ =	shalt  }
0x55: {  	_ =	shalt  }
0x56: {  	_ =	shalt  }
0x57: {  	_ =	shalt  }
0x58: {  	_ =	shalt  }
0x59: {  	_ =	shalt  }
0x5a: {  	_ =	shalt  }
0x5b: {  	_ =	shalt  }
0x5c: {  	_ =	shalt  }
0x5d: {  	_ =	shalt  }
0x5e: {  	_ =	shalt  }
0x5f: {  	_ =	shalt  }
0x60: {  	_ =	shalt  }
0x61: {  	_ =	shalt  }
0x62: {  	_ =	shalt  }
0x63: {  	_ =	shalt  }
0x64: {  	_ =	shalt  }
0x65: {  	_ =	shalt  }
0x66: {  	_ =	shalt  }
0x67: {  	_ =	shalt  }
0x68: {  	_ =	shalt  }
0x69: {  	_ =	shalt  }
0x6a: {  	_ =	shalt  }
0x6b: {  	_ =	shalt  }
0x6c: {  	_ =	shalt  }
0x6d: {  	_ =	shalt  }
0x6e: {  	_ =	shalt  }
0x6f: {  	_ =	shalt  }
0x70: {  	_ =	shalt  }
0x71: {  	_ =	shalt  }
0x72: {  	_ =	shalt  }
0x73: {  	_ =	shalt  }
0x74: {  	_ =	shalt  }
0x75: {  	_ =	shalt  }
0x76: {  	_ =	shalt  }
0x77: {  	_ =	shalt  }
0x78: {  	_ =	shalt  }
0x79: {  	_ =	shalt  }
0x7a: {  	_ =	shalt  }
0x7b: {  	_ =	shalt  }
0x7c: {  	_ =	shalt  }
0x7d: {  	_ =	shalt  }
0x7e: {  	_ =	shalt  }
0x7f: {  	_ =	shalt  }
0x80: {  	_ =	shalt  }
0x81: {  	_ =	shalt  }
0x82: {  	_ =	shalt  }
0x83: {  	_ =	shalt  }
0x84: {  	_ =	shalt  }
0x85: {  	_ =	shalt  }
0x86: {  	_ =	shalt  }
0x87: {  	_ =	shalt  }
.Lfunc_end0:
.L_simem_size_0:
called_computation_lowered:
.L_overlay_start_0:
0x88: {  	s2 =	sld [smem:$0x3FD9]  }
0x89: {  	s3 =	sld [smem:$0x3FFE];
	_ =	sdelay $0x1  }
0x8a: {  	s1 =	srdreg.scid  }
0x8b: {  	s0 =	sand.u32 $0x1, s1  }
0x8c: {  	s17 =	sshll.u32 s0, $0xA;
	s2 =	sadd.s32 s3, s2  }
0x8d: {  	s2 =	sadd.s32 s2, s17  }
0x8e: {  	[smem:$0x3FB7] =	sst s2  }
0x8f: {  	_ = 	snop  }
0x90: {  	s2 =	sld [smem:$0x3FC5]  }
0x91: {  	s18 =	sld [smem:$0x3FD0];
	(tm) =	ssettm $0x1  }
0x92: {  	s4 =	sld [smem:$0x3FFB];
	_ =	sdelay $0x3  }
0x93: {  	_ =	strace s4  }
0x94: {  	s4 =	sld [smem:$0x3FFC];
	_ =	sdelay $0x3  }
0x95: {  	_ =	strace s4  }
0x96: {  	s4 =	sld [smem:$0x3FFD];
	_ =	sdelay $0x3  }
0x97: {  	_ =	strace s4  }
0x98: {  	_ =	strace $0x8FFFFFFF  }
0x99: {  	s19 =	sld [smem:$0x3FDB];
	_ =	sdelay $0x1  }
0x9a: {  	s5 =	simm.s32 $_scs_section_size  }
0x9b: {  	s6 =	simm.s32 $_size__tile_overlayer_lowered;
	s7 =	simm.s32 $_tile_overlayer_lowered  }
0x9c: {  	s22 =	simm.s32 $0x1BFF;
	s21 =	sshll.u32 s7, $0x1;
	s4 =	sadd.s32 s5, s19  }
0x9d: {  	s8 =	simm.s32 $0x0;
	s20 =	sshll.u32 s6, $0x1;
	s6 =	sadd.s32 s21, s4  }
0x9e: {  	[timem:s8], [sflag:s22] =	dma.local [hbm:s6], s20  }
0x9f: {  	_ =	swait.ge [sflag:s22], s20  }
0xa0: {  	s5 =	ssub.s32 $0x0, s20;
	[sflag:s22] =	ssyncset.done $0x0  }
0xa1: {  	[sflag:s22] =	ssyncadd.s32 s5;
	_ =	sdelay $0x1  }
0xa2: {  	s23 =	simm.s32 $0x1B8B  }
0xa3: {  	_ =	swait.ge [sflag:s23], $0x1  }
0xa4: {  	[sflag:s23] =	ssyncset.done $0x0  }
0xa5: {  	s25 =	simm.s32 $0x1B8E;
	s24 =	sld [smem:$0x3FFE];
	[sflag:s23] =	ssyncadd.s32 $0xFFFFFFFF  }
0xa6: {  	s26 =	simm.s32 $execute0_lowered;
	[smem:$0x3FD2] =	sst s25  }
0xa7: {  	s6 =	sshll.u32 s26, $0x1;
	_ =	strace $0x80000046;
	[dreg:$0x1] =	wrdreg $0xFFFFFFFF  }
0xa8: {  	s28 =	simm.s32 $_size_execute0_lowered;
	s4 =	sadd.s32 s4, s6;
	[dreg:$0x0] =	wrdreg $0x0  }
0xa9: {  	s6 =	sshll.u32 s28, $0x1;
	[dreg:$0x2] =	wrdreg s4  }
0xaa: {  	[dreg:$0x3] =	wrdreg s6  }
0xab: {  	[dreg:$0x4] =	wrdreg $0xC0  }
0xac: {  	_ =	task [dreg:s8], $0x5FFFF  }
0xad: {  	[dreg:$0x1] =	wrdreg $0xFFFFFFFF  }
0xae: {  	[dreg:$0x0] =	wrdreg $0x60  }
0xaf: {  	[dreg:$0x2] =	wrdreg s2  }
0xb0: {  	[dreg:$0x3] =	wrdreg s18  }
0xb1: {  	[dreg:$0x4] =	wrdreg s24  }
0xb2: {  	[dreg:$0x5] =	wrdreg $0x9  }
0xb3: {  	_ =	task.clear_ibuf [dreg:s8], $0x6FFFF;
	_ =	strace $0x90000046  }
0xb4: {  	s29 =	simm.s32 $0x9;
	_ =	strace $0x80000048  }
0xb5: {  	_ =	swait.ge [sflag:s29], $0x1  }
0xb6: {  	[sflag:s29] =	ssyncadd.s32 $0xFFFFFFFF  }
0xb7: {  	_ =	strace $0x90000048  }
0xb8: {  	_ =	sfence  }
0xb9: {  	s30 =	sld [smem:$0x0];
	_ =	sdelay $0x2  }
0xba: {  	s31 =	sshll.u32 s1, $0xD;
	s1 =	sshrl.u32 s1, $0x2  }
0xbb: {  	s3 =	sand.u32 $0x4000, s31;
	s1 =	sadd.s32 s1, s30  }
0xbc: {  	s0 =	sor.u32 s3, s0;
	s1 =	sshll.u32 s1, $0x11  }
0xbd: {  	s0 =	sor.u32 s1, s0  }
0xbe: {  	s0 =	sadd.s32 $0x8F2B, s0  }
0xbf: {  	[sflag:s0] =	ssyncadd.remote.s32 $0x1  }
0xc0: {  	_ =	sfence.sel $0xFFFF  }
0xc1: {  	[dreg:$0x0] =	wrdreg $0xFFFFFFFF;
	(pc) =	sbr.abs _section_cstart, $3  }
0xc2: {  	[dreg:$0x1] =	wrdreg $0xFFFFFFFF  }
0xc3: {  	_ =	task.clear_ibuf [dreg:s8], $0x2FFFF;
	_ =	strace $0x9FFFFFFF  }
0xc4: {  	(tm) =	ssettm $0x7FFFFFFF  }
0xc5: {  	_ =	shalt  }
tec
execute0_lowered:
.L_overlay_start_1:
0x0: {  	(tag) =	ssettag $0x1  }
0x1: {  	s2 =	rddreg [dreg:$0x0]  }
0x2: {  	s8 =	rddreg [dreg:$0x1]  }
0x3: {  	s0 =	srdreg.scid;
	s9 =	rddreg [dreg:$0x2]  }
0x4: {  	s1 =	stileid.u32;
	s11 =	simm.s32 $0x3;
	s13 =	simm.s32 $0x0  }
0x5: {  	s3 =	sshll.u32 s0, $0x9;
	s0 =	rddreg [dreg:$0x3];
	s4 =	sshll.u32 s1, $0xA  }
0x6: {  	_ =	strace $0x80000047;
	s6 =	sadd.s32 $0x2400, s9;
	s5 =	sand.u32 $0x200, s3  }
0x7: {  	s9 =	sadd.s32 $0x6400, s9;
	s3 =	simm.s32 $0x1;
	s4 =	sor.u32 s4, s5  }
0x8: {  	[sflag:s3] =	ssyncpa.u1 $0x0;
	s5 =	simm.s32 $0x2;
	s7 =	ssub.s32 $0x4000, s4  }
.Ltmp0:
0x9: {  	[sflag:s5] =	ssyncpa.u1 $0x0;
	s10 =	sand.u32 $0x3E00, s7;
	(pc) =	sbr.rel .LBB2_1-.Ltmp0, $4  }
0xa: {  	s12 =	sshrl.u32 s4, $0x3;
	p0 =	sne.s32 s10, $0x0;
	s10 =	simm.s32 $0x1  }
0xb: {  	s7 =	sshrl.u32 s7, $0xE;
	[sflag:s11] =	ssyncpa.u1 $0x0;
	s10 =	simm.s32 @!p0 $0x0  }
0xc: {  	s8 =	sadd.s32 s8, s12;
	s11 =	simm.s32 $0x0;
	s7 =	sadd.s32 s10, s7  }
0xd: {  	vm0 =	vmmov $0xffff;
	s12 =	simm.s32 $0x0;
	p0 =	por $0x0, $0x0;
	s10 =	sadd.s32 $0x1, s7  }
.LBB2_4:
0xe: {  	_ =	sdelay $0x3  }
0xf: {  	[tilespmem:s19], [sflag:$0x1] =	stream.indirect_vreg.gather [hbm4b:s2+s11], $0x1, v0, vm0, $0x4038;
	[tilespmem:$0x4400] =	vst v63  }
0x10: {  	s16 =	sshll.u32 s13, $0x3  }
0x11: {  	s30 =	sand.u32 $0x78, s13;
	s16 =	sand.u32 $0x7FFFFC00, s16  }
0x12: {  	_ =	swait.ge [sflag:s3], $0x2000;
	s13 =	sor.u32 s30, s16  }
0x13: {  	[sflag:s3] =	ssyncset.done $0x0;
	s13 =	sshrl.u32 s13, $0x3  }
0x14: {  	[sflag:s3] =	ssyncadd.s32 $0xFFFFE000;
	s31 =	sadd.s32 s6, s13  }
0x15: {  	[hbm:s31] =	stream.linear.scatter [tilespmem:s15], [sflag:$0x3], $0x1000, $0x38;
	[tilespmem:$0x4400] =	vst v63  }
0x16: {  	s14 =	sadd.s32 $0x1400, s14;
	s13 =	sadd.s32 s13, s9  }
0x17: {  	[hbm:s13] =	stream.linear.scatter [tilespmem:s14], [sflag:$0x3], $0x1000, $0x38;
	[tilespmem:$0x4400] =	vst v63  }
.LBB2_5:
0x18: {  	p2 =	sne.s32 s12, s10  }
.Ltmp1:
0x19: {  	p1 =	slt.u32 s12, $0x2;
	(pc) =	sbr.rel @!p2 .LBB2_6-.Ltmp1, $4  }
0x1a: {  	s13 =	simm.s32 @!p1 $0x3  }
0x1b: {  	_ =	swait.ge @!p1 [sflag:s13], $0x2000  }
0x1c: {  	s14 =	sadd.s32 $0x1, s12;
	p0 =	por !p0, !p0;
	[sflag:s13] =	ssyncset.done @!p1 $0x0  }
0x1d: {  	s12 =	smov.u32 s14;
	[sflag:s13] =	ssyncadd.s32 @!p1 $0xFFFFE000;
	s13 =	smov.u32 s4  }
.LBB2_1:
0x1e: {  	p1 =	sge.u32 s12, s7  }
0x1f: {  	s14 =	sxor.u32 @!p1 $0xFFFFFFFF, s12  }
0x20: {  	s14 =	sshll.u32 @!p1 s14, $0x9  }
0x21: {  	s31 =	sadd.s32 $0xFFFFFFFF, s12;
	s15 =	simm.s32 @!p1 $0x0;
	s14 =	sand.u32 @!p1 $0x200, s14  }
0x22: {  	[tilespmem:s14], [sflag:$0x2] =	stream.linear.gather @!p1 [hbm4b:s8+s15], $0x200, $0x38;
	[tilespmem:$0x4400] =	vst v63  }
0x23: {  	p1 =	sge.u32 s31, s7  }
.Ltmp2:
0x24: {  	_ = 	snop;
	(pc) =	sbr.rel @p1 .LBB2_5-.Ltmp2, $1  }
0x25: {  	_ =	sdelay $0x3  }
0x26: {  	s14 =	simm.s32 $0x1;
	_ =	swait.ge [sflag:s5], $0x200  }
0x27: {  	s14 =	simm.s32 @!p0 $0x0;
	[sflag:s5] =	ssyncset.done $0x0  }
0x28: {  	s17 =	sshll.u32 s14, $0x9;
	[sflag:s5] =	ssyncadd.s32 $0xFFFFFE00  }
0x29: {  	v0 =	vld.msk [tilespmem:s17+$0x0 ss:$0x1], $0xffff;
	_ =	sdelay $0x4  }
0x2a: {  	vm1 =	vgt.s32 v0, $0x0  }
0x2b: {  	v0 =	vnsel vm1, $0x0, v0  }
0x2c: {  	v0 =	vmin.u32 v0, $0xF423F  }
0x2d: {  	v1 =	vshll.u32 v0, $0x3  }
0x2e: {  	v0 =	vand.u32 $0x7F, v0;
	v1 =	vand.u32 $0x7FFC00, v1  }
0x2f: {  	s30 =	sshll.u32 s12, $0xD;
	v0 =	vor.u32 v0, v1  }
0x30: {  	s16 =	simm.s32 $0x0;
	s14 =	sand.u32 $0x2000, s30  }
0x31: {  	s18 =	sand.u32 $0xC00, s16;
	s15 =	sor.u32 $0x400, s14  }
0x32: {  	s19 =	sand.u32 $0x70, s16;
	(ifvalue) =	ssetifvalue $0x7FFFFFFF;
	s18 =	sadd.s32 s18, s15;
	v1 =	vor.u32 $0x80, v0  }
0x33: {  	(ifvalue) =	ssetifvalue $0x7FFFFFFF;
	s18 =	sadd.s32 s19, s18  }
0x34: {  	[tilespmem:s18], [sflag:$0x1] =	stream.indirect_vreg.gather [hbm4b:s2+s11], $0x1, v0, vm0, $0x4038;
	[tilespmem:$0x4400] =	vst v63  }
0x35: {  	v2 =	vor.u32 $0x100, v0;
	(ifvalue) =	ssetifvalue $0x7FFFFFFF  }
0x36: {  	s19 =	sadd.s32 $0x80, s18;
	(ifvalue) =	ssetifvalue $0x7FFFFFFF  }
0x37: {  	[tilespmem:s19], [sflag:$0x1] =	stream.indirect_vreg.gather [hbm4b:s2+s11], $0x1, v1, vm0, $0x4038;
	[tilespmem:$0x4400] =	vst v63  }
0x38: {  	v1 =	vor.u32 $0x180, v0;
	(ifvalue) =	ssetifvalue $0x7FFFFFFF  }
0x39: {  	s31 =	sadd.s32 $0x100, s18;
	(ifvalue) =	ssetifvalue $0x7FFFFFFF  }
0x3a: {  	[tilespmem:s31], [sflag:$0x1] =	stream.indirect_vreg.gather [hbm4b:s2+s11], $0x1, v2, vm0, $0x4038;
	[tilespmem:$0x4400] =	vst v63  }
0x3b: {  	v2 =	vor.u32 $0x200, v0;
	(ifvalue) =	ssetifvalue $0x7FFFFFFF  }
0x3c: {  	s20 =	sadd.s32 $0x180, s18;
	(ifvalue) =	ssetifvalue $0x7FFFFFFF  }
0x3d: {  	[tilespmem:s20], [sflag:$0x1] =	stream.indirect_vreg.gather [hbm4b:s2+s11], $0x1, v1, vm0, $0x4038;
	[tilespmem:$0x4400] =	vst v63  }
0x3e: {  	(ifvalue) =	ssetifvalue $0x7FFFFFFF;
	v1 =	vor.u32 $0x280, v0  }
0x3f: {  	s21 =	sadd.s32 $0x200, s18;
	(ifvalue) =	ssetifvalue $0x7FFFFFFF  }
0x40: {  	[tilespmem:s21], [sflag:$0x1] =	stream.indirect_vreg.gather [hbm4b:s2+s11], $0x1, v2, vm0, $0x4038;
	[tilespmem:$0x4400] =	vst v63  }
0x41: {  	(ifvalue) =	ssetifvalue $0x7FFFFFFF;
	v2 =	vor.u32 $0x300, v0  }
0x42: {  	s22 =	sadd.s32 $0x280, s18;
	(ifvalue) =	ssetifvalue $0x7FFFFFFF  }
0x43: {  	[tilespmem:s22], [sflag:$0x1] =	stream.indirect_vreg.gather [hbm4b:s2+s11], $0x1, v1, vm0, $0x4038;
	[tilespmem:$0x4400] =	vst v63  }
0x44: {  	(ifvalue) =	ssetifvalue $0x7FFFFFFF;
	v1 =	vor.u32 $0x380, v0  }
0x45: {  	s16 =	sor.u32 s16, s16;
	s23 =	sadd.s32 $0x300, s18;
	(ifvalue) =	ssetifvalue $0x7FFFFFFF  }
0x46: {  	[tilespmem:s23], [sflag:$0x1] =	stream.indirect_vreg.gather [hbm4b:s2+s11], $0x1, v2, vm0, $0x4038;
	[tilespmem:$0x4400] =	vst v63  }
0x47: {  	s16 =	sor.u32 $0x380, s16;
	(ifvalue) =	ssetifvalue $0x7FFFFFFF;
	v2 =	vadd.s32 $0x7A1400, v0  }
0x48: {  	s16 =	sadd.s32 s16, s15;
	(ifvalue) =	ssetifvalue $0x7FFFFFFF  }
0x49: {  	[tilespmem:s16], [sflag:$0x1] =	stream.indirect_vreg.gather [hbm4b:s2+s11], $0x1, v1, vm0, $0x4038;
	[tilespmem:$0x4400] =	vst v63  }
0x4a: {  	(ifvalue) =	ssetifvalue $0x7FFFFFFF;
	v1 =	vadd.s32 $0x7A1480, v0  }
0x4b: {  	s24 =	sadd.s32 $0x1000, s18;
	(ifvalue) =	ssetifvalue $0x7FFFFFFF  }
0x4c: {  	[tilespmem:s24], [sflag:$0x1] =	stream.indirect_vreg.gather [hbm4b:s2+s11], $0x1, v2, vm0, $0x4038;
	[tilespmem:$0x4400] =	vst v63  }
0x4d: {  	(ifvalue) =	ssetifvalue $0x7FFFFFFF;
	v2 =	vadd.s32 $0x7A1500, v0  }
0x4e: {  	s25 =	sadd.s32 $0x1080, s18;
	(ifvalue) =	ssetifvalue $0x7FFFFFFF  }
0x4f: {  	[tilespmem:s25], [sflag:$0x1] =	stream.indirect_vreg.gather [hbm4b:s2+s11], $0x1, v1, vm0, $0x4038;
	[tilespmem:$0x4400] =	vst v63  }
0x50: {  	(ifvalue) =	ssetifvalue $0x7FFFFFFF;
	v1 =	vadd.s32 $0x7A1580, v0  }
0x51: {  	s26 =	sadd.s32 $0x1100, s18;
	(ifvalue) =	ssetifvalue $0x7FFFFFFF  }
0x52: {  	[tilespmem:s26], [sflag:$0x1] =	stream.indirect_vreg.gather [hbm4b:s2+s11], $0x1, v2, vm0, $0x4038;
	[tilespmem:$0x4400] =	vst v63  }
0x53: {  	(ifvalue) =	ssetifvalue $0x7FFFFFFF;
	v2 =	vadd.s32 $0x7A1600, v0  }
0x54: {  	s28 =	sadd.s32 $0x1180, s18;
	(ifvalue) =	ssetifvalue $0x7FFFFFFF  }
0x55: {  	[tilespmem:s28], [sflag:$0x1] =	stream.indirect_vreg.gather [hbm4b:s2+s11], $0x1, v1, vm0, $0x4038;
	[tilespmem:$0x4400] =	vst v63  }
0x56: {  	(ifvalue) =	ssetifvalue $0x7FFFFFFF;
	v1 =	vadd.s32 $0x7A1680, v0  }
0x57: {  	s29 =	sadd.s32 $0x1200, s18;
	(ifvalue) =	ssetifvalue $0x7FFFFFFF  }
0x58: {  	[tilespmem:s29], [sflag:$0x1] =	stream.indirect_vreg.gather [hbm4b:s2+s11], $0x1, v2, vm0, $0x4038;
	[tilespmem:$0x4400] =	vst v63  }
0x59: {  	(ifvalue) =	ssetifvalue $0x7FFFFFFF;
	v2 =	vadd.s32 $0x7A1700, v0  }
0x5a: {  	s30 =	sadd.s32 $0x1280, s18;
	(ifvalue) =	ssetifvalue $0x7FFFFFFF  }
0x5b: {  	[tilespmem:s30], [sflag:$0x1] =	stream.indirect_vreg.gather [hbm4b:s2+s11], $0x1, v1, vm0, $0x4038;
	[tilespmem:$0x4400] =	vst v63  }
0x5c: {  	v0 =	vadd.s32 $0x7A1780, v0;
	(ifvalue) =	ssetifvalue $0x7FFFFFFF  }
0x5d: {  	s31 =	sadd.s32 $0x1300, s18;
	(ifvalue) =	ssetifvalue $0x7FFFFFFF  }
0x5e: {  	[tilespmem:s31], [sflag:$0x1] =	stream.indirect_vreg.gather [hbm4b:s2+s11], $0x1, v2, vm0, $0x4038;
	[tilespmem:$0x4400] =	vst v63  }
0x5f: {  	s17 =	sadd.s32 $0x10, s17;
	s19 =	sadd.s32 $0x1380, s18;
	(ifvalue) =	ssetifvalue $0x7FFFFFFF  }
0x60: {  	s18 =	simm.s32 $0x80;
	s16 =	simm.s32 $0x10;
	(ifvalue) =	ssetifvalue $0x7FFFFFFF  }
.LBB2_3:
0x61: {  	[tilespmem:s19], [sflag:$0x1] =	stream.indirect_vreg.gather [hbm4b:s2+s11], $0x1, v0, vm0, $0x4038;
	[tilespmem:$0x4400] =	vst v63  }
0x62: {  	p1 =	sne.s32 s16, $0x1F0;
	s20 =	smov.u32 s16;
	s16 =	sadd.s32 $0x10, s16;
	v0 =	vld.msk [tilespmem:s17+$0x0 ss:$0x1], $0xffff  }
0x63: {  	(ifvalue) =	ssetifvalue $0x7FFFFFFF;
	_ =	sdelay $0x4  }
0x64: {  	vm1 =	vgt.s32 v0, $0x0  }
0x65: {  	v0 =	vnsel vm1, $0x0, v0  }
0x66: {  	v0 =	vmin.u32 v0, $0xF423F  }
0x67: {  	v1 =	vshll.u32 v0, $0x3  }
0x68: {  	v0 =	vand.u32 $0x7F, v0;
	v1 =	vand.u32 $0x7FFC00, v1  }
0x69: {  	v0 =	vor.u32 v0, v1;
	_ =	sdelay $0x1  }
0x6a: {  	s19 =	sand.u32 $0xC00, s18  }
0x6b: {  	s21 =	sand.u32 $0x70, s20;
	s19 =	sadd.s32 s19, s15;
	v1 =	vor.u32 $0x80, v0  }
0x6c: {  	s19 =	sadd.s32 s21, s19;
	(ifvalue) =	ssetifvalue $0x7FFFFFFF  }
0x6d: {  	[tilespmem:s19], [sflag:$0x1] =	stream.indirect_vreg.gather [hbm4b:s2+s11], $0x1, v0, vm0, $0x4038;
	[tilespmem:$0x4400] =	vst v63  }
0x6e: {  	v2 =	vor.u32 $0x100, v0;
	(ifvalue) =	ssetifvalue $0x7FFFFFFF  }
0x6f: {  	s21 =	sadd.s32 $0x80, s19;
	(ifvalue) =	ssetifvalue $0x7FFFFFFF  }
0x70: {  	[tilespmem:s21], [sflag:$0x1] =	stream.indirect_vreg.gather [hbm4b:s2+s11], $0x1, v1, vm0, $0x4038;
	[tilespmem:$0x4400] =	vst v63  }
0x71: {  	v1 =	vor.u32 $0x180, v0;
	(ifvalue) =	ssetifvalue $0x7FFFFFFF  }
0x72: {  	s21 =	sadd.s32 $0x100, s19;
	(ifvalue) =	ssetifvalue $0x7FFFFFFF  }
0x73: {  	[tilespmem:s21], [sflag:$0x1] =	stream.indirect_vreg.gather [hbm4b:s2+s11], $0x1, v2, vm0, $0x4038;
	[tilespmem:$0x4400] =	vst v63  }
0x74: {  	v2 =	vor.u32 $0x200, v0;
	(ifvalue) =	ssetifvalue $0x7FFFFFFF  }
0x75: {  	s21 =	sadd.s32 $0x180, s19;
	(ifvalue) =	ssetifvalue $0x7FFFFFFF  }
0x76: {  	[tilespmem:s21], [sflag:$0x1] =	stream.indirect_vreg.gather [hbm4b:s2+s11], $0x1, v1, vm0, $0x4038;
	[tilespmem:$0x4400] =	vst v63  }
0x77: {  	v1 =	vor.u32 $0x280, v0;
	(ifvalue) =	ssetifvalue $0x7FFFFFFF  }
0x78: {  	s21 =	sadd.s32 $0x200, s19;
	(ifvalue) =	ssetifvalue $0x7FFFFFFF  }
0x79: {  	[tilespmem:s21], [sflag:$0x1] =	stream.indirect_vreg.gather [hbm4b:s2+s11], $0x1, v2, vm0, $0x4038;
	[tilespmem:$0x4400] =	vst v63  }
0x7a: {  	v2 =	vor.u32 $0x300, v0;
	(ifvalue) =	ssetifvalue $0x7FFFFFFF  }
0x7b: {  	s21 =	sadd.s32 $0x280, s19;
	(ifvalue) =	ssetifvalue $0x7FFFFFFF  }
0x7c: {  	[tilespmem:s21], [sflag:$0x1] =	stream.indirect_vreg.gather [hbm4b:s2+s11], $0x1, v1, vm0, $0x4038;
	[tilespmem:$0x4400] =	vst v63  }
0x7d: {  	v1 =	vor.u32 $0x380, v0;
	(ifvalue) =	ssetifvalue $0x7FFFFFFF  }
0x7e: {  	s20 =	sor.u32 s18, s20;
	s21 =	sadd.s32 $0x300, s19;
	(ifvalue) =	ssetifvalue $0x7FFFFFFF  }
0x7f: {  	[tilespmem:s21], [sflag:$0x1] =	stream.indirect_vreg.gather [hbm4b:s2+s11], $0x1, v2, vm0, $0x4038;
	[tilespmem:$0x4400] =	vst v63  }
0x80: {  	s20 =	sor.u32 $0x380, s20;
	v2 =	vadd.s32 $0x7A1400, v0;
	(ifvalue) =	ssetifvalue $0x7FFFFFFF  }
0x81: {  	s20 =	sadd.s32 s20, s15;
	(ifvalue) =	ssetifvalue $0x7FFFFFFF  }
0x82: {  	[tilespmem:s20], [sflag:$0x1] =	stream.indirect_vreg.gather [hbm4b:s2+s11], $0x1, v1, vm0, $0x4038;
	[tilespmem:$0x4400] =	vst v63  }
0x83: {  	v1 =	vadd.s32 $0x7A1480, v0;
	(ifvalue) =	ssetifvalue $0x7FFFFFFF  }
0x84: {  	s20 =	sadd.s32 $0x1000, s19;
	(ifvalue) =	ssetifvalue $0x7FFFFFFF  }
0x85: {  	[tilespmem:s20], [sflag:$0x1] =	stream.indirect_vreg.gather [hbm4b:s2+s11], $0x1, v2, vm0, $0x4038;
	[tilespmem:$0x4400] =	vst v63  }
0x86: {  	v2 =	vadd.s32 $0x7A1500, v0;
	(ifvalue) =	ssetifvalue $0x7FFFFFFF  }
0x87: {  	s20 =	sadd.s32 $0x1080, s19;
	(ifvalue) =	ssetifvalue $0x7FFFFFFF  }
0x88: {  	[tilespmem:s20], [sflag:$0x1] =	stream.indirect_vreg.gather [hbm4b:s2+s11], $0x1, v1, vm0, $0x4038;
	[tilespmem:$0x4400] =	vst v63  }
0x89: {  	v1 =	vadd.s32 $0x7A1580, v0;
	(ifvalue) =	ssetifvalue $0x7FFFFFFF  }
0x8a: {  	s20 =	sadd.s32 $0x1100, s19;
	(ifvalue) =	ssetifvalue $0x7FFFFFFF  }
0x8b: {  	[tilespmem:s20], [sflag:$0x1] =	stream.indirect_vreg.gather [hbm4b:s2+s11], $0x1, v2, vm0, $0x4038;
	[tilespmem:$0x4400] =	vst v63  }
0x8c: {  	v2 =	vadd.s32 $0x7A1600, v0;
	(ifvalue) =	ssetifvalue $0x7FFFFFFF  }
0x8d: {  	s20 =	sadd.s32 $0x1180, s19;
	(ifvalue) =	ssetifvalue $0x7FFFFFFF  }
0x8e: {  	[tilespmem:s20], [sflag:$0x1] =	stream.indirect_vreg.gather [hbm4b:s2+s11], $0x1, v1, vm0, $0x4038;
	[tilespmem:$0x4400] =	vst v63  }
0x8f: {  	v1 =	vadd.s32 $0x7A1680, v0;
	(ifvalue) =	ssetifvalue $0x7FFFFFFF  }
0x90: {  	s20 =	sadd.s32 $0x1200, s19;
	(ifvalue) =	ssetifvalue $0x7FFFFFFF  }
0x91: {  	[tilespmem:s20], [sflag:$0x1] =	stream.indirect_vreg.gather [hbm4b:s2+s11], $0x1, v2, vm0, $0x4038;
	[tilespmem:$0x4400] =	vst v63  }
0x92: {  	v2 =	vadd.s32 $0x7A1700, v0;
	(ifvalue) =	ssetifvalue $0x7FFFFFFF  }
0x93: {  	s20 =	sadd.s32 $0x1280, s19;
	(ifvalue) =	ssetifvalue $0x7FFFFFFF  }
0x94: {  	[tilespmem:s20], [sflag:$0x1] =	stream.indirect_vreg.gather [hbm4b:s2+s11], $0x1, v1, vm0, $0x4038;
	[tilespmem:$0x4400] =	vst v63  }
.Ltmp3:
0x95: {  	v0 =	vadd.s32 $0x7A1780, v0;
	(ifvalue) =	ssetifvalue $0x7FFFFFFF;
	(pc) =	sbr.rel @p1 .LBB2_3-.Ltmp3, $4  }
0x96: {  	s20 =	sadd.s32 $0x1300, s19;
	(ifvalue) =	ssetifvalue $0x7FFFFFFF  }
0x97: {  	[tilespmem:s20], [sflag:$0x1] =	stream.indirect_vreg.gather [hbm4b:s2+s11], $0x1, v2, vm0, $0x4038;
	[tilespmem:$0x4400] =	vst v63  }
0x98: {  	s17 =	sadd.s32 $0x10, s17;
	(ifvalue) =	ssetifvalue $0x7FFFFFFF  }
0x99: {  	s18 =	sadd.s32 $0x80, s18;
	s19 =	sadd.s32 $0x1380, s19;
	(ifvalue) =	ssetifvalue $0x7FFFFFFF  }
.Ltmp4:
0x9a: {  	_ = 	snop;
	(pc) =	sbr.rel .LBB2_4-.Ltmp4, $1  }
0x9b: {  	_ =	sdelay $0x3  }
.LBB2_6:
0x9c: {  	_ =	sfence.sel $0x180000  }
0x9d: {  	s2 =	simm.s32 $0x2;
	[bflag:$0x0] =	sbarrier.arrive $0xFFFF  }
0x9e: {  	s30 =	simm.s32 $0x3;
	[sflag:s2] =	ssyncpa.u1 $0x1  }
0x9f: {  	s31 =	simm.s32 $0x1;
	[sflag:s30] =	ssyncpa.u1 $0x1  }
0xa0: {  	[sflag:s31] =	ssyncpa.u1 $0x1  }
0xa1: {  	p0 =	sne.s32 s1, $0x0;
	_ =	strace $0x90000047  }
0xa2: {  	s0 =	sadd.s32 @!p0 $0x100000, s0;
	[bflag:$0x2] =	sbarrier.arrive $0xFFFF  }
0xa3: {  	[sflag:s0] =	ssyncadd.tile.s32 @!p0 $0x1;
	_ =	shalt  }
.Lfunc_end2:
_tile_overlayer_lowered:
.L_overlay_start_2:
0xa4: {  	(tag) =	ssettag $0x2  }
0xa5: {  	s0 =	rddreg [dreg:$0x0];
	s2 =	stileid.u32  }
0xa6: {  	s1 =	rddreg [dreg:$0x1];
	p0 =	sne.s32 s2, $0x0  }
0xa7: {  	s3 =	rddreg [dreg:$0x2];
	[bflag:$0x3] =	sbarrier.arrive $0xFFFF;
	s2 =	simm.s32 @!p0 $0x1C01  }
0xa8: {  	[timem:s3], [sflag:s2] =	dma.local @!p0 [hbm:s0], s1  }
0xa9: {  	s0 =	simm.s32 @!p0 $0x1  }
0xaa: {  	_ =	swait.ge @!p0 [sflag:s0], s1  }
0xab: {  	s1 =	ssub.s32 @!p0 $0x0, s1;
	[sflag:s0] =	ssyncset.done @!p0 $0x0  }
0xac: {  	[sflag:s0] =	ssyncadd.s32 @!p0 s1  }
0xad: {  	[bflag:$0x3] =	sbarrier.arrive $0xFFFF  }
0xae: {  	_ =	shalt  }

// kernel: kernel.4.cloned.1.call-start
scs
__scs_entry_jumppad:
0x0: {  	(pc) =	sbr.rel $0x88, $3  }
0x1: {  	(tag) =	ssettag $0x0;
	lr =	simm.s32 $0x1  }
0x2: {  	[smem:$0x3F90] =	sst lr;
	_ =	strace $0xD0000000  }
0x3: {  	_ = 	snop  }
0x4: {  	_ = 	snop  }
0x5: {  	_ = 	snop  }
0x6: {  	_ = 	snop  }
0x7: {  	_ = 	snop  }
__scs_overlays_trampoline_lowered:
0x8: {  	[smem:$0x3F9F] =	sst s0  }
0x9: {  	[smem:$0x3FA0] =	sst s1  }
0xa: {  	[smem:$0x3FA1] =	sst s2  }
0xb: {  	[smem:$0x3FA2] =	sst s3  }
0xc: {  	[smem:$0x3FA3] =	sst s4  }
0xd: {  	[smem:$0x3FA4] =	sst s5  }
0xe: {  	[smem:$0x3FA5] =	sst s6  }
0xf: {  	[smem:$0x3FA6] =	sst s7  }
0x10: {  	[smem:$0x3FA7] =	sst s8  }
0x11: {  	[smem:$0x3FA8] =	sst s9;
	s0 =	simm.s32 @!p0 $0x0  }
0x12: {  	s1 =	sld [smem:$0x3F8E];
	s0 =	simm.s32 @p0 $0x1  }
0x13: {  	[smem:$0x3FA9] =	sst s0;
	s0 =	simm.s32 @!p1 $0x0  }
0x14: {  	s2 =	sld [smem:$0x3F8D];
	s0 =	simm.s32 @p1 $0x1  }
0x15: {  	[smem:$0x3FAA] =	sst s0;
	s0 =	simm.s32 @!p2 $0x0  }
0x16: {  	s3 =	sld [smem:$0x3FDB];
	s0 =	simm.s32 @p2 $0x1  }
0x17: {  	s4 =	simm.s32 $0x1BF5;
	[smem:$0x3FAC] =	sst s0  }
0x18: {  	s0 =	sld [smem:$0x3F8F];
	_ =	swait.ge [sflag:s4], $0x0  }
0x19: {  	s7 =	sld [smem:$0x3F90]  }
0x1a: {  	s8 =	sadd.s32 $0xFFFFE003, lr  }
0x1b: {  	s9 =	sadd.s32 $0xFFFFFEF7, lr;
	s5 =	simm.s32 $0xFFFFFFFF;
	p2 =	slt.u32 s8, $0xFFFFF086  }
0x1c: {  	p1 =	slt.u32 s9, $0xF7A;
	s5 =	simm.s32 @!p2 $0x0  }
0x1d: {  	s5 =	simm.s32 @p1 $0x1;
	p0 =	seq.s32 s7, s2  }
0x1e: {  	s7 =	smul.u32 @!p0 $0xF7A, s2;
	p2 =	seq.s32 @!p0 s5, $0x0  }
0x1f: {  	s9 =	smul.u32 $0xF7A, s1;
	s8 =	simm.s32 @!p0 $0x1BF5;
	p2 =	por !p2, p0  }
0x20: {  	[sflag:s8] =	ssyncset.s32 @!p0 $0xFFFFF086;
	s6 =	sadd.s32 @!p0 s3, s7;
	s7 =	simm.s32 @!p0 $0x108  }
0x21: {  	s3 =	sadd.s32 s3, s9;
	s6 =	sadd.s32 @!p0 $0x88, s6;
	s7 =	simm.s32 @p2 $0x1082  }
0x22: {  	[simem:s7], [sflag:s8] =	dma.local @!p0 [hbm:s6], $0xF7A  }
0x23: {  	s9 =	sor.u32 $0xD0000000, s2;
	s6 =	simm.s32 $0x108;
	_ =	swait.ge @!p0 [sflag:s8], $0x0  }
0x24: {  	s3 =	sadd.s32 $0x88, s3;
	s6 =	simm.s32 @!p1 $0x1082;
	[sflag:s4] =	ssyncset.s32 $0xFFFFF086  }
0x25: {  	[simem:s6], [sflag:s4] =	dma.local [hbm:s3], $0xF7A  }
0x26: {  	[smem:$0x3F90] =	sst s1;
	(tag) =	ssettag s2;
	_ =	strace s9  }
0x27: {  	s1 =	sld [smem:$0x3FA0]  }
0x28: {  	s2 =	sld [smem:$0x3FA1]  }
0x29: {  	s4 =	sld [smem:$0x3FA3]  }
0x2a: {  	p0 =	seq.s32 s5, $0x0;
	s5 =	sld [smem:$0x3FA4]  }
0x2b: {  	s6 =	sld [smem:$0x3FA5]  }
0x2c: {  	s7 =	sld [smem:$0x3FA6]  }
0x2d: {  	s3 =	simm.s32 $0x108;
	s8 =	sld [smem:$0x3FA7]  }
0x2e: {  	s3 =	simm.s32 @!p0 $0x1082;
	s9 =	sld [smem:$0x3FA8]  }
0x2f: {  	lr =	sadd.s32 s0, s3;
	s0 =	sld [smem:$0x3F9F]  }
0x30: {  	s3 =	sld [smem:$0x3FA2]  }
0x31: {  	[smem:$0x3FAB] =	sst s10  }
0x32: {  	s10 =	sld [smem:$0x3FA9];
	_ =	sdelay $0x3  }
0x33: {  	p0 =	seq.s32 s10, $0x1;
	s10 =	sld [smem:$0x3FAB];
	_ =	sdelay $0x3  }
0x34: {  	[smem:$0x3FAB] =	sst s10  }
0x35: {  	s10 =	sld [smem:$0x3FAA];
	_ =	sdelay $0x3  }
0x36: {  	p1 =	seq.s32 s10, $0x1;
	s10 =	sld [smem:$0x3FAB];
	_ =	sdelay $0x3  }
0x37: {  	[smem:$0x3FAB] =	sst s10  }
0x38: {  	s10 =	sld [smem:$0x3FAC]  }
0x39: {  	_ = 	snop;
	(pc) =	sbr.ind lr, $3  }
0x3a: {  	_ = 	snop  }
0x3b: {  	_ = 	snop  }
0x3c: {  	p2 =	seq.s32 s10, $0x1;
	s10 =	sld [smem:$0x3FAB]  }
0x3d: {  	_ =	shalt  }
0x3e: {  	_ =	shalt  }
0x3f: {  	_ =	shalt  }
0x40: {  	_ =	shalt  }
0x41: {  	_ =	shalt  }
0x42: {  	_ =	shalt  }
0x43: {  	_ =	shalt  }
0x44: {  	_ =	shalt  }
0x45: {  	_ =	shalt  }
0x46: {  	_ =	shalt  }
0x47: {  	_ =	shalt  }
0x48: {  	_ =	shalt  }
0x49: {  	_ =	shalt  }
0x4a: {  	_ =	shalt  }
0x4b: {  	_ =	shalt  }
0x4c: {  	_ =	shalt  }
0x4d: {  	_ =	shalt  }
0x4e: {  	_ =	shalt  }
0x4f: {  	_ =	shalt  }
0x50: {  	_ =	shalt  }
0x51: {  	_ =	shalt  }
0x52: {  	_ =	shalt  }
0x53: {  	_ =	shalt  }
0x54: {  	_ =	shalt  }
0x55: {  	_ =	shalt  }
0x56: {  	_ =	shalt  }
0x57: {  	_ =	shalt  }
0x58: {  	_ =	shalt  }
0x59: {  	_ =	shalt  }
0x5a: {  	_ =	shalt  }
0x5b: {  	_ =	shalt  }
0x5c: {  	_ =	shalt  }
0x5d: {  	_ =	shalt  }
0x5e: {  	_ =	shalt  }
0x5f: {  	_ =	shalt  }
0x60: {  	_ =	shalt  }
0x61: {  	_ =	shalt  }
0x62: {  	_ =	shalt  }
0x63: {  	_ =	shalt  }
0x64: {  	_ =	shalt  }
0x65: {  	_ =	shalt  }
0x66: {  	_ =	shalt  }
0x67: {  	_ =	shalt  }
0x68: {  	_ =	shalt  }
0x69: {  	_ =	shalt  }
0x6a: {  	_ =	shalt  }
0x6b: {  	_ =	shalt  }
0x6c: {  	_ =	shalt  }
0x6d: {  	_ =	shalt  }
0x6e: {  	_ =	shalt  }
0x6f: {  	_ =	shalt  }
0x70: {  	_ =	shalt  }
0x71: {  	_ =	shalt  }
0x72: {  	_ =	shalt  }
0x73: {  	_ =	shalt  }
0x74: {  	_ =	shalt  }
0x75: {  	_ =	shalt  }
0x76: {  	_ =	shalt  }
0x77: {  	_ =	shalt  }
0x78: {  	_ =	shalt  }
0x79: {  	_ =	shalt  }
0x7a: {  	_ =	shalt  }
0x7b: {  	_ =	shalt  }
0x7c: {  	_ =	shalt  }
0x7d: {  	_ =	shalt  }
0x7e: {  	_ =	shalt  }
0x7f: {  	_ =	shalt  }
0x80: {  	_ =	shalt  }
0x81: {  	_ =	shalt  }
0x82: {  	_ =	shalt  }
0x83: {  	_ =	shalt  }
0x84: {  	_ =	shalt  }
0x85: {  	_ =	shalt  }
0x86: {  	_ =	shalt  }
0x87: {  	_ =	shalt  }
.Lfunc_end0:
.L_simem_size_0:
called_computation.2_lowered:
.L_overlay_start_0:
0x88: {  	s2 =	sld [smem:$0x3FD9]  }
0x89: {  	s3 =	sld [smem:$0x3FFE];
	_ =	sdelay $0x1  }
0x8a: {  	s1 =	srdreg.scid  }
0x8b: {  	s0 =	sand.u32 $0x1, s1  }
0x8c: {  	s17 =	sshll.u32 s0, $0xA;
	s2 =	sadd.s32 s3, s2  }
0x8d: {  	s2 =	sadd.s32 s2, s17  }
0x8e: {  	[smem:$0x3FB7] =	sst s2  }
0x8f: {  	_ = 	snop  }
0x90: {  	s18 =	sld [smem:$0x3FC7];
	(tm) =	ssettm $0x1  }
0x91: {  	s19 =	sld [smem:$0x3FFB];
	_ =	sdelay $0x3  }
0x92: {  	_ =	strace s19  }
0x93: {  	s2 =	sld [smem:$0x3FFC];
	_ =	sdelay $0x3  }
0x94: {  	_ =	strace s2  }
0x95: {  	s2 =	sld [smem:$0x3FFD];
	_ =	sdelay $0x3  }
0x96: {  	_ =	strace s2  }
0x97: {  	_ =	strace $0x8FFFFFFF  }
0x98: {  	s20 =	sld [smem:$0x3FDB];
	_ =	sdelay $0x1  }
0x99: {  	s4 =	simm.s32 $_scs_section_size  }
0x9a: {  	s5 =	simm.s32 $_size__tile_overlayer_lowered;
	s6 =	simm.s32 $_tile_overlayer_lowered  }
0x9b: {  	s7 =	simm.s32 $0x1BFF;
	s21 =	sshll.u32 s6, $0x1;
	s4 =	sadd.s32 s4, s20  }
0x9c: {  	s22 =	simm.s32 $0x0;
	s5 =	sshll.u32 s5, $0x1;
	s6 =	sadd.s32 s21, s4  }
0x9d: {  	[timem:s22], [sflag:s7] =	dma.local [hbm:s6], s5  }
0x9e: {  	_ =	swait.ge [sflag:s7], s5  }
0x9f: {  	s5 =	ssub.s32 $0x0, s5;
	[sflag:s7] =	ssyncset.done $0x0  }
0xa0: {  	[sflag:s7] =	ssyncadd.s32 s5;
	_ =	sdelay $0x1  }
0xa1: {  	s23 =	simm.s32 $0x1B8B  }
0xa2: {  	_ =	swait.ge [sflag:s23], $0x1  }
0xa3: {  	[sflag:s23] =	ssyncset.done $0x0  }
0xa4: {  	[sflag:s23] =	ssyncadd.s32 $0xFFFFFFFF  }
0xa5: {  	s5 =	sld [smem:$0x0]  }
0xa6: {  	s6 =	sand.u32 $0xFFFFFFFE, s1  }
0xa7: {  	p0 =	sne.s32 s1, s6  }
0xa8: {  	s6 =	sshll.u32 @p0 s6, $0xE  }
0xa9: {  	s6 =	sadd.s32 @p0 $0x11B8D, s6;
	s7 =	sshll.u32 @p0 s5, $0x11  }
0xaa: {  	s6 =	sor.u32 @p0 s7, s6  }
0xab: {  	[sflag:s6] =	ssyncadd.remote.s32 @p0 $0x1;
	_ =	sdelay $0x1  }
0xac: {  	s6 =	simm.s32 @p0 $0x1B8D  }
0xad: {  	_ =	swait.eq @p0 [sflag:s6], $0x1  }
0xae: {  	[sflag:s6] =	ssyncadd.s32 @p0 $0xFFFFFFFF  }
0xaf: {  	s7 =	sshll.u32 @!p0 s1, $0xE  }
0xb0: {  	s7 =	sor.u32 @!p0 $0x4000, s7;
	s6 =	simm.s32 @!p0 $0x1B8D  }
0xb1: {  	s5 =	sshll.u32 @!p0 s5, $0x11;
	s7 =	sadd.s32 @!p0 $0x11B8D, s7;
	_ =	swait.eq @!p0 [sflag:s6], $0x1  }
0xb2: {  	s5 =	sor.u32 @!p0 s5, s7;
	[sflag:s6] =	ssyncadd.s32 @!p0 $0xFFFFFFFF  }
0xb3: {  	s25 =	simm.s32 $0x1B8E;
	s24 =	sld [smem:$0x3FFE];
	[sflag:s5] =	ssyncadd.remote.s32 @!p0 $0x1  }
0xb4: {  	s26 =	simm.s32 $execute0_lowered;
	[smem:$0x3FD2] =	sst s25  }
0xb5: {  	s6 =	sshll.u32 s26, $0x1;
	_ =	strace $0x8000004C;
	[dreg:$0x1] =	wrdreg $0xFFFFFFFF  }
0xb6: {  	s28 =	simm.s32 $_size_execute0_lowered;
	s4 =	sadd.s32 s4, s6;
	[dreg:$0x0] =	wrdreg $0x0  }
0xb7: {  	s6 =	sshll.u32 s28, $0x1;
	[dreg:$0x2] =	wrdreg s4  }
0xb8: {  	[dreg:$0x3] =	wrdreg s6  }
0xb9: {  	[dreg:$0x4] =	wrdreg $0xC0  }
0xba: {  	_ =	task [dreg:s22], $0x5FFFF  }
0xbb: {  	[dreg:$0x1] =	wrdreg $0xFFFFFFFF  }
0xbc: {  	[dreg:$0x0] =	wrdreg $0x60  }
0xbd: {  	[dreg:$0x2] =	wrdreg s18  }
0xbe: {  	[dreg:$0x3] =	wrdreg s24  }
0xbf: {  	[dreg:$0x4] =	wrdreg $0xB  }
0xc0: {  	_ =	task.clear_ibuf [dreg:s22], $0x5FFFF;
	_ =	strace $0x9000004C  }
0xc1: {  	s29 =	simm.s32 $0xB;
	_ =	strace $0x8000004E  }
0xc2: {  	_ =	swait.ge [sflag:s29], $0x1  }
0xc3: {  	[sflag:s29] =	ssyncadd.s32 $0xFFFFFFFF  }
0xc4: {  	_ =	strace $0x9000004E  }
0xc5: {  	_ =	sfence  }
0xc6: {  	s30 =	sld [smem:$0x0];
	_ =	sdelay $0x2  }
0xc7: {  	s31 =	sshll.u32 s1, $0xD;
	s1 =	sshrl.u32 s1, $0x2  }
0xc8: {  	s4 =	sand.u32 $0x4000, s31;
	s1 =	sadd.s32 s1, s30  }
0xc9: {  	s0 =	sor.u32 s4, s0;
	s1 =	sshll.u32 s1, $0x11  }
0xca: {  	s0 =	sor.u32 s1, s0  }
0xcb: {  	s0 =	sadd.s32 $0x8F2B, s0  }
0xcc: {  	[sflag:s0] =	ssyncadd.remote.s32 $0x1  }
0xcd: {  	_ =	sfence.sel $0xFFFF  }
0xce: {  	[dreg:$0x0] =	wrdreg $0xFFFFFFFF;
	(pc) =	sbr.abs _section_cstart, $3  }
0xcf: {  	[dreg:$0x1] =	wrdreg $0xFFFFFFFF  }
0xd0: {  	_ =	task.clear_ibuf [dreg:s22], $0x2FFFF;
	_ =	strace $0x9FFFFFFF  }
0xd1: {  	(tm) =	ssettm $0x7FFFFFFF  }
tec
execute0_lowered:
.L_overlay_start_1:
0x0: {  	(tag) =	ssettag $0x1  }
0x1: {  	v0 =	vlaneseq.u32  }
0x2: {  	v0 =	vmul.u32 $0x80, v0;
	_ =	sdelay $0x1  }
0x3: {  	v1 =	vor.u32 $0x1, v0;
	v5 =	vor.u32 $0x5, v0;
	v6 =	vor.u32 $0x6, v0  }
0x4: {  	v8 =	vor.u32 $0x800, v0;
	v9 =	vor.u32 $0x801, v0;
	v10 =	vor.u32 $0x802, v0  }
0x5: {  	v11 =	vor.u32 $0x803, v0;
	v12 =	vor.u32 $0x804, v0;
	v13 =	vor.u32 $0x805, v0  }
0x6: {  	v14 =	vor.u32 $0x806, v0;
	v15 =	vor.u32 $0x807, v0;
	v16 =	vor.u32 $0x1000, v0  }
0x7: {  	v17 =	vor.u32 $0x1001, v0;
	v18 =	vor.u32 $0x1002, v0;
	v19 =	vor.u32 $0x1003, v0  }
0x8: {  	v20 =	vor.u32 $0x1004, v0;
	v21 =	vor.u32 $0x1005, v0;
	v22 =	vor.u32 $0x1006, v0  }
0x9: {  	v23 =	vor.u32 $0x1007, v0;
	v24 =	vor.u32 $0x1800, v0;
	v25 =	vor.u32 $0x1801, v0  }
0xa: {  	v26 =	vor.u32 $0x1802, v0;
	v27 =	vor.u32 $0x1803, v0;
	v28 =	vor.u32 $0x1804, v0  }
0xb: {  	v29 =	vor.u32 $0x1805, v0;
	v30 =	vor.u32 $0x1806, v0;
	v31 =	vor.u32 $0x1807, v0  }
0xc: {  	s4 =	rddreg [dreg:$0x0];
	v32 =	vor.u32 $0x2000, v0;
	v33 =	vor.u32 $0x2001, v0;
	v34 =	vor.u32 $0x2002, v0  }
0xd: {  	s5 =	rddreg [dreg:$0x1];
	v35 =	vor.u32 $0x2003, v0;
	v36 =	vor.u32 $0x2004, v0;
	v37 =	vor.u32 $0x2005, v0  }
0xe: {  	s0 =	rddreg [dreg:$0x2];
	s3 =	srdreg.scid;
	v38 =	vor.u32 $0x2006, v0;
	v39 =	vor.u32 $0x2007, v0;
	v40 =	vor.u32 $0x2800, v0  }
0xf: {  	s2 =	simm.s32 $0x0;
	s1 =	stileid.u32;
	s10 =	simm.s32 $0x200;
	v41 =	vor.u32 $0x2801, v0;
	v42 =	vor.u32 $0x2802, v0;
	v43 =	vor.u32 $0x2803, v0  }
0x10: {  	s11 =	simm.s32 $0x1;
	s12 =	simm.s32 $0x2180;
	s13 =	simm.s32 $0x6180;
	v44 =	vor.u32 $0x2804, v0;
	v45 =	vor.u32 $0x2805, v0;
	v46 =	vor.u32 $0x2806, v0  }
0x11: {  	s14 =	simm.s32 $0xA180;
	s15 =	simm.s32 $0xE180;
	s3 =	sand.u32 $0x1, s3;
	v47 =	vor.u32 $0x2807, v0;
	v48 =	vor.u32 $0x3000, v0;
	v49 =	vor.u32 $0x3001, v0  }
0x12: {  	[smem:$0x7FF] =	sst s2;
	s6 =	sshll.u32 s1, $0xA;
	s7 =	sshll.u32 s3, $0x9;
	v50 =	vor.u32 $0x3002, v0;
	v51 =	vor.u32 $0x3003, v0;
	v52 =	vor.u32 $0x3004, v0  }
0x13: {  	s30 =	ssub.s32 $0x2, s3;
	s3 =	sadd.s32 $0x12C00, s5;
	s6 =	sor.u32 s7, s6;
	v53 =	vor.u32 $0x3005, v0;
	v54 =	vor.u32 $0x3006, v0;
	[tilespmem:$0x1FFC0] =	vst v1;
	v1 =	vor.u32 $0x2, v0  }
0x14: {  	s9 =	sshrl.u32 s30, $0x1;
	v55 =	vor.u32 $0x3007, v0;
	v56 =	vor.u32 $0x3800, v0;
	s8 =	sshll.u32 s6, $0x4;
	s31 =	sshrl.u32 s6, $0x3;
	[tilespmem:$0x1FFD0] =	vst v1;
	v1 =	vor.u32 $0x3, v0  }
0x15: {  	v57 =	vor.u32 $0x3801, v0;
	v58 =	vor.u32 $0x3802, v0;
	s9 =	ssub.s32 s30, s9;
	s8 =	sadd.s32 s8, s5;
	s4 =	sadd.s32 s4, s31;
	[tilespmem:$0x1FFE0] =	vst v1;
	v1 =	vor.u32 $0x4, v0  }
0x16: {  	v59 =	vor.u32 $0x3803, v0;
	v60 =	vor.u32 $0x3804, v0;
	v61 =	vor.u32 $0x3805, v0;
	s9 =	smax.u32 s9, $0x1;
	s5 =	sadd.s32 $0x13000, s8;
	s6 =	sadd.s32 $0x13800, s8;
	[tilespmem:$0x1FFF0] =	vst v1  }
0x17: {  	v7 =	vor.u32 $0x7, v0;
	v62 =	vor.u32 $0x3806, v0;
	v63 =	vor.u32 $0x3807, v0;
	s7 =	sadd.s32 $0x14000, s8;
	s8 =	sadd.s32 $0x14800, s8;
	_ =	strace $0x8000004D  }
.LBB2_1:
0x18: {  	[tilespmem:s2], [sflag:$0x1] =	stream.linear.gather [hbm4b:s4+s2], $0x200, $0x38;
	[tilespmem:$0x12180] =	vst v63  }
0x19: {  	_ = 	snop  }
0x1a: {  	[tilespmem:s10], [sflag:$0x1] =	stream.linear.gather [hbm4b:s3+s2], $0x1F80, $0x38;
	[tilespmem:$0x12180] =	vst v63  }
0x1b: {  	_ =	swait.ge [sflag:s11], $0x200  }
0x1c: {  	[sflag:s11] =	ssyncset.done $0x0  }
0x1d: {  	[sflag:s11] =	ssyncadd.s32 $0xFFFFFE00  }
0x1e: {  	_ =	swait.ge [sflag:s11], $0x1F80  }
0x1f: {  	[sflag:s11] =	ssyncset.done $0x0  }
0x20: {  	[sflag:s11] =	ssyncadd.s32 $0xFFFFE080  }
0x21: {  	v1 =	vld [tilespmem:$0x0];
	_ =	sdelay $0x4  }
0x22: {  	v1 =	vshll.u32 v1, $0x3;
	_ =	sdelay $0x4  }
0x23: {  	v2 =	vld.idx.msk [tilespmem:v1+s10+$0x0], $0xffff  }
0x24: {  	v3 =	vor.u32 $0x1, v1;
	_ =	sdelay $0x1  }
0x25: {  	v4 =	vld [tilespmem:$0x1FFC0];
	_ =	sdelay $0x1  }
0x26: {  	[tilespmem:v0+s12+$0x0] =	vst.idx.msk $0xffff, v2  }
0x27: {  	v2 =	vld.idx.msk [tilespmem:v3+s10+$0x0], $0xffff;
	_ =	sdelay $0x2  }
0x28: {  	v3 =	vor.u32 $0x2, v1;
	_ =	sdelay $0x1  }
0x29: {  	[tilespmem:v4+s12+$0x0] =	vst.idx.msk $0xffff, v2;
	v4 =	vld [tilespmem:$0x1FFD0];
	_ =	sdelay $0x2  }
0x2a: {  	v2 =	vld.idx.msk [tilespmem:v3+s10+$0x0], $0xffff;
	_ =	sdelay $0x2  }
0x2b: {  	v3 =	vor.u32 $0x3, v1;
	_ =	sdelay $0x1  }
0x2c: {  	[tilespmem:v4+s12+$0x0] =	vst.idx.msk $0xffff, v2;
	v4 =	vld [tilespmem:$0x1FFE0];
	_ =	sdelay $0x2  }
0x2d: {  	v2 =	vld.idx.msk [tilespmem:v3+s10+$0x0], $0xffff;
	_ =	sdelay $0x2  }
0x2e: {  	v3 =	vor.u32 $0x4, v1;
	_ =	sdelay $0x1  }
0x2f: {  	[tilespmem:v4+s12+$0x0] =	vst.idx.msk $0xffff, v2;
	v4 =	vld [tilespmem:$0x1FFF0];
	_ =	sdelay $0x2  }
0x30: {  	v2 =	vld.idx.msk [tilespmem:v3+s10+$0x0], $0xffff  }
0x31: {  	v3 =	vor.u32 $0x5, v1;
	_ =	sdelay $0x3  }
0x32: {  	[tilespmem:v4+s12+$0x0] =	vst.idx.msk $0xffff, v2  }
0x33: {  	v2 =	vld.idx.msk [tilespmem:v3+s10+$0x0], $0xffff  }
0x34: {  	v3 =	vor.u32 $0x6, v1;
	_ =	sdelay $0x3  }
0x35: {  	[tilespmem:v5+s12+$0x0] =	vst.idx.msk $0xffff, v2  }
0x36: {  	v2 =	vld.idx.msk [tilespmem:v3+s10+$0x0], $0xffff  }
0x37: {  	v1 =	vor.u32 $0x7, v1;
	_ =	sdelay $0x3  }
0x38: {  	[tilespmem:v6+s12+$0x0] =	vst.idx.msk $0xffff, v2  }
0x39: {  	v1 =	vld.idx.msk [tilespmem:v1+s10+$0x0], $0xffff;
	_ =	sdelay $0x4  }
0x3a: {  	[tilespmem:v7+s12+$0x0] =	vst.idx.msk $0xffff, v1  }
0x3b: {  	v1 =	vld [tilespmem:$0x10];
	_ =	sdelay $0x4  }
0x3c: {  	v1 =	vshll.u32 v1, $0x3;
	_ =	sdelay $0x4  }
0x3d: {  	v2 =	vld.idx.msk [tilespmem:v1+s10+$0x0], $0xffff  }
0x3e: {  	v3 =	vor.u32 $0x1, v1;
	_ =	sdelay $0x3  }
0x3f: {  	[tilespmem:v8+s12+$0x0] =	vst.idx.msk $0xffff, v2  }
0x40: {  	v2 =	vld.idx.msk [tilespmem:v3+s10+$0x0], $0xffff  }
0x41: {  	v3 =	vor.u32 $0x2, v1;
	_ =	sdelay $0x3  }
0x42: {  	[tilespmem:v9+s12+$0x0] =	vst.idx.msk $0xffff, v2  }
0x43: {  	v2 =	vld.idx.msk [tilespmem:v3+s10+$0x0], $0xffff  }
0x44: {  	v3 =	vor.u32 $0x3, v1;
	_ =	sdelay $0x3  }
0x45: {  	[tilespmem:v10+s12+$0x0] =	vst.idx.msk $0xffff, v2  }
0x46: {  	v2 =	vld.idx.msk [tilespmem:v3+s10+$0x0], $0xffff  }
0x47: {  	v3 =	vor.u32 $0x4, v1;
	_ =	sdelay $0x3  }
0x48: {  	[tilespmem:v11+s12+$0x0] =	vst.idx.msk $0xffff, v2  }
0x49: {  	v2 =	vld.idx.msk [tilespmem:v3+s10+$0x0], $0xffff  }
0x4a: {  	v3 =	vor.u32 $0x5, v1;
	_ =	sdelay $0x3  }
0x4b: {  	[tilespmem:v12+s12+$0x0] =	vst.idx.msk $0xffff, v2  }
0x4c: {  	v2 =	vld.idx.msk [tilespmem:v3+s10+$0x0], $0xffff  }
0x4d: {  	v3 =	vor.u32 $0x6, v1;
	_ =	sdelay $0x3  }
0x4e: {  	[tilespmem:v13+s12+$0x0] =	vst.idx.msk $0xffff, v2  }
0x4f: {  	v2 =	vld.idx.msk [tilespmem:v3+s10+$0x0], $0xffff  }
0x50: {  	v1 =	vor.u32 $0x7, v1;
	_ =	sdelay $0x3  }
0x51: {  	[tilespmem:v14+s12+$0x0] =	vst.idx.msk $0xffff, v2  }
0x52: {  	v1 =	vld.idx.msk [tilespmem:v1+s10+$0x0], $0xffff;
	_ =	sdelay $0x4  }
0x53: {  	[tilespmem:v15+s12+$0x0] =	vst.idx.msk $0xffff, v1  }
0x54: {  	v1 =	vld [tilespmem:$0x20];
	_ =	sdelay $0x4  }
0x55: {  	v1 =	vshll.u32 v1, $0x3;
	_ =	sdelay $0x4  }
0x56: {  	v2 =	vld.idx.msk [tilespmem:v1+s10+$0x0], $0xffff  }
0x57: {  	v3 =	vor.u32 $0x1, v1;
	_ =	sdelay $0x3  }
0x58: {  	[tilespmem:v16+s12+$0x0] =	vst.idx.msk $0xffff, v2  }
0x59: {  	v2 =	vld.idx.msk [tilespmem:v3+s10+$0x0], $0xffff  }
0x5a: {  	v3 =	vor.u32 $0x2, v1;
	_ =	sdelay $0x3  }
0x5b: {  	[tilespmem:v17+s12+$0x0] =	vst.idx.msk $0xffff, v2  }
0x5c: {  	v2 =	vld.idx.msk [tilespmem:v3+s10+$0x0], $0xffff  }
0x5d: {  	v3 =	vor.u32 $0x3, v1;
	_ =	sdelay $0x3  }
0x5e: {  	[tilespmem:v18+s12+$0x0] =	vst.idx.msk $0xffff, v2  }
0x5f: {  	v2 =	vld.idx.msk [tilespmem:v3+s10+$0x0], $0xffff  }
0x60: {  	v3 =	vor.u32 $0x4, v1;
	_ =	sdelay $0x3  }
0x61: {  	[tilespmem:v19+s12+$0x0] =	vst.idx.msk $0xffff, v2  }
0x62: {  	v2 =	vld.idx.msk [tilespmem:v3+s10+$0x0], $0xffff  }
0x63: {  	v3 =	vor.u32 $0x5, v1;
	_ =	sdelay $0x3  }
0x64: {  	[tilespmem:v20+s12+$0x0] =	vst.idx.msk $0xffff, v2  }
0x65: {  	v2 =	vld.idx.msk [tilespmem:v3+s10+$0x0], $0xffff  }
0x66: {  	v3 =	vor.u32 $0x6, v1;
	_ =	sdelay $0x3  }
0x67: {  	[tilespmem:v21+s12+$0x0] =	vst.idx.msk $0xffff, v2  }
0x68: {  	v2 =	vld.idx.msk [tilespmem:v3+s10+$0x0], $0xffff  }
0x69: {  	v1 =	vor.u32 $0x7, v1;
	_ =	sdelay $0x3  }
0x6a: {  	[tilespmem:v22+s12+$0x0] =	vst.idx.msk $0xffff, v2  }
0x6b: {  	v1 =	vld.idx.msk [tilespmem:v1+s10+$0x0], $0xffff;
	_ =	sdelay $0x4  }
0x6c: {  	[tilespmem:v23+s12+$0x0] =	vst.idx.msk $0xffff, v1  }
0x6d: {  	v1 =	vld [tilespmem:$0x30];
	_ =	sdelay $0x4  }
0x6e: {  	v1 =	vshll.u32 v1, $0x3;
	_ =	sdelay $0x4  }
0x6f: {  	v2 =	vld.idx.msk [tilespmem:v1+s10+$0x0], $0xffff  }
0x70: {  	v3 =	vor.u32 $0x1, v1;
	_ =	sdelay $0x3  }
0x71: {  	[tilespmem:v24+s12+$0x0] =	vst.idx.msk $0xffff, v2  }
0x72: {  	v2 =	vld.idx.msk [tilespmem:v3+s10+$0x0], $0xffff  }
0x73: {  	v3 =	vor.u32 $0x2, v1;
	_ =	sdelay $0x3  }
0x74: {  	[tilespmem:v25+s12+$0x0] =	vst.idx.msk $0xffff, v2  }
0x75: {  	v2 =	vld.idx.msk [tilespmem:v3+s10+$0x0], $0xffff  }
0x76: {  	v3 =	vor.u32 $0x3, v1;
	_ =	sdelay $0x3  }
0x77: {  	[tilespmem:v26+s12+$0x0] =	vst.idx.msk $0xffff, v2  }
0x78: {  	v2 =	vld.idx.msk [tilespmem:v3+s10+$0x0], $0xffff  }
0x79: {  	v3 =	vor.u32 $0x4, v1;
	_ =	sdelay $0x3  }
0x7a: {  	[tilespmem:v27+s12+$0x0] =	vst.idx.msk $0xffff, v2  }
0x7b: {  	v2 =	vld.idx.msk [tilespmem:v3+s10+$0x0], $0xffff  }
0x7c: {  	v3 =	vor.u32 $0x5, v1;
	_ =	sdelay $0x3  }
0x7d: {  	[tilespmem:v28+s12+$0x0] =	vst.idx.msk $0xffff, v2  }
0x7e: {  	v2 =	vld.idx.msk [tilespmem:v3+s10+$0x0], $0xffff  }
0x7f: {  	v3 =	vor.u32 $0x6, v1;
	_ =	sdelay $0x3  }
0x80: {  	[tilespmem:v29+s12+$0x0] =	vst.idx.msk $0xffff, v2  }
0x81: {  	v2 =	vld.idx.msk [tilespmem:v3+s10+$0x0], $0xffff  }
0x82: {  	v1 =	vor.u32 $0x7, v1;
	_ =	sdelay $0x3  }
0x83: {  	[tilespmem:v30+s12+$0x0] =	vst.idx.msk $0xffff, v2  }
0x84: {  	v1 =	vld.idx.msk [tilespmem:v1+s10+$0x0], $0xffff;
	_ =	sdelay $0x4  }
0x85: {  	[tilespmem:v31+s12+$0x0] =	vst.idx.msk $0xffff, v1  }
0x86: {  	v1 =	vld [tilespmem:$0x40];
	_ =	sdelay $0x4  }
0x87: {  	v1 =	vshll.u32 v1, $0x3;
	_ =	sdelay $0x4  }
0x88: {  	v2 =	vld.idx.msk [tilespmem:v1+s10+$0x0], $0xffff  }
0x89: {  	v3 =	vor.u32 $0x1, v1;
	_ =	sdelay $0x3  }
0x8a: {  	[tilespmem:v32+s12+$0x0] =	vst.idx.msk $0xffff, v2  }
0x8b: {  	v2 =	vld.idx.msk [tilespmem:v3+s10+$0x0], $0xffff  }
0x8c: {  	v3 =	vor.u32 $0x2, v1;
	_ =	sdelay $0x3  }
0x8d: {  	[tilespmem:v33+s12+$0x0] =	vst.idx.msk $0xffff, v2  }
0x8e: {  	v2 =	vld.idx.msk [tilespmem:v3+s10+$0x0], $0xffff  }
0x8f: {  	v3 =	vor.u32 $0x3, v1;
	_ =	sdelay $0x3  }
0x90: {  	[tilespmem:v34+s12+$0x0] =	vst.idx.msk $0xffff, v2  }
0x91: {  	v2 =	vld.idx.msk [tilespmem:v3+s10+$0x0], $0xffff  }
0x92: {  	v3 =	vor.u32 $0x4, v1;
	_ =	sdelay $0x3  }
0x93: {  	[tilespmem:v35+s12+$0x0] =	vst.idx.msk $0xffff, v2  }
0x94: {  	v2 =	vld.idx.msk [tilespmem:v3+s10+$0x0], $0xffff  }
0x95: {  	v3 =	vor.u32 $0x5, v1;
	_ =	sdelay $0x3  }
0x96: {  	[tilespmem:v36+s12+$0x0] =	vst.idx.msk $0xffff, v2  }
0x97: {  	v2 =	vld.idx.msk [tilespmem:v3+s10+$0x0], $0xffff  }
0x98: {  	v3 =	vor.u32 $0x6, v1;
	_ =	sdelay $0x3  }
0x99: {  	[tilespmem:v37+s12+$0x0] =	vst.idx.msk $0xffff, v2  }
0x9a: {  	v2 =	vld.idx.msk [tilespmem:v3+s10+$0x0], $0xffff  }
0x9b: {  	v1 =	vor.u32 $0x7, v1;
	_ =	sdelay $0x3  }
0x9c: {  	[tilespmem:v38+s12+$0x0] =	vst.idx.msk $0xffff, v2  }
0x9d: {  	v1 =	vld.idx.msk [tilespmem:v1+s10+$0x0], $0xffff;
	_ =	sdelay $0x4  }
0x9e: {  	[tilespmem:v39+s12+$0x0] =	vst.idx.msk $0xffff, v1  }
0x9f: {  	v1 =	vld [tilespmem:$0x50];
	_ =	sdelay $0x4  }
0xa0: {  	v1 =	vshll.u32 v1, $0x3;
	_ =	sdelay $0x4  }
0xa1: {  	v2 =	vld.idx.msk [tilespmem:v1+s10+$0x0], $0xffff  }
0xa2: {  	v3 =	vor.u32 $0x1, v1;
	_ =	sdelay $0x3  }
0xa3: {  	[tilespmem:v40+s12+$0x0] =	vst.idx.msk $0xffff, v2  }
0xa4: {  	v2 =	vld.idx.msk [tilespmem:v3+s10+$0x0], $0xffff  }
0xa5: {  	v3 =	vor.u32 $0x2, v1;
	_ =	sdelay $0x3  }
0xa6: {  	[tilespmem:v41+s12+$0x0] =	vst.idx.msk $0xffff, v2  }
0xa7: {  	v2 =	vld.idx.msk [tilespmem:v3+s10+$0x0], $0xffff  }
0xa8: {  	v3 =	vor.u32 $0x3, v1;
	_ =	sdelay $0x3  }
0xa9: {  	[tilespmem:v42+s12+$0x0] =	vst.idx.msk $0xffff, v2  }
0xaa: {  	v2 =	vld.idx.msk [tilespmem:v3+s10+$0x0], $0xffff  }
0xab: {  	v3 =	vor.u32 $0x4, v1;
	_ =	sdelay $0x3  }
0xac: {  	[tilespmem:v43+s12+$0x0] =	vst.idx.msk $0xffff, v2  }
0xad: {  	v2 =	vld.idx.msk [tilespmem:v3+s10+$0x0], $0xffff  }
0xae: {  	v3 =	vor.u32 $0x5, v1;
	_ =	sdelay $0x3  }
0xaf: {  	[tilespmem:v44+s12+$0x0] =	vst.idx.msk $0xffff, v2  }
0xb0: {  	v2 =	vld.idx.msk [tilespmem:v3+s10+$0x0], $0xffff  }
0xb1: {  	v3 =	vor.u32 $0x6, v1;
	_ =	sdelay $0x3  }
0xb2: {  	[tilespmem:v45+s12+$0x0] =	vst.idx.msk $0xffff, v2  }
0xb3: {  	v2 =	vld.idx.msk [tilespmem:v3+s10+$0x0], $0xffff  }
0xb4: {  	v1 =	vor.u32 $0x7, v1;
	_ =	sdelay $0x3  }
0xb5: {  	[tilespmem:v46+s12+$0x0] =	vst.idx.msk $0xffff, v2  }
0xb6: {  	v1 =	vld.idx.msk [tilespmem:v1+s10+$0x0], $0xffff;
	_ =	sdelay $0x4  }
0xb7: {  	[tilespmem:v47+s12+$0x0] =	vst.idx.msk $0xffff, v1  }
0xb8: {  	v1 =	vld [tilespmem:$0x60];
	_ =	sdelay $0x4  }
0xb9: {  	v1 =	vshll.u32 v1, $0x3;
	_ =	sdelay $0x4  }
0xba: {  	v2 =	vld.idx.msk [tilespmem:v1+s10+$0x0], $0xffff  }
0xbb: {  	v3 =	vor.u32 $0x1, v1;
	_ =	sdelay $0x3  }
0xbc: {  	[tilespmem:v48+s12+$0x0] =	vst.idx.msk $0xffff, v2  }
0xbd: {  	v2 =	vld.idx.msk [tilespmem:v3+s10+$0x0], $0xffff  }
0xbe: {  	v3 =	vor.u32 $0x2, v1;
	_ =	sdelay $0x3  }
0xbf: {  	[tilespmem:v49+s12+$0x0] =	vst.idx.msk $0xffff, v2  }
0xc0: {  	v2 =	vld.idx.msk [tilespmem:v3+s10+$0x0], $0xffff  }
0xc1: {  	v3 =	vor.u32 $0x3, v1;
	_ =	sdelay $0x3  }
0xc2: {  	[tilespmem:v50+s12+$0x0] =	vst.idx.msk $0xffff, v2  }
0xc3: {  	v2 =	vld.idx.msk [tilespmem:v3+s10+$0x0], $0xffff  }
0xc4: {  	v3 =	vor.u32 $0x4, v1;
	_ =	sdelay $0x3  }
0xc5: {  	[tilespmem:v51+s12+$0x0] =	vst.idx.msk $0xffff, v2  }
0xc6: {  	v2 =	vld.idx.msk [tilespmem:v3+s10+$0x0], $0xffff  }
0xc7: {  	v3 =	vor.u32 $0x5, v1;
	_ =	sdelay $0x3  }
0xc8: {  	[tilespmem:v52+s12+$0x0] =	vst.idx.msk $0xffff, v2  }
0xc9: {  	v2 =	vld.idx.msk [tilespmem:v3+s10+$0x0], $0xffff  }
0xca: {  	v3 =	vor.u32 $0x6, v1;
	_ =	sdelay $0x3  }
0xcb: {  	[tilespmem:v53+s12+$0x0] =	vst.idx.msk $0xffff, v2  }
0xcc: {  	v2 =	vld.idx.msk [tilespmem:v3+s10+$0x0], $0xffff  }
0xcd: {  	v1 =	vor.u32 $0x7, v1;
	_ =	sdelay $0x3  }
0xce: {  	[tilespmem:v54+s12+$0x0] =	vst.idx.msk $0xffff, v2  }
0xcf: {  	v1 =	vld.idx.msk [tilespmem:v1+s10+$0x0], $0xffff;
	_ =	sdelay $0x4  }
0xd0: {  	[tilespmem:v55+s12+$0x0] =	vst.idx.msk $0xffff, v1  }
0xd1: {  	v1 =	vld [tilespmem:$0x70];
	_ =	sdelay $0x4  }
0xd2: {  	v1 =	vshll.u32 v1, $0x3;
	_ =	sdelay $0x4  }
0xd3: {  	v2 =	vld.idx.msk [tilespmem:v1+s10+$0x0], $0xffff  }
0xd4: {  	v3 =	vor.u32 $0x1, v1;
	_ =	sdelay $0x3  }
0xd5: {  	[tilespmem:v56+s12+$0x0] =	vst.idx.msk $0xffff, v2  }
0xd6: {  	v2 =	vld.idx.msk [tilespmem:v3+s10+$0x0], $0xffff  }
0xd7: {  	v3 =	vor.u32 $0x2, v1;
	_ =	sdelay $0x3  }
0xd8: {  	[tilespmem:v57+s12+$0x0] =	vst.idx.msk $0xffff, v2  }
0xd9: {  	v2 =	vld.idx.msk [tilespmem:v3+s10+$0x0], $0xffff  }
0xda: {  	v3 =	vor.u32 $0x3, v1;
	_ =	sdelay $0x3  }
0xdb: {  	[tilespmem:v58+s12+$0x0] =	vst.idx.msk $0xffff, v2  }
0xdc: {  	v2 =	vld.idx.msk [tilespmem:v3+s10+$0x0], $0xffff  }
0xdd: {  	v3 =	vor.u32 $0x4, v1;
	_ =	sdelay $0x3  }
0xde: {  	[tilespmem:v59+s12+$0x0] =	vst.idx.msk $0xffff, v2  }
0xdf: {  	v2 =	vld.idx.msk [tilespmem:v3+s10+$0x0], $0xffff  }
0xe0: {  	v3 =	vor.u32 $0x5, v1;
	_ =	sdelay $0x3  }
0xe1: {  	[tilespmem:v60+s12+$0x0] =	vst.idx.msk $0xffff, v2  }
0xe2: {  	v2 =	vld.idx.msk [tilespmem:v3+s10+$0x0], $0xffff  }
0xe3: {  	v3 =	vor.u32 $0x6, v1;
	_ =	sdelay $0x3  }
0xe4: {  	[tilespmem:v61+s12+$0x0] =	vst.idx.msk $0xffff, v2  }
0xe5: {  	v2 =	vld.idx.msk [tilespmem:v3+s10+$0x0], $0xffff  }
0xe6: {  	v1 =	vor.u32 $0x7, v1;
	_ =	sdelay $0x3  }
0xe7: {  	[tilespmem:v62+s12+$0x0] =	vst.idx.msk $0xffff, v2  }
0xe8: {  	v1 =	vld.idx.msk [tilespmem:v1+s10+$0x0], $0xffff;
	_ =	sdelay $0x4  }
0xe9: {  	[tilespmem:v63+s12+$0x0] =	vst.idx.msk $0xffff, v1  }
0xea: {  	[hbm4b:s5+s2] =	stream.linear.scatter [tilespmem:s12], [sflag:$0x1], $0x4000, $0x38;
	[tilespmem:$0x12180] =	vst v63  }
0xeb: {  	v1 =	vld [tilespmem:$0x80];
	_ =	sdelay $0x4  }
0xec: {  	v1 =	vshll.u32 v1, $0x3;
	_ =	sdelay $0x4  }
0xed: {  	v3 =	vor.u32 $0x4000, v0;
	v2 =	vld.idx.msk [tilespmem:v1+s10+$0x0], $0xffff  }
0xee: {  	v4 =	vor.u32 $0x1, v1;
	_ =	sdelay $0x3  }
0xef: {  	[tilespmem:v3+s12+$0x0] =	vst.idx.msk $0xffff, v2  }
0xf0: {  	v3 =	vor.u32 $0x4001, v0;
	v2 =	vld.idx.msk [tilespmem:v4+s10+$0x0], $0xffff  }
0xf1: {  	v4 =	vor.u32 $0x2, v1;
	_ =	sdelay $0x3  }
0xf2: {  	[tilespmem:v3+s12+$0x0] =	vst.idx.msk $0xffff, v2  }
0xf3: {  	v3 =	vor.u32 $0x4002, v0;
	v2 =	vld.idx.msk [tilespmem:v4+s10+$0x0], $0xffff  }
0xf4: {  	v4 =	vor.u32 $0x3, v1;
	_ =	sdelay $0x3  }
0xf5: {  	[tilespmem:v3+s12+$0x0] =	vst.idx.msk $0xffff, v2  }
0xf6: {  	v3 =	vor.u32 $0x4003, v0;
	v2 =	vld.idx.msk [tilespmem:v4+s10+$0x0], $0xffff  }
0xf7: {  	v4 =	vor.u32 $0x4, v1;
	_ =	sdelay $0x3  }
0xf8: {  	[tilespmem:v3+s12+$0x0] =	vst.idx.msk $0xffff, v2  }
0xf9: {  	v3 =	vor.u32 $0x4004, v0;
	v2 =	vld.idx.msk [tilespmem:v4+s10+$0x0], $0xffff  }
0xfa: {  	v4 =	vor.u32 $0x5, v1;
	_ =	sdelay $0x3  }
0xfb: {  	[tilespmem:v3+s12+$0x0] =	vst.idx.msk $0xffff, v2  }
0xfc: {  	v3 =	vor.u32 $0x4005, v0;
	v2 =	vld.idx.msk [tilespmem:v4+s10+$0x0], $0xffff  }
0xfd: {  	v4 =	vor.u32 $0x6, v1;
	_ =	sdelay $0x3  }
0xfe: {  	[tilespmem:v3+s12+$0x0] =	vst.idx.msk $0xffff, v2  }
0xff: {  	v3 =	vor.u32 $0x4006, v0;
	v2 =	vld.idx.msk [tilespmem:v4+s10+$0x0], $0xffff  }
0x100: {  	v1 =	vor.u32 $0x7, v1;
	_ =	sdelay $0x3  }
0x101: {  	[tilespmem:v3+s12+$0x0] =	vst.idx.msk $0xffff, v2  }
0x102: {  	v2 =	vor.u32 $0x4007, v0;
	v1 =	vld.idx.msk [tilespmem:v1+s10+$0x0], $0xffff;
	_ =	sdelay $0x4  }
0x103: {  	[tilespmem:v2+s12+$0x0] =	vst.idx.msk $0xffff, v1  }
0x104: {  	v1 =	vld [tilespmem:$0x90];
	_ =	sdelay $0x4  }
0x105: {  	v1 =	vshll.u32 v1, $0x3;
	_ =	sdelay $0x4  }
0x106: {  	v3 =	vor.u32 $0x4800, v0;
	v2 =	vld.idx.msk [tilespmem:v1+s10+$0x0], $0xffff  }
0x107: {  	v4 =	vor.u32 $0x1, v1;
	_ =	sdelay $0x3  }
0x108: {  	[tilespmem:v3+s12+$0x0] =	vst.idx.msk $0xffff, v2  }
0x109: {  	v3 =	vor.u32 $0x4801, v0;
	v2 =	vld.idx.msk [tilespmem:v4+s10+$0x0], $0xffff  }
0x10a: {  	v4 =	vor.u32 $0x2, v1;
	_ =	sdelay $0x3  }
0x10b: {  	[tilespmem:v3+s12+$0x0] =	vst.idx.msk $0xffff, v2  }
0x10c: {  	v3 =	vor.u32 $0x4802, v0;
	v2 =	vld.idx.msk [tilespmem:v4+s10+$0x0], $0xffff  }
0x10d: {  	v4 =	vor.u32 $0x3, v1;
	_ =	sdelay $0x3  }
0x10e: {  	[tilespmem:v3+s12+$0x0] =	vst.idx.msk $0xffff, v2  }
0x10f: {  	v3 =	vor.u32 $0x4803, v0;
	v2 =	vld.idx.msk [tilespmem:v4+s10+$0x0], $0xffff  }
0x110: {  	v4 =	vor.u32 $0x4, v1;
	_ =	sdelay $0x3  }
0x111: {  	[tilespmem:v3+s12+$0x0] =	vst.idx.msk $0xffff, v2  }
0x112: {  	v3 =	vor.u32 $0x4804, v0;
	v2 =	vld.idx.msk [tilespmem:v4+s10+$0x0], $0xffff  }
0x113: {  	v4 =	vor.u32 $0x5, v1;
	_ =	sdelay $0x3  }
0x114: {  	[tilespmem:v3+s12+$0x0] =	vst.idx.msk $0xffff, v2  }
0x115: {  	v3 =	vor.u32 $0x4805, v0;
	v2 =	vld.idx.msk [tilespmem:v4+s10+$0x0], $0xffff  }
0x116: {  	v4 =	vor.u32 $0x6, v1;
	_ =	sdelay $0x3  }
0x117: {  	[tilespmem:v3+s12+$0x0] =	vst.idx.msk $0xffff, v2  }
0x118: {  	v3 =	vor.u32 $0x4806, v0;
	v2 =	vld.idx.msk [tilespmem:v4+s10+$0x0], $0xffff  }
0x119: {  	v1 =	vor.u32 $0x7, v1;
	_ =	sdelay $0x3  }
0x11a: {  	[tilespmem:v3+s12+$0x0] =	vst.idx.msk $0xffff, v2  }
0x11b: {  	v2 =	vor.u32 $0x4807, v0;
	v1 =	vld.idx.msk [tilespmem:v1+s10+$0x0], $0xffff;
	_ =	sdelay $0x4  }
0x11c: {  	[tilespmem:v2+s12+$0x0] =	vst.idx.msk $0xffff, v1  }
0x11d: {  	v1 =	vld [tilespmem:$0xA0];
	_ =	sdelay $0x4  }
0x11e: {  	v1 =	vshll.u32 v1, $0x3;
	_ =	sdelay $0x4  }
0x11f: {  	v3 =	vor.u32 $0x5000, v0;
	v2 =	vld.idx.msk [tilespmem:v1+s10+$0x0], $0xffff  }
0x120: {  	v4 =	vor.u32 $0x1, v1;
	_ =	sdelay $0x3  }
0x121: {  	[tilespmem:v3+s12+$0x0] =	vst.idx.msk $0xffff, v2  }
0x122: {  	v3 =	vor.u32 $0x5001, v0;
	v2 =	vld.idx.msk [tilespmem:v4+s10+$0x0], $0xffff  }
0x123: {  	v4 =	vor.u32 $0x2, v1;
	_ =	sdelay $0x3  }
0x124: {  	[tilespmem:v3+s12+$0x0] =	vst.idx.msk $0xffff, v2  }
0x125: {  	v3 =	vor.u32 $0x5002, v0;
	v2 =	vld.idx.msk [tilespmem:v4+s10+$0x0], $0xffff  }
0x126: {  	v4 =	vor.u32 $0x3, v1;
	_ =	sdelay $0x3  }
0x127: {  	[tilespmem:v3+s12+$0x0] =	vst.idx.msk $0xffff, v2  }
0x128: {  	v3 =	vor.u32 $0x5003, v0;
	v2 =	vld.idx.msk [tilespmem:v4+s10+$0x0], $0xffff  }
0x129: {  	v4 =	vor.u32 $0x4, v1;
	_ =	sdelay $0x3  }
0x12a: {  	[tilespmem:v3+s12+$0x0] =	vst.idx.msk $0xffff, v2  }
0x12b: {  	v3 =	vor.u32 $0x5004, v0;
	v2 =	vld.idx.msk [tilespmem:v4+s10+$0x0], $0xffff  }
0x12c: {  	v4 =	vor.u32 $0x5, v1;
	_ =	sdelay $0x3  }
0x12d: {  	[tilespmem:v3+s12+$0x0] =	vst.idx.msk $0xffff, v2  }
0x12e: {  	v3 =	vor.u32 $0x5005, v0;
	v2 =	vld.idx.msk [tilespmem:v4+s10+$0x0], $0xffff  }
0x12f: {  	v4 =	vor.u32 $0x6, v1;
	_ =	sdelay $0x3  }
0x130: {  	[tilespmem:v3+s12+$0x0] =	vst.idx.msk $0xffff, v2  }
0x131: {  	v3 =	vor.u32 $0x5006, v0;
	v2 =	vld.idx.msk [tilespmem:v4+s10+$0x0], $0xffff  }
0x132: {  	v1 =	vor.u32 $0x7, v1;
	_ =	sdelay $0x3  }
0x133: {  	[tilespmem:v3+s12+$0x0] =	vst.idx.msk $0xffff, v2  }
0x134: {  	v2 =	vor.u32 $0x5007, v0;
	v1 =	vld.idx.msk [tilespmem:v1+s10+$0x0], $0xffff;
	_ =	sdelay $0x4  }
0x135: {  	[tilespmem:v2+s12+$0x0] =	vst.idx.msk $0xffff, v1  }
0x136: {  	v1 =	vld [tilespmem:$0xB0];
	_ =	sdelay $0x4  }
0x137: {  	v1 =	vshll.u32 v1, $0x3;
	_ =	sdelay $0x4  }
0x138: {  	v3 =	vor.u32 $0x5800, v0;
	v2 =	vld.idx.msk [tilespmem:v1+s10+$0x0], $0xffff  }
0x139: {  	v4 =	vor.u32 $0x1, v1;
	_ =	sdelay $0x3  }
0x13a: {  	[tilespmem:v3+s12+$0x0] =	vst.idx.msk $0xffff, v2  }
0x13b: {  	v3 =	vor.u32 $0x5801, v0;
	v2 =	vld.idx.msk [tilespmem:v4+s10+$0x0], $0xffff  }
0x13c: {  	v4 =	vor.u32 $0x2, v1;
	_ =	sdelay $0x3  }
0x13d: {  	[tilespmem:v3+s12+$0x0] =	vst.idx.msk $0xffff, v2  }
0x13e: {  	v3 =	vor.u32 $0x5802, v0;
	v2 =	vld.idx.msk [tilespmem:v4+s10+$0x0], $0xffff  }
0x13f: {  	v4 =	vor.u32 $0x3, v1;
	_ =	sdelay $0x3  }
0x140: {  	[tilespmem:v3+s12+$0x0] =	vst.idx.msk $0xffff, v2  }
0x141: {  	v3 =	vor.u32 $0x5803, v0;
	v2 =	vld.idx.msk [tilespmem:v4+s10+$0x0], $0xffff  }
0x142: {  	v4 =	vor.u32 $0x4, v1;
	_ =	sdelay $0x3  }
0x143: {  	[tilespmem:v3+s12+$0x0] =	vst.idx.msk $0xffff, v2  }
0x144: {  	v3 =	vor.u32 $0x5804, v0;
	v2 =	vld.idx.msk [tilespmem:v4+s10+$0x0], $0xffff  }
0x145: {  	v4 =	vor.u32 $0x5, v1;
	_ =	sdelay $0x3  }
0x146: {  	[tilespmem:v3+s12+$0x0] =	vst.idx.msk $0xffff, v2  }
0x147: {  	v3 =	vor.u32 $0x5805, v0;
	v2 =	vld.idx.msk [tilespmem:v4+s10+$0x0], $0xffff  }
0x148: {  	v4 =	vor.u32 $0x6, v1;
	_ =	sdelay $0x3  }
0x149: {  	[tilespmem:v3+s12+$0x0] =	vst.idx.msk $0xffff, v2  }
0x14a: {  	v3 =	vor.u32 $0x5806, v0;
	v2 =	vld.idx.msk [tilespmem:v4+s10+$0x0], $0xffff  }
0x14b: {  	v1 =	vor.u32 $0x7, v1;
	_ =	sdelay $0x3  }
0x14c: {  	[tilespmem:v3+s12+$0x0] =	vst.idx.msk $0xffff, v2  }
0x14d: {  	v2 =	vor.u32 $0x5807, v0;
	v1 =	vld.idx.msk [tilespmem:v1+s10+$0x0], $0xffff;
	_ =	sdelay $0x4  }
0x14e: {  	[tilespmem:v2+s12+$0x0] =	vst.idx.msk $0xffff, v1  }
0x14f: {  	v1 =	vld [tilespmem:$0xC0];
	_ =	sdelay $0x4  }
0x150: {  	v1 =	vshll.u32 v1, $0x3;
	_ =	sdelay $0x4  }
0x151: {  	v3 =	vor.u32 $0x6000, v0;
	v2 =	vld.idx.msk [tilespmem:v1+s10+$0x0], $0xffff  }
0x152: {  	v4 =	vor.u32 $0x1, v1;
	_ =	sdelay $0x3  }
0x153: {  	[tilespmem:v3+s12+$0x0] =	vst.idx.msk $0xffff, v2  }
0x154: {  	v3 =	vor.u32 $0x6001, v0;
	v2 =	vld.idx.msk [tilespmem:v4+s10+$0x0], $0xffff  }
0x155: {  	v4 =	vor.u32 $0x2, v1;
	_ =	sdelay $0x3  }
0x156: {  	[tilespmem:v3+s12+$0x0] =	vst.idx.msk $0xffff, v2  }
0x157: {  	v3 =	vor.u32 $0x6002, v0;
	v2 =	vld.idx.msk [tilespmem:v4+s10+$0x0], $0xffff  }
0x158: {  	v4 =	vor.u32 $0x3, v1;
	_ =	sdelay $0x3  }
0x159: {  	[tilespmem:v3+s12+$0x0] =	vst.idx.msk $0xffff, v2  }
0x15a: {  	v3 =	vor.u32 $0x6003, v0;
	v2 =	vld.idx.msk [tilespmem:v4+s10+$0x0], $0xffff  }
0x15b: {  	v4 =	vor.u32 $0x4, v1;
	_ =	sdelay $0x3  }
0x15c: {  	[tilespmem:v3+s12+$0x0] =	vst.idx.msk $0xffff, v2  }
0x15d: {  	v3 =	vor.u32 $0x6004, v0;
	v2 =	vld.idx.msk [tilespmem:v4+s10+$0x0], $0xffff  }
0x15e: {  	v4 =	vor.u32 $0x5, v1;
	_ =	sdelay $0x3  }
0x15f: {  	[tilespmem:v3+s12+$0x0] =	vst.idx.msk $0xffff, v2  }
0x160: {  	v3 =	vor.u32 $0x6005, v0;
	v2 =	vld.idx.msk [tilespmem:v4+s10+$0x0], $0xffff  }
0x161: {  	v4 =	vor.u32 $0x6, v1;
	_ =	sdelay $0x3  }
0x162: {  	[tilespmem:v3+s12+$0x0] =	vst.idx.msk $0xffff, v2  }
0x163: {  	v3 =	vor.u32 $0x6006, v0;
	v2 =	vld.idx.msk [tilespmem:v4+s10+$0x0], $0xffff  }
0x164: {  	v1 =	vor.u32 $0x7, v1;
	_ =	sdelay $0x3  }
0x165: {  	[tilespmem:v3+s12+$0x0] =	vst.idx.msk $0xffff, v2  }
0x166: {  	v2 =	vor.u32 $0x6007, v0;
	v1 =	vld.idx.msk [tilespmem:v1+s10+$0x0], $0xffff;
	_ =	sdelay $0x4  }
0x167: {  	[tilespmem:v2+s12+$0x0] =	vst.idx.msk $0xffff, v1  }
0x168: {  	v1 =	vld [tilespmem:$0xD0];
	_ =	sdelay $0x4  }
0x169: {  	v1 =	vshll.u32 v1, $0x3;
	_ =	sdelay $0x4  }
0x16a: {  	v3 =	vor.u32 $0x6800, v0;
	v2 =	vld.idx.msk [tilespmem:v1+s10+$0x0], $0xffff  }
0x16b: {  	v4 =	vor.u32 $0x1, v1;
	_ =	sdelay $0x3  }
0x16c: {  	[tilespmem:v3+s12+$0x0] =	vst.idx.msk $0xffff, v2  }
0x16d: {  	v3 =	vor.u32 $0x6801, v0;
	v2 =	vld.idx.msk [tilespmem:v4+s10+$0x0], $0xffff  }
0x16e: {  	v4 =	vor.u32 $0x2, v1;
	_ =	sdelay $0x3  }
0x16f: {  	[tilespmem:v3+s12+$0x0] =	vst.idx.msk $0xffff, v2  }
0x170: {  	v3 =	vor.u32 $0x6802, v0;
	v2 =	vld.idx.msk [tilespmem:v4+s10+$0x0], $0xffff  }
0x171: {  	v4 =	vor.u32 $0x3, v1;
	_ =	sdelay $0x3  }
0x172: {  	[tilespmem:v3+s12+$0x0] =	vst.idx.msk $0xffff, v2  }
0x173: {  	v3 =	vor.u32 $0x6803, v0;
	v2 =	vld.idx.msk [tilespmem:v4+s10+$0x0], $0xffff  }
0x174: {  	v4 =	vor.u32 $0x4, v1;
	_ =	sdelay $0x3  }
0x175: {  	[tilespmem:v3+s12+$0x0] =	vst.idx.msk $0xffff, v2  }
0x176: {  	v3 =	vor.u32 $0x6804, v0;
	v2 =	vld.idx.msk [tilespmem:v4+s10+$0x0], $0xffff  }
0x177: {  	v4 =	vor.u32 $0x5, v1;
	_ =	sdelay $0x3  }
0x178: {  	[tilespmem:v3+s12+$0x0] =	vst.idx.msk $0xffff, v2  }
0x179: {  	v3 =	vor.u32 $0x6805, v0;
	v2 =	vld.idx.msk [tilespmem:v4+s10+$0x0], $0xffff  }
0x17a: {  	v4 =	vor.u32 $0x6, v1;
	_ =	sdelay $0x3  }
0x17b: {  	[tilespmem:v3+s12+$0x0] =	vst.idx.msk $0xffff, v2  }
0x17c: {  	v3 =	vor.u32 $0x6806, v0;
	v2 =	vld.idx.msk [tilespmem:v4+s10+$0x0], $0xffff  }
0x17d: {  	v1 =	vor.u32 $0x7, v1;
	_ =	sdelay $0x3  }
0x17e: {  	[tilespmem:v3+s12+$0x0] =	vst.idx.msk $0xffff, v2  }
0x17f: {  	v2 =	vor.u32 $0x6807, v0;
	v1 =	vld.idx.msk [tilespmem:v1+s10+$0x0], $0xffff;
	_ =	sdelay $0x4  }
0x180: {  	[tilespmem:v2+s12+$0x0] =	vst.idx.msk $0xffff, v1  }
0x181: {  	v1 =	vld [tilespmem:$0xE0];
	_ =	sdelay $0x4  }
0x182: {  	v1 =	vshll.u32 v1, $0x3;
	_ =	sdelay $0x4  }
0x183: {  	v3 =	vor.u32 $0x7000, v0;
	v2 =	vld.idx.msk [tilespmem:v1+s10+$0x0], $0xffff  }
0x184: {  	v4 =	vor.u32 $0x1, v1;
	_ =	sdelay $0x3  }
0x185: {  	[tilespmem:v3+s12+$0x0] =	vst.idx.msk $0xffff, v2  }
0x186: {  	v3 =	vor.u32 $0x7001, v0;
	v2 =	vld.idx.msk [tilespmem:v4+s10+$0x0], $0xffff  }
0x187: {  	v4 =	vor.u32 $0x2, v1;
	_ =	sdelay $0x3  }
0x188: {  	[tilespmem:v3+s12+$0x0] =	vst.idx.msk $0xffff, v2  }
0x189: {  	v3 =	vor.u32 $0x7002, v0;
	v2 =	vld.idx.msk [tilespmem:v4+s10+$0x0], $0xffff  }
0x18a: {  	v4 =	vor.u32 $0x3, v1;
	_ =	sdelay $0x3  }
0x18b: {  	[tilespmem:v3+s12+$0x0] =	vst.idx.msk $0xffff, v2  }
0x18c: {  	v3 =	vor.u32 $0x7003, v0;
	v2 =	vld.idx.msk [tilespmem:v4+s10+$0x0], $0xffff  }
0x18d: {  	v4 =	vor.u32 $0x4, v1;
	_ =	sdelay $0x3  }
0x18e: {  	[tilespmem:v3+s12+$0x0] =	vst.idx.msk $0xffff, v2  }
0x18f: {  	v3 =	vor.u32 $0x7004, v0;
	v2 =	vld.idx.msk [tilespmem:v4+s10+$0x0], $0xffff  }
0x190: {  	v4 =	vor.u32 $0x5, v1;
	_ =	sdelay $0x3  }
0x191: {  	[tilespmem:v3+s12+$0x0] =	vst.idx.msk $0xffff, v2  }
0x192: {  	v3 =	vor.u32 $0x7005, v0;
	v2 =	vld.idx.msk [tilespmem:v4+s10+$0x0], $0xffff  }
0x193: {  	v4 =	vor.u32 $0x6, v1;
	_ =	sdelay $0x3  }
0x194: {  	[tilespmem:v3+s12+$0x0] =	vst.idx.msk $0xffff, v2  }
0x195: {  	v3 =	vor.u32 $0x7006, v0;
	v2 =	vld.idx.msk [tilespmem:v4+s10+$0x0], $0xffff  }
0x196: {  	v1 =	vor.u32 $0x7, v1;
	_ =	sdelay $0x3  }
0x197: {  	[tilespmem:v3+s12+$0x0] =	vst.idx.msk $0xffff, v2  }
0x198: {  	v2 =	vor.u32 $0x7007, v0;
	v1 =	vld.idx.msk [tilespmem:v1+s10+$0x0], $0xffff;
	_ =	sdelay $0x4  }
0x199: {  	[tilespmem:v2+s12+$0x0] =	vst.idx.msk $0xffff, v1  }
0x19a: {  	v1 =	vld [tilespmem:$0xF0];
	_ =	sdelay $0x4  }
0x19b: {  	v1 =	vshll.u32 v1, $0x3;
	_ =	sdelay $0x4  }
0x19c: {  	v3 =	vor.u32 $0x7800, v0;
	v2 =	vld.idx.msk [tilespmem:v1+s10+$0x0], $0xffff  }
0x19d: {  	v4 =	vor.u32 $0x1, v1;
	_ =	sdelay $0x3  }
0x19e: {  	[tilespmem:v3+s12+$0x0] =	vst.idx.msk $0xffff, v2  }
0x19f: {  	v3 =	vor.u32 $0x7801, v0;
	v2 =	vld.idx.msk [tilespmem:v4+s10+$0x0], $0xffff  }
0x1a0: {  	v4 =	vor.u32 $0x2, v1;
	_ =	sdelay $0x3  }
0x1a1: {  	[tilespmem:v3+s12+$0x0] =	vst.idx.msk $0xffff, v2  }
0x1a2: {  	v3 =	vor.u32 $0x7802, v0;
	v2 =	vld.idx.msk [tilespmem:v4+s10+$0x0], $0xffff  }
0x1a3: {  	v4 =	vor.u32 $0x3, v1;
	_ =	sdelay $0x3  }
0x1a4: {  	[tilespmem:v3+s12+$0x0] =	vst.idx.msk $0xffff, v2  }
0x1a5: {  	v3 =	vor.u32 $0x7803, v0;
	v2 =	vld.idx.msk [tilespmem:v4+s10+$0x0], $0xffff  }
0x1a6: {  	v4 =	vor.u32 $0x4, v1;
	_ =	sdelay $0x3  }
0x1a7: {  	[tilespmem:v3+s12+$0x0] =	vst.idx.msk $0xffff, v2  }
0x1a8: {  	v3 =	vor.u32 $0x7804, v0;
	v2 =	vld.idx.msk [tilespmem:v4+s10+$0x0], $0xffff  }
0x1a9: {  	v4 =	vor.u32 $0x5, v1;
	_ =	sdelay $0x3  }
0x1aa: {  	[tilespmem:v3+s12+$0x0] =	vst.idx.msk $0xffff, v2  }
0x1ab: {  	v3 =	vor.u32 $0x7805, v0;
	v2 =	vld.idx.msk [tilespmem:v4+s10+$0x0], $0xffff  }
0x1ac: {  	v4 =	vor.u32 $0x6, v1;
	_ =	sdelay $0x3  }
0x1ad: {  	[tilespmem:v3+s12+$0x0] =	vst.idx.msk $0xffff, v2  }
0x1ae: {  	v3 =	vor.u32 $0x7806, v0;
	v2 =	vld.idx.msk [tilespmem:v4+s10+$0x0], $0xffff  }
0x1af: {  	v1 =	vor.u32 $0x7, v1;
	_ =	sdelay $0x3  }
0x1b0: {  	[tilespmem:v3+s12+$0x0] =	vst.idx.msk $0xffff, v2  }
0x1b1: {  	v2 =	vor.u32 $0x7807, v0;
	v1 =	vld.idx.msk [tilespmem:v1+s10+$0x0], $0xffff;
	_ =	sdelay $0x4  }
0x1b2: {  	[tilespmem:v2+s12+$0x0] =	vst.idx.msk $0xffff, v1  }
0x1b3: {  	[hbm4b:s6+s2] =	stream.linear.scatter [tilespmem:s13], [sflag:$0x1], $0x4000, $0x38;
	[tilespmem:$0x12180] =	vst v63  }
0x1b4: {  	v1 =	vld [tilespmem:$0x100];
	_ =	sdelay $0x4  }
0x1b5: {  	v1 =	vshll.u32 v1, $0x3;
	_ =	sdelay $0x4  }
0x1b6: {  	v3 =	vor.u32 $0x8000, v0;
	v2 =	vld.idx.msk [tilespmem:v1+s10+$0x0], $0xffff  }
0x1b7: {  	v4 =	vor.u32 $0x1, v1;
	_ =	sdelay $0x3  }
0x1b8: {  	[tilespmem:v3+s12+$0x0] =	vst.idx.msk $0xffff, v2  }
0x1b9: {  	v3 =	vor.u32 $0x8001, v0;
	v2 =	vld.idx.msk [tilespmem:v4+s10+$0x0], $0xffff  }
0x1ba: {  	v4 =	vor.u32 $0x2, v1;
	_ =	sdelay $0x3  }
0x1bb: {  	[tilespmem:v3+s12+$0x0] =	vst.idx.msk $0xffff, v2  }
0x1bc: {  	v3 =	vor.u32 $0x8002, v0;
	v2 =	vld.idx.msk [tilespmem:v4+s10+$0x0], $0xffff  }
0x1bd: {  	v4 =	vor.u32 $0x3, v1;
	_ =	sdelay $0x3  }
0x1be: {  	[tilespmem:v3+s12+$0x0] =	vst.idx.msk $0xffff, v2  }
0x1bf: {  	v3 =	vor.u32 $0x8003, v0;
	v2 =	vld.idx.msk [tilespmem:v4+s10+$0x0], $0xffff  }
0x1c0: {  	v4 =	vor.u32 $0x4, v1;
	_ =	sdelay $0x3  }
0x1c1: {  	[tilespmem:v3+s12+$0x0] =	vst.idx.msk $0xffff, v2  }
0x1c2: {  	v3 =	vor.u32 $0x8004, v0;
	v2 =	vld.idx.msk [tilespmem:v4+s10+$0x0], $0xffff  }
0x1c3: {  	v4 =	vor.u32 $0x5, v1;
	_ =	sdelay $0x3  }
0x1c4: {  	[tilespmem:v3+s12+$0x0] =	vst.idx.msk $0xffff, v2  }
0x1c5: {  	v3 =	vor.u32 $0x8005, v0;
	v2 =	vld.idx.msk [tilespmem:v4+s10+$0x0], $0xffff  }
0x1c6: {  	v4 =	vor.u32 $0x6, v1;
	_ =	sdelay $0x3  }
0x1c7: {  	[tilespmem:v3+s12+$0x0] =	vst.idx.msk $0xffff, v2  }
0x1c8: {  	v3 =	vor.u32 $0x8006, v0;
	v2 =	vld.idx.msk [tilespmem:v4+s10+$0x0], $0xffff  }
0x1c9: {  	v1 =	vor.u32 $0x7, v1;
	_ =	sdelay $0x3  }
0x1ca: {  	[tilespmem:v3+s12+$0x0] =	vst.idx.msk $0xffff, v2  }
0x1cb: {  	v2 =	vor.u32 $0x8007, v0;
	v1 =	vld.idx.msk [tilespmem:v1+s10+$0x0], $0xffff;
	_ =	sdelay $0x4  }
0x1cc: {  	[tilespmem:v2+s12+$0x0] =	vst.idx.msk $0xffff, v1  }
0x1cd: {  	v1 =	vld [tilespmem:$0x110];
	_ =	sdelay $0x4  }
0x1ce: {  	v1 =	vshll.u32 v1, $0x3;
	_ =	sdelay $0x4  }
0x1cf: {  	v3 =	vor.u32 $0x8800, v0;
	v2 =	vld.idx.msk [tilespmem:v1+s10+$0x0], $0xffff  }
0x1d0: {  	v4 =	vor.u32 $0x1, v1;
	_ =	sdelay $0x3  }
0x1d1: {  	[tilespmem:v3+s12+$0x0] =	vst.idx.msk $0xffff, v2  }
0x1d2: {  	v3 =	vor.u32 $0x8801, v0;
	v2 =	vld.idx.msk [tilespmem:v4+s10+$0x0], $0xffff  }
0x1d3: {  	v4 =	vor.u32 $0x2, v1;
	_ =	sdelay $0x3  }
0x1d4: {  	[tilespmem:v3+s12+$0x0] =	vst.idx.msk $0xffff, v2  }
0x1d5: {  	v3 =	vor.u32 $0x8802, v0;
	v2 =	vld.idx.msk [tilespmem:v4+s10+$0x0], $0xffff  }
0x1d6: {  	v4 =	vor.u32 $0x3, v1;
	_ =	sdelay $0x3  }
0x1d7: {  	[tilespmem:v3+s12+$0x0] =	vst.idx.msk $0xffff, v2  }
0x1d8: {  	v3 =	vor.u32 $0x8803, v0;
	v2 =	vld.idx.msk [tilespmem:v4+s10+$0x0], $0xffff  }
0x1d9: {  	v4 =	vor.u32 $0x4, v1;
	_ =	sdelay $0x3  }
0x1da: {  	[tilespmem:v3+s12+$0x0] =	vst.idx.msk $0xffff, v2  }
0x1db: {  	v3 =	vor.u32 $0x8804, v0;
	v2 =	vld.idx.msk [tilespmem:v4+s10+$0x0], $0xffff  }
0x1dc: {  	v4 =	vor.u32 $0x5, v1;
	_ =	sdelay $0x3  }
0x1dd: {  	[tilespmem:v3+s12+$0x0] =	vst.idx.msk $0xffff, v2  }
0x1de: {  	v3 =	vor.u32 $0x8805, v0;
	v2 =	vld.idx.msk [tilespmem:v4+s10+$0x0], $0xffff  }
0x1df: {  	v4 =	vor.u32 $0x6, v1;
	_ =	sdelay $0x3  }
0x1e0: {  	[tilespmem:v3+s12+$0x0] =	vst.idx.msk $0xffff, v2  }
0x1e1: {  	v3 =	vor.u32 $0x8806, v0;
	v2 =	vld.idx.msk [tilespmem:v4+s10+$0x0], $0xffff  }
0x1e2: {  	v1 =	vor.u32 $0x7, v1;
	_ =	sdelay $0x3  }
0x1e3: {  	[tilespmem:v3+s12+$0x0] =	vst.idx.msk $0xffff, v2  }
0x1e4: {  	v2 =	vor.u32 $0x8807, v0;
	v1 =	vld.idx.msk [tilespmem:v1+s10+$0x0], $0xffff;
	_ =	sdelay $0x4  }
0x1e5: {  	[tilespmem:v2+s12+$0x0] =	vst.idx.msk $0xffff, v1  }
0x1e6: {  	v1 =	vld [tilespmem:$0x120];
	_ =	sdelay $0x4  }
0x1e7: {  	v1 =	vshll.u32 v1, $0x3;
	_ =	sdelay $0x4  }
0x1e8: {  	v3 =	vor.u32 $0x9000, v0;
	v2 =	vld.idx.msk [tilespmem:v1+s10+$0x0], $0xffff  }
0x1e9: {  	v4 =	vor.u32 $0x1, v1;
	_ =	sdelay $0x3  }
0x1ea: {  	[tilespmem:v3+s12+$0x0] =	vst.idx.msk $0xffff, v2  }
0x1eb: {  	v3 =	vor.u32 $0x9001, v0;
	v2 =	vld.idx.msk [tilespmem:v4+s10+$0x0], $0xffff  }
0x1ec: {  	v4 =	vor.u32 $0x2, v1;
	_ =	sdelay $0x3  }
0x1ed: {  	[tilespmem:v3+s12+$0x0] =	vst.idx.msk $0xffff, v2  }
0x1ee: {  	v3 =	vor.u32 $0x9002, v0;
	v2 =	vld.idx.msk [tilespmem:v4+s10+$0x0], $0xffff  }
0x1ef: {  	v4 =	vor.u32 $0x3, v1;
	_ =	sdelay $0x3  }
0x1f0: {  	[tilespmem:v3+s12+$0x0] =	vst.idx.msk $0xffff, v2  }
0x1f1: {  	v3 =	vor.u32 $0x9003, v0;
	v2 =	vld.idx.msk [tilespmem:v4+s10+$0x0], $0xffff  }
0x1f2: {  	v4 =	vor.u32 $0x4, v1;
	_ =	sdelay $0x3  }
0x1f3: {  	[tilespmem:v3+s12+$0x0] =	vst.idx.msk $0xffff, v2  }
0x1f4: {  	v3 =	vor.u32 $0x9004, v0;
	v2 =	vld.idx.msk [tilespmem:v4+s10+$0x0], $0xffff  }
0x1f5: {  	v4 =	vor.u32 $0x5, v1;
	_ =	sdelay $0x3  }
0x1f6: {  	[tilespmem:v3+s12+$0x0] =	vst.idx.msk $0xffff, v2  }
0x1f7: {  	v3 =	vor.u32 $0x9005, v0;
	v2 =	vld.idx.msk [tilespmem:v4+s10+$0x0], $0xffff  }
0x1f8: {  	v4 =	vor.u32 $0x6, v1;
	_ =	sdelay $0x3  }
0x1f9: {  	[tilespmem:v3+s12+$0x0] =	vst.idx.msk $0xffff, v2  }
0x1fa: {  	v3 =	vor.u32 $0x9006, v0;
	v2 =	vld.idx.msk [tilespmem:v4+s10+$0x0], $0xffff  }
0x1fb: {  	v1 =	vor.u32 $0x7, v1;
	_ =	sdelay $0x3  }
0x1fc: {  	[tilespmem:v3+s12+$0x0] =	vst.idx.msk $0xffff, v2  }
0x1fd: {  	v2 =	vor.u32 $0x9007, v0;
	v1 =	vld.idx.msk [tilespmem:v1+s10+$0x0], $0xffff;
	_ =	sdelay $0x4  }
0x1fe: {  	[tilespmem:v2+s12+$0x0] =	vst.idx.msk $0xffff, v1  }
0x1ff: {  	v1 =	vld [tilespmem:$0x130];
	_ =	sdelay $0x4  }
0x200: {  	v1 =	vshll.u32 v1, $0x3;
	_ =	sdelay $0x4  }
0x201: {  	v3 =	vor.u32 $0x9800, v0;
	v2 =	vld.idx.msk [tilespmem:v1+s10+$0x0], $0xffff  }
0x202: {  	v4 =	vor.u32 $0x1, v1;
	_ =	sdelay $0x3  }
0x203: {  	[tilespmem:v3+s12+$0x0] =	vst.idx.msk $0xffff, v2  }
0x204: {  	v3 =	vor.u32 $0x9801, v0;
	v2 =	vld.idx.msk [tilespmem:v4+s10+$0x0], $0xffff  }
0x205: {  	v4 =	vor.u32 $0x2, v1;
	_ =	sdelay $0x3  }
0x206: {  	[tilespmem:v3+s12+$0x0] =	vst.idx.msk $0xffff, v2  }
0x207: {  	v3 =	vor.u32 $0x9802, v0;
	v2 =	vld.idx.msk [tilespmem:v4+s10+$0x0], $0xffff  }
0x208: {  	v4 =	vor.u32 $0x3, v1;
	_ =	sdelay $0x3  }
0x209: {  	[tilespmem:v3+s12+$0x0] =	vst.idx.msk $0xffff, v2  }
0x20a: {  	v3 =	vor.u32 $0x9803, v0;
	v2 =	vld.idx.msk [tilespmem:v4+s10+$0x0], $0xffff  }
0x20b: {  	v4 =	vor.u32 $0x4, v1;
	_ =	sdelay $0x3  }
0x20c: {  	[tilespmem:v3+s12+$0x0] =	vst.idx.msk $0xffff, v2  }
0x20d: {  	v3 =	vor.u32 $0x9804, v0;
	v2 =	vld.idx.msk [tilespmem:v4+s10+$0x0], $0xffff  }
0x20e: {  	v4 =	vor.u32 $0x5, v1;
	_ =	sdelay $0x3  }
0x20f: {  	[tilespmem:v3+s12+$0x0] =	vst.idx.msk $0xffff, v2  }
0x210: {  	v3 =	vor.u32 $0x9805, v0;
	v2 =	vld.idx.msk [tilespmem:v4+s10+$0x0], $0xffff  }
0x211: {  	v4 =	vor.u32 $0x6, v1;
	_ =	sdelay $0x3  }
0x212: {  	[tilespmem:v3+s12+$0x0] =	vst.idx.msk $0xffff, v2  }
0x213: {  	v3 =	vor.u32 $0x9806, v0;
	v2 =	vld.idx.msk [tilespmem:v4+s10+$0x0], $0xffff  }
0x214: {  	v1 =	vor.u32 $0x7, v1;
	_ =	sdelay $0x3  }
0x215: {  	[tilespmem:v3+s12+$0x0] =	vst.idx.msk $0xffff, v2  }
0x216: {  	v2 =	vor.u32 $0x9807, v0;
	v1 =	vld.idx.msk [tilespmem:v1+s10+$0x0], $0xffff;
	_ =	sdelay $0x4  }
0x217: {  	[tilespmem:v2+s12+$0x0] =	vst.idx.msk $0xffff, v1  }
0x218: {  	v1 =	vld [tilespmem:$0x140];
	_ =	sdelay $0x4  }
0x219: {  	v1 =	vshll.u32 v1, $0x3;
	_ =	sdelay $0x4  }
0x21a: {  	v3 =	vor.u32 $0xA000, v0;
	v2 =	vld.idx.msk [tilespmem:v1+s10+$0x0], $0xffff  }
0x21b: {  	v4 =	vor.u32 $0x1, v1;
	_ =	sdelay $0x3  }
0x21c: {  	[tilespmem:v3+s12+$0x0] =	vst.idx.msk $0xffff, v2  }
0x21d: {  	v3 =	vor.u32 $0xA001, v0;
	v2 =	vld.idx.msk [tilespmem:v4+s10+$0x0], $0xffff  }
0x21e: {  	v4 =	vor.u32 $0x2, v1;
	_ =	sdelay $0x3  }
0x21f: {  	[tilespmem:v3+s12+$0x0] =	vst.idx.msk $0xffff, v2  }
0x220: {  	v3 =	vor.u32 $0xA002, v0;
	v2 =	vld.idx.msk [tilespmem:v4+s10+$0x0], $0xffff  }
0x221: {  	v4 =	vor.u32 $0x3, v1;
	_ =	sdelay $0x3  }
0x222: {  	[tilespmem:v3+s12+$0x0] =	vst.idx.msk $0xffff, v2  }
0x223: {  	v3 =	vor.u32 $0xA003, v0;
	v2 =	vld.idx.msk [tilespmem:v4+s10+$0x0], $0xffff  }
0x224: {  	v4 =	vor.u32 $0x4, v1;
	_ =	sdelay $0x3  }
0x225: {  	[tilespmem:v3+s12+$0x0] =	vst.idx.msk $0xffff, v2  }
0x226: {  	v3 =	vor.u32 $0xA004, v0;
	v2 =	vld.idx.msk [tilespmem:v4+s10+$0x0], $0xffff  }
0x227: {  	v4 =	vor.u32 $0x5, v1;
	_ =	sdelay $0x3  }
0x228: {  	[tilespmem:v3+s12+$0x0] =	vst.idx.msk $0xffff, v2  }
0x229: {  	v3 =	vor.u32 $0xA005, v0;
	v2 =	vld.idx.msk [tilespmem:v4+s10+$0x0], $0xffff  }
0x22a: {  	v4 =	vor.u32 $0x6, v1;
	_ =	sdelay $0x3  }
0x22b: {  	[tilespmem:v3+s12+$0x0] =	vst.idx.msk $0xffff, v2  }
0x22c: {  	v3 =	vor.u32 $0xA006, v0;
	v2 =	vld.idx.msk [tilespmem:v4+s10+$0x0], $0xffff  }
0x22d: {  	v1 =	vor.u32 $0x7, v1;
	_ =	sdelay $0x3  }
0x22e: {  	[tilespmem:v3+s12+$0x0] =	vst.idx.msk $0xffff, v2  }
0x22f: {  	v2 =	vor.u32 $0xA007, v0;
	v1 =	vld.idx.msk [tilespmem:v1+s10+$0x0], $0xffff;
	_ =	sdelay $0x4  }
0x230: {  	[tilespmem:v2+s12+$0x0] =	vst.idx.msk $0xffff, v1  }
0x231: {  	v1 =	vld [tilespmem:$0x150];
	_ =	sdelay $0x4  }
0x232: {  	v1 =	vshll.u32 v1, $0x3;
	_ =	sdelay $0x4  }
0x233: {  	v3 =	vor.u32 $0xA800, v0;
	v2 =	vld.idx.msk [tilespmem:v1+s10+$0x0], $0xffff  }
0x234: {  	v4 =	vor.u32 $0x1, v1;
	_ =	sdelay $0x3  }
0x235: {  	[tilespmem:v3+s12+$0x0] =	vst.idx.msk $0xffff, v2  }
0x236: {  	v3 =	vor.u32 $0xA801, v0;
	v2 =	vld.idx.msk [tilespmem:v4+s10+$0x0], $0xffff  }
0x237: {  	v4 =	vor.u32 $0x2, v1;
	_ =	sdelay $0x3  }
0x238: {  	[tilespmem:v3+s12+$0x0] =	vst.idx.msk $0xffff, v2  }
0x239: {  	v3 =	vor.u32 $0xA802, v0;
	v2 =	vld.idx.msk [tilespmem:v4+s10+$0x0], $0xffff  }
0x23a: {  	v4 =	vor.u32 $0x3, v1;
	_ =	sdelay $0x3  }
0x23b: {  	[tilespmem:v3+s12+$0x0] =	vst.idx.msk $0xffff, v2  }
0x23c: {  	v3 =	vor.u32 $0xA803, v0;
	v2 =	vld.idx.msk [tilespmem:v4+s10+$0x0], $0xffff  }
0x23d: {  	v4 =	vor.u32 $0x4, v1;
	_ =	sdelay $0x3  }
0x23e: {  	[tilespmem:v3+s12+$0x0] =	vst.idx.msk $0xffff, v2  }
0x23f: {  	v3 =	vor.u32 $0xA804, v0;
	v2 =	vld.idx.msk [tilespmem:v4+s10+$0x0], $0xffff  }
0x240: {  	v4 =	vor.u32 $0x5, v1;
	_ =	sdelay $0x3  }
0x241: {  	[tilespmem:v3+s12+$0x0] =	vst.idx.msk $0xffff, v2  }
0x242: {  	v3 =	vor.u32 $0xA805, v0;
	v2 =	vld.idx.msk [tilespmem:v4+s10+$0x0], $0xffff  }
0x243: {  	v4 =	vor.u32 $0x6, v1;
	_ =	sdelay $0x3  }
0x244: {  	[tilespmem:v3+s12+$0x0] =	vst.idx.msk $0xffff, v2  }
0x245: {  	v3 =	vor.u32 $0xA806, v0;
	v2 =	vld.idx.msk [tilespmem:v4+s10+$0x0], $0xffff  }
0x246: {  	v1 =	vor.u32 $0x7, v1;
	_ =	sdelay $0x3  }
0x247: {  	[tilespmem:v3+s12+$0x0] =	vst.idx.msk $0xffff, v2  }
0x248: {  	v2 =	vor.u32 $0xA807, v0;
	v1 =	vld.idx.msk [tilespmem:v1+s10+$0x0], $0xffff;
	_ =	sdelay $0x4  }
0x249: {  	[tilespmem:v2+s12+$0x0] =	vst.idx.msk $0xffff, v1  }
0x24a: {  	v1 =	vld [tilespmem:$0x160];
	_ =	sdelay $0x4  }
0x24b: {  	v1 =	vshll.u32 v1, $0x3;
	_ =	sdelay $0x4  }
0x24c: {  	v3 =	vor.u32 $0xB000, v0;
	v2 =	vld.idx.msk [tilespmem:v1+s10+$0x0], $0xffff  }
0x24d: {  	v4 =	vor.u32 $0x1, v1;
	_ =	sdelay $0x3  }
0x24e: {  	[tilespmem:v3+s12+$0x0] =	vst.idx.msk $0xffff, v2  }
0x24f: {  	v3 =	vor.u32 $0xB001, v0;
	v2 =	vld.idx.msk [tilespmem:v4+s10+$0x0], $0xffff  }
0x250: {  	v4 =	vor.u32 $0x2, v1;
	_ =	sdelay $0x3  }
0x251: {  	[tilespmem:v3+s12+$0x0] =	vst.idx.msk $0xffff, v2  }
0x252: {  	v3 =	vor.u32 $0xB002, v0;
	v2 =	vld.idx.msk [tilespmem:v4+s10+$0x0], $0xffff  }
0x253: {  	v4 =	vor.u32 $0x3, v1;
	_ =	sdelay $0x3  }
0x254: {  	[tilespmem:v3+s12+$0x0] =	vst.idx.msk $0xffff, v2  }
0x255: {  	v3 =	vor.u32 $0xB003, v0;
	v2 =	vld.idx.msk [tilespmem:v4+s10+$0x0], $0xffff  }
0x256: {  	v4 =	vor.u32 $0x4, v1;
	_ =	sdelay $0x3  }
0x257: {  	[tilespmem:v3+s12+$0x0] =	vst.idx.msk $0xffff, v2  }
0x258: {  	v3 =	vor.u32 $0xB004, v0;
	v2 =	vld.idx.msk [tilespmem:v4+s10+$0x0], $0xffff  }
0x259: {  	v4 =	vor.u32 $0x5, v1;
	_ =	sdelay $0x3  }
0x25a: {  	[tilespmem:v3+s12+$0x0] =	vst.idx.msk $0xffff, v2  }
0x25b: {  	v3 =	vor.u32 $0xB005, v0;
	v2 =	vld.idx.msk [tilespmem:v4+s10+$0x0], $0xffff  }
0x25c: {  	v4 =	vor.u32 $0x6, v1;
	_ =	sdelay $0x3  }
0x25d: {  	[tilespmem:v3+s12+$0x0] =	vst.idx.msk $0xffff, v2  }
0x25e: {  	v3 =	vor.u32 $0xB006, v0;
	v2 =	vld.idx.msk [tilespmem:v4+s10+$0x0], $0xffff  }
0x25f: {  	v1 =	vor.u32 $0x7, v1;
	_ =	sdelay $0x3  }
0x260: {  	[tilespmem:v3+s12+$0x0] =	vst.idx.msk $0xffff, v2  }
0x261: {  	v2 =	vor.u32 $0xB007, v0;
	v1 =	vld.idx.msk [tilespmem:v1+s10+$0x0], $0xffff;
	_ =	sdelay $0x4  }
0x262: {  	[tilespmem:v2+s12+$0x0] =	vst.idx.msk $0xffff, v1  }
0x263: {  	v1 =	vld [tilespmem:$0x170];
	_ =	sdelay $0x4  }
0x264: {  	v1 =	vshll.u32 v1, $0x3;
	_ =	sdelay $0x4  }
0x265: {  	v3 =	vor.u32 $0xB800, v0;
	v2 =	vld.idx.msk [tilespmem:v1+s10+$0x0], $0xffff  }
0x266: {  	v4 =	vor.u32 $0x1, v1;
	_ =	sdelay $0x3  }
0x267: {  	[tilespmem:v3+s12+$0x0] =	vst.idx.msk $0xffff, v2  }
0x268: {  	v3 =	vor.u32 $0xB801, v0;
	v2 =	vld.idx.msk [tilespmem:v4+s10+$0x0], $0xffff  }
0x269: {  	v4 =	vor.u32 $0x2, v1;
	_ =	sdelay $0x3  }
0x26a: {  	[tilespmem:v3+s12+$0x0] =	vst.idx.msk $0xffff, v2  }
0x26b: {  	v3 =	vor.u32 $0xB802, v0;
	v2 =	vld.idx.msk [tilespmem:v4+s10+$0x0], $0xffff  }
0x26c: {  	v4 =	vor.u32 $0x3, v1;
	_ =	sdelay $0x3  }
0x26d: {  	[tilespmem:v3+s12+$0x0] =	vst.idx.msk $0xffff, v2  }
0x26e: {  	v3 =	vor.u32 $0xB803, v0;
	v2 =	vld.idx.msk [tilespmem:v4+s10+$0x0], $0xffff  }
0x26f: {  	v4 =	vor.u32 $0x4, v1;
	_ =	sdelay $0x3  }
0x270: {  	[tilespmem:v3+s12+$0x0] =	vst.idx.msk $0xffff, v2  }
0x271: {  	v3 =	vor.u32 $0xB804, v0;
	v2 =	vld.idx.msk [tilespmem:v4+s10+$0x0], $0xffff  }
0x272: {  	v4 =	vor.u32 $0x5, v1;
	_ =	sdelay $0x3  }
0x273: {  	[tilespmem:v3+s12+$0x0] =	vst.idx.msk $0xffff, v2  }
0x274: {  	v3 =	vor.u32 $0xB805, v0;
	v2 =	vld.idx.msk [tilespmem:v4+s10+$0x0], $0xffff  }
0x275: {  	v4 =	vor.u32 $0x6, v1;
	_ =	sdelay $0x3  }
0x276: {  	[tilespmem:v3+s12+$0x0] =	vst.idx.msk $0xffff, v2  }
0x277: {  	v3 =	vor.u32 $0xB806, v0;
	v2 =	vld.idx.msk [tilespmem:v4+s10+$0x0], $0xffff  }
0x278: {  	v1 =	vor.u32 $0x7, v1;
	_ =	sdelay $0x3  }
0x279: {  	[tilespmem:v3+s12+$0x0] =	vst.idx.msk $0xffff, v2  }
0x27a: {  	v2 =	vor.u32 $0xB807, v0;
	v1 =	vld.idx.msk [tilespmem:v1+s10+$0x0], $0xffff;
	_ =	sdelay $0x4  }
0x27b: {  	[tilespmem:v2+s12+$0x0] =	vst.idx.msk $0xffff, v1  }
0x27c: {  	[hbm4b:s7+s2] =	stream.linear.scatter [tilespmem:s14], [sflag:$0x1], $0x4000, $0x38;
	[tilespmem:$0x12180] =	vst v63  }
0x27d: {  	v1 =	vld [tilespmem:$0x180];
	_ =	sdelay $0x4  }
0x27e: {  	v1 =	vshll.u32 v1, $0x3;
	_ =	sdelay $0x4  }
0x27f: {  	v3 =	vor.u32 $0xC000, v0;
	v2 =	vld.idx.msk [tilespmem:v1+s10+$0x0], $0xffff  }
0x280: {  	v4 =	vor.u32 $0x1, v1;
	_ =	sdelay $0x3  }
0x281: {  	[tilespmem:v3+s12+$0x0] =	vst.idx.msk $0xffff, v2  }
0x282: {  	v3 =	vor.u32 $0xC001, v0;
	v2 =	vld.idx.msk [tilespmem:v4+s10+$0x0], $0xffff  }
0x283: {  	v4 =	vor.u32 $0x2, v1;
	_ =	sdelay $0x3  }
0x284: {  	[tilespmem:v3+s12+$0x0] =	vst.idx.msk $0xffff, v2  }
0x285: {  	v3 =	vor.u32 $0xC002, v0;
	v2 =	vld.idx.msk [tilespmem:v4+s10+$0x0], $0xffff  }
0x286: {  	v4 =	vor.u32 $0x3, v1;
	_ =	sdelay $0x3  }
0x287: {  	[tilespmem:v3+s12+$0x0] =	vst.idx.msk $0xffff, v2  }
0x288: {  	v3 =	vor.u32 $0xC003, v0;
	v2 =	vld.idx.msk [tilespmem:v4+s10+$0x0], $0xffff  }
0x289: {  	v4 =	vor.u32 $0x4, v1;
	_ =	sdelay $0x3  }
0x28a: {  	[tilespmem:v3+s12+$0x0] =	vst.idx.msk $0xffff, v2  }
0x28b: {  	v3 =	vor.u32 $0xC004, v0;
	v2 =	vld.idx.msk [tilespmem:v4+s10+$0x0], $0xffff  }
0x28c: {  	v4 =	vor.u32 $0x5, v1;
	_ =	sdelay $0x3  }
0x28d: {  	[tilespmem:v3+s12+$0x0] =	vst.idx.msk $0xffff, v2  }
0x28e: {  	v3 =	vor.u32 $0xC005, v0;
	v2 =	vld.idx.msk [tilespmem:v4+s10+$0x0], $0xffff  }
0x28f: {  	v4 =	vor.u32 $0x6, v1;
	_ =	sdelay $0x3  }
0x290: {  	[tilespmem:v3+s12+$0x0] =	vst.idx.msk $0xffff, v2  }
0x291: {  	v3 =	vor.u32 $0xC006, v0;
	v2 =	vld.idx.msk [tilespmem:v4+s10+$0x0], $0xffff  }
0x292: {  	v1 =	vor.u32 $0x7, v1;
	_ =	sdelay $0x3  }
0x293: {  	[tilespmem:v3+s12+$0x0] =	vst.idx.msk $0xffff, v2  }
0x294: {  	v2 =	vor.u32 $0xC007, v0;
	v1 =	vld.idx.msk [tilespmem:v1+s10+$0x0], $0xffff;
	_ =	sdelay $0x4  }
0x295: {  	[tilespmem:v2+s12+$0x0] =	vst.idx.msk $0xffff, v1  }
0x296: {  	v1 =	vld [tilespmem:$0x190];
	_ =	sdelay $0x4  }
0x297: {  	v1 =	vshll.u32 v1, $0x3;
	_ =	sdelay $0x4  }
0x298: {  	v3 =	vor.u32 $0xC800, v0;
	v2 =	vld.idx.msk [tilespmem:v1+s10+$0x0], $0xffff  }
0x299: {  	v4 =	vor.u32 $0x1, v1;
	_ =	sdelay $0x3  }
0x29a: {  	[tilespmem:v3+s12+$0x0] =	vst.idx.msk $0xffff, v2  }
0x29b: {  	v3 =	vor.u32 $0xC801, v0;
	v2 =	vld.idx.msk [tilespmem:v4+s10+$0x0], $0xffff  }
0x29c: {  	v4 =	vor.u32 $0x2, v1;
	_ =	sdelay $0x3  }
0x29d: {  	[tilespmem:v3+s12+$0x0] =	vst.idx.msk $0xffff, v2  }
0x29e: {  	v3 =	vor.u32 $0xC802, v0;
	v2 =	vld.idx.msk [tilespmem:v4+s10+$0x0], $0xffff  }
0x29f: {  	v4 =	vor.u32 $0x3, v1;
	_ =	sdelay $0x3  }
0x2a0: {  	[tilespmem:v3+s12+$0x0] =	vst.idx.msk $0xffff, v2  }
0x2a1: {  	v3 =	vor.u32 $0xC803, v0;
	v2 =	vld.idx.msk [tilespmem:v4+s10+$0x0], $0xffff  }
0x2a2: {  	v4 =	vor.u32 $0x4, v1;
	_ =	sdelay $0x3  }
0x2a3: {  	[tilespmem:v3+s12+$0x0] =	vst.idx.msk $0xffff, v2  }
0x2a4: {  	v3 =	vor.u32 $0xC804, v0;
	v2 =	vld.idx.msk [tilespmem:v4+s10+$0x0], $0xffff  }
0x2a5: {  	v4 =	vor.u32 $0x5, v1;
	_ =	sdelay $0x3  }
0x2a6: {  	[tilespmem:v3+s12+$0x0] =	vst.idx.msk $0xffff, v2  }
0x2a7: {  	v3 =	vor.u32 $0xC805, v0;
	v2 =	vld.idx.msk [tilespmem:v4+s10+$0x0], $0xffff  }
0x2a8: {  	v4 =	vor.u32 $0x6, v1;
	_ =	sdelay $0x3  }
0x2a9: {  	[tilespmem:v3+s12+$0x0] =	vst.idx.msk $0xffff, v2  }
0x2aa: {  	v3 =	vor.u32 $0xC806, v0;
	v2 =	vld.idx.msk [tilespmem:v4+s10+$0x0], $0xffff  }
0x2ab: {  	v1 =	vor.u32 $0x7, v1;
	_ =	sdelay $0x3  }
0x2ac: {  	[tilespmem:v3+s12+$0x0] =	vst.idx.msk $0xffff, v2  }
0x2ad: {  	v2 =	vor.u32 $0xC807, v0;
	v1 =	vld.idx.msk [tilespmem:v1+s10+$0x0], $0xffff;
	_ =	sdelay $0x4  }
0x2ae: {  	[tilespmem:v2+s12+$0x0] =	vst.idx.msk $0xffff, v1  }
0x2af: {  	v1 =	vld [tilespmem:$0x1A0];
	_ =	sdelay $0x4  }
0x2b0: {  	v1 =	vshll.u32 v1, $0x3;
	_ =	sdelay $0x4  }
0x2b1: {  	v3 =	vor.u32 $0xD000, v0;
	v2 =	vld.idx.msk [tilespmem:v1+s10+$0x0], $0xffff  }
0x2b2: {  	v4 =	vor.u32 $0x1, v1;
	_ =	sdelay $0x3  }
0x2b3: {  	[tilespmem:v3+s12+$0x0] =	vst.idx.msk $0xffff, v2  }
0x2b4: {  	v3 =	vor.u32 $0xD001, v0;
	v2 =	vld.idx.msk [tilespmem:v4+s10+$0x0], $0xffff  }
0x2b5: {  	v4 =	vor.u32 $0x2, v1;
	_ =	sdelay $0x3  }
0x2b6: {  	[tilespmem:v3+s12+$0x0] =	vst.idx.msk $0xffff, v2  }
0x2b7: {  	v3 =	vor.u32 $0xD002, v0;
	v2 =	vld.idx.msk [tilespmem:v4+s10+$0x0], $0xffff  }
0x2b8: {  	v4 =	vor.u32 $0x3, v1;
	_ =	sdelay $0x3  }
0x2b9: {  	[tilespmem:v3+s12+$0x0] =	vst.idx.msk $0xffff, v2  }
0x2ba: {  	v3 =	vor.u32 $0xD003, v0;
	v2 =	vld.idx.msk [tilespmem:v4+s10+$0x0], $0xffff  }
0x2bb: {  	v4 =	vor.u32 $0x4, v1;
	_ =	sdelay $0x3  }
0x2bc: {  	[tilespmem:v3+s12+$0x0] =	vst.idx.msk $0xffff, v2  }
0x2bd: {  	v3 =	vor.u32 $0xD004, v0;
	v2 =	vld.idx.msk [tilespmem:v4+s10+$0x0], $0xffff  }
0x2be: {  	v4 =	vor.u32 $0x5, v1;
	_ =	sdelay $0x3  }
0x2bf: {  	[tilespmem:v3+s12+$0x0] =	vst.idx.msk $0xffff, v2  }
0x2c0: {  	v3 =	vor.u32 $0xD005, v0;
	v2 =	vld.idx.msk [tilespmem:v4+s10+$0x0], $0xffff  }
0x2c1: {  	v4 =	vor.u32 $0x6, v1;
	_ =	sdelay $0x3  }
0x2c2: {  	[tilespmem:v3+s12+$0x0] =	vst.idx.msk $0xffff, v2  }
0x2c3: {  	v3 =	vor.u32 $0xD006, v0;
	v2 =	vld.idx.msk [tilespmem:v4+s10+$0x0], $0xffff  }
0x2c4: {  	v1 =	vor.u32 $0x7, v1;
	_ =	sdelay $0x3  }
0x2c5: {  	[tilespmem:v3+s12+$0x0] =	vst.idx.msk $0xffff, v2  }
0x2c6: {  	v2 =	vor.u32 $0xD007, v0;
	v1 =	vld.idx.msk [tilespmem:v1+s10+$0x0], $0xffff;
	_ =	sdelay $0x4  }
0x2c7: {  	[tilespmem:v2+s12+$0x0] =	vst.idx.msk $0xffff, v1  }
0x2c8: {  	v1 =	vld [tilespmem:$0x1B0];
	_ =	sdelay $0x4  }
0x2c9: {  	v1 =	vshll.u32 v1, $0x3;
	_ =	sdelay $0x4  }
0x2ca: {  	v3 =	vor.u32 $0xD800, v0;
	v2 =	vld.idx.msk [tilespmem:v1+s10+$0x0], $0xffff  }
0x2cb: {  	v4 =	vor.u32 $0x1, v1;
	_ =	sdelay $0x3  }
0x2cc: {  	[tilespmem:v3+s12+$0x0] =	vst.idx.msk $0xffff, v2  }
0x2cd: {  	v3 =	vor.u32 $0xD801, v0;
	v2 =	vld.idx.msk [tilespmem:v4+s10+$0x0], $0xffff  }
0x2ce: {  	v4 =	vor.u32 $0x2, v1;
	_ =	sdelay $0x3  }
0x2cf: {  	[tilespmem:v3+s12+$0x0] =	vst.idx.msk $0xffff, v2  }
0x2d0: {  	v3 =	vor.u32 $0xD802, v0;
	v2 =	vld.idx.msk [tilespmem:v4+s10+$0x0], $0xffff  }
0x2d1: {  	v4 =	vor.u32 $0x3, v1;
	_ =	sdelay $0x3  }
0x2d2: {  	[tilespmem:v3+s12+$0x0] =	vst.idx.msk $0xffff, v2  }
0x2d3: {  	v3 =	vor.u32 $0xD803, v0;
	v2 =	vld.idx.msk [tilespmem:v4+s10+$0x0], $0xffff  }
0x2d4: {  	v4 =	vor.u32 $0x4, v1;
	_ =	sdelay $0x3  }
0x2d5: {  	[tilespmem:v3+s12+$0x0] =	vst.idx.msk $0xffff, v2  }
0x2d6: {  	v3 =	vor.u32 $0xD804, v0;
	v2 =	vld.idx.msk [tilespmem:v4+s10+$0x0], $0xffff  }
0x2d7: {  	v4 =	vor.u32 $0x5, v1;
	_ =	sdelay $0x3  }
0x2d8: {  	[tilespmem:v3+s12+$0x0] =	vst.idx.msk $0xffff, v2  }
0x2d9: {  	v3 =	vor.u32 $0xD805, v0;
	v2 =	vld.idx.msk [tilespmem:v4+s10+$0x0], $0xffff  }
0x2da: {  	v4 =	vor.u32 $0x6, v1;
	_ =	sdelay $0x3  }
0x2db: {  	[tilespmem:v3+s12+$0x0] =	vst.idx.msk $0xffff, v2  }
0x2dc: {  	v3 =	vor.u32 $0xD806, v0;
	v2 =	vld.idx.msk [tilespmem:v4+s10+$0x0], $0xffff  }
0x2dd: {  	v1 =	vor.u32 $0x7, v1;
	_ =	sdelay $0x3  }
0x2de: {  	[tilespmem:v3+s12+$0x0] =	vst.idx.msk $0xffff, v2  }
0x2df: {  	v2 =	vor.u32 $0xD807, v0;
	v1 =	vld.idx.msk [tilespmem:v1+s10+$0x0], $0xffff;
	_ =	sdelay $0x4  }
0x2e0: {  	[tilespmem:v2+s12+$0x0] =	vst.idx.msk $0xffff, v1  }
0x2e1: {  	v1 =	vld [tilespmem:$0x1C0];
	_ =	sdelay $0x4  }
0x2e2: {  	v1 =	vshll.u32 v1, $0x3;
	_ =	sdelay $0x4  }
0x2e3: {  	v3 =	vor.u32 $0xE000, v0;
	v2 =	vld.idx.msk [tilespmem:v1+s10+$0x0], $0xffff  }
0x2e4: {  	v4 =	vor.u32 $0x1, v1;
	_ =	sdelay $0x3  }
0x2e5: {  	[tilespmem:v3+s12+$0x0] =	vst.idx.msk $0xffff, v2  }
0x2e6: {  	v3 =	vor.u32 $0xE001, v0;
	v2 =	vld.idx.msk [tilespmem:v4+s10+$0x0], $0xffff  }
0x2e7: {  	v4 =	vor.u32 $0x2, v1;
	_ =	sdelay $0x3  }
0x2e8: {  	[tilespmem:v3+s12+$0x0] =	vst.idx.msk $0xffff, v2  }
0x2e9: {  	v3 =	vor.u32 $0xE002, v0;
	v2 =	vld.idx.msk [tilespmem:v4+s10+$0x0], $0xffff  }
0x2ea: {  	v4 =	vor.u32 $0x3, v1;
	_ =	sdelay $0x3  }
0x2eb: {  	[tilespmem:v3+s12+$0x0] =	vst.idx.msk $0xffff, v2  }
0x2ec: {  	v3 =	vor.u32 $0xE003, v0;
	v2 =	vld.idx.msk [tilespmem:v4+s10+$0x0], $0xffff  }
0x2ed: {  	v4 =	vor.u32 $0x4, v1;
	_ =	sdelay $0x3  }
0x2ee: {  	[tilespmem:v3+s12+$0x0] =	vst.idx.msk $0xffff, v2  }
0x2ef: {  	v3 =	vor.u32 $0xE004, v0;
	v2 =	vld.idx.msk [tilespmem:v4+s10+$0x0], $0xffff  }
0x2f0: {  	v4 =	vor.u32 $0x5, v1;
	_ =	sdelay $0x3  }
0x2f1: {  	[tilespmem:v3+s12+$0x0] =	vst.idx.msk $0xffff, v2  }
0x2f2: {  	v3 =	vor.u32 $0xE005, v0;
	v2 =	vld.idx.msk [tilespmem:v4+s10+$0x0], $0xffff  }
0x2f3: {  	v4 =	vor.u32 $0x6, v1;
	_ =	sdelay $0x3  }
0x2f4: {  	[tilespmem:v3+s12+$0x0] =	vst.idx.msk $0xffff, v2  }
0x2f5: {  	v3 =	vor.u32 $0xE006, v0;
	v2 =	vld.idx.msk [tilespmem:v4+s10+$0x0], $0xffff  }
0x2f6: {  	v1 =	vor.u32 $0x7, v1;
	_ =	sdelay $0x3  }
0x2f7: {  	[tilespmem:v3+s12+$0x0] =	vst.idx.msk $0xffff, v2  }
0x2f8: {  	v2 =	vor.u32 $0xE007, v0;
	v1 =	vld.idx.msk [tilespmem:v1+s10+$0x0], $0xffff;
	_ =	sdelay $0x4  }
0x2f9: {  	[tilespmem:v2+s12+$0x0] =	vst.idx.msk $0xffff, v1  }
0x2fa: {  	v1 =	vld [tilespmem:$0x1D0];
	_ =	sdelay $0x4  }
0x2fb: {  	v1 =	vshll.u32 v1, $0x3;
	_ =	sdelay $0x4  }
0x2fc: {  	v3 =	vor.u32 $0xE800, v0;
	v2 =	vld.idx.msk [tilespmem:v1+s10+$0x0], $0xffff  }
0x2fd: {  	v4 =	vor.u32 $0x1, v1;
	_ =	sdelay $0x3  }
0x2fe: {  	[tilespmem:v3+s12+$0x0] =	vst.idx.msk $0xffff, v2  }
0x2ff: {  	v3 =	vor.u32 $0xE801, v0;
	v2 =	vld.idx.msk [tilespmem:v4+s10+$0x0], $0xffff  }
0x300: {  	v4 =	vor.u32 $0x2, v1;
	_ =	sdelay $0x3  }
0x301: {  	[tilespmem:v3+s12+$0x0] =	vst.idx.msk $0xffff, v2  }
0x302: {  	v3 =	vor.u32 $0xE802, v0;
	v2 =	vld.idx.msk [tilespmem:v4+s10+$0x0], $0xffff  }
0x303: {  	v4 =	vor.u32 $0x3, v1;
	_ =	sdelay $0x3  }
0x304: {  	[tilespmem:v3+s12+$0x0] =	vst.idx.msk $0xffff, v2  }
0x305: {  	v3 =	vor.u32 $0xE803, v0;
	v2 =	vld.idx.msk [tilespmem:v4+s10+$0x0], $0xffff  }
0x306: {  	v4 =	vor.u32 $0x4, v1;
	_ =	sdelay $0x3  }
0x307: {  	[tilespmem:v3+s12+$0x0] =	vst.idx.msk $0xffff, v2  }
0x308: {  	v3 =	vor.u32 $0xE804, v0;
	v2 =	vld.idx.msk [tilespmem:v4+s10+$0x0], $0xffff  }
0x309: {  	v4 =	vor.u32 $0x5, v1;
	_ =	sdelay $0x3  }
0x30a: {  	[tilespmem:v3+s12+$0x0] =	vst.idx.msk $0xffff, v2  }
0x30b: {  	v3 =	vor.u32 $0xE805, v0;
	v2 =	vld.idx.msk [tilespmem:v4+s10+$0x0], $0xffff  }
0x30c: {  	v4 =	vor.u32 $0x6, v1;
	_ =	sdelay $0x3  }
0x30d: {  	[tilespmem:v3+s12+$0x0] =	vst.idx.msk $0xffff, v2  }
0x30e: {  	v3 =	vor.u32 $0xE806, v0;
	v2 =	vld.idx.msk [tilespmem:v4+s10+$0x0], $0xffff  }
0x30f: {  	v1 =	vor.u32 $0x7, v1;
	_ =	sdelay $0x3  }
0x310: {  	[tilespmem:v3+s12+$0x0] =	vst.idx.msk $0xffff, v2  }
0x311: {  	v2 =	vor.u32 $0xE807, v0;
	v1 =	vld.idx.msk [tilespmem:v1+s10+$0x0], $0xffff;
	_ =	sdelay $0x4  }
0x312: {  	[tilespmem:v2+s12+$0x0] =	vst.idx.msk $0xffff, v1  }
0x313: {  	v1 =	vld [tilespmem:$0x1E0];
	_ =	sdelay $0x4  }
0x314: {  	v1 =	vshll.u32 v1, $0x3;
	_ =	sdelay $0x4  }
0x315: {  	v3 =	vor.u32 $0xF000, v0;
	v2 =	vld.idx.msk [tilespmem:v1+s10+$0x0], $0xffff  }
0x316: {  	v4 =	vor.u32 $0x1, v1;
	_ =	sdelay $0x3  }
0x317: {  	[tilespmem:v3+s12+$0x0] =	vst.idx.msk $0xffff, v2  }
0x318: {  	v3 =	vor.u32 $0xF001, v0;
	v2 =	vld.idx.msk [tilespmem:v4+s10+$0x0], $0xffff  }
0x319: {  	v4 =	vor.u32 $0x2, v1;
	_ =	sdelay $0x3  }
0x31a: {  	[tilespmem:v3+s12+$0x0] =	vst.idx.msk $0xffff, v2  }
0x31b: {  	v3 =	vor.u32 $0xF002, v0;
	v2 =	vld.idx.msk [tilespmem:v4+s10+$0x0], $0xffff  }
0x31c: {  	v4 =	vor.u32 $0x3, v1;
	_ =	sdelay $0x3  }
0x31d: {  	[tilespmem:v3+s12+$0x0] =	vst.idx.msk $0xffff, v2  }
0x31e: {  	v3 =	vor.u32 $0xF003, v0;
	v2 =	vld.idx.msk [tilespmem:v4+s10+$0x0], $0xffff  }
0x31f: {  	v4 =	vor.u32 $0x4, v1;
	_ =	sdelay $0x3  }
0x320: {  	[tilespmem:v3+s12+$0x0] =	vst.idx.msk $0xffff, v2  }
0x321: {  	v3 =	vor.u32 $0xF004, v0;
	v2 =	vld.idx.msk [tilespmem:v4+s10+$0x0], $0xffff  }
0x322: {  	v4 =	vor.u32 $0x5, v1;
	_ =	sdelay $0x3  }
0x323: {  	[tilespmem:v3+s12+$0x0] =	vst.idx.msk $0xffff, v2  }
0x324: {  	v3 =	vor.u32 $0xF005, v0;
	v2 =	vld.idx.msk [tilespmem:v4+s10+$0x0], $0xffff  }
0x325: {  	v4 =	vor.u32 $0x6, v1;
	_ =	sdelay $0x3  }
0x326: {  	[tilespmem:v3+s12+$0x0] =	vst.idx.msk $0xffff, v2  }
0x327: {  	v3 =	vor.u32 $0xF006, v0;
	v2 =	vld.idx.msk [tilespmem:v4+s10+$0x0], $0xffff  }
0x328: {  	v1 =	vor.u32 $0x7, v1;
	_ =	sdelay $0x3  }
0x329: {  	[tilespmem:v3+s12+$0x0] =	vst.idx.msk $0xffff, v2  }
0x32a: {  	v2 =	vor.u32 $0xF007, v0;
	v1 =	vld.idx.msk [tilespmem:v1+s10+$0x0], $0xffff;
	_ =	sdelay $0x4  }
0x32b: {  	[tilespmem:v2+s12+$0x0] =	vst.idx.msk $0xffff, v1  }
0x32c: {  	v1 =	vld [tilespmem:$0x1F0];
	_ =	sdelay $0x4  }
0x32d: {  	v1 =	vshll.u32 v1, $0x3;
	_ =	sdelay $0x4  }
0x32e: {  	v3 =	vor.u32 $0xF800, v0;
	v2 =	vld.idx.msk [tilespmem:v1+s10+$0x0], $0xffff  }
0x32f: {  	v4 =	vor.u32 $0x1, v1;
	_ =	sdelay $0x3  }
0x330: {  	[tilespmem:v3+s12+$0x0] =	vst.idx.msk $0xffff, v2  }
0x331: {  	v3 =	vor.u32 $0xF801, v0;
	v2 =	vld.idx.msk [tilespmem:v4+s10+$0x0], $0xffff  }
0x332: {  	v4 =	vor.u32 $0x2, v1;
	_ =	sdelay $0x3  }
0x333: {  	[tilespmem:v3+s12+$0x0] =	vst.idx.msk $0xffff, v2  }
0x334: {  	v3 =	vor.u32 $0xF802, v0;
	v2 =	vld.idx.msk [tilespmem:v4+s10+$0x0], $0xffff  }
0x335: {  	v4 =	vor.u32 $0x3, v1;
	_ =	sdelay $0x3  }
0x336: {  	[tilespmem:v3+s12+$0x0] =	vst.idx.msk $0xffff, v2  }
0x337: {  	v3 =	vor.u32 $0xF803, v0;
	v2 =	vld.idx.msk [tilespmem:v4+s10+$0x0], $0xffff  }
0x338: {  	v4 =	vor.u32 $0x4, v1;
	_ =	sdelay $0x3  }
0x339: {  	[tilespmem:v3+s12+$0x0] =	vst.idx.msk $0xffff, v2  }
0x33a: {  	v3 =	vor.u32 $0xF804, v0;
	v2 =	vld.idx.msk [tilespmem:v4+s10+$0x0], $0xffff  }
0x33b: {  	v4 =	vor.u32 $0x5, v1;
	_ =	sdelay $0x3  }
0x33c: {  	[tilespmem:v3+s12+$0x0] =	vst.idx.msk $0xffff, v2  }
0x33d: {  	v3 =	vor.u32 $0xF805, v0;
	v2 =	vld.idx.msk [tilespmem:v4+s10+$0x0], $0xffff  }
0x33e: {  	v4 =	vor.u32 $0x6, v1;
	_ =	sdelay $0x3  }
0x33f: {  	[tilespmem:v3+s12+$0x0] =	vst.idx.msk $0xffff, v2  }
0x340: {  	v3 =	vor.u32 $0xF806, v0;
	v2 =	vld.idx.msk [tilespmem:v4+s10+$0x0], $0xffff  }
0x341: {  	v1 =	vor.u32 $0x7, v1;
	_ =	sdelay $0x3  }
0x342: {  	[tilespmem:v3+s12+$0x0] =	vst.idx.msk $0xffff, v2  }
0x343: {  	v2 =	vor.u32 $0xF807, v0;
	v1 =	vld.idx.msk [tilespmem:v1+s10+$0x0], $0xffff;
	_ =	sdelay $0x4  }
0x344: {  	[tilespmem:v2+s12+$0x0] =	vst.idx.msk $0xffff, v1  }
0x345: {  	[hbm4b:s8+s2] =	stream.linear.scatter [tilespmem:s15], [sflag:$0x1], $0x4000, $0x38;
	[tilespmem:$0x12180] =	vst v63  }
0x346: {  	_ =	swait.ge [sflag:s11], $0x4000  }
0x347: {  	[sflag:s11] =	ssyncset.done $0x0  }
0x348: {  	[sflag:s11] =	ssyncadd.s32 $0xFFFFC000  }
0x349: {  	_ =	swait.ge [sflag:s11], $0x4000  }
0x34a: {  	[sflag:s11] =	ssyncset.done $0x0  }
0x34b: {  	[sflag:s11] =	ssyncadd.s32 $0xFFFFC000  }
0x34c: {  	p0 =	sne.s32 s9, $0x1;
	_ =	swait.ge [sflag:s11], $0x4000  }
.Ltmp0:
0x34d: {  	[sflag:s11] =	ssyncset.done $0x0;
	(pc) =	sbr.rel @p0 .LBB2_1-.Ltmp0, $4  }
0x34e: {  	[sflag:s11] =	ssyncadd.s32 $0xFFFFC000  }
0x34f: {  	_ =	swait.ge [sflag:s11], $0x4000  }
0x350: {  	[sflag:s11] =	ssyncset.done $0x0  }
0x351: {  	s9 =	sadd.s32 $0xFFFFFFFF, s9;
	[sflag:s11] =	ssyncadd.s32 $0xFFFFC000  }
0x352: {  	_ =	sfence.sel $0x180000  }
0x353: {  	[bflag:$0x0] =	sbarrier.arrive $0xFFFF  }
0x354: {  	p0 =	sne.s32 s1, $0x0;
	_ =	strace $0x9000004D  }
0x355: {  	s0 =	sadd.s32 @!p0 $0x100000, s0;
	[bflag:$0x2] =	sbarrier.arrive $0xFFFF  }
0x356: {  	[sflag:s0] =	ssyncadd.tile.s32 @!p0 $0x1;
	_ =	shalt  }
.Lfunc_end2:
_tile_overlayer_lowered:
.L_overlay_start_2:
0x357: {  	(tag) =	ssettag $0x2  }
0x358: {  	s0 =	rddreg [dreg:$0x0];
	s2 =	stileid.u32  }
0x359: {  	s1 =	rddreg [dreg:$0x1];
	p0 =	sne.s32 s2, $0x0  }
0x35a: {  	s3 =	rddreg [dreg:$0x2];
	[bflag:$0x3] =	sbarrier.arrive $0xFFFF;
	s2 =	simm.s32 @!p0 $0x1C02  }
0x35b: {  	[timem:s3], [sflag:s2] =	dma.local @!p0 [hbm:s0], s1  }
0x35c: {  	s0 =	simm.s32 @!p0 $0x2  }
0x35d: {  	_ =	swait.ge @!p0 [sflag:s0], s1  }
0x35e: {  	s1 =	ssub.s32 @!p0 $0x0, s1;
	[sflag:s0] =	ssyncset.done @!p0 $0x0  }
0x35f: {  	[sflag:s0] =	ssyncadd.s32 @!p0 s1  }
0x360: {  	[bflag:$0x3] =	sbarrier.arrive $0xFFFF  }
0x361: {  	_ =	shalt  }

</sc_bundles>
